<compile_context>
chip_gen: v7x
topology: tpu7x:2x2x1
jax: 0.10.2.dev20260603
libtpu: 0.0.44.dev20260713+nightly
codegen_flags: <defaults>
</compile_context>

<pallas_src>
import functools

import jax
import jax.numpy as jnp
from jax import lax
from jax.experimental import pallas as pl
from jax.experimental.pallas import tpu as pltpu
from jax.experimental.pallas import tpu_sc as plsc

HID = 128
K = 8
B = 128
N_SV = 4096
N_TRK = 8192

QB = 256
CT = 256
RB = 512
MASKV = 1.0e30
BIG = 3.0e38
IMAX = 2147483647


def _lin_body(x_ref, w_ref, b_ref, o_ref, *, relu):
    z = jnp.dot(x_ref[...], w_ref[0]) + b_ref[0]
    if relu:
        z = jnp.maximum(z, 0.0)
    o_ref[...] = z


def _lin2(x, w_stack, b_stack, split, relu=False):
    n, kin = x.shape

    def wmap(i):
        return ((i >= split).astype(jnp.int32), 0, 0)

    return pl.pallas_call(
        functools.partial(_lin_body, relu=relu),
        grid=(n // RB,),
        in_specs=[
            pl.BlockSpec((RB, kin), lambda i: (i, 0)),
            pl.BlockSpec((1, kin, HID), wmap),
            pl.BlockSpec((1, 1, HID), wmap),
        ],
        out_specs=pl.BlockSpec((RB, HID), lambda i: (i, 0)),
        out_shape=jax.ShapeDtypeStruct((n, HID), jnp.float32),
    )(x, w_stack, b_stack)


def _knn_body(tb_ref, q_ref, src_ref, qq_ref, s2_ref, bq_ref, bsrc_ref,
              off_ref, idx_ref, *, n_src, ct):
    i = pl.program_id(0)
    c0 = tb_ref[i, 0]
    c1 = tb_ref[i, 1]
    q = q_ref[...]
    qq = qq_ref[0, 0, :]
    bq = bq_ref[0, 0, :]

    f32 = jnp.float32
    offs = off_ref[...]
    bio_b = lax.broadcasted_iota(jnp.int32, (QB, B), 1)
    ohq = bq[:, None] == bio_b
    srow = jnp.sum(jnp.where(ohq, offs[0:1, :], 0), axis=1).astype(f32)
    erow = jnp.sum(jnp.where(ohq, offs[1:2, :], 0), axis=1).astype(f32)

    seed_rows = []
    for k in range(K):
        r = jnp.where(srow > k, float(k), erow + (k - srow))
        seed_rows.append(jnp.minimum(r, float(n_src - 1))[None, :])
    run_i = jnp.concatenate(seed_rows, axis=0)
    run_v = jnp.full((K, QB), MASKV, f32)

    colio = lax.broadcasted_iota(jnp.int32, (QB, ct), 1).astype(f32)
    rowio = lax.broadcasted_iota(jnp.int32, (2 * K, QB), 0).astype(f32)

    def tile_body(c, carry):
        run_v, run_i = carry
        sv = src_ref[pl.ds(c * ct, ct), :]
        s2 = s2_ref[pl.ds(c, 1), :]
        bs = bsrc_ref[pl.ds(c, 1), :]
        cf = (c * ct).astype(f32)
        dots = lax.dot_general(q, sv, (((1,), (1,)), ((), ())))
        sc = (qq[:, None] - 2.0 * dots) + s2
        sc = jnp.where(bq[:, None] == bs, sc, MASKV)

        tvs, tis = [], []
        for k in range(K):
            m = jnp.min(sc, axis=1)
            pos = jnp.min(jnp.where(sc == m[:, None], colio, BIG), axis=1)
            tvs.append(m[None, :])
            tis.append((cf + pos)[None, :])
            sc = jnp.where(colio == pos[:, None], BIG, sc)
        cat_v = jnp.concatenate([run_v] + tvs, axis=0)
        cat_i = jnp.concatenate([run_i] + tis, axis=0)

        nvs, nis = [], []
        for k in range(K):
            m = jnp.min(cat_v, axis=0)
            pos = jnp.min(jnp.where(cat_v == m[None, :], rowio, BIG), axis=0)
            sel = rowio == pos[None, :]
            nvs.append(m[None, :])
            nis.append(jnp.min(jnp.where(sel, cat_i, BIG), axis=0)[None, :])
            cat_v = jnp.where(sel, BIG, cat_v)
        return (jnp.concatenate(nvs, axis=0), jnp.concatenate(nis, axis=0))

    run_v, run_i = lax.fori_loop(c0, c1, tile_body, (run_v, run_i))
    idx_ref[...] = run_i.astype(jnp.int32)[:, None, None, :]


def _knn(q, src, qq, s2, bq_r, bsrc_r, offs, tile_bounds, ct=CT):
    n_q = q.shape[0]
    n_src = src.shape[0]
    nblk = n_q // QB
    n_tiles = n_src // ct
    grid_spec = pltpu.PrefetchScalarGridSpec(
        num_scalar_prefetch=1,
        grid=(nblk,),
        in_specs=[
            pl.BlockSpec((QB, HID), lambda i, s: (i, 0)),
            pl.BlockSpec((n_src, HID), lambda i, s: (0, 0)),
            pl.BlockSpec((1, 1, QB), lambda i, s: (i, 0, 0)),
            pl.BlockSpec((n_tiles, ct), lambda i, s: (0, 0)),
            pl.BlockSpec((1, 1, QB), lambda i, s: (i, 0, 0)),
            pl.BlockSpec((n_tiles, ct), lambda i, s: (0, 0)),
            pl.BlockSpec((2, B), lambda i, s: (0, 0)),
        ],
        out_specs=pl.BlockSpec((K, 1, 1, QB), lambda i, s: (0, i, 0, 0)),
    )
    return pl.pallas_call(
        functools.partial(_knn_body, n_src=n_src, ct=ct),
        grid_spec=grid_spec,
        out_shape=jax.ShapeDtypeStruct((K, nblk, 1, QB), jnp.int32),
    )(tile_bounds, q, src, qq.reshape(nblk, 1, QB), s2.reshape(n_tiles, ct),
      bq_r, bsrc_r, offs)


_NW = 32
_GCH = 128


def _gather_body(idx_hbm, tab_hbm, out_hbm, idx_v, rows_v, sem0, sem1):
    w = lax.axis_index("s") * 2 + lax.axis_index("c")
    per_w = (K * N_TRK) // _NW
    nch = per_w // _GCH
    base = w * per_w
    sems = (sem0, sem1)

    def copy(ch, b):
        return pltpu.make_async_copy(
            tab_hbm.at[idx_v.at[b]], rows_v.at[b], sems[b])

    def load_idx(ch, b):
        pltpu.sync_copy(idx_hbm.at[pl.ds(base + ch * _GCH, _GCH)], idx_v.at[b])

    load_idx(0, 0)
    copy(0, 0).start()
    load_idx(1, 1)
    copy(1, 1).start()

    def body(i, _):
        for b in range(2):
            ch = i * 2 + b
            copy(ch, b).wait()
            pltpu.sync_copy(rows_v.at[b],
                            out_hbm.at[pl.ds(base + ch * _GCH, _GCH), :])

            @pl.when(ch + 2 < nch)
            def _():
                load_idx(ch + 2, b)
                copy(ch + 2, b).start()
        return 0

    lax.fori_loop(0, nch // 2, body, 0)


def _gather_sc(idx_flat, table):
    mesh = plsc.VectorSubcoreMesh(core_axis_name="c", subcore_axis_name="s")
    f = pl.kernel(
        _gather_body,
        out_type=jax.ShapeDtypeStruct((K * N_TRK, HID), jnp.float32),
        mesh=mesh,
        scratch_types=[
            pltpu.VMEM((2, _GCH), jnp.int32),
            pltpu.VMEM((2, _GCH, HID), jnp.float32),
            pltpu.SemaphoreType.DMA,
            pltpu.SemaphoreType.DMA,
        ],
    )
    return f(idx_flat, table)


def _edge_body(xi_ref, xjg_ref, w_ref, b_ref, o_ref):
    xi = xi_ref[...]
    acc = None
    for j in range(K):
        xj = xjg_ref[j]
        m = jnp.concatenate([xi, xj - xi], axis=1)
        z = jnp.dot(m, w_ref[...]) + b_ref[...]
        e = jnp.where(z > 0, z, jnp.exp(z) - 1.0)
        acc = e if acc is None else jnp.maximum(acc, e)
    o_ref[...] = acc


def _edge_tc(xi, xjg, w, b):
    nblk = N_TRK // QB
    return pl.pallas_call(
        _edge_body,
        grid=(nblk,),
        in_specs=[
            pl.BlockSpec((QB, HID), lambda i: (i, 0)),
            pl.BlockSpec((K, QB, HID), lambda i: (0, i, 0)),
            pl.BlockSpec((2 * HID, HID), lambda i: (0, 0)),
            pl.BlockSpec((1, HID), lambda i: (0, 0)),
        ],
        out_specs=pl.BlockSpec((QB, HID), lambda i: (i, 0)),
        out_shape=jax.ShapeDtypeStruct((N_TRK, HID), jnp.float32),
    )(xi, xjg, w, b[None, :])


def _pool_body(f_ref, bt_ref, w1_ref, b1_ref, w2_ref, b2_ref, w3_ref, b3_ref,
               w4_ref, b4_ref, out_ref, acc_s, acc_c, *, nblk):
    i = pl.program_id(0)

    @pl.when(i == 0)
    def _():
        acc_s[...] = jnp.zeros_like(acc_s)
        acc_c[...] = jnp.zeros_like(acc_c)

    f = f_ref[...]
    bt = bt_ref[0, 0, :]
    bio = lax.broadcasted_iota(jnp.int32, (B, RB), 0)
    oh = (bio == bt[None, :]).astype(jnp.float32)
    acc_s[...] += lax.dot_general(oh, f, (((1,), (0,)), ((), ())),
                                  precision=lax.Precision.HIGHEST)
    acc_c[...] += jnp.broadcast_to(jnp.sum(oh, axis=1)[:, None], (B, HID))

    @pl.when(i == nblk - 1)
    def _():
        pooled = acc_s[...] / jnp.maximum(acc_c[...], 1.0)

        def layer(h, w_ref, b_ref):
            z = jnp.dot(h, w_ref[...]) + b_ref[...]
            return jnp.where(z > 0, z, jnp.exp(z) - 1.0)

        h = layer(pooled, w1_ref, b1_ref)
        h = layer(h, w2_ref, b2_ref)
        h = layer(h, w3_ref, b3_ref)
        out_ref[...] = jnp.dot(h, w4_ref[...]) + b4_ref[...]


def _pool_head(feats, bt_r, ws):
    nblk = N_TRK // RB
    wspecs = []
    for _ in range(4):
        wspecs += [pl.BlockSpec((HID, HID), lambda i: (0, 0)),
                   pl.BlockSpec((1, HID), lambda i: (0, 0))]
    return pl.pallas_call(
        functools.partial(_pool_body, nblk=nblk),
        grid=(nblk,),
        in_specs=[pl.BlockSpec((RB, HID), lambda i: (i, 0)),
                  pl.BlockSpec((1, 1, RB), lambda i: (i, 0, 0))] + wspecs,
        out_specs=pl.BlockSpec((B, HID), lambda i: (0, 0)),
        out_shape=jax.ShapeDtypeStruct((B, HID), jnp.float32),
        scratch_shapes=[pltpu.VMEM((B, HID), jnp.float32),
                        pltpu.VMEM((B, HID), jnp.float32)],
    )(feats, bt_r, *ws)


def _pad_head_w(w, b):
    wp = jnp.zeros((HID, HID), jnp.float32).at[: w.shape[0], : w.shape[1]].set(w)
    bp = jnp.zeros((1, HID), jnp.float32).at[0, : b.shape[0]].set(b)
    return wp, bp


def kernel(x_sv, x_trk, batch_sv, batch_trk, sv_w1, sv_b1, sv_w2, sv_b2,
           trk_w1, trk_b1, trk_w2, trk_b2, c1_w, c1_b, c2_w, c2_b,
           o_w1, o_b1, o_w2, o_b2, o_w3, o_b3, o_w4, o_b4):
    i32 = jnp.int32

    x_sv_p = jnp.pad(x_sv, ((0, 0), (0, 8 - x_sv.shape[1])))
    sv_w1_p = jnp.pad(sv_w1, ((0, 8 - sv_w1.shape[0]), (0, 0)))
    x_all = jnp.concatenate([x_sv_p, x_trk], axis=0)
    w1s = jnp.stack([sv_w1_p, trk_w1])
    b1s = jnp.stack([sv_b1[None, :], trk_b1[None, :]])
    w2s = jnp.stack([sv_w2, trk_w2])
    b2s = jnp.stack([sv_b2[None, :], trk_b2[None, :]])
    split = N_SV // RB
    z_all = _lin2(x_all, w1s, b1s, split)
    enc_all = _lin2(jax.nn.elu(z_all), w2s, b2s, split, relu=True)
    enc_sv, enc_trk = enc_all[:N_SV], enc_all[N_SV:]

    qq = jnp.sum(enc_trk * enc_trk, axis=1)
    s2sv = jnp.sum(enc_sv * enc_sv, axis=1)

    nblk = N_TRK // QB
    btr = batch_trk.reshape(nblk, QB)
    bq_lo, bq_hi = btr[:, 0:1], btr[:, -1:]
    bq_r = batch_trk.reshape(nblk, 1, QB)
    bio = jnp.arange(B, dtype=i32)[None, :]

    def _bounds(batch_src, ct):
        hist = jnp.sum(batch_src[None, :] == jnp.arange(B, dtype=i32)[:, None],
                       axis=1).astype(i32)
        off_e = jnp.cumsum(hist).astype(i32)
        off_s = off_e - hist
        offs = jnp.stack([off_s, off_e])
        c0 = jnp.sum(jnp.where(bio < bq_lo, hist[None, :], 0), axis=1) // ct
        cnt_le = jnp.sum(jnp.where(bio <= bq_hi, hist[None, :], 0), axis=1)
        c1 = -(-cnt_le // ct)
        return offs, jnp.stack([c0, c1], axis=1).astype(i32)

    CT2 = 512
    offs1, tb1 = _bounds(batch_sv, CT)
    offs2, tb2 = _bounds(batch_trk, CT2)

    bsv_r = batch_sv.reshape(N_SV // CT, CT)
    btk_r = batch_trk.reshape(N_TRK // CT2, CT2)

    idx1 = _knn(enc_trk, enc_sv, qq, s2sv, bq_r, bsv_r, offs1, tb1)
    xjg1 = _gather_sc(idx1.reshape(-1), enc_sv)
    feats_1 = _edge_tc(enc_trk, xjg1.reshape(K, N_TRK, HID), c1_w, c1_b)

    s2f = jnp.sum(feats_1 * feats_1, axis=1)
    idx2 = _knn(enc_trk, feats_1, qq, s2f, bq_r, btk_r, offs2, tb2, ct=CT2)
    xjg2 = _gather_sc(idx2.reshape(-1), feats_1)
    feats_2 = _edge_tc(enc_trk, xjg2.reshape(K, N_TRK, HID), c2_w, c2_b)

    ws = []
    for w, b in ((o_w1, o_b1), (o_w2, o_b2), (o_w3, o_b3), (o_w4, o_b4)):
        ws += list(_pad_head_w(w, b))
    head = _pool_head(feats_2, batch_trk.reshape(N_TRK // RB, 1, RB), ws)
    out = head[:, :1]
    return (out, jnp.arange(B, dtype=batch_trk.dtype))

# --- scband reference (transcript-rebuilt; emitter-appended) ---
"""Pipeline reference for scband-net-13211319403055 (READ-ONLY COPY).

The authoritative reference and input builder live on the scoring server;
editing this copy changes nothing except your own understanding.
"""

import jax, jax.numpy as jnp
import numpy as np

HID = 128
K = 8
B = 128
N_SV = 4096
N_TRK = 8192

def _lin(key, fan_in, fan_out):
    return (jax.random.normal(key, (fan_in, fan_out), dtype=jnp.float32) / np.sqrt(fan_in)).astype(jnp.float32)

def setup_inputs(seed: int = 0):
    key = jax.random.key(seed)
    ks = jax.random.split(key, 24)
    inp = {}
    inp['x_sv'] = jax.random.normal(ks[0], (N_SV, 2), dtype=jnp.float32)
    inp['x_trk'] = jax.random.normal(ks[1], (N_TRK, 8), dtype=jnp.float32)
    inp['batch_sv'] = jnp.sort(jax.random.randint(ks[2], (N_SV,), 0, B)).astype(jnp.int32)
    inp['batch_trk'] = jnp.sort(jax.random.randint(ks[3], (N_TRK,), 0, B)).astype(jnp.int32)
    inp['sv_w1'] = _lin(ks[4], 2, HID); inp['sv_b1'] = jnp.zeros((HID,), jnp.float32)
    inp['sv_w2'] = _lin(ks[5], HID, HID); inp['sv_b2'] = jnp.zeros((HID,), jnp.float32)
    inp['trk_w1'] = _lin(ks[6], 8, HID); inp['trk_b1'] = jnp.zeros((HID,), jnp.float32)
    inp['trk_w2'] = _lin(ks[7], HID, HID); inp['trk_b2'] = jnp.zeros((HID,), jnp.float32)
    inp['c1_w'] = _lin(ks[8], 2 * HID, HID); inp['c1_b'] = jnp.zeros((HID,), jnp.float32)
    inp['c2_w'] = _lin(ks[9], 2 * HID, HID); inp['c2_b'] = jnp.zeros((HID,), jnp.float32)
    inp['o_w1'] = _lin(ks[10], HID, 64); inp['o_b1'] = jnp.zeros((64,), jnp.float32)
    inp['o_w2'] = _lin(ks[11], 64, 32); inp['o_b2'] = jnp.zeros((32,), jnp.float32)
    inp['o_w3'] = _lin(ks[12], 32, 4); inp['o_b3'] = jnp.zeros((4,), jnp.float32)
    inp['o_w4'] = _lin(ks[13], 4, 1); inp['o_b4'] = jnp.zeros((1,), jnp.float32)
    return inp

def _knn_idx(src, dst, b_src, b_dst, k):
    # kNN indices are non-differentiable constants (as in torch_cluster.knn)
    src = jax.lax.stop_gradient(src)
    dst = jax.lax.stop_gradient(dst)
    d2 = jnp.sum(dst * dst, axis=1, keepdims=True) - 2.0 * (dst @ src.T) + jnp.sum(src * src, axis=1)[None, :]
    d2 = jnp.where(b_dst[:, None] == b_src[None, :], d2, 1e30)
    _, idx = jax.lax.top_k(-d2, k)
    return idx

def _edge_conv(x_src, x_dst, idx, w, b):
    # DynamicEdgeConv message: nn(cat[x_i, x_j - x_i]), aggr='max'
    xj = jnp.take(x_src, idx, axis=0)
    xi = jnp.broadcast_to(x_dst[:, None, :], xj.shape)
    m = jnp.concatenate([xi, xj - xi], axis=-1)
    m = jax.nn.elu(m @ w + b)
    return jnp.max(m, axis=1)

def reference(x_sv, x_trk, batch_sv, batch_trk, sv_w1, sv_b1, sv_w2, sv_b2, trk_w1, trk_b1, trk_w2, trk_b2, c1_w, c1_b, c2_w, c2_b, o_w1, o_b1, o_w2, o_b2, o_w3, o_b3, o_w4, o_b4):
    x_sv_enc = jax.nn.relu(jax.nn.elu(x_sv @ sv_w1 + sv_b1) @ sv_w2 + sv_b2)
    x_trk_enc = jax.nn.relu(jax.nn.elu(x_trk @ trk_w1 + trk_b1) @ trk_w2 + trk_b2)
    idx1 = _knn_idx(x_sv_enc, x_trk_enc, batch_sv, batch_trk, K)
    feats_1 = _edge_conv(x_sv_enc, x_trk_enc, idx1, c1_w, c1_b)
    idx2 = _knn_idx(feats_1, x_trk_enc, batch_trk, batch_trk, K)
    feats_2 = _edge_conv(feats_1, x_trk_enc, idx2, c2_w, c2_b)
    sums = jax.ops.segment_sum(feats_2, batch_trk, num_segments=B)
    cnt = jax.ops.segment_sum(jnp.ones((feats_2.shape[0], 1), jnp.float32), batch_trk, num_segments=B)
    pooled = sums / jnp.maximum(cnt, 1.0)
    h = jax.nn.elu(pooled @ o_w1 + o_b1)
    h = jax.nn.elu(h @ o_w2 + o_b2)
    h = jax.nn.elu(h @ o_w3 + o_b3)
    out = h @ o_w4 + o_b4
    return (out, jnp.arange(B, dtype=batch_trk.dtype))

if __name__ == "__main__":
    import jax
    _d = setup_inputs()
    print(jax.jit(kernel)(*tuple(_d.values())))

</pallas_src>

<mosaic_0001>
#map = affine_map<(d0, d1) -> (0)>
#map1 = affine_map<(d0, d1) -> (0, 0)>
module attributes {stable_mosaic.version = 14 : i64} {
  func.func @_gather_body(%arg0: i32, %arg1: i32, %arg2: memref<65536xi32, #tpu.memory_space<hbm>>, %arg3: memref<8192x128xf32, #tpu.memory_space<hbm>>, %arg4: memref<65536x128xf32, #tpu.memory_space<hbm>>, %arg5: memref<2x128xi32, #tpu.memory_space<vmem>>, %arg6: memref<2x128x128xf32, #tpu.memory_space<vmem>>, %arg7: memref<!tpu.dma_semaphore, #tpu.memory_space<semaphore_mem>>, %arg8: memref<!tpu.dma_semaphore, #tpu.memory_space<semaphore_mem>>) attributes {dimension_semantics = [#tpu.dimension_semantics<core_parallel>, #tpu.dimension_semantics<subcore_parallel>], iteration_bounds = array<i64: 2, 16>, scalar_prefetch = 0 : i64, scratch_operands = 4 : i64, tpu.core_type = #tpu.core_type<sc_vector_subcore>, window_params = [{transform_indices = #map}, {transform_indices = #map1}, {transform_indices = #map1}]} {
    %mul3A = arith.constant 2 : i32
    %mul3A_0 = arith.muli %arg1, %mul3A : i32
    %add3A = arith.addi %mul3A_0, %arg0 : i32
    %mul3A_1 = arith.constant 2048 : i32
    %mul3A_2 = arith.muli %add3A, %mul3A_1 : i32
    %add3A_3 = arith.constant 0 : i32
    %add3A_4 = arith.addi %mul3A_2, %add3A_3 : i32
    %run_scoped3A = arith.constant 0 : i32
    "tpu.region"() ({
      %run_scoped3A_37 = tpu.sem_alloc : memref<!tpu.dma_semaphore, #tpu.memory_space<semaphore_mem>>
      %dma_start3A_38 = arith.constant 0 : i32
      %dma_start3A_39 = tpu.memref_slice %arg5[%run_scoped3A, %dma_start3A_38] : memref<2x128xi32, #tpu.memory_space<vmem>> -> memref<1x128xi32, #tpu.memory_space<vmem>>
      %dma_start3A_40 = tpu.memref_squeeze %dma_start3A_39 : memref<1x128xi32, #tpu.memory_space<vmem>> -> memref<128xi32, #tpu.memory_space<vmem>>
      %dma_start3A_41 = tpu.memref_slice %arg2[%add3A_4] : memref<65536xi32, #tpu.memory_space<hbm>> -> memref<128xi32, #tpu.memory_space<hbm>>
      %dma_start3A_42 = arith.constant 0 : i32
      %dma_start3A_43 = tpu.memref_slice %arg5[%run_scoped3A, %dma_start3A_42] : memref<2x128xi32, #tpu.memory_space<vmem>> -> memref<1x128xi32, #tpu.memory_space<vmem>>
      %dma_start3A_44 = tpu.memref_squeeze %dma_start3A_43 : memref<1x128xi32, #tpu.memory_space<vmem>> -> memref<128xi32, #tpu.memory_space<vmem>>
      %dma_start3A_45 = tpu.memref_slice %arg2[%add3A_4] : memref<65536xi32, #tpu.memory_space<hbm>> -> memref<128xi32, #tpu.memory_space<hbm>>
      tpu.enqueue_dma source(%dma_start3A_45 : memref<128xi32, #tpu.memory_space<hbm>>) target(%dma_start3A_44 : memref<128xi32, #tpu.memory_space<vmem>>) target_semaphore(%run_scoped3A_37 : memref<!tpu.dma_semaphore, #tpu.memory_space<semaphore_mem>>)
      %dma_wait3A = arith.constant 0 : i32
      %dma_wait3A_46 = tpu.memref_slice %arg5[%run_scoped3A, %dma_wait3A] : memref<2x128xi32, #tpu.memory_space<vmem>> -> memref<1x128xi32, #tpu.memory_space<vmem>>
      %dma_wait3A_47 = tpu.memref_squeeze %dma_wait3A_46 : memref<1x128xi32, #tpu.memory_space<vmem>> -> memref<128xi32, #tpu.memory_space<vmem>>
      %dma_wait3A_48 = tpu.memref_slice %arg2[%add3A_4] : memref<65536xi32, #tpu.memory_space<hbm>> -> memref<128xi32, #tpu.memory_space<hbm>>
      %dma_wait3A_49 = arith.constant 0 : i32
      %dma_wait3A_50 = tpu.memref_slice %arg5[%run_scoped3A, %dma_wait3A_49] : memref<2x128xi32, #tpu.memory_space<vmem>> -> memref<1x128xi32, #tpu.memory_space<vmem>>
      %dma_wait3A_51 = tpu.memref_squeeze %dma_wait3A_50 : memref<1x128xi32, #tpu.memory_space<vmem>> -> memref<128xi32, #tpu.memory_space<vmem>>
      %dma_wait3A_52 = tpu.memref_slice %arg2[%add3A_4] : memref<65536xi32, #tpu.memory_space<hbm>> -> memref<128xi32, #tpu.memory_space<hbm>>
      tpu.wait_dma2 semaphore(%run_scoped3A_37 : memref<!tpu.dma_semaphore, #tpu.memory_space<semaphore_mem>>) src(%dma_wait3A_52 : memref<128xi32, #tpu.memory_space<hbm>>) dst(%dma_wait3A_51 : memref<128xi32, #tpu.memory_space<vmem>>)
      tpu.yield
    }) : () -> ()
    %dma_start3A = arith.constant 0 : i32
    %dma_start3A_5 = arith.constant 0 : i32
    %dma_start3A_6 = arith.constant 0 : i32
    %dma_start3A_7 = arith.constant 0 : i32
    %dma_start3A_8 = tpu.memref_slice %arg6[%dma_start3A_5, %dma_start3A_6, %dma_start3A_7] : memref<2x128x128xf32, #tpu.memory_space<vmem>> -> memref<1x128x128xf32, #tpu.memory_space<vmem>>
    %dma_start3A_9 = tpu.memref_squeeze %dma_start3A_8 : memref<1x128x128xf32, #tpu.memory_space<vmem>> -> memref<128x128xf32, #tpu.memory_space<vmem>>
    %dma_start3A_10 = arith.constant 0 : i32
    %dma_start3A_11 = tpu.memref_slice %arg5[%dma_start3A, %dma_start3A_10] : memref<2x128xi32, #tpu.memory_space<vmem>> -> memref<1x128xi32, #tpu.memory_space<vmem>>
    %dma_start3A_12 = tpu.memref_squeeze %dma_start3A_11 : memref<1x128xi32, #tpu.memory_space<vmem>> -> memref<128xi32, #tpu.memory_space<vmem>>
    %dma_start3A_13 = arith.constant 0 : i32
    %dma_start3A_14 = arith.constant 0 : i32
    %dma_start3A_15 = tpu.memref_slice %arg3[%dma_start3A_13, %dma_start3A_14] : memref<8192x128xf32, #tpu.memory_space<hbm>> -> memref<8192x128xf32, #tpu.memory_space<hbm>>
    tpu.enqueue_indirect_dma source(%dma_start3A_15 : memref<8192x128xf32, #tpu.memory_space<hbm>>) target(%dma_start3A_9 : memref<128x128xf32, #tpu.memory_space<vmem>>) offsets(%dma_start3A_12 : memref<128xi32, #tpu.memory_space<vmem>>) semaphore(%arg7 : memref<!tpu.dma_semaphore, #tpu.memory_space<semaphore_mem>>)
    %add3A_16 = arith.constant 128 : i32
    %add3A_17 = arith.addi %mul3A_2, %add3A_16 : i32
    %run_scoped3A_18 = arith.constant 1 : i32
    "tpu.region"() ({
      %run_scoped3A_37 = tpu.sem_alloc : memref<!tpu.dma_semaphore, #tpu.memory_space<semaphore_mem>>
      %dma_start3A_38 = arith.constant 0 : i32
      %dma_start3A_39 = tpu.memref_slice %arg5[%run_scoped3A_18, %dma_start3A_38] : memref<2x128xi32, #tpu.memory_space<vmem>> -> memref<1x128xi32, #tpu.memory_space<vmem>>
      %dma_start3A_40 = tpu.memref_squeeze %dma_start3A_39 : memref<1x128xi32, #tpu.memory_space<vmem>> -> memref<128xi32, #tpu.memory_space<vmem>>
      %dma_start3A_41 = tpu.memref_slice %arg2[%add3A_17] : memref<65536xi32, #tpu.memory_space<hbm>> -> memref<128xi32, #tpu.memory_space<hbm>>
      %dma_start3A_42 = arith.constant 0 : i32
      %dma_start3A_43 = tpu.memref_slice %arg5[%run_scoped3A_18, %dma_start3A_42] : memref<2x128xi32, #tpu.memory_space<vmem>> -> memref<1x128xi32, #tpu.memory_space<vmem>>
      %dma_start3A_44 = tpu.memref_squeeze %dma_start3A_43 : memref<1x128xi32, #tpu.memory_space<vmem>> -> memref<128xi32, #tpu.memory_space<vmem>>
      %dma_start3A_45 = tpu.memref_slice %arg2[%add3A_17] : memref<65536xi32, #tpu.memory_space<hbm>> -> memref<128xi32, #tpu.memory_space<hbm>>
      tpu.enqueue_dma source(%dma_start3A_45 : memref<128xi32, #tpu.memory_space<hbm>>) target(%dma_start3A_44 : memref<128xi32, #tpu.memory_space<vmem>>) target_semaphore(%run_scoped3A_37 : memref<!tpu.dma_semaphore, #tpu.memory_space<semaphore_mem>>)
      %dma_wait3A = arith.constant 0 : i32
      %dma_wait3A_46 = tpu.memref_slice %arg5[%run_scoped3A_18, %dma_wait3A] : memref<2x128xi32, #tpu.memory_space<vmem>> -> memref<1x128xi32, #tpu.memory_space<vmem>>
      %dma_wait3A_47 = tpu.memref_squeeze %dma_wait3A_46 : memref<1x128xi32, #tpu.memory_space<vmem>> -> memref<128xi32, #tpu.memory_space<vmem>>
      %dma_wait3A_48 = tpu.memref_slice %arg2[%add3A_17] : memref<65536xi32, #tpu.memory_space<hbm>> -> memref<128xi32, #tpu.memory_space<hbm>>
      %dma_wait3A_49 = arith.constant 0 : i32
      %dma_wait3A_50 = tpu.memref_slice %arg5[%run_scoped3A_18, %dma_wait3A_49] : memref<2x128xi32, #tpu.memory_space<vmem>> -> memref<1x128xi32, #tpu.memory_space<vmem>>
      %dma_wait3A_51 = tpu.memref_squeeze %dma_wait3A_50 : memref<1x128xi32, #tpu.memory_space<vmem>> -> memref<128xi32, #tpu.memory_space<vmem>>
      %dma_wait3A_52 = tpu.memref_slice %arg2[%add3A_17] : memref<65536xi32, #tpu.memory_space<hbm>> -> memref<128xi32, #tpu.memory_space<hbm>>
      tpu.wait_dma2 semaphore(%run_scoped3A_37 : memref<!tpu.dma_semaphore, #tpu.memory_space<semaphore_mem>>) src(%dma_wait3A_52 : memref<128xi32, #tpu.memory_space<hbm>>) dst(%dma_wait3A_51 : memref<128xi32, #tpu.memory_space<vmem>>)
      tpu.yield
    }) : () -> ()
    %dma_start3A_19 = arith.constant 1 : i32
    %dma_start3A_20 = arith.constant 1 : i32
    %dma_start3A_21 = arith.constant 0 : i32
    %dma_start3A_22 = arith.constant 0 : i32
    %dma_start3A_23 = tpu.memref_slice %arg6[%dma_start3A_20, %dma_start3A_21, %dma_start3A_22] : memref<2x128x128xf32, #tpu.memory_space<vmem>> -> memref<1x128x128xf32, #tpu.memory_space<vmem>>
    %dma_start3A_24 = tpu.memref_squeeze %dma_start3A_23 : memref<1x128x128xf32, #tpu.memory_space<vmem>> -> memref<128x128xf32, #tpu.memory_space<vmem>>
    %dma_start3A_25 = arith.constant 0 : i32
    %dma_start3A_26 = tpu.memref_slice %arg5[%dma_start3A_19, %dma_start3A_25] : memref<2x128xi32, #tpu.memory_space<vmem>> -> memref<1x128xi32, #tpu.memory_space<vmem>>
    %dma_start3A_27 = tpu.memref_squeeze %dma_start3A_26 : memref<1x128xi32, #tpu.memory_space<vmem>> -> memref<128xi32, #tpu.memory_space<vmem>>
    %dma_start3A_28 = arith.constant 0 : i32
    %dma_start3A_29 = arith.constant 0 : i32
    %dma_start3A_30 = tpu.memref_slice %arg3[%dma_start3A_28, %dma_start3A_29] : memref<8192x128xf32, #tpu.memory_space<hbm>> -> memref<8192x128xf32, #tpu.memory_space<hbm>>
    tpu.enqueue_indirect_dma source(%dma_start3A_30 : memref<8192x128xf32, #tpu.memory_space<hbm>>) target(%dma_start3A_24 : memref<128x128xf32, #tpu.memory_space<vmem>>) offsets(%dma_start3A_27 : memref<128xi32, #tpu.memory_space<vmem>>) semaphore(%arg8 : memref<!tpu.dma_semaphore, #tpu.memory_space<semaphore_mem>>)
    %scan3A = arith.constant 0 : i32
    %scan3A_31 = arith.constant 0 : i32
    %scan3A_32 = arith.constant 8 : i32
    %scan3A_33 = arith.addi %scan3A_31, %scan3A_32 : i32
    %scan3A_34 = arith.constant 1 : i32
    %scan3A_35 = scf.for %scan3A_37 = %scan3A_31 to %scan3A_33 step %scan3A_34 iter_args(%scan3A_38 = %scan3A) -> (i32)  : i32 {
      %mul3A_39 = arith.constant 2 : i32
      %mul3A_40 = arith.muli %scan3A_37, %mul3A_39 : i32
      %add3A_41 = arith.constant 0 : i32
      %add3A_42 = arith.addi %mul3A_40, %add3A_41 : i32
      %dma_wait3A = arith.constant 0 : i32
      %dma_wait3A_43 = arith.constant 0 : i32
      %dma_wait3A_44 = arith.constant 0 : i32
      %dma_wait3A_45 = arith.constant 0 : i32
      %dma_wait3A_46 = tpu.memref_slice %arg6[%dma_wait3A_43, %dma_wait3A_44, %dma_wait3A_45] : memref<2x128x128xf32, #tpu.memory_space<vmem>> -> memref<1x128x128xf32, #tpu.memory_space<vmem>>
      %dma_wait3A_47 = tpu.memref_squeeze %dma_wait3A_46 : memref<1x128x128xf32, #tpu.memory_space<vmem>> -> memref<128x128xf32, #tpu.memory_space<vmem>>
      %dma_wait3A_48 = arith.constant 0 : i32
      %dma_wait3A_49 = tpu.memref_slice %arg5[%dma_wait3A, %dma_wait3A_48] : memref<2x128xi32, #tpu.memory_space<vmem>> -> memref<1x128xi32, #tpu.memory_space<vmem>>
      %dma_wait3A_50 = tpu.memref_squeeze %dma_wait3A_49 : memref<1x128xi32, #tpu.memory_space<vmem>> -> memref<128xi32, #tpu.memory_space<vmem>>
      %dma_wait3A_51 = arith.constant 0 : i32
      %dma_wait3A_52 = arith.constant 0 : i32
      %dma_wait3A_53 = tpu.memref_slice %arg3[%dma_wait3A_51, %dma_wait3A_52] : memref<8192x128xf32, #tpu.memory_space<hbm>> -> memref<8192x128xf32, #tpu.memory_space<hbm>>
      tpu.wait_indirect_dma semaphore(%arg7 : memref<!tpu.dma_semaphore, #tpu.memory_space<semaphore_mem>>) src(%dma_wait3A_53 : memref<8192x128xf32, #tpu.memory_space<hbm>>) dst(%dma_wait3A_47 : memref<128x128xf32, #tpu.memory_space<vmem>>)
      %mul3A_54 = arith.constant 128 : i32
      %mul3A_55 = arith.muli %add3A_42, %mul3A_54 : i32
      %add3A_56 = arith.addi %mul3A_2, %mul3A_55 : i32
      %run_scoped3A_57 = arith.constant 0 : i32
      "tpu.region"() ({
        %run_scoped3A_90 = tpu.sem_alloc : memref<!tpu.dma_semaphore, #tpu.memory_space<semaphore_mem>>
        %dma_start3A_91 = arith.constant 0 : i32
        %dma_start3A_92 = arith.constant 0 : i32
        %dma_start3A_93 = tpu.memref_slice %arg6[%run_scoped3A_57, %dma_start3A_91, %dma_start3A_92] : memref<2x128x128xf32, #tpu.memory_space<vmem>> -> memref<1x128x128xf32, #tpu.memory_space<vmem>>
        %dma_start3A_94 = tpu.memref_squeeze %dma_start3A_93 : memref<1x128x128xf32, #tpu.memory_space<vmem>> -> memref<128x128xf32, #tpu.memory_space<vmem>>
        %dma_start3A_95 = arith.constant 0 : i32
        %dma_start3A_96 = tpu.memref_slice %arg4[%add3A_56, %dma_start3A_95] : memref<65536x128xf32, #tpu.memory_space<hbm>> -> memref<128x128xf32, #tpu.memory_space<hbm>>
        %dma_start3A_97 = arith.constant 0 : i32
        %dma_start3A_98 = tpu.memref_slice %arg4[%add3A_56, %dma_start3A_97] : memref<65536x128xf32, #tpu.memory_space<hbm>> -> memref<128x128xf32, #tpu.memory_space<hbm>>
        %dma_start3A_99 = arith.constant 0 : i32
        %dma_start3A_100 = arith.constant 0 : i32
        %dma_start3A_101 = tpu.memref_slice %arg6[%run_scoped3A_57, %dma_start3A_99, %dma_start3A_100] : memref<2x128x128xf32, #tpu.memory_space<vmem>> -> memref<1x128x128xf32, #tpu.memory_space<vmem>>
        %dma_start3A_102 = tpu.memref_squeeze %dma_start3A_101 : memref<1x128x128xf32, #tpu.memory_space<vmem>> -> memref<128x128xf32, #tpu.memory_space<vmem>>
        tpu.enqueue_dma source(%dma_start3A_102 : memref<128x128xf32, #tpu.memory_space<vmem>>) target(%dma_start3A_98 : memref<128x128xf32, #tpu.memory_space<hbm>>) target_semaphore(%run_scoped3A_90 : memref<!tpu.dma_semaphore, #tpu.memory_space<semaphore_mem>>)
        %dma_wait3A_103 = arith.constant 0 : i32
        %dma_wait3A_104 = arith.constant 0 : i32
        %dma_wait3A_105 = tpu.memref_slice %arg6[%run_scoped3A_57, %dma_wait3A_103, %dma_wait3A_104] : memref<2x128x128xf32, #tpu.memory_space<vmem>> -> memref<1x128x128xf32, #tpu.memory_space<vmem>>
        %dma_wait3A_106 = tpu.memref_squeeze %dma_wait3A_105 : memref<1x128x128xf32, #tpu.memory_space<vmem>> -> memref<128x128xf32, #tpu.memory_space<vmem>>
        %dma_wait3A_107 = arith.constant 0 : i32
        %dma_wait3A_108 = tpu.memref_slice %arg4[%add3A_56, %dma_wait3A_107] : memref<65536x128xf32, #tpu.memory_space<hbm>> -> memref<128x128xf32, #tpu.memory_space<hbm>>
        %dma_wait3A_109 = arith.constant 0 : i32
        %dma_wait3A_110 = tpu.memref_slice %arg4[%add3A_56, %dma_wait3A_109] : memref<65536x128xf32, #tpu.memory_space<hbm>> -> memref<128x128xf32, #tpu.memory_space<hbm>>
        %dma_wait3A_111 = arith.constant 0 : i32
        %dma_wait3A_112 = arith.constant 0 : i32
        %dma_wait3A_113 = tpu.memref_slice %arg6[%run_scoped3A_57, %dma_wait3A_111, %dma_wait3A_112] : memref<2x128x128xf32, #tpu.memory_space<vmem>> -> memref<1x128x128xf32, #tpu.memory_space<vmem>>
        %dma_wait3A_114 = tpu.memref_squeeze %dma_wait3A_113 : memref<1x128x128xf32, #tpu.memory_space<vmem>> -> memref<128x128xf32, #tpu.memory_space<vmem>>
        tpu.wait_dma2 semaphore(%run_scoped3A_90 : memref<!tpu.dma_semaphore, #tpu.memory_space<semaphore_mem>>) src(%dma_wait3A_114 : memref<128x128xf32, #tpu.memory_space<vmem>>) dst(%dma_wait3A_110 : memref<128x128xf32, #tpu.memory_space<hbm>>)
        tpu.yield
      }) : () -> ()
      %add3A_58 = arith.constant 2 : i32
      %add3A_59 = arith.addi %add3A_42, %add3A_58 : i32
      %lt3A = arith.constant 16 : i32
      %lt3A_60 = arith.cmpi slt, %add3A_59, %lt3A : i32
      %convert_element_type3A = arith.extui %lt3A_60 : i1 to i32
      %cond3A = arith.constant 0 : i32
      %cond3A_61 = arith.cmpi ne, %convert_element_type3A, %cond3A : i32
      scf.if %cond3A_61 {
        %add3A_90 = arith.constant 2 : i32
        %add3A_91 = arith.addi %add3A_42, %add3A_90 : i32
        %mul3A_92 = arith.constant 128 : i32
        %mul3A_93 = arith.muli %add3A_91, %mul3A_92 : i32
        %add3A_94 = arith.addi %mul3A_2, %mul3A_93 : i32
        %run_scoped3A_95 = arith.constant 0 : i32
        "tpu.region"() ({
          %run_scoped3A_110 = tpu.sem_alloc : memref<!tpu.dma_semaphore, #tpu.memory_space<semaphore_mem>>
          %dma_start3A_111 = arith.constant 0 : i32
          %dma_start3A_112 = tpu.memref_slice %arg5[%run_scoped3A_95, %dma_start3A_111] : memref<2x128xi32, #tpu.memory_space<vmem>> -> memref<1x128xi32, #tpu.memory_space<vmem>>
          %dma_start3A_113 = tpu.memref_squeeze %dma_start3A_112 : memref<1x128xi32, #tpu.memory_space<vmem>> -> memref<128xi32, #tpu.memory_space<vmem>>
          %dma_start3A_114 = tpu.memref_slice %arg2[%add3A_94] : memref<65536xi32, #tpu.memory_space<hbm>> -> memref<128xi32, #tpu.memory_space<hbm>>
          %dma_start3A_115 = arith.constant 0 : i32
          %dma_start3A_116 = tpu.memref_slice %arg5[%run_scoped3A_95, %dma_start3A_115] : memref<2x128xi32, #tpu.memory_space<vmem>> -> memref<1x128xi32, #tpu.memory_space<vmem>>
          %dma_start3A_117 = tpu.memref_squeeze %dma_start3A_116 : memref<1x128xi32, #tpu.memory_space<vmem>> -> memref<128xi32, #tpu.memory_space<vmem>>
          %dma_start3A_118 = tpu.memref_slice %arg2[%add3A_94] : memref<65536xi32, #tpu.memory_space<hbm>> -> memref<128xi32, #tpu.memory_space<hbm>>
          tpu.enqueue_dma source(%dma_start3A_118 : memref<128xi32, #tpu.memory_space<hbm>>) target(%dma_start3A_117 : memref<128xi32, #tpu.memory_space<vmem>>) target_semaphore(%run_scoped3A_110 : memref<!tpu.dma_semaphore, #tpu.memory_space<semaphore_mem>>)
          %dma_wait3A_119 = arith.constant 0 : i32
          %dma_wait3A_120 = tpu.memref_slice %arg5[%run_scoped3A_95, %dma_wait3A_119] : memref<2x128xi32, #tpu.memory_space<vmem>> -> memref<1x128xi32, #tpu.memory_space<vmem>>
          %dma_wait3A_121 = tpu.memref_squeeze %dma_wait3A_120 : memref<1x128xi32, #tpu.memory_space<vmem>> -> memref<128xi32, #tpu.memory_space<vmem>>
          %dma_wait3A_122 = tpu.memref_slice %arg2[%add3A_94] : memref<65536xi32, #tpu.memory_space<hbm>> -> memref<128xi32, #tpu.memory_space<hbm>>
          %dma_wait3A_123 = arith.constant 0 : i32
          %dma_wait3A_124 = tpu.memref_slice %arg5[%run_scoped3A_95, %dma_wait3A_123] : memref<2x128xi32, #tpu.memory_space<vmem>> -> memref<1x128xi32, #tpu.memory_space<vmem>>
          %dma_wait3A_125 = tpu.memref_squeeze %dma_wait3A_124 : memref<1x128xi32, #tpu.memory_space<vmem>> -> memref<128xi32, #tpu.memory_space<vmem>>
          %dma_wait3A_126 = tpu.memref_slice %arg2[%add3A_94] : memref<65536xi32, #tpu.memory_space<hbm>> -> memref<128xi32, #tpu.memory_space<hbm>>
          tpu.wait_dma2 semaphore(%run_scoped3A_110 : memref<!tpu.dma_semaphore, #tpu.memory_space<semaphore_mem>>) src(%dma_wait3A_126 : memref<128xi32, #tpu.memory_space<hbm>>) dst(%dma_wait3A_125 : memref<128xi32, #tpu.memory_space<vmem>>)
          tpu.yield
        }) : () -> ()
        %add3A_96 = arith.constant 2 : i32
        %add3A_97 = arith.addi %add3A_42, %add3A_96 : i32
        %dma_start3A_98 = arith.constant 0 : i32
        %dma_start3A_99 = arith.constant 0 : i32
        %dma_start3A_100 = arith.constant 0 : i32
        %dma_start3A_101 = arith.constant 0 : i32
        %dma_start3A_102 = tpu.memref_slice %arg6[%dma_start3A_99, %dma_start3A_100, %dma_start3A_101] : memref<2x128x128xf32, #tpu.memory_space<vmem>> -> memref<1x128x128xf32, #tpu.memory_space<vmem>>
        %dma_start3A_103 = tpu.memref_squeeze %dma_start3A_102 : memref<1x128x128xf32, #tpu.memory_space<vmem>> -> memref<128x128xf32, #tpu.memory_space<vmem>>
        %dma_start3A_104 = arith.constant 0 : i32
        %dma_start3A_105 = tpu.memref_slice %arg5[%dma_start3A_98, %dma_start3A_104] : memref<2x128xi32, #tpu.memory_space<vmem>> -> memref<1x128xi32, #tpu.memory_space<vmem>>
        %dma_start3A_106 = tpu.memref_squeeze %dma_start3A_105 : memref<1x128xi32, #tpu.memory_space<vmem>> -> memref<128xi32, #tpu.memory_space<vmem>>
        %dma_start3A_107 = arith.constant 0 : i32
        %dma_start3A_108 = arith.constant 0 : i32
        %dma_start3A_109 = tpu.memref_slice %arg3[%dma_start3A_107, %dma_start3A_108] : memref<8192x128xf32, #tpu.memory_space<hbm>> -> memref<8192x128xf32, #tpu.memory_space<hbm>>
        tpu.enqueue_indirect_dma source(%dma_start3A_109 : memref<8192x128xf32, #tpu.memory_space<hbm>>) target(%dma_start3A_103 : memref<128x128xf32, #tpu.memory_space<vmem>>) offsets(%dma_start3A_106 : memref<128xi32, #tpu.memory_space<vmem>>) semaphore(%arg7 : memref<!tpu.dma_semaphore, #tpu.memory_space<semaphore_mem>>)
      } else {
      }
      %mul3A_62 = arith.constant 2 : i32
      %mul3A_63 = arith.muli %scan3A_37, %mul3A_62 : i32
      %add3A_64 = arith.constant 1 : i32
      %add3A_65 = arith.addi %mul3A_63, %add3A_64 : i32
      %dma_wait3A_66 = arith.constant 1 : i32
      %dma_wait3A_67 = arith.constant 1 : i32
      %dma_wait3A_68 = arith.constant 0 : i32
      %dma_wait3A_69 = arith.constant 0 : i32
      %dma_wait3A_70 = tpu.memref_slice %arg6[%dma_wait3A_67, %dma_wait3A_68, %dma_wait3A_69] : memref<2x128x128xf32, #tpu.memory_space<vmem>> -> memref<1x128x128xf32, #tpu.memory_space<vmem>>
      %dma_wait3A_71 = tpu.memref_squeeze %dma_wait3A_70 : memref<1x128x128xf32, #tpu.memory_space<vmem>> -> memref<128x128xf32, #tpu.memory_space<vmem>>
      %dma_wait3A_72 = arith.constant 0 : i32
      %dma_wait3A_73 = tpu.memref_slice %arg5[%dma_wait3A_66, %dma_wait3A_72] : memref<2x128xi32, #tpu.memory_space<vmem>> -> memref<1x128xi32, #tpu.memory_space<vmem>>
      %dma_wait3A_74 = tpu.memref_squeeze %dma_wait3A_73 : memref<1x128xi32, #tpu.memory_space<vmem>> -> memref<128xi32, #tpu.memory_space<vmem>>
      %dma_wait3A_75 = arith.constant 0 : i32
      %dma_wait3A_76 = arith.constant 0 : i32
      %dma_wait3A_77 = tpu.memref_slice %arg3[%dma_wait3A_75, %dma_wait3A_76] : memref<8192x128xf32, #tpu.memory_space<hbm>> -> memref<8192x128xf32, #tpu.memory_space<hbm>>
      tpu.wait_indirect_dma semaphore(%arg8 : memref<!tpu.dma_semaphore, #tpu.memory_space<semaphore_mem>>) src(%dma_wait3A_77 : memref<8192x128xf32, #tpu.memory_space<hbm>>) dst(%dma_wait3A_71 : memref<128x128xf32, #tpu.memory_space<vmem>>)
      %mul3A_78 = arith.constant 128 : i32
      %mul3A_79 = arith.muli %add3A_65, %mul3A_78 : i32
      %add3A_80 = arith.addi %mul3A_2, %mul3A_79 : i32
      %run_scoped3A_81 = arith.constant 1 : i32
      "tpu.region"() ({
        %run_scoped3A_90 = tpu.sem_alloc : memref<!tpu.dma_semaphore, #tpu.memory_space<semaphore_mem>>
        %dma_start3A_91 = arith.constant 0 : i32
        %dma_start3A_92 = arith.constant 0 : i32
        %dma_start3A_93 = tpu.memref_slice %arg6[%run_scoped3A_81, %dma_start3A_91, %dma_start3A_92] : memref<2x128x128xf32, #tpu.memory_space<vmem>> -> memref<1x128x128xf32, #tpu.memory_space<vmem>>
        %dma_start3A_94 = tpu.memref_squeeze %dma_start3A_93 : memref<1x128x128xf32, #tpu.memory_space<vmem>> -> memref<128x128xf32, #tpu.memory_space<vmem>>
        %dma_start3A_95 = arith.constant 0 : i32
        %dma_start3A_96 = tpu.memref_slice %arg4[%add3A_80, %dma_start3A_95] : memref<65536x128xf32, #tpu.memory_space<hbm>> -> memref<128x128xf32, #tpu.memory_space<hbm>>
        %dma_start3A_97 = arith.constant 0 : i32
        %dma_start3A_98 = tpu.memref_slice %arg4[%add3A_80, %dma_start3A_97] : memref<65536x128xf32, #tpu.memory_space<hbm>> -> memref<128x128xf32, #tpu.memory_space<hbm>>
        %dma_start3A_99 = arith.constant 0 : i32
        %dma_start3A_100 = arith.constant 0 : i32
        %dma_start3A_101 = tpu.memref_slice %arg6[%run_scoped3A_81, %dma_start3A_99, %dma_start3A_100] : memref<2x128x128xf32, #tpu.memory_space<vmem>> -> memref<1x128x128xf32, #tpu.memory_space<vmem>>
        %dma_start3A_102 = tpu.memref_squeeze %dma_start3A_101 : memref<1x128x128xf32, #tpu.memory_space<vmem>> -> memref<128x128xf32, #tpu.memory_space<vmem>>
        tpu.enqueue_dma source(%dma_start3A_102 : memref<128x128xf32, #tpu.memory_space<vmem>>) target(%dma_start3A_98 : memref<128x128xf32, #tpu.memory_space<hbm>>) target_semaphore(%run_scoped3A_90 : memref<!tpu.dma_semaphore, #tpu.memory_space<semaphore_mem>>)
        %dma_wait3A_103 = arith.constant 0 : i32
        %dma_wait3A_104 = arith.constant 0 : i32
        %dma_wait3A_105 = tpu.memref_slice %arg6[%run_scoped3A_81, %dma_wait3A_103, %dma_wait3A_104] : memref<2x128x128xf32, #tpu.memory_space<vmem>> -> memref<1x128x128xf32, #tpu.memory_space<vmem>>
        %dma_wait3A_106 = tpu.memref_squeeze %dma_wait3A_105 : memref<1x128x128xf32, #tpu.memory_space<vmem>> -> memref<128x128xf32, #tpu.memory_space<vmem>>
        %dma_wait3A_107 = arith.constant 0 : i32
        %dma_wait3A_108 = tpu.memref_slice %arg4[%add3A_80, %dma_wait3A_107] : memref<65536x128xf32, #tpu.memory_space<hbm>> -> memref<128x128xf32, #tpu.memory_space<hbm>>
        %dma_wait3A_109 = arith.constant 0 : i32
        %dma_wait3A_110 = tpu.memref_slice %arg4[%add3A_80, %dma_wait3A_109] : memref<65536x128xf32, #tpu.memory_space<hbm>> -> memref<128x128xf32, #tpu.memory_space<hbm>>
        %dma_wait3A_111 = arith.constant 0 : i32
        %dma_wait3A_112 = arith.constant 0 : i32
        %dma_wait3A_113 = tpu.memref_slice %arg6[%run_scoped3A_81, %dma_wait3A_111, %dma_wait3A_112] : memref<2x128x128xf32, #tpu.memory_space<vmem>> -> memref<1x128x128xf32, #tpu.memory_space<vmem>>
        %dma_wait3A_114 = tpu.memref_squeeze %dma_wait3A_113 : memref<1x128x128xf32, #tpu.memory_space<vmem>> -> memref<128x128xf32, #tpu.memory_space<vmem>>
        tpu.wait_dma2 semaphore(%run_scoped3A_90 : memref<!tpu.dma_semaphore, #tpu.memory_space<semaphore_mem>>) src(%dma_wait3A_114 : memref<128x128xf32, #tpu.memory_space<vmem>>) dst(%dma_wait3A_110 : memref<128x128xf32, #tpu.memory_space<hbm>>)
        tpu.yield
      }) : () -> ()
      %add3A_82 = arith.constant 2 : i32
      %add3A_83 = arith.addi %add3A_65, %add3A_82 : i32
      %lt3A_84 = arith.constant 16 : i32
      %lt3A_85 = arith.cmpi slt, %add3A_83, %lt3A_84 : i32
      %convert_element_type3A_86 = arith.extui %lt3A_85 : i1 to i32
      %cond3A_87 = arith.constant 0 : i32
      %cond3A_88 = arith.cmpi ne, %convert_element_type3A_86, %cond3A_87 : i32
      scf.if %cond3A_88 {
        %add3A_90 = arith.constant 2 : i32
        %add3A_91 = arith.addi %add3A_65, %add3A_90 : i32
        %mul3A_92 = arith.constant 128 : i32
        %mul3A_93 = arith.muli %add3A_91, %mul3A_92 : i32
        %add3A_94 = arith.addi %mul3A_2, %mul3A_93 : i32
        %run_scoped3A_95 = arith.constant 1 : i32
        "tpu.region"() ({
          %run_scoped3A_110 = tpu.sem_alloc : memref<!tpu.dma_semaphore, #tpu.memory_space<semaphore_mem>>
          %dma_start3A_111 = arith.constant 0 : i32
          %dma_start3A_112 = tpu.memref_slice %arg5[%run_scoped3A_95, %dma_start3A_111] : memref<2x128xi32, #tpu.memory_space<vmem>> -> memref<1x128xi32, #tpu.memory_space<vmem>>
          %dma_start3A_113 = tpu.memref_squeeze %dma_start3A_112 : memref<1x128xi32, #tpu.memory_space<vmem>> -> memref<128xi32, #tpu.memory_space<vmem>>
          %dma_start3A_114 = tpu.memref_slice %arg2[%add3A_94] : memref<65536xi32, #tpu.memory_space<hbm>> -> memref<128xi32, #tpu.memory_space<hbm>>
          %dma_start3A_115 = arith.constant 0 : i32
          %dma_start3A_116 = tpu.memref_slice %arg5[%run_scoped3A_95, %dma_start3A_115] : memref<2x128xi32, #tpu.memory_space<vmem>> -> memref<1x128xi32, #tpu.memory_space<vmem>>
          %dma_start3A_117 = tpu.memref_squeeze %dma_start3A_116 : memref<1x128xi32, #tpu.memory_space<vmem>> -> memref<128xi32, #tpu.memory_space<vmem>>
          %dma_start3A_118 = tpu.memref_slice %arg2[%add3A_94] : memref<65536xi32, #tpu.memory_space<hbm>> -> memref<128xi32, #tpu.memory_space<hbm>>
          tpu.enqueue_dma source(%dma_start3A_118 : memref<128xi32, #tpu.memory_space<hbm>>) target(%dma_start3A_117 : memref<128xi32, #tpu.memory_space<vmem>>) target_semaphore(%run_scoped3A_110 : memref<!tpu.dma_semaphore, #tpu.memory_space<semaphore_mem>>)
          %dma_wait3A_119 = arith.constant 0 : i32
          %dma_wait3A_120 = tpu.memref_slice %arg5[%run_scoped3A_95, %dma_wait3A_119] : memref<2x128xi32, #tpu.memory_space<vmem>> -> memref<1x128xi32, #tpu.memory_space<vmem>>
          %dma_wait3A_121 = tpu.memref_squeeze %dma_wait3A_120 : memref<1x128xi32, #tpu.memory_space<vmem>> -> memref<128xi32, #tpu.memory_space<vmem>>
          %dma_wait3A_122 = tpu.memref_slice %arg2[%add3A_94] : memref<65536xi32, #tpu.memory_space<hbm>> -> memref<128xi32, #tpu.memory_space<hbm>>
          %dma_wait3A_123 = arith.constant 0 : i32
          %dma_wait3A_124 = tpu.memref_slice %arg5[%run_scoped3A_95, %dma_wait3A_123] : memref<2x128xi32, #tpu.memory_space<vmem>> -> memref<1x128xi32, #tpu.memory_space<vmem>>
          %dma_wait3A_125 = tpu.memref_squeeze %dma_wait3A_124 : memref<1x128xi32, #tpu.memory_space<vmem>> -> memref<128xi32, #tpu.memory_space<vmem>>
          %dma_wait3A_126 = tpu.memref_slice %arg2[%add3A_94] : memref<65536xi32, #tpu.memory_space<hbm>> -> memref<128xi32, #tpu.memory_space<hbm>>
          tpu.wait_dma2 semaphore(%run_scoped3A_110 : memref<!tpu.dma_semaphore, #tpu.memory_space<semaphore_mem>>) src(%dma_wait3A_126 : memref<128xi32, #tpu.memory_space<hbm>>) dst(%dma_wait3A_125 : memref<128xi32, #tpu.memory_space<vmem>>)
          tpu.yield
        }) : () -> ()
        %add3A_96 = arith.constant 2 : i32
        %add3A_97 = arith.addi %add3A_65, %add3A_96 : i32
        %dma_start3A_98 = arith.constant 1 : i32
        %dma_start3A_99 = arith.constant 1 : i32
        %dma_start3A_100 = arith.constant 0 : i32
        %dma_start3A_101 = arith.constant 0 : i32
        %dma_start3A_102 = tpu.memref_slice %arg6[%dma_start3A_99, %dma_start3A_100, %dma_start3A_101] : memref<2x128x128xf32, #tpu.memory_space<vmem>> -> memref<1x128x128xf32, #tpu.memory_space<vmem>>
        %dma_start3A_103 = tpu.memref_squeeze %dma_start3A_102 : memref<1x128x128xf32, #tpu.memory_space<vmem>> -> memref<128x128xf32, #tpu.memory_space<vmem>>
        %dma_start3A_104 = arith.constant 0 : i32
        %dma_start3A_105 = tpu.memref_slice %arg5[%dma_start3A_98, %dma_start3A_104] : memref<2x128xi32, #tpu.memory_space<vmem>> -> memref<1x128xi32, #tpu.memory_space<vmem>>
        %dma_start3A_106 = tpu.memref_squeeze %dma_start3A_105 : memref<1x128xi32, #tpu.memory_space<vmem>> -> memref<128xi32, #tpu.memory_space<vmem>>
        %dma_start3A_107 = arith.constant 0 : i32
        %dma_start3A_108 = arith.constant 0 : i32
        %dma_start3A_109 = tpu.memref_slice %arg3[%dma_start3A_107, %dma_start3A_108] : memref<8192x128xf32, #tpu.memory_space<hbm>> -> memref<8192x128xf32, #tpu.memory_space<hbm>>
        tpu.enqueue_indirect_dma source(%dma_start3A_109 : memref<8192x128xf32, #tpu.memory_space<hbm>>) target(%dma_start3A_103 : memref<128x128xf32, #tpu.memory_space<vmem>>) offsets(%dma_start3A_106 : memref<128xi32, #tpu.memory_space<vmem>>) semaphore(%arg8 : memref<!tpu.dma_semaphore, #tpu.memory_space<semaphore_mem>>)
      } else {
      }
      %scan3A_89 = arith.constant 0 : i32
      scf.yield %scan3A_89 : i32
    }
    %scan3A_36 = arith.constant 8 : i32
    return
  }
}

#map = affine_map<(d0, d1) -> (0)>
#map1 = affine_map<(d0, d1) -> (0, 0)>
module attributes {stable_mosaic.version = 14 : i64} {
  func.func @_gather_body(%arg0: i32, %arg1: i32, %arg2: memref<65536xi32, #tpu.memory_space<hbm>>, %arg3: memref<4096x128xf32, #tpu.memory_space<hbm>>, %arg4: memref<65536x128xf32, #tpu.memory_space<hbm>>, %arg5: memref<2x128xi32, #tpu.memory_space<vmem>>, %arg6: memref<2x128x128xf32, #tpu.memory_space<vmem>>, %arg7: memref<!tpu.dma_semaphore, #tpu.memory_space<semaphore_mem>>, %arg8: memref<!tpu.dma_semaphore, #tpu.memory_space<semaphore_mem>>) attributes {dimension_semantics = [#tpu.dimension_semantics<core_parallel>, #tpu.dimension_semantics<subcore_parallel>], iteration_bounds = array<i64: 2, 16>, scalar_prefetch = 0 : i64, scratch_operands = 4 : i64, tpu.core_type = #tpu.core_type<sc_vector_subcore>, window_params = [{transform_indices = #map}, {transform_indices = #map1}, {transform_indices = #map1}]} {
    %mul3A = arith.constant 2 : i32
    %mul3A_0 = arith.muli %arg1, %mul3A : i32
    %add3A = arith.addi %mul3A_0, %arg0 : i32
    %mul3A_1 = arith.constant 2048 : i32
    %mul3A_2 = arith.muli %add3A, %mul3A_1 : i32
    %add3A_3 = arith.constant 0 : i32
    %add3A_4 = arith.addi %mul3A_2, %add3A_3 : i32
    %run_scoped3A = arith.constant 0 : i32
    "tpu.region"() ({
      %run_scoped3A_37 = tpu.sem_alloc : memref<!tpu.dma_semaphore, #tpu.memory_space<semaphore_mem>>
      %dma_start3A_38 = arith.constant 0 : i32
      %dma_start3A_39 = tpu.memref_slice %arg5[%run_scoped3A, %dma_start3A_38] : memref<2x128xi32, #tpu.memory_space<vmem>> -> memref<1x128xi32, #tpu.memory_space<vmem>>
      %dma_start3A_40 = tpu.memref_squeeze %dma_start3A_39 : memref<1x128xi32, #tpu.memory_space<vmem>> -> memref<128xi32, #tpu.memory_space<vmem>>
      %dma_start3A_41 = tpu.memref_slice %arg2[%add3A_4] : memref<65536xi32, #tpu.memory_space<hbm>> -> memref<128xi32, #tpu.memory_space<hbm>>
      %dma_start3A_42 = arith.constant 0 : i32
      %dma_start3A_43 = tpu.memref_slice %arg5[%run_scoped3A, %dma_start3A_42] : memref<2x128xi32, #tpu.memory_space<vmem>> -> memref<1x128xi32, #tpu.memory_space<vmem>>
      %dma_start3A_44 = tpu.memref_squeeze %dma_start3A_43 : memref<1x128xi32, #tpu.memory_space<vmem>> -> memref<128xi32, #tpu.memory_space<vmem>>
      %dma_start3A_45 = tpu.memref_slice %arg2[%add3A_4] : memref<65536xi32, #tpu.memory_space<hbm>> -> memref<128xi32, #tpu.memory_space<hbm>>
      tpu.enqueue_dma source(%dma_start3A_45 : memref<128xi32, #tpu.memory_space<hbm>>) target(%dma_start3A_44 : memref<128xi32, #tpu.memory_space<vmem>>) target_semaphore(%run_scoped3A_37 : memref<!tpu.dma_semaphore, #tpu.memory_space<semaphore_mem>>)
      %dma_wait3A = arith.constant 0 : i32
      %dma_wait3A_46 = tpu.memref_slice %arg5[%run_scoped3A, %dma_wait3A] : memref<2x128xi32, #tpu.memory_space<vmem>> -> memref<1x128xi32, #tpu.memory_space<vmem>>
      %dma_wait3A_47 = tpu.memref_squeeze %dma_wait3A_46 : memref<1x128xi32, #tpu.memory_space<vmem>> -> memref<128xi32, #tpu.memory_space<vmem>>
      %dma_wait3A_48 = tpu.memref_slice %arg2[%add3A_4] : memref<65536xi32, #tpu.memory_space<hbm>> -> memref<128xi32, #tpu.memory_space<hbm>>
      %dma_wait3A_49 = arith.constant 0 : i32
      %dma_wait3A_50 = tpu.memref_slice %arg5[%run_scoped3A, %dma_wait3A_49] : memref<2x128xi32, #tpu.memory_space<vmem>> -> memref<1x128xi32, #tpu.memory_space<vmem>>
      %dma_wait3A_51 = tpu.memref_squeeze %dma_wait3A_50 : memref<1x128xi32, #tpu.memory_space<vmem>> -> memref<128xi32, #tpu.memory_space<vmem>>
      %dma_wait3A_52 = tpu.memref_slice %arg2[%add3A_4] : memref<65536xi32, #tpu.memory_space<hbm>> -> memref<128xi32, #tpu.memory_space<hbm>>
      tpu.wait_dma2 semaphore(%run_scoped3A_37 : memref<!tpu.dma_semaphore, #tpu.memory_space<semaphore_mem>>) src(%dma_wait3A_52 : memref<128xi32, #tpu.memory_space<hbm>>) dst(%dma_wait3A_51 : memref<128xi32, #tpu.memory_space<vmem>>)
      tpu.yield
    }) : () -> ()
    %dma_start3A = arith.constant 0 : i32
    %dma_start3A_5 = arith.constant 0 : i32
    %dma_start3A_6 = arith.constant 0 : i32
    %dma_start3A_7 = arith.constant 0 : i32
    %dma_start3A_8 = tpu.memref_slice %arg6[%dma_start3A_5, %dma_start3A_6, %dma_start3A_7] : memref<2x128x128xf32, #tpu.memory_space<vmem>> -> memref<1x128x128xf32, #tpu.memory_space<vmem>>
    %dma_start3A_9 = tpu.memref_squeeze %dma_start3A_8 : memref<1x128x128xf32, #tpu.memory_space<vmem>> -> memref<128x128xf32, #tpu.memory_space<vmem>>
    %dma_start3A_10 = arith.constant 0 : i32
    %dma_start3A_11 = tpu.memref_slice %arg5[%dma_start3A, %dma_start3A_10] : memref<2x128xi32, #tpu.memory_space<vmem>> -> memref<1x128xi32, #tpu.memory_space<vmem>>
    %dma_start3A_12 = tpu.memref_squeeze %dma_start3A_11 : memref<1x128xi32, #tpu.memory_space<vmem>> -> memref<128xi32, #tpu.memory_space<vmem>>
    %dma_start3A_13 = arith.constant 0 : i32
    %dma_start3A_14 = arith.constant 0 : i32
    %dma_start3A_15 = tpu.memref_slice %arg3[%dma_start3A_13, %dma_start3A_14] : memref<4096x128xf32, #tpu.memory_space<hbm>> -> memref<4096x128xf32, #tpu.memory_space<hbm>>
    tpu.enqueue_indirect_dma source(%dma_start3A_15 : memref<4096x128xf32, #tpu.memory_space<hbm>>) target(%dma_start3A_9 : memref<128x128xf32, #tpu.memory_space<vmem>>) offsets(%dma_start3A_12 : memref<128xi32, #tpu.memory_space<vmem>>) semaphore(%arg7 : memref<!tpu.dma_semaphore, #tpu.memory_space<semaphore_mem>>)
    %add3A_16 = arith.constant 128 : i32
    %add3A_17 = arith.addi %mul3A_2, %add3A_16 : i32
    %run_scoped3A_18 = arith.constant 1 : i32
    "tpu.region"() ({
      %run_scoped3A_37 = tpu.sem_alloc : memref<!tpu.dma_semaphore, #tpu.memory_space<semaphore_mem>>
      %dma_start3A_38 = arith.constant 0 : i32
      %dma_start3A_39 = tpu.memref_slice %arg5[%run_scoped3A_18, %dma_start3A_38] : memref<2x128xi32, #tpu.memory_space<vmem>> -> memref<1x128xi32, #tpu.memory_space<vmem>>
      %dma_start3A_40 = tpu.memref_squeeze %dma_start3A_39 : memref<1x128xi32, #tpu.memory_space<vmem>> -> memref<128xi32, #tpu.memory_space<vmem>>
      %dma_start3A_41 = tpu.memref_slice %arg2[%add3A_17] : memref<65536xi32, #tpu.memory_space<hbm>> -> memref<128xi32, #tpu.memory_space<hbm>>
      %dma_start3A_42 = arith.constant 0 : i32
      %dma_start3A_43 = tpu.memref_slice %arg5[%run_scoped3A_18, %dma_start3A_42] : memref<2x128xi32, #tpu.memory_space<vmem>> -> memref<1x128xi32, #tpu.memory_space<vmem>>
      %dma_start3A_44 = tpu.memref_squeeze %dma_start3A_43 : memref<1x128xi32, #tpu.memory_space<vmem>> -> memref<128xi32, #tpu.memory_space<vmem>>
      %dma_start3A_45 = tpu.memref_slice %arg2[%add3A_17] : memref<65536xi32, #tpu.memory_space<hbm>> -> memref<128xi32, #tpu.memory_space<hbm>>
      tpu.enqueue_dma source(%dma_start3A_45 : memref<128xi32, #tpu.memory_space<hbm>>) target(%dma_start3A_44 : memref<128xi32, #tpu.memory_space<vmem>>) target_semaphore(%run_scoped3A_37 : memref<!tpu.dma_semaphore, #tpu.memory_space<semaphore_mem>>)
      %dma_wait3A = arith.constant 0 : i32
      %dma_wait3A_46 = tpu.memref_slice %arg5[%run_scoped3A_18, %dma_wait3A] : memref<2x128xi32, #tpu.memory_space<vmem>> -> memref<1x128xi32, #tpu.memory_space<vmem>>
      %dma_wait3A_47 = tpu.memref_squeeze %dma_wait3A_46 : memref<1x128xi32, #tpu.memory_space<vmem>> -> memref<128xi32, #tpu.memory_space<vmem>>
      %dma_wait3A_48 = tpu.memref_slice %arg2[%add3A_17] : memref<65536xi32, #tpu.memory_space<hbm>> -> memref<128xi32, #tpu.memory_space<hbm>>
      %dma_wait3A_49 = arith.constant 0 : i32
      %dma_wait3A_50 = tpu.memref_slice %arg5[%run_scoped3A_18, %dma_wait3A_49] : memref<2x128xi32, #tpu.memory_space<vmem>> -> memref<1x128xi32, #tpu.memory_space<vmem>>
      %dma_wait3A_51 = tpu.memref_squeeze %dma_wait3A_50 : memref<1x128xi32, #tpu.memory_space<vmem>> -> memref<128xi32, #tpu.memory_space<vmem>>
      %dma_wait3A_52 = tpu.memref_slice %arg2[%add3A_17] : memref<65536xi32, #tpu.memory_space<hbm>> -> memref<128xi32, #tpu.memory_space<hbm>>
      tpu.wait_dma2 semaphore(%run_scoped3A_37 : memref<!tpu.dma_semaphore, #tpu.memory_space<semaphore_mem>>) src(%dma_wait3A_52 : memref<128xi32, #tpu.memory_space<hbm>>) dst(%dma_wait3A_51 : memref<128xi32, #tpu.memory_space<vmem>>)
      tpu.yield
    }) : () -> ()
    %dma_start3A_19 = arith.constant 1 : i32
    %dma_start3A_20 = arith.constant 1 : i32
    %dma_start3A_21 = arith.constant 0 : i32
    %dma_start3A_22 = arith.constant 0 : i32
    %dma_start3A_23 = tpu.memref_slice %arg6[%dma_start3A_20, %dma_start3A_21, %dma_start3A_22] : memref<2x128x128xf32, #tpu.memory_space<vmem>> -> memref<1x128x128xf32, #tpu.memory_space<vmem>>
    %dma_start3A_24 = tpu.memref_squeeze %dma_start3A_23 : memref<1x128x128xf32, #tpu.memory_space<vmem>> -> memref<128x128xf32, #tpu.memory_space<vmem>>
    %dma_start3A_25 = arith.constant 0 : i32
    %dma_start3A_26 = tpu.memref_slice %arg5[%dma_start3A_19, %dma_start3A_25] : memref<2x128xi32, #tpu.memory_space<vmem>> -> memref<1x128xi32, #tpu.memory_space<vmem>>
    %dma_start3A_27 = tpu.memref_squeeze %dma_start3A_26 : memref<1x128xi32, #tpu.memory_space<vmem>> -> memref<128xi32, #tpu.memory_space<vmem>>
    %dma_start3A_28 = arith.constant 0 : i32
    %dma_start3A_29 = arith.constant 0 : i32
    %dma_start3A_30 = tpu.memref_slice %arg3[%dma_start3A_28, %dma_start3A_29] : memref<4096x128xf32, #tpu.memory_space<hbm>> -> memref<4096x128xf32, #tpu.memory_space<hbm>>
    tpu.enqueue_indirect_dma source(%dma_start3A_30 : memref<4096x128xf32, #tpu.memory_space<hbm>>) target(%dma_start3A_24 : memref<128x128xf32, #tpu.memory_space<vmem>>) offsets(%dma_start3A_27 : memref<128xi32, #tpu.memory_space<vmem>>) semaphore(%arg8 : memref<!tpu.dma_semaphore, #tpu.memory_space<semaphore_mem>>)
    %scan3A = arith.constant 0 : i32
    %scan3A_31 = arith.constant 0 : i32
    %scan3A_32 = arith.constant 8 : i32
    %scan3A_33 = arith.addi %scan3A_31, %scan3A_32 : i32
    %scan3A_34 = arith.constant 1 : i32
    %scan3A_35 = scf.for %scan3A_37 = %scan3A_31 to %scan3A_33 step %scan3A_34 iter_args(%scan3A_38 = %scan3A) -> (i32)  : i32 {
      %mul3A_39 = arith.constant 2 : i32
      %mul3A_40 = arith.muli %scan3A_37, %mul3A_39 : i32
      %add3A_41 = arith.constant 0 : i32
      %add3A_42 = arith.addi %mul3A_40, %add3A_41 : i32
      %dma_wait3A = arith.constant 0 : i32
      %dma_wait3A_43 = arith.constant 0 : i32
      %dma_wait3A_44 = arith.constant 0 : i32
      %dma_wait3A_45 = arith.constant 0 : i32
      %dma_wait3A_46 = tpu.memref_slice %arg6[%dma_wait3A_43, %dma_wait3A_44, %dma_wait3A_45] : memref<2x128x128xf32, #tpu.memory_space<vmem>> -> memref<1x128x128xf32, #tpu.memory_space<vmem>>
      %dma_wait3A_47 = tpu.memref_squeeze %dma_wait3A_46 : memref<1x128x128xf32, #tpu.memory_space<vmem>> -> memref<128x128xf32, #tpu.memory_space<vmem>>
      %dma_wait3A_48 = arith.constant 0 : i32
      %dma_wait3A_49 = tpu.memref_slice %arg5[%dma_wait3A, %dma_wait3A_48] : memref<2x128xi32, #tpu.memory_space<vmem>> -> memref<1x128xi32, #tpu.memory_space<vmem>>
      %dma_wait3A_50 = tpu.memref_squeeze %dma_wait3A_49 : memref<1x128xi32, #tpu.memory_space<vmem>> -> memref<128xi32, #tpu.memory_space<vmem>>
      %dma_wait3A_51 = arith.constant 0 : i32
      %dma_wait3A_52 = arith.constant 0 : i32
      %dma_wait3A_53 = tpu.memref_slice %arg3[%dma_wait3A_51, %dma_wait3A_52] : memref<4096x128xf32, #tpu.memory_space<hbm>> -> memref<4096x128xf32, #tpu.memory_space<hbm>>
      tpu.wait_indirect_dma semaphore(%arg7 : memref<!tpu.dma_semaphore, #tpu.memory_space<semaphore_mem>>) src(%dma_wait3A_53 : memref<4096x128xf32, #tpu.memory_space<hbm>>) dst(%dma_wait3A_47 : memref<128x128xf32, #tpu.memory_space<vmem>>)
      %mul3A_54 = arith.constant 128 : i32
      %mul3A_55 = arith.muli %add3A_42, %mul3A_54 : i32
      %add3A_56 = arith.addi %mul3A_2, %mul3A_55 : i32
      %run_scoped3A_57 = arith.constant 0 : i32
      "tpu.region"() ({
        %run_scoped3A_90 = tpu.sem_alloc : memref<!tpu.dma_semaphore, #tpu.memory_space<semaphore_mem>>
        %dma_start3A_91 = arith.constant 0 : i32
        %dma_start3A_92 = arith.constant 0 : i32
        %dma_start3A_93 = tpu.memref_slice %arg6[%run_scoped3A_57, %dma_start3A_91, %dma_start3A_92] : memref<2x128x128xf32, #tpu.memory_space<vmem>> -> memref<1x128x128xf32, #tpu.memory_space<vmem>>
        %dma_start3A_94 = tpu.memref_squeeze %dma_start3A_93 : memref<1x128x128xf32, #tpu.memory_space<vmem>> -> memref<128x128xf32, #tpu.memory_space<vmem>>
        %dma_start3A_95 = arith.constant 0 : i32
        %dma_start3A_96 = tpu.memref_slice %arg4[%add3A_56, %dma_start3A_95] : memref<65536x128xf32, #tpu.memory_space<hbm>> -> memref<128x128xf32, #tpu.memory_space<hbm>>
        %dma_start3A_97 = arith.constant 0 : i32
        %dma_start3A_98 = tpu.memref_slice %arg4[%add3A_56, %dma_start3A_97] : memref<65536x128xf32, #tpu.memory_space<hbm>> -> memref<128x128xf32, #tpu.memory_space<hbm>>
        %dma_start3A_99 = arith.constant 0 : i32
        %dma_start3A_100 = arith.constant 0 : i32
        %dma_start3A_101 = tpu.memref_slice %arg6[%run_scoped3A_57, %dma_start3A_99, %dma_start3A_100] : memref<2x128x128xf32, #tpu.memory_space<vmem>> -> memref<1x128x128xf32, #tpu.memory_space<vmem>>
        %dma_start3A_102 = tpu.memref_squeeze %dma_start3A_101 : memref<1x128x128xf32, #tpu.memory_space<vmem>> -> memref<128x128xf32, #tpu.memory_space<vmem>>
        tpu.enqueue_dma source(%dma_start3A_102 : memref<128x128xf32, #tpu.memory_space<vmem>>) target(%dma_start3A_98 : memref<128x128xf32, #tpu.memory_space<hbm>>) target_semaphore(%run_scoped3A_90 : memref<!tpu.dma_semaphore, #tpu.memory_space<semaphore_mem>>)
        %dma_wait3A_103 = arith.constant 0 : i32
        %dma_wait3A_104 = arith.constant 0 : i32
        %dma_wait3A_105 = tpu.memref_slice %arg6[%run_scoped3A_57, %dma_wait3A_103, %dma_wait3A_104] : memref<2x128x128xf32, #tpu.memory_space<vmem>> -> memref<1x128x128xf32, #tpu.memory_space<vmem>>
        %dma_wait3A_106 = tpu.memref_squeeze %dma_wait3A_105 : memref<1x128x128xf32, #tpu.memory_space<vmem>> -> memref<128x128xf32, #tpu.memory_space<vmem>>
        %dma_wait3A_107 = arith.constant 0 : i32
        %dma_wait3A_108 = tpu.memref_slice %arg4[%add3A_56, %dma_wait3A_107] : memref<65536x128xf32, #tpu.memory_space<hbm>> -> memref<128x128xf32, #tpu.memory_space<hbm>>
        %dma_wait3A_109 = arith.constant 0 : i32
        %dma_wait3A_110 = tpu.memref_slice %arg4[%add3A_56, %dma_wait3A_109] : memref<65536x128xf32, #tpu.memory_space<hbm>> -> memref<128x128xf32, #tpu.memory_space<hbm>>
        %dma_wait3A_111 = arith.constant 0 : i32
        %dma_wait3A_112 = arith.constant 0 : i32
        %dma_wait3A_113 = tpu.memref_slice %arg6[%run_scoped3A_57, %dma_wait3A_111, %dma_wait3A_112] : memref<2x128x128xf32, #tpu.memory_space<vmem>> -> memref<1x128x128xf32, #tpu.memory_space<vmem>>
        %dma_wait3A_114 = tpu.memref_squeeze %dma_wait3A_113 : memref<1x128x128xf32, #tpu.memory_space<vmem>> -> memref<128x128xf32, #tpu.memory_space<vmem>>
        tpu.wait_dma2 semaphore(%run_scoped3A_90 : memref<!tpu.dma_semaphore, #tpu.memory_space<semaphore_mem>>) src(%dma_wait3A_114 : memref<128x128xf32, #tpu.memory_space<vmem>>) dst(%dma_wait3A_110 : memref<128x128xf32, #tpu.memory_space<hbm>>)
        tpu.yield
      }) : () -> ()
      %add3A_58 = arith.constant 2 : i32
      %add3A_59 = arith.addi %add3A_42, %add3A_58 : i32
      %lt3A = arith.constant 16 : i32
      %lt3A_60 = arith.cmpi slt, %add3A_59, %lt3A : i32
      %convert_element_type3A = arith.extui %lt3A_60 : i1 to i32
      %cond3A = arith.constant 0 : i32
      %cond3A_61 = arith.cmpi ne, %convert_element_type3A, %cond3A : i32
      scf.if %cond3A_61 {
        %add3A_90 = arith.constant 2 : i32
        %add3A_91 = arith.addi %add3A_42, %add3A_90 : i32
        %mul3A_92 = arith.constant 128 : i32
        %mul3A_93 = arith.muli %add3A_91, %mul3A_92 : i32
        %add3A_94 = arith.addi %mul3A_2, %mul3A_93 : i32
        %run_scoped3A_95 = arith.constant 0 : i32
        "tpu.region"() ({
          %run_scoped3A_110 = tpu.sem_alloc : memref<!tpu.dma_semaphore, #tpu.memory_space<semaphore_mem>>
          %dma_start3A_111 = arith.constant 0 : i32
          %dma_start3A_112 = tpu.memref_slice %arg5[%run_scoped3A_95, %dma_start3A_111] : memref<2x128xi32, #tpu.memory_space<vmem>> -> memref<1x128xi32, #tpu.memory_space<vmem>>
          %dma_start3A_113 = tpu.memref_squeeze %dma_start3A_112 : memref<1x128xi32, #tpu.memory_space<vmem>> -> memref<128xi32, #tpu.memory_space<vmem>>
          %dma_start3A_114 = tpu.memref_slice %arg2[%add3A_94] : memref<65536xi32, #tpu.memory_space<hbm>> -> memref<128xi32, #tpu.memory_space<hbm>>
          %dma_start3A_115 = arith.constant 0 : i32
          %dma_start3A_116 = tpu.memref_slice %arg5[%run_scoped3A_95, %dma_start3A_115] : memref<2x128xi32, #tpu.memory_space<vmem>> -> memref<1x128xi32, #tpu.memory_space<vmem>>
          %dma_start3A_117 = tpu.memref_squeeze %dma_start3A_116 : memref<1x128xi32, #tpu.memory_space<vmem>> -> memref<128xi32, #tpu.memory_space<vmem>>
          %dma_start3A_118 = tpu.memref_slice %arg2[%add3A_94] : memref<65536xi32, #tpu.memory_space<hbm>> -> memref<128xi32, #tpu.memory_space<hbm>>
          tpu.enqueue_dma source(%dma_start3A_118 : memref<128xi32, #tpu.memory_space<hbm>>) target(%dma_start3A_117 : memref<128xi32, #tpu.memory_space<vmem>>) target_semaphore(%run_scoped3A_110 : memref<!tpu.dma_semaphore, #tpu.memory_space<semaphore_mem>>)
          %dma_wait3A_119 = arith.constant 0 : i32
          %dma_wait3A_120 = tpu.memref_slice %arg5[%run_scoped3A_95, %dma_wait3A_119] : memref<2x128xi32, #tpu.memory_space<vmem>> -> memref<1x128xi32, #tpu.memory_space<vmem>>
          %dma_wait3A_121 = tpu.memref_squeeze %dma_wait3A_120 : memref<1x128xi32, #tpu.memory_space<vmem>> -> memref<128xi32, #tpu.memory_space<vmem>>
          %dma_wait3A_122 = tpu.memref_slice %arg2[%add3A_94] : memref<65536xi32, #tpu.memory_space<hbm>> -> memref<128xi32, #tpu.memory_space<hbm>>
          %dma_wait3A_123 = arith.constant 0 : i32
          %dma_wait3A_124 = tpu.memref_slice %arg5[%run_scoped3A_95, %dma_wait3A_123] : memref<2x128xi32, #tpu.memory_space<vmem>> -> memref<1x128xi32, #tpu.memory_space<vmem>>
          %dma_wait3A_125 = tpu.memref_squeeze %dma_wait3A_124 : memref<1x128xi32, #tpu.memory_space<vmem>> -> memref<128xi32, #tpu.memory_space<vmem>>
          %dma_wait3A_126 = tpu.memref_slice %arg2[%add3A_94] : memref<65536xi32, #tpu.memory_space<hbm>> -> memref<128xi32, #tpu.memory_space<hbm>>
          tpu.wait_dma2 semaphore(%run_scoped3A_110 : memref<!tpu.dma_semaphore, #tpu.memory_space<semaphore_mem>>) src(%dma_wait3A_126 : memref<128xi32, #tpu.memory_space<hbm>>) dst(%dma_wait3A_125 : memref<128xi32, #tpu.memory_space<vmem>>)
          tpu.yield
        }) : () -> ()
        %add3A_96 = arith.constant 2 : i32
        %add3A_97 = arith.addi %add3A_42, %add3A_96 : i32
        %dma_start3A_98 = arith.constant 0 : i32
        %dma_start3A_99 = arith.constant 0 : i32
        %dma_start3A_100 = arith.constant 0 : i32
        %dma_start3A_101 = arith.constant 0 : i32
        %dma_start3A_102 = tpu.memref_slice %arg6[%dma_start3A_99, %dma_start3A_100, %dma_start3A_101] : memref<2x128x128xf32, #tpu.memory_space<vmem>> -> memref<1x128x128xf32, #tpu.memory_space<vmem>>
        %dma_start3A_103 = tpu.memref_squeeze %dma_start3A_102 : memref<1x128x128xf32, #tpu.memory_space<vmem>> -> memref<128x128xf32, #tpu.memory_space<vmem>>
        %dma_start3A_104 = arith.constant 0 : i32
        %dma_start3A_105 = tpu.memref_slice %arg5[%dma_start3A_98, %dma_start3A_104] : memref<2x128xi32, #tpu.memory_space<vmem>> -> memref<1x128xi32, #tpu.memory_space<vmem>>
        %dma_start3A_106 = tpu.memref_squeeze %dma_start3A_105 : memref<1x128xi32, #tpu.memory_space<vmem>> -> memref<128xi32, #tpu.memory_space<vmem>>
        %dma_start3A_107 = arith.constant 0 : i32
        %dma_start3A_108 = arith.constant 0 : i32
        %dma_start3A_109 = tpu.memref_slice %arg3[%dma_start3A_107, %dma_start3A_108] : memref<4096x128xf32, #tpu.memory_space<hbm>> -> memref<4096x128xf32, #tpu.memory_space<hbm>>
        tpu.enqueue_indirect_dma source(%dma_start3A_109 : memref<4096x128xf32, #tpu.memory_space<hbm>>) target(%dma_start3A_103 : memref<128x128xf32, #tpu.memory_space<vmem>>) offsets(%dma_start3A_106 : memref<128xi32, #tpu.memory_space<vmem>>) semaphore(%arg7 : memref<!tpu.dma_semaphore, #tpu.memory_space<semaphore_mem>>)
      } else {
      }
      %mul3A_62 = arith.constant 2 : i32
      %mul3A_63 = arith.muli %scan3A_37, %mul3A_62 : i32
      %add3A_64 = arith.constant 1 : i32
      %add3A_65 = arith.addi %mul3A_63, %add3A_64 : i32
      %dma_wait3A_66 = arith.constant 1 : i32
      %dma_wait3A_67 = arith.constant 1 : i32
      %dma_wait3A_68 = arith.constant 0 : i32
      %dma_wait3A_69 = arith.constant 0 : i32
      %dma_wait3A_70 = tpu.memref_slice %arg6[%dma_wait3A_67, %dma_wait3A_68, %dma_wait3A_69] : memref<2x128x128xf32, #tpu.memory_space<vmem>> -> memref<1x128x128xf32, #tpu.memory_space<vmem>>
      %dma_wait3A_71 = tpu.memref_squeeze %dma_wait3A_70 : memref<1x128x128xf32, #tpu.memory_space<vmem>> -> memref<128x128xf32, #tpu.memory_space<vmem>>
      %dma_wait3A_72 = arith.constant 0 : i32
      %dma_wait3A_73 = tpu.memref_slice %arg5[%dma_wait3A_66, %dma_wait3A_72] : memref<2x128xi32, #tpu.memory_space<vmem>> -> memref<1x128xi32, #tpu.memory_space<vmem>>
      %dma_wait3A_74 = tpu.memref_squeeze %dma_wait3A_73 : memref<1x128xi32, #tpu.memory_space<vmem>> -> memref<128xi32, #tpu.memory_space<vmem>>
      %dma_wait3A_75 = arith.constant 0 : i32
      %dma_wait3A_76 = arith.constant 0 : i32
      %dma_wait3A_77 = tpu.memref_slice %arg3[%dma_wait3A_75, %dma_wait3A_76] : memref<4096x128xf32, #tpu.memory_space<hbm>> -> memref<4096x128xf32, #tpu.memory_space<hbm>>
      tpu.wait_indirect_dma semaphore(%arg8 : memref<!tpu.dma_semaphore, #tpu.memory_space<semaphore_mem>>) src(%dma_wait3A_77 : memref<4096x128xf32, #tpu.memory_space<hbm>>) dst(%dma_wait3A_71 : memref<128x128xf32, #tpu.memory_space<vmem>>)
      %mul3A_78 = arith.constant 128 : i32
      %mul3A_79 = arith.muli %add3A_65, %mul3A_78 : i32
      %add3A_80 = arith.addi %mul3A_2, %mul3A_79 : i32
      %run_scoped3A_81 = arith.constant 1 : i32
      "tpu.region"() ({
        %run_scoped3A_90 = tpu.sem_alloc : memref<!tpu.dma_semaphore, #tpu.memory_space<semaphore_mem>>
        %dma_start3A_91 = arith.constant 0 : i32
        %dma_start3A_92 = arith.constant 0 : i32
        %dma_start3A_93 = tpu.memref_slice %arg6[%run_scoped3A_81, %dma_start3A_91, %dma_start3A_92] : memref<2x128x128xf32, #tpu.memory_space<vmem>> -> memref<1x128x128xf32, #tpu.memory_space<vmem>>
        %dma_start3A_94 = tpu.memref_squeeze %dma_start3A_93 : memref<1x128x128xf32, #tpu.memory_space<vmem>> -> memref<128x128xf32, #tpu.memory_space<vmem>>
        %dma_start3A_95 = arith.constant 0 : i32
        %dma_start3A_96 = tpu.memref_slice %arg4[%add3A_80, %dma_start3A_95] : memref<65536x128xf32, #tpu.memory_space<hbm>> -> memref<128x128xf32, #tpu.memory_space<hbm>>
        %dma_start3A_97 = arith.constant 0 : i32
        %dma_start3A_98 = tpu.memref_slice %arg4[%add3A_80, %dma_start3A_97] : memref<65536x128xf32, #tpu.memory_space<hbm>> -> memref<128x128xf32, #tpu.memory_space<hbm>>
        %dma_start3A_99 = arith.constant 0 : i32
        %dma_start3A_100 = arith.constant 0 : i32
        %dma_start3A_101 = tpu.memref_slice %arg6[%run_scoped3A_81, %dma_start3A_99, %dma_start3A_100] : memref<2x128x128xf32, #tpu.memory_space<vmem>> -> memref<1x128x128xf32, #tpu.memory_space<vmem>>
        %dma_start3A_102 = tpu.memref_squeeze %dma_start3A_101 : memref<1x128x128xf32, #tpu.memory_space<vmem>> -> memref<128x128xf32, #tpu.memory_space<vmem>>
        tpu.enqueue_dma source(%dma_start3A_102 : memref<128x128xf32, #tpu.memory_space<vmem>>) target(%dma_start3A_98 : memref<128x128xf32, #tpu.memory_space<hbm>>) target_semaphore(%run_scoped3A_90 : memref<!tpu.dma_semaphore, #tpu.memory_space<semaphore_mem>>)
        %dma_wait3A_103 = arith.constant 0 : i32
        %dma_wait3A_104 = arith.constant 0 : i32
        %dma_wait3A_105 = tpu.memref_slice %arg6[%run_scoped3A_81, %dma_wait3A_103, %dma_wait3A_104] : memref<2x128x128xf32, #tpu.memory_space<vmem>> -> memref<1x128x128xf32, #tpu.memory_space<vmem>>
        %dma_wait3A_106 = tpu.memref_squeeze %dma_wait3A_105 : memref<1x128x128xf32, #tpu.memory_space<vmem>> -> memref<128x128xf32, #tpu.memory_space<vmem>>
        %dma_wait3A_107 = arith.constant 0 : i32
        %dma_wait3A_108 = tpu.memref_slice %arg4[%add3A_80, %dma_wait3A_107] : memref<65536x128xf32, #tpu.memory_space<hbm>> -> memref<128x128xf32, #tpu.memory_space<hbm>>
        %dma_wait3A_109 = arith.constant 0 : i32
        %dma_wait3A_110 = tpu.memref_slice %arg4[%add3A_80, %dma_wait3A_109] : memref<65536x128xf32, #tpu.memory_space<hbm>> -> memref<128x128xf32, #tpu.memory_space<hbm>>
        %dma_wait3A_111 = arith.constant 0 : i32
        %dma_wait3A_112 = arith.constant 0 : i32
        %dma_wait3A_113 = tpu.memref_slice %arg6[%run_scoped3A_81, %dma_wait3A_111, %dma_wait3A_112] : memref<2x128x128xf32, #tpu.memory_space<vmem>> -> memref<1x128x128xf32, #tpu.memory_space<vmem>>
        %dma_wait3A_114 = tpu.memref_squeeze %dma_wait3A_113 : memref<1x128x128xf32, #tpu.memory_space<vmem>> -> memref<128x128xf32, #tpu.memory_space<vmem>>
        tpu.wait_dma2 semaphore(%run_scoped3A_90 : memref<!tpu.dma_semaphore, #tpu.memory_space<semaphore_mem>>) src(%dma_wait3A_114 : memref<128x128xf32, #tpu.memory_space<vmem>>) dst(%dma_wait3A_110 : memref<128x128xf32, #tpu.memory_space<hbm>>)
        tpu.yield
      }) : () -> ()
      %add3A_82 = arith.constant 2 : i32
      %add3A_83 = arith.addi %add3A_65, %add3A_82 : i32
      %lt3A_84 = arith.constant 16 : i32
      %lt3A_85 = arith.cmpi slt, %add3A_83, %lt3A_84 : i32
      %convert_element_type3A_86 = arith.extui %lt3A_85 : i1 to i32
      %cond3A_87 = arith.constant 0 : i32
      %cond3A_88 = arith.cmpi ne, %convert_element_type3A_86, %cond3A_87 : i32
      scf.if %cond3A_88 {
        %add3A_90 = arith.constant 2 : i32
        %add3A_91 = arith.addi %add3A_65, %add3A_90 : i32
        %mul3A_92 = arith.constant 128 : i32
        %mul3A_93 = arith.muli %add3A_91, %mul3A_92 : i32
        %add3A_94 = arith.addi %mul3A_2, %mul3A_93 : i32
        %run_scoped3A_95 = arith.constant 1 : i32
        "tpu.region"() ({
          %run_scoped3A_110 = tpu.sem_alloc : memref<!tpu.dma_semaphore, #tpu.memory_space<semaphore_mem>>
          %dma_start3A_111 = arith.constant 0 : i32
          %dma_start3A_112 = tpu.memref_slice %arg5[%run_scoped3A_95, %dma_start3A_111] : memref<2x128xi32, #tpu.memory_space<vmem>> -> memref<1x128xi32, #tpu.memory_space<vmem>>
          %dma_start3A_113 = tpu.memref_squeeze %dma_start3A_112 : memref<1x128xi32, #tpu.memory_space<vmem>> -> memref<128xi32, #tpu.memory_space<vmem>>
          %dma_start3A_114 = tpu.memref_slice %arg2[%add3A_94] : memref<65536xi32, #tpu.memory_space<hbm>> -> memref<128xi32, #tpu.memory_space<hbm>>
          %dma_start3A_115 = arith.constant 0 : i32
          %dma_start3A_116 = tpu.memref_slice %arg5[%run_scoped3A_95, %dma_start3A_115] : memref<2x128xi32, #tpu.memory_space<vmem>> -> memref<1x128xi32, #tpu.memory_space<vmem>>
          %dma_start3A_117 = tpu.memref_squeeze %dma_start3A_116 : memref<1x128xi32, #tpu.memory_space<vmem>> -> memref<128xi32, #tpu.memory_space<vmem>>
          %dma_start3A_118 = tpu.memref_slice %arg2[%add3A_94] : memref<65536xi32, #tpu.memory_space<hbm>> -> memref<128xi32, #tpu.memory_space<hbm>>
          tpu.enqueue_dma source(%dma_start3A_118 : memref<128xi32, #tpu.memory_space<hbm>>) target(%dma_start3A_117 : memref<128xi32, #tpu.memory_space<vmem>>) target_semaphore(%run_scoped3A_110 : memref<!tpu.dma_semaphore, #tpu.memory_space<semaphore_mem>>)
          %dma_wait3A_119 = arith.constant 0 : i32
          %dma_wait3A_120 = tpu.memref_slice %arg5[%run_scoped3A_95, %dma_wait3A_119] : memref<2x128xi32, #tpu.memory_space<vmem>> -> memref<1x128xi32, #tpu.memory_space<vmem>>
          %dma_wait3A_121 = tpu.memref_squeeze %dma_wait3A_120 : memref<1x128xi32, #tpu.memory_space<vmem>> -> memref<128xi32, #tpu.memory_space<vmem>>
          %dma_wait3A_122 = tpu.memref_slice %arg2[%add3A_94] : memref<65536xi32, #tpu.memory_space<hbm>> -> memref<128xi32, #tpu.memory_space<hbm>>
          %dma_wait3A_123 = arith.constant 0 : i32
          %dma_wait3A_124 = tpu.memref_slice %arg5[%run_scoped3A_95, %dma_wait3A_123] : memref<2x128xi32, #tpu.memory_space<vmem>> -> memref<1x128xi32, #tpu.memory_space<vmem>>
          %dma_wait3A_125 = tpu.memref_squeeze %dma_wait3A_124 : memref<1x128xi32, #tpu.memory_space<vmem>> -> memref<128xi32, #tpu.memory_space<vmem>>
          %dma_wait3A_126 = tpu.memref_slice %arg2[%add3A_94] : memref<65536xi32, #tpu.memory_space<hbm>> -> memref<128xi32, #tpu.memory_space<hbm>>
          tpu.wait_dma2 semaphore(%run_scoped3A_110 : memref<!tpu.dma_semaphore, #tpu.memory_space<semaphore_mem>>) src(%dma_wait3A_126 : memref<128xi32, #tpu.memory_space<hbm>>) dst(%dma_wait3A_125 : memref<128xi32, #tpu.memory_space<vmem>>)
          tpu.yield
        }) : () -> ()
        %add3A_96 = arith.constant 2 : i32
        %add3A_97 = arith.addi %add3A_65, %add3A_96 : i32
        %dma_start3A_98 = arith.constant 1 : i32
        %dma_start3A_99 = arith.constant 1 : i32
        %dma_start3A_100 = arith.constant 0 : i32
        %dma_start3A_101 = arith.constant 0 : i32
        %dma_start3A_102 = tpu.memref_slice %arg6[%dma_start3A_99, %dma_start3A_100, %dma_start3A_101] : memref<2x128x128xf32, #tpu.memory_space<vmem>> -> memref<1x128x128xf32, #tpu.memory_space<vmem>>
        %dma_start3A_103 = tpu.memref_squeeze %dma_start3A_102 : memref<1x128x128xf32, #tpu.memory_space<vmem>> -> memref<128x128xf32, #tpu.memory_space<vmem>>
        %dma_start3A_104 = arith.constant 0 : i32
        %dma_start3A_105 = tpu.memref_slice %arg5[%dma_start3A_98, %dma_start3A_104] : memref<2x128xi32, #tpu.memory_space<vmem>> -> memref<1x128xi32, #tpu.memory_space<vmem>>
        %dma_start3A_106 = tpu.memref_squeeze %dma_start3A_105 : memref<1x128xi32, #tpu.memory_space<vmem>> -> memref<128xi32, #tpu.memory_space<vmem>>
        %dma_start3A_107 = arith.constant 0 : i32
        %dma_start3A_108 = arith.constant 0 : i32
        %dma_start3A_109 = tpu.memref_slice %arg3[%dma_start3A_107, %dma_start3A_108] : memref<4096x128xf32, #tpu.memory_space<hbm>> -> memref<4096x128xf32, #tpu.memory_space<hbm>>
        tpu.enqueue_indirect_dma source(%dma_start3A_109 : memref<4096x128xf32, #tpu.memory_space<hbm>>) target(%dma_start3A_103 : memref<128x128xf32, #tpu.memory_space<vmem>>) offsets(%dma_start3A_106 : memref<128xi32, #tpu.memory_space<vmem>>) semaphore(%arg8 : memref<!tpu.dma_semaphore, #tpu.memory_space<semaphore_mem>>)
      } else {
      }
      %scan3A_89 = arith.constant 0 : i32
      scf.yield %scan3A_89 : i32
    }
    %scan3A_36 = arith.constant 8 : i32
    return
  }
}

module attributes {stable_mosaic.version = 14 : i64} {
  func.func @_lin_body(%arg0: i32, %arg1: memref<512x128xf32, #tpu.memory_space<vmem>>, %arg2: memref<1x128x128xf32, #tpu.memory_space<vmem>>, %arg3: memref<1x1x128xf32, #tpu.memory_space<vmem>>, %arg4: memref<512x128xf32, #tpu.memory_space<vmem>>) attributes {dimension_semantics = [#tpu.dimension_semantics<arbitrary>], iteration_bounds = array<i64: 24>, scalar_prefetch = 0 : i64, scratch_operands = 0 : i64, tpu.core_type = #tpu.core_type<tc>, window_params = [{transform_indices = @transform_0, window_bounds = array<i64: 512, 128>}, {transform_indices = @transform_1, window_bounds = array<i64: 1, 128, 128>}, {transform_indices = @transform_2, window_bounds = array<i64: 1, 1, 128>}, {transform_indices = @transform_3, window_bounds = array<i64: 512, 128>}]} {
    %get3A = arith.constant 0 : index
    %get3A_0 = arith.constant 0 : index
    %get3A_1 = vector.load %arg1[%get3A, %get3A_0] : memref<512x128xf32, #tpu.memory_space<vmem>>, vector<512x128xf32>
    %get3A_2 = arith.constant 0 : index
    %get3A_3 = arith.constant 0 : index
    %get3A_4 = arith.constant 0 : index
    %get3A_5 = vector.load %arg2[%get3A_2, %get3A_3, %get3A_4] : memref<1x128x128xf32, #tpu.memory_space<vmem>>, vector<1x128x128xf32>
    %get3A_6 = vector.shape_cast %get3A_5 : vector<1x128x128xf32> to vector<128x128xf32>
    %dot_general3A = arith.constant dense<0.000000e+00> : vector<512x128xf32>
    %dot_general3A_7 = tpu.matmul %get3A_1, %get3A_6, %dot_general3A {dimension_numbers = #tpu.dot_dimension_numbers<[1], [0], [0], [1], [0, 0, 1, 1], [], []>, transpose_lhs_hint = false} : vector<512x128xf32>, vector<128x128xf32>, vector<512x128xf32> -> vector<512x128xf32>
    %get3A_8 = arith.constant 0 : index
    %get3A_9 = arith.constant 0 : index
    %get3A_10 = arith.constant 0 : index
    %get3A_11 = vector.load %arg3[%get3A_8, %get3A_9, %get3A_10] : memref<1x1x128xf32, #tpu.memory_space<vmem>>, vector<1x1x128xf32>
    %get3A_12 = vector.shape_cast %get3A_11 : vector<1x1x128xf32> to vector<1x128xf32>
    %add3A = vector.broadcast %get3A_12 : vector<1x128xf32> to vector<512x128xf32>
    %add3A_13 = arith.addf %dot_general3A_7, %add3A : vector<512x128xf32>
    %max3A = arith.constant 0.000000e+00 : f32
    %max3A_14 = vector.broadcast %max3A : f32 to vector<512x128xf32>
    %max3A_15 = arith.maximumf %add3A_13, %max3A_14 : vector<512x128xf32>
    %swap3A = arith.constant 0 : index
    %swap3A_16 = arith.constant 0 : index
    %swap3A_17 = vector.load %arg4[%swap3A, %swap3A_16] : memref<512x128xf32, #tpu.memory_space<vmem>>, vector<512x128xf32>
    tpu.vector_store %arg4[%swap3A, %swap3A_16], %max3A_15 {strides = array<i32>} : memref<512x128xf32, #tpu.memory_space<vmem>>, vector<512x128xf32>,
    return
  }
  func.func @transform_0(%arg0: i32) -> (i32, i32) {
    %c0_i32 = arith.constant 0 : i32
    %c0_i32_0 = arith.constant 0 : i32
    return %arg0, %c0_i32 : i32, i32
  }
  func.func @transform_1(%arg0: i32) -> (i32, i32, i32) {
    %ge3A = arith.constant 8 : i32
    %ge3A_0 = arith.cmpi sge, %arg0, %ge3A : i32
    %convert_element_type3A = arith.extui %ge3A_0 : i1 to i32
    %c0_i32 = arith.constant 0 : i32
    %c0_i32_1 = arith.constant 0 : i32
    %c0_i32_2 = arith.constant 0 : i32
    return %convert_element_type3A, %c0_i32, %c0_i32_1 : i32, i32, i32
  }
  func.func @transform_2(%arg0: i32) -> (i32, i32, i32) {
    %ge3A = arith.constant 8 : i32
    %ge3A_0 = arith.cmpi sge, %arg0, %ge3A : i32
    %convert_element_type3A = arith.extui %ge3A_0 : i1 to i32
    %c0_i32 = arith.constant 0 : i32
    %c0_i32_1 = arith.constant 0 : i32
    %c0_i32_2 = arith.constant 0 : i32
    return %convert_element_type3A, %c0_i32, %c0_i32_1 : i32, i32, i32
  }
  func.func @transform_3(%arg0: i32) -> (i32, i32) {
    %c0_i32 = arith.constant 0 : i32
    %c0_i32_0 = arith.constant 0 : i32
    return %arg0, %c0_i32 : i32, i32
  }
}

module attributes {stable_mosaic.version = 14 : i64} {
  func.func @_lin_body(%arg0: i32, %arg1: memref<512x8xf32, #tpu.memory_space<vmem>>, %arg2: memref<1x8x128xf32, #tpu.memory_space<vmem>>, %arg3: memref<1x1x128xf32, #tpu.memory_space<vmem>>, %arg4: memref<512x128xf32, #tpu.memory_space<vmem>>) attributes {dimension_semantics = [#tpu.dimension_semantics<arbitrary>], iteration_bounds = array<i64: 24>, scalar_prefetch = 0 : i64, scratch_operands = 0 : i64, tpu.core_type = #tpu.core_type<tc>, window_params = [{transform_indices = @transform_0, window_bounds = array<i64: 512, 8>}, {transform_indices = @transform_1, window_bounds = array<i64: 1, 8, 128>}, {transform_indices = @transform_2, window_bounds = array<i64: 1, 1, 128>}, {transform_indices = @transform_3, window_bounds = array<i64: 512, 128>}]} {
    %get3A = arith.constant 0 : index
    %get3A_0 = arith.constant 0 : index
    %get3A_1 = vector.load %arg1[%get3A, %get3A_0] : memref<512x8xf32, #tpu.memory_space<vmem>>, vector<512x8xf32>
    %get3A_2 = arith.constant 0 : index
    %get3A_3 = arith.constant 0 : index
    %get3A_4 = arith.constant 0 : index
    %get3A_5 = vector.load %arg2[%get3A_2, %get3A_3, %get3A_4] : memref<1x8x128xf32, #tpu.memory_space<vmem>>, vector<1x8x128xf32>
    %get3A_6 = vector.shape_cast %get3A_5 : vector<1x8x128xf32> to vector<8x128xf32>
    %dot_general3A = arith.constant dense<0.000000e+00> : vector<512x128xf32>
    %dot_general3A_7 = tpu.matmul %get3A_1, %get3A_6, %dot_general3A {dimension_numbers = #tpu.dot_dimension_numbers<[1], [0], [0], [1], [0, 0, 1, 1], [], []>, transpose_lhs_hint = false} : vector<512x8xf32>, vector<8x128xf32>, vector<512x128xf32> -> vector<512x128xf32>
    %get3A_8 = arith.constant 0 : index
    %get3A_9 = arith.constant 0 : index
    %get3A_10 = arith.constant 0 : index
    %get3A_11 = vector.load %arg3[%get3A_8, %get3A_9, %get3A_10] : memref<1x1x128xf32, #tpu.memory_space<vmem>>, vector<1x1x128xf32>
    %get3A_12 = vector.shape_cast %get3A_11 : vector<1x1x128xf32> to vector<1x128xf32>
    %add3A = vector.broadcast %get3A_12 : vector<1x128xf32> to vector<512x128xf32>
    %add3A_13 = arith.addf %dot_general3A_7, %add3A : vector<512x128xf32>
    %swap3A = arith.constant 0 : index
    %swap3A_14 = arith.constant 0 : index
    %swap3A_15 = vector.load %arg4[%swap3A, %swap3A_14] : memref<512x128xf32, #tpu.memory_space<vmem>>, vector<512x128xf32>
    tpu.vector_store %arg4[%swap3A, %swap3A_14], %add3A_13 {strides = array<i32>} : memref<512x128xf32, #tpu.memory_space<vmem>>, vector<512x128xf32>,
    return
  }
  func.func @transform_0(%arg0: i32) -> (i32, i32) {
    %c0_i32 = arith.constant 0 : i32
    %c0_i32_0 = arith.constant 0 : i32
    return %arg0, %c0_i32 : i32, i32
  }
  func.func @transform_1(%arg0: i32) -> (i32, i32, i32) {
    %ge3A = arith.constant 8 : i32
    %ge3A_0 = arith.cmpi sge, %arg0, %ge3A : i32
    %convert_element_type3A = arith.extui %ge3A_0 : i1 to i32
    %c0_i32 = arith.constant 0 : i32
    %c0_i32_1 = arith.constant 0 : i32
    %c0_i32_2 = arith.constant 0 : i32
    return %convert_element_type3A, %c0_i32, %c0_i32_1 : i32, i32, i32
  }
  func.func @transform_2(%arg0: i32) -> (i32, i32, i32) {
    %ge3A = arith.constant 8 : i32
    %ge3A_0 = arith.cmpi sge, %arg0, %ge3A : i32
    %convert_element_type3A = arith.extui %ge3A_0 : i1 to i32
    %c0_i32 = arith.constant 0 : i32
    %c0_i32_1 = arith.constant 0 : i32
    %c0_i32_2 = arith.constant 0 : i32
    return %convert_element_type3A, %c0_i32, %c0_i32_1 : i32, i32, i32
  }
  func.func @transform_3(%arg0: i32) -> (i32, i32) {
    %c0_i32 = arith.constant 0 : i32
    %c0_i32_0 = arith.constant 0 : i32
    return %arg0, %c0_i32 : i32, i32
  }
}

module attributes {stable_mosaic.version = 14 : i64} {
  func.func @_knn_body(%arg0: i32, %arg1: memref<32x2xi32, #tpu.memory_space<smem>>, %arg2: memref<256x128xf32, #tpu.memory_space<vmem>>, %arg3: memref<4096x128xf32, #tpu.memory_space<vmem>>, %arg4: memref<1x1x256xf32, #tpu.memory_space<vmem>>, %arg5: memref<16x256xf32, #tpu.memory_space<vmem>>, %arg6: memref<1x1x256xi32, #tpu.memory_space<vmem>>, %arg7: memref<16x256xi32, #tpu.memory_space<vmem>>, %arg8: memref<2x128xi32, #tpu.memory_space<vmem>>, %arg9: memref<8x1x1x256xi32, #tpu.memory_space<vmem>>) attributes {dimension_semantics = [#tpu.dimension_semantics<arbitrary>], iteration_bounds = array<i64: 32>, scalar_prefetch = 1 : i64, scratch_operands = 0 : i64, tpu.core_type = #tpu.core_type<tc>, window_params = [{transform_indices = @transform_0, window_bounds = array<i64: 256, 128>}, {pipeline_mode = #tpu.pipeline_mode<synchronous>, transform_indices = @transform_1, window_bounds = array<i64: 4096, 128>}, {transform_indices = @transform_2, window_bounds = array<i64: 1, 1, 256>}, {pipeline_mode = #tpu.pipeline_mode<synchronous>, transform_indices = @transform_3, window_bounds = array<i64: 16, 256>}, {transform_indices = @transform_4, window_bounds = array<i64: 1, 1, 256>}, {pipeline_mode = #tpu.pipeline_mode<synchronous>, transform_indices = @transform_5, window_bounds = array<i64: 16, 256>}, {pipeline_mode = #tpu.pipeline_mode<synchronous>, transform_indices = @transform_6, window_bounds = array<i64: 2, 128>}, {transform_indices = @transform_7, window_bounds = array<i64: 8, 1, 1, 256>}]} {
    %get3A = arith.index_cast %arg0 : i32 to index
    %get3A_0 = arith.constant 0 : index
    %get3A_1 = memref.load %arg1[%get3A, %get3A_0] : memref<32x2xi32, #tpu.memory_space<smem>>
    %get3A_2 = arith.index_cast %arg0 : i32 to index
    %get3A_3 = arith.constant 1 : index
    %get3A_4 = memref.load %arg1[%get3A_2, %get3A_3] : memref<32x2xi32, #tpu.memory_space<smem>>
    %get3A_5 = arith.constant 0 : index
    %get3A_6 = arith.constant 0 : index
    %get3A_7 = vector.load %arg2[%get3A_5, %get3A_6] : memref<256x128xf32, #tpu.memory_space<vmem>>, vector<256x128xf32>
    %get3A_8 = arith.constant 0 : index
    %get3A_9 = arith.constant 0 : index
    %get3A_10 = arith.constant 0 : index
    %get3A_11 = vector.load %arg4[%get3A_8, %get3A_9, %get3A_10] : memref<1x1x256xf32, #tpu.memory_space<vmem>>, vector<1x1x256xf32>
    %get3A_12 = vector.shape_cast %get3A_11 : vector<1x1x256xf32> to vector<256xf32>
    %get3A_13 = arith.constant 0 : index
    %get3A_14 = arith.constant 0 : index
    %get3A_15 = arith.constant 0 : index
    %get3A_16 = vector.load %arg6[%get3A_13, %get3A_14, %get3A_15] : memref<1x1x256xi32, #tpu.memory_space<vmem>>, vector<1x1x256xi32>
    %get3A_17 = vector.shape_cast %get3A_16 : vector<1x1x256xi32> to vector<256xi32>
    %get3A_18 = arith.constant 0 : index
    %get3A_19 = arith.constant 0 : index
    %get3A_20 = vector.load %arg8[%get3A_18, %get3A_19] : memref<2x128xi32, #tpu.memory_space<vmem>>, vector<2x128xi32>
    %iota3A = tpu.iota {dimensions = array<i32: 1>} : vector<256x128xi32>
    %broadcast_in_dim3A = vector.shape_cast %get3A_17 : vector<256xi32> to vector<256x1xi32>
    %eq3A = vector.broadcast %broadcast_in_dim3A : vector<256x1xi32> to vector<256x128xi32>
    %eq3A_21 = arith.cmpi eq, %eq3A, %iota3A : vector<256x128xi32>
    %slice3A = vector.extract_strided_slice %get3A_20 {offsets = [0, 0], sizes = [1, 128], strides = [1, 1]} : vector<2x128xi32> to vector<1x128xi32>
    %jit3A = arith.constant 0 : i32
    %broadcast_in_dim3A_22 = vector.shape_cast %slice3A : vector<1x128xi32> to vector<1x128xi32>
    %broadcast_in_dim3A_23 = vector.broadcast %broadcast_in_dim3A_22 : vector<1x128xi32> to vector<256x128xi32>
    %broadcast_in_dim3A_24 = vector.broadcast %jit3A : i32 to vector<256x128xi32>
    %select_n3A = arith.select %eq3A_21, %broadcast_in_dim3A_23, %broadcast_in_dim3A_24 : vector<256x128xi1>, vector<256x128xi32>
    %reduce_sum3A = arith.constant dense<0> : vector<256xi32>
    %reduce_sum3A_25 = vector.multi_reduction <add>, %select_n3A, %reduce_sum3A [1] : vector<256x128xi32> to vector<256xi32>
    %convert_element_type3A = arith.sitofp %reduce_sum3A_25 : vector<256xi32> to vector<256xf32>
    %slice3A_26 = vector.extract_strided_slice %get3A_20 {offsets = [1, 0], sizes = [1, 128], strides = [1, 1]} : vector<2x128xi32> to vector<1x128xi32>
    %jit3A_27 = arith.constant 0 : i32
    %broadcast_in_dim3A_28 = vector.shape_cast %slice3A_26 : vector<1x128xi32> to vector<1x128xi32>
    %broadcast_in_dim3A_29 = vector.broadcast %broadcast_in_dim3A_28 : vector<1x128xi32> to vector<256x128xi32>
    %broadcast_in_dim3A_30 = vector.broadcast %jit3A_27 : i32 to vector<256x128xi32>
    %select_n3A_31 = arith.select %eq3A_21, %broadcast_in_dim3A_29, %broadcast_in_dim3A_30 : vector<256x128xi1>, vector<256x128xi32>
    %reduce_sum3A_32 = arith.constant dense<0> : vector<256xi32>
    %reduce_sum3A_33 = vector.multi_reduction <add>, %select_n3A_31, %reduce_sum3A_32 [1] : vector<256x128xi32> to vector<256xi32>
    %convert_element_type3A_34 = arith.sitofp %reduce_sum3A_33 : vector<256xi32> to vector<256xf32>
    %gt3A = arith.constant 0.000000e+00 : f32
    %gt3A_35 = vector.broadcast %gt3A : f32 to vector<256xf32>
    %gt3A_36 = arith.cmpf ogt, %convert_element_type3A, %gt3A_35 : vector<256xf32>
    %sub3A = arith.constant 0.000000e+00 : f32
    %sub3A_37 = vector.broadcast %sub3A : f32 to vector<256xf32>
    %sub3A_38 = arith.subf %sub3A_37, %convert_element_type3A : vector<256xf32>
    %add3A = arith.addf %convert_element_type3A_34, %sub3A_38 : vector<256xf32>
    %jit3A_39 = arith.constant 0.000000e+00 : f32
    %broadcast_in_dim3A_40 = vector.broadcast %jit3A_39 : f32 to vector<256xf32>
    %select_n3A_41 = arith.select %gt3A_36, %broadcast_in_dim3A_40, %add3A : vector<256xi1>, vector<256xf32>
    %min3A = arith.constant 4.095000e+03 : f32
    %min3A_42 = vector.broadcast %min3A : f32 to vector<256xf32>
    %min3A_43 = arith.minimumf %select_n3A_41, %min3A_42 : vector<256xf32>
    %broadcast_in_dim3A_44 = vector.shape_cast %min3A_43 : vector<256xf32> to vector<1x256xf32>
    %gt3A_45 = arith.constant 1.000000e+00 : f32
    %gt3A_46 = vector.broadcast %gt3A_45 : f32 to vector<256xf32>
    %gt3A_47 = arith.cmpf ogt, %convert_element_type3A, %gt3A_46 : vector<256xf32>
    %sub3A_48 = arith.constant 1.000000e+00 : f32
    %sub3A_49 = vector.broadcast %sub3A_48 : f32 to vector<256xf32>
    %sub3A_50 = arith.subf %sub3A_49, %convert_element_type3A : vector<256xf32>
    %add3A_51 = arith.addf %convert_element_type3A_34, %sub3A_50 : vector<256xf32>
    %jit3A_52 = arith.constant 1.000000e+00 : f32
    %broadcast_in_dim3A_53 = vector.broadcast %jit3A_52 : f32 to vector<256xf32>
    %select_n3A_54 = arith.select %gt3A_47, %broadcast_in_dim3A_53, %add3A_51 : vector<256xi1>, vector<256xf32>
    %min3A_55 = arith.constant 4.095000e+03 : f32
    %min3A_56 = vector.broadcast %min3A_55 : f32 to vector<256xf32>
    %min3A_57 = arith.minimumf %select_n3A_54, %min3A_56 : vector<256xf32>
    %broadcast_in_dim3A_58 = vector.shape_cast %min3A_57 : vector<256xf32> to vector<1x256xf32>
    %gt3A_59 = arith.constant 2.000000e+00 : f32
    %gt3A_60 = vector.broadcast %gt3A_59 : f32 to vector<256xf32>
    %gt3A_61 = arith.cmpf ogt, %convert_element_type3A, %gt3A_60 : vector<256xf32>
    %sub3A_62 = arith.constant 2.000000e+00 : f32
    %sub3A_63 = vector.broadcast %sub3A_62 : f32 to vector<256xf32>
    %sub3A_64 = arith.subf %sub3A_63, %convert_element_type3A : vector<256xf32>
    %add3A_65 = arith.addf %convert_element_type3A_34, %sub3A_64 : vector<256xf32>
    %jit3A_66 = arith.constant 2.000000e+00 : f32
    %broadcast_in_dim3A_67 = vector.broadcast %jit3A_66 : f32 to vector<256xf32>
    %select_n3A_68 = arith.select %gt3A_61, %broadcast_in_dim3A_67, %add3A_65 : vector<256xi1>, vector<256xf32>
    %min3A_69 = arith.constant 4.095000e+03 : f32
    %min3A_70 = vector.broadcast %min3A_69 : f32 to vector<256xf32>
    %min3A_71 = arith.minimumf %select_n3A_68, %min3A_70 : vector<256xf32>
    %broadcast_in_dim3A_72 = vector.shape_cast %min3A_71 : vector<256xf32> to vector<1x256xf32>
    %gt3A_73 = arith.constant 3.000000e+00 : f32
    %gt3A_74 = vector.broadcast %gt3A_73 : f32 to vector<256xf32>
    %gt3A_75 = arith.cmpf ogt, %convert_element_type3A, %gt3A_74 : vector<256xf32>
    %sub3A_76 = arith.constant 3.000000e+00 : f32
    %sub3A_77 = vector.broadcast %sub3A_76 : f32 to vector<256xf32>
    %sub3A_78 = arith.subf %sub3A_77, %convert_element_type3A : vector<256xf32>
    %add3A_79 = arith.addf %convert_element_type3A_34, %sub3A_78 : vector<256xf32>
    %jit3A_80 = arith.constant 3.000000e+00 : f32
    %broadcast_in_dim3A_81 = vector.broadcast %jit3A_80 : f32 to vector<256xf32>
    %select_n3A_82 = arith.select %gt3A_75, %broadcast_in_dim3A_81, %add3A_79 : vector<256xi1>, vector<256xf32>
    %min3A_83 = arith.constant 4.095000e+03 : f32
    %min3A_84 = vector.broadcast %min3A_83 : f32 to vector<256xf32>
    %min3A_85 = arith.minimumf %select_n3A_82, %min3A_84 : vector<256xf32>
    %broadcast_in_dim3A_86 = vector.shape_cast %min3A_85 : vector<256xf32> to vector<1x256xf32>
    %gt3A_87 = arith.constant 4.000000e+00 : f32
    %gt3A_88 = vector.broadcast %gt3A_87 : f32 to vector<256xf32>
    %gt3A_89 = arith.cmpf ogt, %convert_element_type3A, %gt3A_88 : vector<256xf32>
    %sub3A_90 = arith.constant 4.000000e+00 : f32
    %sub3A_91 = vector.broadcast %sub3A_90 : f32 to vector<256xf32>
    %sub3A_92 = arith.subf %sub3A_91, %convert_element_type3A : vector<256xf32>
    %add3A_93 = arith.addf %convert_element_type3A_34, %sub3A_92 : vector<256xf32>
    %jit3A_94 = arith.constant 4.000000e+00 : f32
    %broadcast_in_dim3A_95 = vector.broadcast %jit3A_94 : f32 to vector<256xf32>
    %select_n3A_96 = arith.select %gt3A_89, %broadcast_in_dim3A_95, %add3A_93 : vector<256xi1>, vector<256xf32>
    %min3A_97 = arith.constant 4.095000e+03 : f32
    %min3A_98 = vector.broadcast %min3A_97 : f32 to vector<256xf32>
    %min3A_99 = arith.minimumf %select_n3A_96, %min3A_98 : vector<256xf32>
    %broadcast_in_dim3A_100 = vector.shape_cast %min3A_99 : vector<256xf32> to vector<1x256xf32>
    %gt3A_101 = arith.constant 5.000000e+00 : f32
    %gt3A_102 = vector.broadcast %gt3A_101 : f32 to vector<256xf32>
    %gt3A_103 = arith.cmpf ogt, %convert_element_type3A, %gt3A_102 : vector<256xf32>
    %sub3A_104 = arith.constant 5.000000e+00 : f32
    %sub3A_105 = vector.broadcast %sub3A_104 : f32 to vector<256xf32>
    %sub3A_106 = arith.subf %sub3A_105, %convert_element_type3A : vector<256xf32>
    %add3A_107 = arith.addf %convert_element_type3A_34, %sub3A_106 : vector<256xf32>
    %jit3A_108 = arith.constant 5.000000e+00 : f32
    %broadcast_in_dim3A_109 = vector.broadcast %jit3A_108 : f32 to vector<256xf32>
    %select_n3A_110 = arith.select %gt3A_103, %broadcast_in_dim3A_109, %add3A_107 : vector<256xi1>, vector<256xf32>
    %min3A_111 = arith.constant 4.095000e+03 : f32
    %min3A_112 = vector.broadcast %min3A_111 : f32 to vector<256xf32>
    %min3A_113 = arith.minimumf %select_n3A_110, %min3A_112 : vector<256xf32>
    %broadcast_in_dim3A_114 = vector.shape_cast %min3A_113 : vector<256xf32> to vector<1x256xf32>
    %gt3A_115 = arith.constant 6.000000e+00 : f32
    %gt3A_116 = vector.broadcast %gt3A_115 : f32 to vector<256xf32>
    %gt3A_117 = arith.cmpf ogt, %convert_element_type3A, %gt3A_116 : vector<256xf32>
    %sub3A_118 = arith.constant 6.000000e+00 : f32
    %sub3A_119 = vector.broadcast %sub3A_118 : f32 to vector<256xf32>
    %sub3A_120 = arith.subf %sub3A_119, %convert_element_type3A : vector<256xf32>
    %add3A_121 = arith.addf %convert_element_type3A_34, %sub3A_120 : vector<256xf32>
    %jit3A_122 = arith.constant 6.000000e+00 : f32
    %broadcast_in_dim3A_123 = vector.broadcast %jit3A_122 : f32 to vector<256xf32>
    %select_n3A_124 = arith.select %gt3A_117, %broadcast_in_dim3A_123, %add3A_121 : vector<256xi1>, vector<256xf32>
    %min3A_125 = arith.constant 4.095000e+03 : f32
    %min3A_126 = vector.broadcast %min3A_125 : f32 to vector<256xf32>
    %min3A_127 = arith.minimumf %select_n3A_124, %min3A_126 : vector<256xf32>
    %broadcast_in_dim3A_128 = vector.shape_cast %min3A_127 : vector<256xf32> to vector<1x256xf32>
    %gt3A_129 = arith.constant 7.000000e+00 : f32
    %gt3A_130 = vector.broadcast %gt3A_129 : f32 to vector<256xf32>
    %gt3A_131 = arith.cmpf ogt, %convert_element_type3A, %gt3A_130 : vector<256xf32>
    %sub3A_132 = arith.constant 7.000000e+00 : f32
    %sub3A_133 = vector.broadcast %sub3A_132 : f32 to vector<256xf32>
    %sub3A_134 = arith.subf %sub3A_133, %convert_element_type3A : vector<256xf32>
    %add3A_135 = arith.addf %convert_element_type3A_34, %sub3A_134 : vector<256xf32>
    %jit3A_136 = arith.constant 7.000000e+00 : f32
    %broadcast_in_dim3A_137 = vector.broadcast %jit3A_136 : f32 to vector<256xf32>
    %select_n3A_138 = arith.select %gt3A_131, %broadcast_in_dim3A_137, %add3A_135 : vector<256xi1>, vector<256xf32>
    %min3A_139 = arith.constant 4.095000e+03 : f32
    %min3A_140 = vector.broadcast %min3A_139 : f32 to vector<256xf32>
    %min3A_141 = arith.minimumf %select_n3A_138, %min3A_140 : vector<256xf32>
    %broadcast_in_dim3A_142 = vector.shape_cast %min3A_141 : vector<256xf32> to vector<1x256xf32>
    %concatenate3A = tpu.concatenate %broadcast_in_dim3A_44, %broadcast_in_dim3A_58, %broadcast_in_dim3A_72, %broadcast_in_dim3A_86, %broadcast_in_dim3A_100, %broadcast_in_dim3A_114, %broadcast_in_dim3A_128, %broadcast_in_dim3A_142 in 0 : vector<1x256xf32>, vector<1x256xf32>, vector<1x256xf32>, vector<1x256xf32>, vector<1x256xf32>, vector<1x256xf32>, vector<1x256xf32>, vector<1x256xf32> -> vector<8x256xf32>
    %broadcast_in_dim3A_143 = arith.constant 1.000000e+30 : f32
    %broadcast_in_dim3A_144 = vector.broadcast %broadcast_in_dim3A_143 : f32 to vector<8x256xf32>
    %iota3A_145 = tpu.iota {dimensions = array<i32: 1>} : vector<256x256xi32>
    %convert_element_type3A_146 = arith.sitofp %iota3A_145 : vector<256x256xi32> to vector<256x256xf32>
    %iota3A_147 = tpu.iota {dimensions = array<i32: 0>} : vector<16x256xi32>
    %convert_element_type3A_148 = arith.sitofp %iota3A_147 : vector<16x256xi32> to vector<16x256xf32>
    %while3A = arith.subi %get3A_4, %get3A_1 : i32
    %while3A_149 = arith.addi %get3A_1, %while3A : i32
    %while3A_150 = arith.constant 1 : i32
    %while3A_151 = arith.divsi %while3A, %while3A_150 : i32
    %while3A_152 = arith.muli %while3A_151, %while3A_150 : i32
    %while3A_153 = arith.addi %get3A_1, %while3A_152 : i32
    %while3A_154 = arith.constant 1 : i32
    %while3A_155:2 = scf.for %while3A_164 = %get3A_1 to %while3A_153 step %while3A_154 iter_args(%while3A_165 = %broadcast_in_dim3A_144, %while3A_166 = %concatenate3A) -> (vector<8x256xf32>, vector<8x256xf32>)  : i32 {
      %mul3A = arith.constant 256 : i32
      %mul3A_167 = arith.muli %while3A_164, %mul3A : i32
      %get3A_168 = arith.index_cast %mul3A_167 : i32 to index
      %get3A_169 = arith.constant 0 : index
      %get3A_170 = vector.load %arg3[%get3A_168, %get3A_169] : memref<4096x128xf32, #tpu.memory_space<vmem>>, vector<256x128xf32>
      %get3A_171 = arith.index_cast %while3A_164 : i32 to index
      %get3A_172 = arith.constant 0 : index
      %get3A_173 = vector.load %arg5[%get3A_171, %get3A_172] : memref<16x256xf32, #tpu.memory_space<vmem>>, vector<1x256xf32>
      %get3A_174 = arith.index_cast %while3A_164 : i32 to index
      %get3A_175 = arith.constant 0 : index
      %get3A_176 = vector.load %arg7[%get3A_174, %get3A_175] : memref<16x256xi32, #tpu.memory_space<vmem>>, vector<1x256xi32>
      %mul3A_177 = arith.constant 256 : i32
      %mul3A_178 = arith.muli %while3A_164, %mul3A_177 : i32
      %convert_element_type3A_179 = arith.sitofp %mul3A_178 : i32 to f32
      %dot_general3A = arith.constant dense<0.000000e+00> : vector<256x256xf32>
      %dot_general3A_180 = tpu.matmul %get3A_7, %get3A_170, %dot_general3A {dimension_numbers = #tpu.dot_dimension_numbers<[1], [1], [0], [0], [0, 0, 1, 0], [], []>, transpose_lhs_hint = false} : vector<256x128xf32>, vector<256x128xf32>, vector<256x256xf32> -> vector<256x256xf32>
      %broadcast_in_dim3A_181 = vector.shape_cast %get3A_12 : vector<256xf32> to vector<256x1xf32>
      %mul3A_182 = arith.constant 2.000000e+00 : f32
      %mul3A_183 = vector.broadcast %mul3A_182 : f32 to vector<256x256xf32>
      %mul3A_184 = arith.mulf %mul3A_183, %dot_general3A_180 : vector<256x256xf32>
      %sub3A_185 = vector.broadcast %broadcast_in_dim3A_181 : vector<256x1xf32> to vector<256x256xf32>
      %sub3A_186 = arith.subf %sub3A_185, %mul3A_184 : vector<256x256xf32>
      %add3A_187 = vector.broadcast %get3A_173 : vector<1x256xf32> to vector<256x256xf32>
      %add3A_188 = arith.addf %sub3A_186, %add3A_187 : vector<256x256xf32>
      %broadcast_in_dim3A_189 = vector.shape_cast %get3A_17 : vector<256xi32> to vector<256x1xi32>
      %eq3A_190 = vector.broadcast %broadcast_in_dim3A_189 : vector<256x1xi32> to vector<256x256xi32>
      %eq3A_191 = vector.broadcast %get3A_176 : vector<1x256xi32> to vector<256x256xi32>
      %eq3A_192 = arith.cmpi eq, %eq3A_190, %eq3A_191 : vector<256x256xi32>
      %jit3A_193 = arith.constant 1.000000e+30 : f32
      %broadcast_in_dim3A_194 = vector.broadcast %jit3A_193 : f32 to vector<256x256xf32>
      %select_n3A_195 = arith.select %eq3A_192, %add3A_188, %broadcast_in_dim3A_194 : vector<256x256xi1>, vector<256x256xf32>
      %reduce_min3A = arith.constant dense<0x7F800000> : vector<256xf32>
      %reduce_min3A_196 = vector.multi_reduction <minimumf>, %select_n3A_195, %reduce_min3A [1] : vector<256x256xf32> to vector<256xf32>
      %broadcast_in_dim3A_197 = vector.shape_cast %reduce_min3A_196 : vector<256xf32> to vector<256x1xf32>
      %eq3A_198 = vector.broadcast %broadcast_in_dim3A_197 : vector<256x1xf32> to vector<256x256xf32>
      %eq3A_199 = arith.cmpf oeq, %select_n3A_195, %eq3A_198 : vector<256x256xf32>
      %jit3A_200 = arith.constant 3.000000e+38 : f32
      %broadcast_in_dim3A_201 = vector.broadcast %jit3A_200 : f32 to vector<256x256xf32>
      %select_n3A_202 = arith.select %eq3A_199, %convert_element_type3A_146, %broadcast_in_dim3A_201 : vector<256x256xi1>, vector<256x256xf32>
      %reduce_min3A_203 = arith.constant dense<0x7F800000> : vector<256xf32>
      %reduce_min3A_204 = vector.multi_reduction <minimumf>, %select_n3A_202, %reduce_min3A_203 [1] : vector<256x256xf32> to vector<256xf32>
      %broadcast_in_dim3A_205 = vector.shape_cast %reduce_min3A_196 : vector<256xf32> to vector<1x256xf32>
      %add3A_206 = vector.broadcast %convert_element_type3A_179 : f32 to vector<256xf32>
      %add3A_207 = arith.addf %add3A_206, %reduce_min3A_204 : vector<256xf32>
      %broadcast_in_dim3A_208 = vector.shape_cast %add3A_207 : vector<256xf32> to vector<1x256xf32>
      %broadcast_in_dim3A_209 = vector.shape_cast %reduce_min3A_204 : vector<256xf32> to vector<256x1xf32>
      %eq3A_210 = vector.broadcast %broadcast_in_dim3A_209 : vector<256x1xf32> to vector<256x256xf32>
      %eq3A_211 = arith.cmpf oeq, %convert_element_type3A_146, %eq3A_210 : vector<256x256xf32>
      %jit3A_212 = arith.constant 3.000000e+38 : f32
      %broadcast_in_dim3A_213 = vector.broadcast %jit3A_212 : f32 to vector<256x256xf32>
      %select_n3A_214 = arith.select %eq3A_211, %broadcast_in_dim3A_213, %select_n3A_195 : vector<256x256xi1>, vector<256x256xf32>
      %reduce_min3A_215 = arith.constant dense<0x7F800000> : vector<256xf32>
      %reduce_min3A_216 = vector.multi_reduction <minimumf>, %select_n3A_214, %reduce_min3A_215 [1] : vector<256x256xf32> to vector<256xf32>
      %broadcast_in_dim3A_217 = vector.shape_cast %reduce_min3A_216 : vector<256xf32> to vector<256x1xf32>
      %eq3A_218 = vector.broadcast %broadcast_in_dim3A_217 : vector<256x1xf32> to vector<256x256xf32>
      %eq3A_219 = arith.cmpf oeq, %select_n3A_214, %eq3A_218 : vector<256x256xf32>
      %jit3A_220 = arith.constant 3.000000e+38 : f32
      %broadcast_in_dim3A_221 = vector.broadcast %jit3A_220 : f32 to vector<256x256xf32>
      %select_n3A_222 = arith.select %eq3A_219, %convert_element_type3A_146, %broadcast_in_dim3A_221 : vector<256x256xi1>, vector<256x256xf32>
      %reduce_min3A_223 = arith.constant dense<0x7F800000> : vector<256xf32>
      %reduce_min3A_224 = vector.multi_reduction <minimumf>, %select_n3A_222, %reduce_min3A_223 [1] : vector<256x256xf32> to vector<256xf32>
      %broadcast_in_dim3A_225 = vector.shape_cast %reduce_min3A_216 : vector<256xf32> to vector<1x256xf32>
      %add3A_226 = vector.broadcast %convert_element_type3A_179 : f32 to vector<256xf32>
      %add3A_227 = arith.addf %add3A_226, %reduce_min3A_224 : vector<256xf32>
      %broadcast_in_dim3A_228 = vector.shape_cast %add3A_227 : vector<256xf32> to vector<1x256xf32>
      %broadcast_in_dim3A_229 = vector.shape_cast %reduce_min3A_224 : vector<256xf32> to vector<256x1xf32>
      %eq3A_230 = vector.broadcast %broadcast_in_dim3A_229 : vector<256x1xf32> to vector<256x256xf32>
      %eq3A_231 = arith.cmpf oeq, %convert_element_type3A_146, %eq3A_230 : vector<256x256xf32>
      %jit3A_232 = arith.constant 3.000000e+38 : f32
      %broadcast_in_dim3A_233 = vector.broadcast %jit3A_232 : f32 to vector<256x256xf32>
      %select_n3A_234 = arith.select %eq3A_231, %broadcast_in_dim3A_233, %select_n3A_214 : vector<256x256xi1>, vector<256x256xf32>
      %reduce_min3A_235 = arith.constant dense<0x7F800000> : vector<256xf32>
      %reduce_min3A_236 = vector.multi_reduction <minimumf>, %select_n3A_234, %reduce_min3A_235 [1] : vector<256x256xf32> to vector<256xf32>
      %broadcast_in_dim3A_237 = vector.shape_cast %reduce_min3A_236 : vector<256xf32> to vector<256x1xf32>
      %eq3A_238 = vector.broadcast %broadcast_in_dim3A_237 : vector<256x1xf32> to vector<256x256xf32>
      %eq3A_239 = arith.cmpf oeq, %select_n3A_234, %eq3A_238 : vector<256x256xf32>
      %jit3A_240 = arith.constant 3.000000e+38 : f32
      %broadcast_in_dim3A_241 = vector.broadcast %jit3A_240 : f32 to vector<256x256xf32>
      %select_n3A_242 = arith.select %eq3A_239, %convert_element_type3A_146, %broadcast_in_dim3A_241 : vector<256x256xi1>, vector<256x256xf32>
      %reduce_min3A_243 = arith.constant dense<0x7F800000> : vector<256xf32>
      %reduce_min3A_244 = vector.multi_reduction <minimumf>, %select_n3A_242, %reduce_min3A_243 [1] : vector<256x256xf32> to vector<256xf32>
      %broadcast_in_dim3A_245 = vector.shape_cast %reduce_min3A_236 : vector<256xf32> to vector<1x256xf32>
      %add3A_246 = vector.broadcast %convert_element_type3A_179 : f32 to vector<256xf32>
      %add3A_247 = arith.addf %add3A_246, %reduce_min3A_244 : vector<256xf32>
      %broadcast_in_dim3A_248 = vector.shape_cast %add3A_247 : vector<256xf32> to vector<1x256xf32>
      %broadcast_in_dim3A_249 = vector.shape_cast %reduce_min3A_244 : vector<256xf32> to vector<256x1xf32>
      %eq3A_250 = vector.broadcast %broadcast_in_dim3A_249 : vector<256x1xf32> to vector<256x256xf32>
      %eq3A_251 = arith.cmpf oeq, %convert_element_type3A_146, %eq3A_250 : vector<256x256xf32>
      %jit3A_252 = arith.constant 3.000000e+38 : f32
      %broadcast_in_dim3A_253 = vector.broadcast %jit3A_252 : f32 to vector<256x256xf32>
      %select_n3A_254 = arith.select %eq3A_251, %broadcast_in_dim3A_253, %select_n3A_234 : vector<256x256xi1>, vector<256x256xf32>
      %reduce_min3A_255 = arith.constant dense<0x7F800000> : vector<256xf32>
      %reduce_min3A_256 = vector.multi_reduction <minimumf>, %select_n3A_254, %reduce_min3A_255 [1] : vector<256x256xf32> to vector<256xf32>
      %broadcast_in_dim3A_257 = vector.shape_cast %reduce_min3A_256 : vector<256xf32> to vector<256x1xf32>
      %eq3A_258 = vector.broadcast %broadcast_in_dim3A_257 : vector<256x1xf32> to vector<256x256xf32>
      %eq3A_259 = arith.cmpf oeq, %select_n3A_254, %eq3A_258 : vector<256x256xf32>
      %jit3A_260 = arith.constant 3.000000e+38 : f32
      %broadcast_in_dim3A_261 = vector.broadcast %jit3A_260 : f32 to vector<256x256xf32>
      %select_n3A_262 = arith.select %eq3A_259, %convert_element_type3A_146, %broadcast_in_dim3A_261 : vector<256x256xi1>, vector<256x256xf32>
      %reduce_min3A_263 = arith.constant dense<0x7F800000> : vector<256xf32>
      %reduce_min3A_264 = vector.multi_reduction <minimumf>, %select_n3A_262, %reduce_min3A_263 [1] : vector<256x256xf32> to vector<256xf32>
      %broadcast_in_dim3A_265 = vector.shape_cast %reduce_min3A_256 : vector<256xf32> to vector<1x256xf32>
      %add3A_266 = vector.broadcast %convert_element_type3A_179 : f32 to vector<256xf32>
      %add3A_267 = arith.addf %add3A_266, %reduce_min3A_264 : vector<256xf32>
      %broadcast_in_dim3A_268 = vector.shape_cast %add3A_267 : vector<256xf32> to vector<1x256xf32>
      %broadcast_in_dim3A_269 = vector.shape_cast %reduce_min3A_264 : vector<256xf32> to vector<256x1xf32>
      %eq3A_270 = vector.broadcast %broadcast_in_dim3A_269 : vector<256x1xf32> to vector<256x256xf32>
      %eq3A_271 = arith.cmpf oeq, %convert_element_type3A_146, %eq3A_270 : vector<256x256xf32>
      %jit3A_272 = arith.constant 3.000000e+38 : f32
      %broadcast_in_dim3A_273 = vector.broadcast %jit3A_272 : f32 to vector<256x256xf32>
      %select_n3A_274 = arith.select %eq3A_271, %broadcast_in_dim3A_273, %select_n3A_254 : vector<256x256xi1>, vector<256x256xf32>
      %reduce_min3A_275 = arith.constant dense<0x7F800000> : vector<256xf32>
      %reduce_min3A_276 = vector.multi_reduction <minimumf>, %select_n3A_274, %reduce_min3A_275 [1] : vector<256x256xf32> to vector<256xf32>
      %broadcast_in_dim3A_277 = vector.shape_cast %reduce_min3A_276 : vector<256xf32> to vector<256x1xf32>
      %eq3A_278 = vector.broadcast %broadcast_in_dim3A_277 : vector<256x1xf32> to vector<256x256xf32>
      %eq3A_279 = arith.cmpf oeq, %select_n3A_274, %eq3A_278 : vector<256x256xf32>
      %jit3A_280 = arith.constant 3.000000e+38 : f32
      %broadcast_in_dim3A_281 = vector.broadcast %jit3A_280 : f32 to vector<256x256xf32>
      %select_n3A_282 = arith.select %eq3A_279, %convert_element_type3A_146, %broadcast_in_dim3A_281 : vector<256x256xi1>, vector<256x256xf32>
      %reduce_min3A_283 = arith.constant dense<0x7F800000> : vector<256xf32>
      %reduce_min3A_284 = vector.multi_reduction <minimumf>, %select_n3A_282, %reduce_min3A_283 [1] : vector<256x256xf32> to vector<256xf32>
      %broadcast_in_dim3A_285 = vector.shape_cast %reduce_min3A_276 : vector<256xf32> to vector<1x256xf32>
      %add3A_286 = vector.broadcast %convert_element_type3A_179 : f32 to vector<256xf32>
      %add3A_287 = arith.addf %add3A_286, %reduce_min3A_284 : vector<256xf32>
      %broadcast_in_dim3A_288 = vector.shape_cast %add3A_287 : vector<256xf32> to vector<1x256xf32>
      %broadcast_in_dim3A_289 = vector.shape_cast %reduce_min3A_284 : vector<256xf32> to vector<256x1xf32>
      %eq3A_290 = vector.broadcast %broadcast_in_dim3A_289 : vector<256x1xf32> to vector<256x256xf32>
      %eq3A_291 = arith.cmpf oeq, %convert_element_type3A_146, %eq3A_290 : vector<256x256xf32>
      %jit3A_292 = arith.constant 3.000000e+38 : f32
      %broadcast_in_dim3A_293 = vector.broadcast %jit3A_292 : f32 to vector<256x256xf32>
      %select_n3A_294 = arith.select %eq3A_291, %broadcast_in_dim3A_293, %select_n3A_274 : vector<256x256xi1>, vector<256x256xf32>
      %reduce_min3A_295 = arith.constant dense<0x7F800000> : vector<256xf32>
      %reduce_min3A_296 = vector.multi_reduction <minimumf>, %select_n3A_294, %reduce_min3A_295 [1] : vector<256x256xf32> to vector<256xf32>
      %broadcast_in_dim3A_297 = vector.shape_cast %reduce_min3A_296 : vector<256xf32> to vector<256x1xf32>
      %eq3A_298 = vector.broadcast %broadcast_in_dim3A_297 : vector<256x1xf32> to vector<256x256xf32>
      %eq3A_299 = arith.cmpf oeq, %select_n3A_294, %eq3A_298 : vector<256x256xf32>
      %jit3A_300 = arith.constant 3.000000e+38 : f32
      %broadcast_in_dim3A_301 = vector.broadcast %jit3A_300 : f32 to vector<256x256xf32>
      %select_n3A_302 = arith.select %eq3A_299, %convert_element_type3A_146, %broadcast_in_dim3A_301 : vector<256x256xi1>, vector<256x256xf32>
      %reduce_min3A_303 = arith.constant dense<0x7F800000> : vector<256xf32>
      %reduce_min3A_304 = vector.multi_reduction <minimumf>, %select_n3A_302, %reduce_min3A_303 [1] : vector<256x256xf32> to vector<256xf32>
      %broadcast_in_dim3A_305 = vector.shape_cast %reduce_min3A_296 : vector<256xf32> to vector<1x256xf32>
      %add3A_306 = vector.broadcast %convert_element_type3A_179 : f32 to vector<256xf32>
      %add3A_307 = arith.addf %add3A_306, %reduce_min3A_304 : vector<256xf32>
      %broadcast_in_dim3A_308 = vector.shape_cast %add3A_307 : vector<256xf32> to vector<1x256xf32>
      %broadcast_in_dim3A_309 = vector.shape_cast %reduce_min3A_304 : vector<256xf32> to vector<256x1xf32>
      %eq3A_310 = vector.broadcast %broadcast_in_dim3A_309 : vector<256x1xf32> to vector<256x256xf32>
      %eq3A_311 = arith.cmpf oeq, %convert_element_type3A_146, %eq3A_310 : vector<256x256xf32>
      %jit3A_312 = arith.constant 3.000000e+38 : f32
      %broadcast_in_dim3A_313 = vector.broadcast %jit3A_312 : f32 to vector<256x256xf32>
      %select_n3A_314 = arith.select %eq3A_311, %broadcast_in_dim3A_313, %select_n3A_294 : vector<256x256xi1>, vector<256x256xf32>
      %reduce_min3A_315 = arith.constant dense<0x7F800000> : vector<256xf32>
      %reduce_min3A_316 = vector.multi_reduction <minimumf>, %select_n3A_314, %reduce_min3A_315 [1] : vector<256x256xf32> to vector<256xf32>
      %broadcast_in_dim3A_317 = vector.shape_cast %reduce_min3A_316 : vector<256xf32> to vector<256x1xf32>
      %eq3A_318 = vector.broadcast %broadcast_in_dim3A_317 : vector<256x1xf32> to vector<256x256xf32>
      %eq3A_319 = arith.cmpf oeq, %select_n3A_314, %eq3A_318 : vector<256x256xf32>
      %jit3A_320 = arith.constant 3.000000e+38 : f32
      %broadcast_in_dim3A_321 = vector.broadcast %jit3A_320 : f32 to vector<256x256xf32>
      %select_n3A_322 = arith.select %eq3A_319, %convert_element_type3A_146, %broadcast_in_dim3A_321 : vector<256x256xi1>, vector<256x256xf32>
      %reduce_min3A_323 = arith.constant dense<0x7F800000> : vector<256xf32>
      %reduce_min3A_324 = vector.multi_reduction <minimumf>, %select_n3A_322, %reduce_min3A_323 [1] : vector<256x256xf32> to vector<256xf32>
      %broadcast_in_dim3A_325 = vector.shape_cast %reduce_min3A_316 : vector<256xf32> to vector<1x256xf32>
      %add3A_326 = vector.broadcast %convert_element_type3A_179 : f32 to vector<256xf32>
      %add3A_327 = arith.addf %add3A_326, %reduce_min3A_324 : vector<256xf32>
      %broadcast_in_dim3A_328 = vector.shape_cast %add3A_327 : vector<256xf32> to vector<1x256xf32>
      %broadcast_in_dim3A_329 = vector.shape_cast %reduce_min3A_324 : vector<256xf32> to vector<256x1xf32>
      %eq3A_330 = vector.broadcast %broadcast_in_dim3A_329 : vector<256x1xf32> to vector<256x256xf32>
      %eq3A_331 = arith.cmpf oeq, %convert_element_type3A_146, %eq3A_330 : vector<256x256xf32>
      %jit3A_332 = arith.constant 3.000000e+38 : f32
      %broadcast_in_dim3A_333 = vector.broadcast %jit3A_332 : f32 to vector<256x256xf32>
      %select_n3A_334 = arith.select %eq3A_331, %broadcast_in_dim3A_333, %select_n3A_314 : vector<256x256xi1>, vector<256x256xf32>
      %reduce_min3A_335 = arith.constant dense<0x7F800000> : vector<256xf32>
      %reduce_min3A_336 = vector.multi_reduction <minimumf>, %select_n3A_334, %reduce_min3A_335 [1] : vector<256x256xf32> to vector<256xf32>
      %broadcast_in_dim3A_337 = vector.shape_cast %reduce_min3A_336 : vector<256xf32> to vector<256x1xf32>
      %eq3A_338 = vector.broadcast %broadcast_in_dim3A_337 : vector<256x1xf32> to vector<256x256xf32>
      %eq3A_339 = arith.cmpf oeq, %select_n3A_334, %eq3A_338 : vector<256x256xf32>
      %jit3A_340 = arith.constant 3.000000e+38 : f32
      %broadcast_in_dim3A_341 = vector.broadcast %jit3A_340 : f32 to vector<256x256xf32>
      %select_n3A_342 = arith.select %eq3A_339, %convert_element_type3A_146, %broadcast_in_dim3A_341 : vector<256x256xi1>, vector<256x256xf32>
      %reduce_min3A_343 = arith.constant dense<0x7F800000> : vector<256xf32>
      %reduce_min3A_344 = vector.multi_reduction <minimumf>, %select_n3A_342, %reduce_min3A_343 [1] : vector<256x256xf32> to vector<256xf32>
      %broadcast_in_dim3A_345 = vector.shape_cast %reduce_min3A_336 : vector<256xf32> to vector<1x256xf32>
      %add3A_346 = vector.broadcast %convert_element_type3A_179 : f32 to vector<256xf32>
      %add3A_347 = arith.addf %add3A_346, %reduce_min3A_344 : vector<256xf32>
      %broadcast_in_dim3A_348 = vector.shape_cast %add3A_347 : vector<256xf32> to vector<1x256xf32>
      %broadcast_in_dim3A_349 = vector.shape_cast %reduce_min3A_344 : vector<256xf32> to vector<256x1xf32>
      %eq3A_350 = vector.broadcast %broadcast_in_dim3A_349 : vector<256x1xf32> to vector<256x256xf32>
      %eq3A_351 = arith.cmpf oeq, %convert_element_type3A_146, %eq3A_350 : vector<256x256xf32>
      %jit3A_352 = arith.constant 3.000000e+38 : f32
      %broadcast_in_dim3A_353 = vector.broadcast %jit3A_352 : f32 to vector<256x256xf32>
      %select_n3A_354 = arith.select %eq3A_351, %broadcast_in_dim3A_353, %select_n3A_334 : vector<256x256xi1>, vector<256x256xf32>
      %concatenate3A_355 = tpu.concatenate %while3A_165, %broadcast_in_dim3A_205, %broadcast_in_dim3A_225, %broadcast_in_dim3A_245, %broadcast_in_dim3A_265, %broadcast_in_dim3A_285, %broadcast_in_dim3A_305, %broadcast_in_dim3A_325, %broadcast_in_dim3A_345 in 0 : vector<8x256xf32>, vector<1x256xf32>, vector<1x256xf32>, vector<1x256xf32>, vector<1x256xf32>, vector<1x256xf32>, vector<1x256xf32>, vector<1x256xf32>, vector<1x256xf32> -> vector<16x256xf32>
      %concatenate3A_356 = tpu.concatenate %while3A_166, %broadcast_in_dim3A_208, %broadcast_in_dim3A_228, %broadcast_in_dim3A_248, %broadcast_in_dim3A_268, %broadcast_in_dim3A_288, %broadcast_in_dim3A_308, %broadcast_in_dim3A_328, %broadcast_in_dim3A_348 in 0 : vector<8x256xf32>, vector<1x256xf32>, vector<1x256xf32>, vector<1x256xf32>, vector<1x256xf32>, vector<1x256xf32>, vector<1x256xf32>, vector<1x256xf32>, vector<1x256xf32> -> vector<16x256xf32>
      %reduce_min3A_357 = arith.constant dense<0x7F800000> : vector<256xf32>
      %reduce_min3A_358 = vector.multi_reduction <minimumf>, %concatenate3A_355, %reduce_min3A_357 [0] : vector<16x256xf32> to vector<256xf32>
      %broadcast_in_dim3A_359 = vector.shape_cast %reduce_min3A_358 : vector<256xf32> to vector<1x256xf32>
      %eq3A_360 = vector.broadcast %broadcast_in_dim3A_359 : vector<1x256xf32> to vector<16x256xf32>
      %eq3A_361 = arith.cmpf oeq, %concatenate3A_355, %eq3A_360 : vector<16x256xf32>
      %jit3A_362 = arith.constant 3.000000e+38 : f32
      %broadcast_in_dim3A_363 = vector.broadcast %jit3A_362 : f32 to vector<16x256xf32>
      %select_n3A_364 = arith.select %eq3A_361, %convert_element_type3A_148, %broadcast_in_dim3A_363 : vector<16x256xi1>, vector<16x256xf32>
      %reduce_min3A_365 = arith.constant dense<0x7F800000> : vector<256xf32>
      %reduce_min3A_366 = vector.multi_reduction <minimumf>, %select_n3A_364, %reduce_min3A_365 [0] : vector<16x256xf32> to vector<256xf32>
      %broadcast_in_dim3A_367 = vector.shape_cast %reduce_min3A_366 : vector<256xf32> to vector<1x256xf32>
      %eq3A_368 = vector.broadcast %broadcast_in_dim3A_367 : vector<1x256xf32> to vector<16x256xf32>
      %eq3A_369 = arith.cmpf oeq, %convert_element_type3A_148, %eq3A_368 : vector<16x256xf32>
      %broadcast_in_dim3A_370 = vector.shape_cast %reduce_min3A_358 : vector<256xf32> to vector<1x256xf32>
      %jit3A_371 = arith.constant 3.000000e+38 : f32
      %broadcast_in_dim3A_372 = vector.broadcast %jit3A_371 : f32 to vector<16x256xf32>
      %select_n3A_373 = arith.select %eq3A_369, %concatenate3A_356, %broadcast_in_dim3A_372 : vector<16x256xi1>, vector<16x256xf32>
      %reduce_min3A_374 = arith.constant dense<0x7F800000> : vector<256xf32>
      %reduce_min3A_375 = vector.multi_reduction <minimumf>, %select_n3A_373, %reduce_min3A_374 [0] : vector<16x256xf32> to vector<256xf32>
      %broadcast_in_dim3A_376 = vector.shape_cast %reduce_min3A_375 : vector<256xf32> to vector<1x256xf32>
      %jit3A_377 = arith.constant 3.000000e+38 : f32
      %broadcast_in_dim3A_378 = vector.broadcast %jit3A_377 : f32 to vector<16x256xf32>
      %select_n3A_379 = arith.select %eq3A_369, %broadcast_in_dim3A_378, %concatenate3A_355 : vector<16x256xi1>, vector<16x256xf32>
      %reduce_min3A_380 = arith.constant dense<0x7F800000> : vector<256xf32>
      %reduce_min3A_381 = vector.multi_reduction <minimumf>, %select_n3A_379, %reduce_min3A_380 [0] : vector<16x256xf32> to vector<256xf32>
      %broadcast_in_dim3A_382 = vector.shape_cast %reduce_min3A_381 : vector<256xf32> to vector<1x256xf32>
      %eq3A_383 = vector.broadcast %broadcast_in_dim3A_382 : vector<1x256xf32> to vector<16x256xf32>
      %eq3A_384 = arith.cmpf oeq, %select_n3A_379, %eq3A_383 : vector<16x256xf32>
      %jit3A_385 = arith.constant 3.000000e+38 : f32
      %broadcast_in_dim3A_386 = vector.broadcast %jit3A_385 : f32 to vector<16x256xf32>
      %select_n3A_387 = arith.select %eq3A_384, %convert_element_type3A_148, %broadcast_in_dim3A_386 : vector<16x256xi1>, vector<16x256xf32>
      %reduce_min3A_388 = arith.constant dense<0x7F800000> : vector<256xf32>
      %reduce_min3A_389 = vector.multi_reduction <minimumf>, %select_n3A_387, %reduce_min3A_388 [0] : vector<16x256xf32> to vector<256xf32>
      %broadcast_in_dim3A_390 = vector.shape_cast %reduce_min3A_389 : vector<256xf32> to vector<1x256xf32>
      %eq3A_391 = vector.broadcast %broadcast_in_dim3A_390 : vector<1x256xf32> to vector<16x256xf32>
      %eq3A_392 = arith.cmpf oeq, %convert_element_type3A_148, %eq3A_391 : vector<16x256xf32>
      %broadcast_in_dim3A_393 = vector.shape_cast %reduce_min3A_381 : vector<256xf32> to vector<1x256xf32>
      %jit3A_394 = arith.constant 3.000000e+38 : f32
      %broadcast_in_dim3A_395 = vector.broadcast %jit3A_394 : f32 to vector<16x256xf32>
      %select_n3A_396 = arith.select %eq3A_392, %concatenate3A_356, %broadcast_in_dim3A_395 : vector<16x256xi1>, vector<16x256xf32>
      %reduce_min3A_397 = arith.constant dense<0x7F800000> : vector<256xf32>
      %reduce_min3A_398 = vector.multi_reduction <minimumf>, %select_n3A_396, %reduce_min3A_397 [0] : vector<16x256xf32> to vector<256xf32>
      %broadcast_in_dim3A_399 = vector.shape_cast %reduce_min3A_398 : vector<256xf32> to vector<1x256xf32>
      %jit3A_400 = arith.constant 3.000000e+38 : f32
      %broadcast_in_dim3A_401 = vector.broadcast %jit3A_400 : f32 to vector<16x256xf32>
      %select_n3A_402 = arith.select %eq3A_392, %broadcast_in_dim3A_401, %select_n3A_379 : vector<16x256xi1>, vector<16x256xf32>
      %reduce_min3A_403 = arith.constant dense<0x7F800000> : vector<256xf32>
      %reduce_min3A_404 = vector.multi_reduction <minimumf>, %select_n3A_402, %reduce_min3A_403 [0] : vector<16x256xf32> to vector<256xf32>
      %broadcast_in_dim3A_405 = vector.shape_cast %reduce_min3A_404 : vector<256xf32> to vector<1x256xf32>
      %eq3A_406 = vector.broadcast %broadcast_in_dim3A_405 : vector<1x256xf32> to vector<16x256xf32>
      %eq3A_407 = arith.cmpf oeq, %select_n3A_402, %eq3A_406 : vector<16x256xf32>
      %jit3A_408 = arith.constant 3.000000e+38 : f32
      %broadcast_in_dim3A_409 = vector.broadcast %jit3A_408 : f32 to vector<16x256xf32>
      %select_n3A_410 = arith.select %eq3A_407, %convert_element_type3A_148, %broadcast_in_dim3A_409 : vector<16x256xi1>, vector<16x256xf32>
      %reduce_min3A_411 = arith.constant dense<0x7F800000> : vector<256xf32>
      %reduce_min3A_412 = vector.multi_reduction <minimumf>, %select_n3A_410, %reduce_min3A_411 [0] : vector<16x256xf32> to vector<256xf32>
      %broadcast_in_dim3A_413 = vector.shape_cast %reduce_min3A_412 : vector<256xf32> to vector<1x256xf32>
      %eq3A_414 = vector.broadcast %broadcast_in_dim3A_413 : vector<1x256xf32> to vector<16x256xf32>
      %eq3A_415 = arith.cmpf oeq, %convert_element_type3A_148, %eq3A_414 : vector<16x256xf32>
      %broadcast_in_dim3A_416 = vector.shape_cast %reduce_min3A_404 : vector<256xf32> to vector<1x256xf32>
      %jit3A_417 = arith.constant 3.000000e+38 : f32
      %broadcast_in_dim3A_418 = vector.broadcast %jit3A_417 : f32 to vector<16x256xf32>
      %select_n3A_419 = arith.select %eq3A_415, %concatenate3A_356, %broadcast_in_dim3A_418 : vector<16x256xi1>, vector<16x256xf32>
      %reduce_min3A_420 = arith.constant dense<0x7F800000> : vector<256xf32>
      %reduce_min3A_421 = vector.multi_reduction <minimumf>, %select_n3A_419, %reduce_min3A_420 [0] : vector<16x256xf32> to vector<256xf32>
      %broadcast_in_dim3A_422 = vector.shape_cast %reduce_min3A_421 : vector<256xf32> to vector<1x256xf32>
      %jit3A_423 = arith.constant 3.000000e+38 : f32
      %broadcast_in_dim3A_424 = vector.broadcast %jit3A_423 : f32 to vector<16x256xf32>
      %select_n3A_425 = arith.select %eq3A_415, %broadcast_in_dim3A_424, %select_n3A_402 : vector<16x256xi1>, vector<16x256xf32>
      %reduce_min3A_426 = arith.constant dense<0x7F800000> : vector<256xf32>
      %reduce_min3A_427 = vector.multi_reduction <minimumf>, %select_n3A_425, %reduce_min3A_426 [0] : vector<16x256xf32> to vector<256xf32>
      %broadcast_in_dim3A_428 = vector.shape_cast %reduce_min3A_427 : vector<256xf32> to vector<1x256xf32>
      %eq3A_429 = vector.broadcast %broadcast_in_dim3A_428 : vector<1x256xf32> to vector<16x256xf32>
      %eq3A_430 = arith.cmpf oeq, %select_n3A_425, %eq3A_429 : vector<16x256xf32>
      %jit3A_431 = arith.constant 3.000000e+38 : f32
      %broadcast_in_dim3A_432 = vector.broadcast %jit3A_431 : f32 to vector<16x256xf32>
      %select_n3A_433 = arith.select %eq3A_430, %convert_element_type3A_148, %broadcast_in_dim3A_432 : vector<16x256xi1>, vector<16x256xf32>
      %reduce_min3A_434 = arith.constant dense<0x7F800000> : vector<256xf32>
      %reduce_min3A_435 = vector.multi_reduction <minimumf>, %select_n3A_433, %reduce_min3A_434 [0] : vector<16x256xf32> to vector<256xf32>
      %broadcast_in_dim3A_436 = vector.shape_cast %reduce_min3A_435 : vector<256xf32> to vector<1x256xf32>
      %eq3A_437 = vector.broadcast %broadcast_in_dim3A_436 : vector<1x256xf32> to vector<16x256xf32>
      %eq3A_438 = arith.cmpf oeq, %convert_element_type3A_148, %eq3A_437 : vector<16x256xf32>
      %broadcast_in_dim3A_439 = vector.shape_cast %reduce_min3A_427 : vector<256xf32> to vector<1x256xf32>
      %jit3A_440 = arith.constant 3.000000e+38 : f32
      %broadcast_in_dim3A_441 = vector.broadcast %jit3A_440 : f32 to vector<16x256xf32>
      %select_n3A_442 = arith.select %eq3A_438, %concatenate3A_356, %broadcast_in_dim3A_441 : vector<16x256xi1>, vector<16x256xf32>
      %reduce_min3A_443 = arith.constant dense<0x7F800000> : vector<256xf32>
      %reduce_min3A_444 = vector.multi_reduction <minimumf>, %select_n3A_442, %reduce_min3A_443 [0] : vector<16x256xf32> to vector<256xf32>
      %broadcast_in_dim3A_445 = vector.shape_cast %reduce_min3A_444 : vector<256xf32> to vector<1x256xf32>
      %jit3A_446 = arith.constant 3.000000e+38 : f32
      %broadcast_in_dim3A_447 = vector.broadcast %jit3A_446 : f32 to vector<16x256xf32>
      %select_n3A_448 = arith.select %eq3A_438, %broadcast_in_dim3A_447, %select_n3A_425 : vector<16x256xi1>, vector<16x256xf32>
      %reduce_min3A_449 = arith.constant dense<0x7F800000> : vector<256xf32>
      %reduce_min3A_450 = vector.multi_reduction <minimumf>, %select_n3A_448, %reduce_min3A_449 [0] : vector<16x256xf32> to vector<256xf32>
      %broadcast_in_dim3A_451 = vector.shape_cast %reduce_min3A_450 : vector<256xf32> to vector<1x256xf32>
      %eq3A_452 = vector.broadcast %broadcast_in_dim3A_451 : vector<1x256xf32> to vector<16x256xf32>
      %eq3A_453 = arith.cmpf oeq, %select_n3A_448, %eq3A_452 : vector<16x256xf32>
      %jit3A_454 = arith.constant 3.000000e+38 : f32
      %broadcast_in_dim3A_455 = vector.broadcast %jit3A_454 : f32 to vector<16x256xf32>
      %select_n3A_456 = arith.select %eq3A_453, %convert_element_type3A_148, %broadcast_in_dim3A_455 : vector<16x256xi1>, vector<16x256xf32>
      %reduce_min3A_457 = arith.constant dense<0x7F800000> : vector<256xf32>
      %reduce_min3A_458 = vector.multi_reduction <minimumf>, %select_n3A_456, %reduce_min3A_457 [0] : vector<16x256xf32> to vector<256xf32>
      %broadcast_in_dim3A_459 = vector.shape_cast %reduce_min3A_458 : vector<256xf32> to vector<1x256xf32>
      %eq3A_460 = vector.broadcast %broadcast_in_dim3A_459 : vector<1x256xf32> to vector<16x256xf32>
      %eq3A_461 = arith.cmpf oeq, %convert_element_type3A_148, %eq3A_460 : vector<16x256xf32>
      %broadcast_in_dim3A_462 = vector.shape_cast %reduce_min3A_450 : vector<256xf32> to vector<1x256xf32>
      %jit3A_463 = arith.constant 3.000000e+38 : f32
      %broadcast_in_dim3A_464 = vector.broadcast %jit3A_463 : f32 to vector<16x256xf32>
      %select_n3A_465 = arith.select %eq3A_461, %concatenate3A_356, %broadcast_in_dim3A_464 : vector<16x256xi1>, vector<16x256xf32>
      %reduce_min3A_466 = arith.constant dense<0x7F800000> : vector<256xf32>
      %reduce_min3A_467 = vector.multi_reduction <minimumf>, %select_n3A_465, %reduce_min3A_466 [0] : vector<16x256xf32> to vector<256xf32>
      %broadcast_in_dim3A_468 = vector.shape_cast %reduce_min3A_467 : vector<256xf32> to vector<1x256xf32>
      %jit3A_469 = arith.constant 3.000000e+38 : f32
      %broadcast_in_dim3A_470 = vector.broadcast %jit3A_469 : f32 to vector<16x256xf32>
      %select_n3A_471 = arith.select %eq3A_461, %broadcast_in_dim3A_470, %select_n3A_448 : vector<16x256xi1>, vector<16x256xf32>
      %reduce_min3A_472 = arith.constant dense<0x7F800000> : vector<256xf32>
      %reduce_min3A_473 = vector.multi_reduction <minimumf>, %select_n3A_471, %reduce_min3A_472 [0] : vector<16x256xf32> to vector<256xf32>
      %broadcast_in_dim3A_474 = vector.shape_cast %reduce_min3A_473 : vector<256xf32> to vector<1x256xf32>
      %eq3A_475 = vector.broadcast %broadcast_in_dim3A_474 : vector<1x256xf32> to vector<16x256xf32>
      %eq3A_476 = arith.cmpf oeq, %select_n3A_471, %eq3A_475 : vector<16x256xf32>
      %jit3A_477 = arith.constant 3.000000e+38 : f32
      %broadcast_in_dim3A_478 = vector.broadcast %jit3A_477 : f32 to vector<16x256xf32>
      %select_n3A_479 = arith.select %eq3A_476, %convert_element_type3A_148, %broadcast_in_dim3A_478 : vector<16x256xi1>, vector<16x256xf32>
      %reduce_min3A_480 = arith.constant dense<0x7F800000> : vector<256xf32>
      %reduce_min3A_481 = vector.multi_reduction <minimumf>, %select_n3A_479, %reduce_min3A_480 [0] : vector<16x256xf32> to vector<256xf32>
      %broadcast_in_dim3A_482 = vector.shape_cast %reduce_min3A_481 : vector<256xf32> to vector<1x256xf32>
      %eq3A_483 = vector.broadcast %broadcast_in_dim3A_482 : vector<1x256xf32> to vector<16x256xf32>
      %eq3A_484 = arith.cmpf oeq, %convert_element_type3A_148, %eq3A_483 : vector<16x256xf32>
      %broadcast_in_dim3A_485 = vector.shape_cast %reduce_min3A_473 : vector<256xf32> to vector<1x256xf32>
      %jit3A_486 = arith.constant 3.000000e+38 : f32
      %broadcast_in_dim3A_487 = vector.broadcast %jit3A_486 : f32 to vector<16x256xf32>
      %select_n3A_488 = arith.select %eq3A_484, %concatenate3A_356, %broadcast_in_dim3A_487 : vector<16x256xi1>, vector<16x256xf32>
      %reduce_min3A_489 = arith.constant dense<0x7F800000> : vector<256xf32>
      %reduce_min3A_490 = vector.multi_reduction <minimumf>, %select_n3A_488, %reduce_min3A_489 [0] : vector<16x256xf32> to vector<256xf32>
      %broadcast_in_dim3A_491 = vector.shape_cast %reduce_min3A_490 : vector<256xf32> to vector<1x256xf32>
      %jit3A_492 = arith.constant 3.000000e+38 : f32
      %broadcast_in_dim3A_493 = vector.broadcast %jit3A_492 : f32 to vector<16x256xf32>
      %select_n3A_494 = arith.select %eq3A_484, %broadcast_in_dim3A_493, %select_n3A_471 : vector<16x256xi1>, vector<16x256xf32>
      %reduce_min3A_495 = arith.constant dense<0x7F800000> : vector<256xf32>
      %reduce_min3A_496 = vector.multi_reduction <minimumf>, %select_n3A_494, %reduce_min3A_495 [0] : vector<16x256xf32> to vector<256xf32>
      %broadcast_in_dim3A_497 = vector.shape_cast %reduce_min3A_496 : vector<256xf32> to vector<1x256xf32>
      %eq3A_498 = vector.broadcast %broadcast_in_dim3A_497 : vector<1x256xf32> to vector<16x256xf32>
      %eq3A_499 = arith.cmpf oeq, %select_n3A_494, %eq3A_498 : vector<16x256xf32>
      %jit3A_500 = arith.constant 3.000000e+38 : f32
      %broadcast_in_dim3A_501 = vector.broadcast %jit3A_500 : f32 to vector<16x256xf32>
      %select_n3A_502 = arith.select %eq3A_499, %convert_element_type3A_148, %broadcast_in_dim3A_501 : vector<16x256xi1>, vector<16x256xf32>
      %reduce_min3A_503 = arith.constant dense<0x7F800000> : vector<256xf32>
      %reduce_min3A_504 = vector.multi_reduction <minimumf>, %select_n3A_502, %reduce_min3A_503 [0] : vector<16x256xf32> to vector<256xf32>
      %broadcast_in_dim3A_505 = vector.shape_cast %reduce_min3A_504 : vector<256xf32> to vector<1x256xf32>
      %eq3A_506 = vector.broadcast %broadcast_in_dim3A_505 : vector<1x256xf32> to vector<16x256xf32>
      %eq3A_507 = arith.cmpf oeq, %convert_element_type3A_148, %eq3A_506 : vector<16x256xf32>
      %broadcast_in_dim3A_508 = vector.shape_cast %reduce_min3A_496 : vector<256xf32> to vector<1x256xf32>
      %jit3A_509 = arith.constant 3.000000e+38 : f32
      %broadcast_in_dim3A_510 = vector.broadcast %jit3A_509 : f32 to vector<16x256xf32>
      %select_n3A_511 = arith.select %eq3A_507, %concatenate3A_356, %broadcast_in_dim3A_510 : vector<16x256xi1>, vector<16x256xf32>
      %reduce_min3A_512 = arith.constant dense<0x7F800000> : vector<256xf32>
      %reduce_min3A_513 = vector.multi_reduction <minimumf>, %select_n3A_511, %reduce_min3A_512 [0] : vector<16x256xf32> to vector<256xf32>
      %broadcast_in_dim3A_514 = vector.shape_cast %reduce_min3A_513 : vector<256xf32> to vector<1x256xf32>
      %jit3A_515 = arith.constant 3.000000e+38 : f32
      %broadcast_in_dim3A_516 = vector.broadcast %jit3A_515 : f32 to vector<16x256xf32>
      %select_n3A_517 = arith.select %eq3A_507, %broadcast_in_dim3A_516, %select_n3A_494 : vector<16x256xi1>, vector<16x256xf32>
      %reduce_min3A_518 = arith.constant dense<0x7F800000> : vector<256xf32>
      %reduce_min3A_519 = vector.multi_reduction <minimumf>, %select_n3A_517, %reduce_min3A_518 [0] : vector<16x256xf32> to vector<256xf32>
      %broadcast_in_dim3A_520 = vector.shape_cast %reduce_min3A_519 : vector<256xf32> to vector<1x256xf32>
      %eq3A_521 = vector.broadcast %broadcast_in_dim3A_520 : vector<1x256xf32> to vector<16x256xf32>
      %eq3A_522 = arith.cmpf oeq, %select_n3A_517, %eq3A_521 : vector<16x256xf32>
      %jit3A_523 = arith.constant 3.000000e+38 : f32
      %broadcast_in_dim3A_524 = vector.broadcast %jit3A_523 : f32 to vector<16x256xf32>
      %select_n3A_525 = arith.select %eq3A_522, %convert_element_type3A_148, %broadcast_in_dim3A_524 : vector<16x256xi1>, vector<16x256xf32>
      %reduce_min3A_526 = arith.constant dense<0x7F800000> : vector<256xf32>
      %reduce_min3A_527 = vector.multi_reduction <minimumf>, %select_n3A_525, %reduce_min3A_526 [0] : vector<16x256xf32> to vector<256xf32>
      %broadcast_in_dim3A_528 = vector.shape_cast %reduce_min3A_527 : vector<256xf32> to vector<1x256xf32>
      %eq3A_529 = vector.broadcast %broadcast_in_dim3A_528 : vector<1x256xf32> to vector<16x256xf32>
      %eq3A_530 = arith.cmpf oeq, %convert_element_type3A_148, %eq3A_529 : vector<16x256xf32>
      %broadcast_in_dim3A_531 = vector.shape_cast %reduce_min3A_519 : vector<256xf32> to vector<1x256xf32>
      %jit3A_532 = arith.constant 3.000000e+38 : f32
      %broadcast_in_dim3A_533 = vector.broadcast %jit3A_532 : f32 to vector<16x256xf32>
      %select_n3A_534 = arith.select %eq3A_530, %concatenate3A_356, %broadcast_in_dim3A_533 : vector<16x256xi1>, vector<16x256xf32>
      %reduce_min3A_535 = arith.constant dense<0x7F800000> : vector<256xf32>
      %reduce_min3A_536 = vector.multi_reduction <minimumf>, %select_n3A_534, %reduce_min3A_535 [0] : vector<16x256xf32> to vector<256xf32>
      %broadcast_in_dim3A_537 = vector.shape_cast %reduce_min3A_536 : vector<256xf32> to vector<1x256xf32>
      %jit3A_538 = arith.constant 3.000000e+38 : f32
      %broadcast_in_dim3A_539 = vector.broadcast %jit3A_538 : f32 to vector<16x256xf32>
      %select_n3A_540 = arith.select %eq3A_530, %broadcast_in_dim3A_539, %select_n3A_517 : vector<16x256xi1>, vector<16x256xf32>
      %concatenate3A_541 = tpu.concatenate %broadcast_in_dim3A_370, %broadcast_in_dim3A_393, %broadcast_in_dim3A_416, %broadcast_in_dim3A_439, %broadcast_in_dim3A_462, %broadcast_in_dim3A_485, %broadcast_in_dim3A_508, %broadcast_in_dim3A_531 in 0 : vector<1x256xf32>, vector<1x256xf32>, vector<1x256xf32>, vector<1x256xf32>, vector<1x256xf32>, vector<1x256xf32>, vector<1x256xf32>, vector<1x256xf32> -> vector<8x256xf32>
      %concatenate3A_542 = tpu.concatenate %broadcast_in_dim3A_376, %broadcast_in_dim3A_399, %broadcast_in_dim3A_422, %broadcast_in_dim3A_445, %broadcast_in_dim3A_468, %broadcast_in_dim3A_491, %broadcast_in_dim3A_514, %broadcast_in_dim3A_537 in 0 : vector<1x256xf32>, vector<1x256xf32>, vector<1x256xf32>, vector<1x256xf32>, vector<1x256xf32>, vector<1x256xf32>, vector<1x256xf32>, vector<1x256xf32> -> vector<8x256xf32>
      scf.yield %concatenate3A_541, %concatenate3A_542 : vector<8x256xf32>, vector<8x256xf32>
    }
    %while3A_156 = arith.constant 1 : i32
    %while3A_157:2 = scf.for %while3A_164 = %while3A_153 to %while3A_149 step %while3A_156 iter_args(%while3A_165 = %while3A_155#0, %while3A_166 = %while3A_155#1) -> (vector<8x256xf32>, vector<8x256xf32>)  : i32 {
      %mul3A = arith.constant 256 : i32
      %mul3A_167 = arith.muli %while3A_164, %mul3A : i32
      %get3A_168 = arith.index_cast %mul3A_167 : i32 to index
      %get3A_169 = arith.constant 0 : index
      %get3A_170 = vector.load %arg3[%get3A_168, %get3A_169] : memref<4096x128xf32, #tpu.memory_space<vmem>>, vector<256x128xf32>
      %get3A_171 = arith.index_cast %while3A_164 : i32 to index
      %get3A_172 = arith.constant 0 : index
      %get3A_173 = vector.load %arg5[%get3A_171, %get3A_172] : memref<16x256xf32, #tpu.memory_space<vmem>>, vector<1x256xf32>
      %get3A_174 = arith.index_cast %while3A_164 : i32 to index
      %get3A_175 = arith.constant 0 : index
      %get3A_176 = vector.load %arg7[%get3A_174, %get3A_175] : memref<16x256xi32, #tpu.memory_space<vmem>>, vector<1x256xi32>
      %mul3A_177 = arith.constant 256 : i32
      %mul3A_178 = arith.muli %while3A_164, %mul3A_177 : i32
      %convert_element_type3A_179 = arith.sitofp %mul3A_178 : i32 to f32
      %dot_general3A = arith.constant dense<0.000000e+00> : vector<256x256xf32>
      %dot_general3A_180 = tpu.matmul %get3A_7, %get3A_170, %dot_general3A {dimension_numbers = #tpu.dot_dimension_numbers<[1], [1], [0], [0], [0, 0, 1, 0], [], []>, transpose_lhs_hint = false} : vector<256x128xf32>, vector<256x128xf32>, vector<256x256xf32> -> vector<256x256xf32>
      %broadcast_in_dim3A_181 = vector.shape_cast %get3A_12 : vector<256xf32> to vector<256x1xf32>
      %mul3A_182 = arith.constant 2.000000e+00 : f32
      %mul3A_183 = vector.broadcast %mul3A_182 : f32 to vector<256x256xf32>
      %mul3A_184 = arith.mulf %mul3A_183, %dot_general3A_180 : vector<256x256xf32>
      %sub3A_185 = vector.broadcast %broadcast_in_dim3A_181 : vector<256x1xf32> to vector<256x256xf32>
      %sub3A_186 = arith.subf %sub3A_185, %mul3A_184 : vector<256x256xf32>
      %add3A_187 = vector.broadcast %get3A_173 : vector<1x256xf32> to vector<256x256xf32>
      %add3A_188 = arith.addf %sub3A_186, %add3A_187 : vector<256x256xf32>
      %broadcast_in_dim3A_189 = vector.shape_cast %get3A_17 : vector<256xi32> to vector<256x1xi32>
      %eq3A_190 = vector.broadcast %broadcast_in_dim3A_189 : vector<256x1xi32> to vector<256x256xi32>
      %eq3A_191 = vector.broadcast %get3A_176 : vector<1x256xi32> to vector<256x256xi32>
      %eq3A_192 = arith.cmpi eq, %eq3A_190, %eq3A_191 : vector<256x256xi32>
      %jit3A_193 = arith.constant 1.000000e+30 : f32
      %broadcast_in_dim3A_194 = vector.broadcast %jit3A_193 : f32 to vector<256x256xf32>
      %select_n3A_195 = arith.select %eq3A_192, %add3A_188, %broadcast_in_dim3A_194 : vector<256x256xi1>, vector<256x256xf32>
      %reduce_min3A = arith.constant dense<0x7F800000> : vector<256xf32>
      %reduce_min3A_196 = vector.multi_reduction <minimumf>, %select_n3A_195, %reduce_min3A [1] : vector<256x256xf32> to vector<256xf32>
      %broadcast_in_dim3A_197 = vector.shape_cast %reduce_min3A_196 : vector<256xf32> to vector<256x1xf32>
      %eq3A_198 = vector.broadcast %broadcast_in_dim3A_197 : vector<256x1xf32> to vector<256x256xf32>
      %eq3A_199 = arith.cmpf oeq, %select_n3A_195, %eq3A_198 : vector<256x256xf32>
      %jit3A_200 = arith.constant 3.000000e+38 : f32
      %broadcast_in_dim3A_201 = vector.broadcast %jit3A_200 : f32 to vector<256x256xf32>
      %select_n3A_202 = arith.select %eq3A_199, %convert_element_type3A_146, %broadcast_in_dim3A_201 : vector<256x256xi1>, vector<256x256xf32>
      %reduce_min3A_203 = arith.constant dense<0x7F800000> : vector<256xf32>
      %reduce_min3A_204 = vector.multi_reduction <minimumf>, %select_n3A_202, %reduce_min3A_203 [1] : vector<256x256xf32> to vector<256xf32>
      %broadcast_in_dim3A_205 = vector.shape_cast %reduce_min3A_196 : vector<256xf32> to vector<1x256xf32>
      %add3A_206 = vector.broadcast %convert_element_type3A_179 : f32 to vector<256xf32>
      %add3A_207 = arith.addf %add3A_206, %reduce_min3A_204 : vector<256xf32>
      %broadcast_in_dim3A_208 = vector.shape_cast %add3A_207 : vector<256xf32> to vector<1x256xf32>
      %broadcast_in_dim3A_209 = vector.shape_cast %reduce_min3A_204 : vector<256xf32> to vector<256x1xf32>
      %eq3A_210 = vector.broadcast %broadcast_in_dim3A_209 : vector<256x1xf32> to vector<256x256xf32>
      %eq3A_211 = arith.cmpf oeq, %convert_element_type3A_146, %eq3A_210 : vector<256x256xf32>
      %jit3A_212 = arith.constant 3.000000e+38 : f32
      %broadcast_in_dim3A_213 = vector.broadcast %jit3A_212 : f32 to vector<256x256xf32>
      %select_n3A_214 = arith.select %eq3A_211, %broadcast_in_dim3A_213, %select_n3A_195 : vector<256x256xi1>, vector<256x256xf32>
      %reduce_min3A_215 = arith.constant dense<0x7F800000> : vector<256xf32>
      %reduce_min3A_216 = vector.multi_reduction <minimumf>, %select_n3A_214, %reduce_min3A_215 [1] : vector<256x256xf32> to vector<256xf32>
      %broadcast_in_dim3A_217 = vector.shape_cast %reduce_min3A_216 : vector<256xf32> to vector<256x1xf32>
      %eq3A_218 = vector.broadcast %broadcast_in_dim3A_217 : vector<256x1xf32> to vector<256x256xf32>
      %eq3A_219 = arith.cmpf oeq, %select_n3A_214, %eq3A_218 : vector<256x256xf32>
      %jit3A_220 = arith.constant 3.000000e+38 : f32
      %broadcast_in_dim3A_221 = vector.broadcast %jit3A_220 : f32 to vector<256x256xf32>
      %select_n3A_222 = arith.select %eq3A_219, %convert_element_type3A_146, %broadcast_in_dim3A_221 : vector<256x256xi1>, vector<256x256xf32>
      %reduce_min3A_223 = arith.constant dense<0x7F800000> : vector<256xf32>
      %reduce_min3A_224 = vector.multi_reduction <minimumf>, %select_n3A_222, %reduce_min3A_223 [1] : vector<256x256xf32> to vector<256xf32>
      %broadcast_in_dim3A_225 = vector.shape_cast %reduce_min3A_216 : vector<256xf32> to vector<1x256xf32>
      %add3A_226 = vector.broadcast %convert_element_type3A_179 : f32 to vector<256xf32>
      %add3A_227 = arith.addf %add3A_226, %reduce_min3A_224 : vector<256xf32>
      %broadcast_in_dim3A_228 = vector.shape_cast %add3A_227 : vector<256xf32> to vector<1x256xf32>
      %broadcast_in_dim3A_229 = vector.shape_cast %reduce_min3A_224 : vector<256xf32> to vector<256x1xf32>
      %eq3A_230 = vector.broadcast %broadcast_in_dim3A_229 : vector<256x1xf32> to vector<256x256xf32>
      %eq3A_231 = arith.cmpf oeq, %convert_element_type3A_146, %eq3A_230 : vector<256x256xf32>
      %jit3A_232 = arith.constant 3.000000e+38 : f32
      %broadcast_in_dim3A_233 = vector.broadcast %jit3A_232 : f32 to vector<256x256xf32>
      %select_n3A_234 = arith.select %eq3A_231, %broadcast_in_dim3A_233, %select_n3A_214 : vector<256x256xi1>, vector<256x256xf32>
      %reduce_min3A_235 = arith.constant dense<0x7F800000> : vector<256xf32>
      %reduce_min3A_236 = vector.multi_reduction <minimumf>, %select_n3A_234, %reduce_min3A_235 [1] : vector<256x256xf32> to vector<256xf32>
      %broadcast_in_dim3A_237 = vector.shape_cast %reduce_min3A_236 : vector<256xf32> to vector<256x1xf32>
      %eq3A_238 = vector.broadcast %broadcast_in_dim3A_237 : vector<256x1xf32> to vector<256x256xf32>
      %eq3A_239 = arith.cmpf oeq, %select_n3A_234, %eq3A_238 : vector<256x256xf32>
      %jit3A_240 = arith.constant 3.000000e+38 : f32
      %broadcast_in_dim3A_241 = vector.broadcast %jit3A_240 : f32 to vector<256x256xf32>
      %select_n3A_242 = arith.select %eq3A_239, %convert_element_type3A_146, %broadcast_in_dim3A_241 : vector<256x256xi1>, vector<256x256xf32>
      %reduce_min3A_243 = arith.constant dense<0x7F800000> : vector<256xf32>
      %reduce_min3A_244 = vector.multi_reduction <minimumf>, %select_n3A_242, %reduce_min3A_243 [1] : vector<256x256xf32> to vector<256xf32>
      %broadcast_in_dim3A_245 = vector.shape_cast %reduce_min3A_236 : vector<256xf32> to vector<1x256xf32>
      %add3A_246 = vector.broadcast %convert_element_type3A_179 : f32 to vector<256xf32>
      %add3A_247 = arith.addf %add3A_246, %reduce_min3A_244 : vector<256xf32>
      %broadcast_in_dim3A_248 = vector.shape_cast %add3A_247 : vector<256xf32> to vector<1x256xf32>
      %broadcast_in_dim3A_249 = vector.shape_cast %reduce_min3A_244 : vector<256xf32> to vector<256x1xf32>
      %eq3A_250 = vector.broadcast %broadcast_in_dim3A_249 : vector<256x1xf32> to vector<256x256xf32>
      %eq3A_251 = arith.cmpf oeq, %convert_element_type3A_146, %eq3A_250 : vector<256x256xf32>
      %jit3A_252 = arith.constant 3.000000e+38 : f32
      %broadcast_in_dim3A_253 = vector.broadcast %jit3A_252 : f32 to vector<256x256xf32>
      %select_n3A_254 = arith.select %eq3A_251, %broadcast_in_dim3A_253, %select_n3A_234 : vector<256x256xi1>, vector<256x256xf32>
      %reduce_min3A_255 = arith.constant dense<0x7F800000> : vector<256xf32>
      %reduce_min3A_256 = vector.multi_reduction <minimumf>, %select_n3A_254, %reduce_min3A_255 [1] : vector<256x256xf32> to vector<256xf32>
      %broadcast_in_dim3A_257 = vector.shape_cast %reduce_min3A_256 : vector<256xf32> to vector<256x1xf32>
      %eq3A_258 = vector.broadcast %broadcast_in_dim3A_257 : vector<256x1xf32> to vector<256x256xf32>
      %eq3A_259 = arith.cmpf oeq, %select_n3A_254, %eq3A_258 : vector<256x256xf32>
      %jit3A_260 = arith.constant 3.000000e+38 : f32
      %broadcast_in_dim3A_261 = vector.broadcast %jit3A_260 : f32 to vector<256x256xf32>
      %select_n3A_262 = arith.select %eq3A_259, %convert_element_type3A_146, %broadcast_in_dim3A_261 : vector<256x256xi1>, vector<256x256xf32>
      %reduce_min3A_263 = arith.constant dense<0x7F800000> : vector<256xf32>
      %reduce_min3A_264 = vector.multi_reduction <minimumf>, %select_n3A_262, %reduce_min3A_263 [1] : vector<256x256xf32> to vector<256xf32>
      %broadcast_in_dim3A_265 = vector.shape_cast %reduce_min3A_256 : vector<256xf32> to vector<1x256xf32>
      %add3A_266 = vector.broadcast %convert_element_type3A_179 : f32 to vector<256xf32>
      %add3A_267 = arith.addf %add3A_266, %reduce_min3A_264 : vector<256xf32>
      %broadcast_in_dim3A_268 = vector.shape_cast %add3A_267 : vector<256xf32> to vector<1x256xf32>
      %broadcast_in_dim3A_269 = vector.shape_cast %reduce_min3A_264 : vector<256xf32> to vector<256x1xf32>
      %eq3A_270 = vector.broadcast %broadcast_in_dim3A_269 : vector<256x1xf32> to vector<256x256xf32>
      %eq3A_271 = arith.cmpf oeq, %convert_element_type3A_146, %eq3A_270 : vector<256x256xf32>
      %jit3A_272 = arith.constant 3.000000e+38 : f32
      %broadcast_in_dim3A_273 = vector.broadcast %jit3A_272 : f32 to vector<256x256xf32>
      %select_n3A_274 = arith.select %eq3A_271, %broadcast_in_dim3A_273, %select_n3A_254 : vector<256x256xi1>, vector<256x256xf32>
      %reduce_min3A_275 = arith.constant dense<0x7F800000> : vector<256xf32>
      %reduce_min3A_276 = vector.multi_reduction <minimumf>, %select_n3A_274, %reduce_min3A_275 [1] : vector<256x256xf32> to vector<256xf32>
      %broadcast_in_dim3A_277 = vector.shape_cast %reduce_min3A_276 : vector<256xf32> to vector<256x1xf32>
      %eq3A_278 = vector.broadcast %broadcast_in_dim3A_277 : vector<256x1xf32> to vector<256x256xf32>
      %eq3A_279 = arith.cmpf oeq, %select_n3A_274, %eq3A_278 : vector<256x256xf32>
      %jit3A_280 = arith.constant 3.000000e+38 : f32
      %broadcast_in_dim3A_281 = vector.broadcast %jit3A_280 : f32 to vector<256x256xf32>
      %select_n3A_282 = arith.select %eq3A_279, %convert_element_type3A_146, %broadcast_in_dim3A_281 : vector<256x256xi1>, vector<256x256xf32>
      %reduce_min3A_283 = arith.constant dense<0x7F800000> : vector<256xf32>
      %reduce_min3A_284 = vector.multi_reduction <minimumf>, %select_n3A_282, %reduce_min3A_283 [1] : vector<256x256xf32> to vector<256xf32>
      %broadcast_in_dim3A_285 = vector.shape_cast %reduce_min3A_276 : vector<256xf32> to vector<1x256xf32>
      %add3A_286 = vector.broadcast %convert_element_type3A_179 : f32 to vector<256xf32>
      %add3A_287 = arith.addf %add3A_286, %reduce_min3A_284 : vector<256xf32>
      %broadcast_in_dim3A_288 = vector.shape_cast %add3A_287 : vector<256xf32> to vector<1x256xf32>
      %broadcast_in_dim3A_289 = vector.shape_cast %reduce_min3A_284 : vector<256xf32> to vector<256x1xf32>
      %eq3A_290 = vector.broadcast %broadcast_in_dim3A_289 : vector<256x1xf32> to vector<256x256xf32>
      %eq3A_291 = arith.cmpf oeq, %convert_element_type3A_146, %eq3A_290 : vector<256x256xf32>
      %jit3A_292 = arith.constant 3.000000e+38 : f32
      %broadcast_in_dim3A_293 = vector.broadcast %jit3A_292 : f32 to vector<256x256xf32>
      %select_n3A_294 = arith.select %eq3A_291, %broadcast_in_dim3A_293, %select_n3A_274 : vector<256x256xi1>, vector<256x256xf32>
      %reduce_min3A_295 = arith.constant dense<0x7F800000> : vector<256xf32>
      %reduce_min3A_296 = vector.multi_reduction <minimumf>, %select_n3A_294, %reduce_min3A_295 [1] : vector<256x256xf32> to vector<256xf32>
      %broadcast_in_dim3A_297 = vector.shape_cast %reduce_min3A_296 : vector<256xf32> to vector<256x1xf32>
      %eq3A_298 = vector.broadcast %broadcast_in_dim3A_297 : vector<256x1xf32> to vector<256x256xf32>
      %eq3A_299 = arith.cmpf oeq, %select_n3A_294, %eq3A_298 : vector<256x256xf32>
      %jit3A_300 = arith.constant 3.000000e+38 : f32
      %broadcast_in_dim3A_301 = vector.broadcast %jit3A_300 : f32 to vector<256x256xf32>
      %select_n3A_302 = arith.select %eq3A_299, %convert_element_type3A_146, %broadcast_in_dim3A_301 : vector<256x256xi1>, vector<256x256xf32>
      %reduce_min3A_303 = arith.constant dense<0x7F800000> : vector<256xf32>
      %reduce_min3A_304 = vector.multi_reduction <minimumf>, %select_n3A_302, %reduce_min3A_303 [1] : vector<256x256xf32> to vector<256xf32>
      %broadcast_in_dim3A_305 = vector.shape_cast %reduce_min3A_296 : vector<256xf32> to vector<1x256xf32>
      %add3A_306 = vector.broadcast %convert_element_type3A_179 : f32 to vector<256xf32>
      %add3A_307 = arith.addf %add3A_306, %reduce_min3A_304 : vector<256xf32>
      %broadcast_in_dim3A_308 = vector.shape_cast %add3A_307 : vector<256xf32> to vector<1x256xf32>
      %broadcast_in_dim3A_309 = vector.shape_cast %reduce_min3A_304 : vector<256xf32> to vector<256x1xf32>
      %eq3A_310 = vector.broadcast %broadcast_in_dim3A_309 : vector<256x1xf32> to vector<256x256xf32>
      %eq3A_311 = arith.cmpf oeq, %convert_element_type3A_146, %eq3A_310 : vector<256x256xf32>
      %jit3A_312 = arith.constant 3.000000e+38 : f32
      %broadcast_in_dim3A_313 = vector.broadcast %jit3A_312 : f32 to vector<256x256xf32>
      %select_n3A_314 = arith.select %eq3A_311, %broadcast_in_dim3A_313, %select_n3A_294 : vector<256x256xi1>, vector<256x256xf32>
      %reduce_min3A_315 = arith.constant dense<0x7F800000> : vector<256xf32>
      %reduce_min3A_316 = vector.multi_reduction <minimumf>, %select_n3A_314, %reduce_min3A_315 [1] : vector<256x256xf32> to vector<256xf32>
      %broadcast_in_dim3A_317 = vector.shape_cast %reduce_min3A_316 : vector<256xf32> to vector<256x1xf32>
      %eq3A_318 = vector.broadcast %broadcast_in_dim3A_317 : vector<256x1xf32> to vector<256x256xf32>
      %eq3A_319 = arith.cmpf oeq, %select_n3A_314, %eq3A_318 : vector<256x256xf32>
      %jit3A_320 = arith.constant 3.000000e+38 : f32
      %broadcast_in_dim3A_321 = vector.broadcast %jit3A_320 : f32 to vector<256x256xf32>
      %select_n3A_322 = arith.select %eq3A_319, %convert_element_type3A_146, %broadcast_in_dim3A_321 : vector<256x256xi1>, vector<256x256xf32>
      %reduce_min3A_323 = arith.constant dense<0x7F800000> : vector<256xf32>
      %reduce_min3A_324 = vector.multi_reduction <minimumf>, %select_n3A_322, %reduce_min3A_323 [1] : vector<256x256xf32> to vector<256xf32>
      %broadcast_in_dim3A_325 = vector.shape_cast %reduce_min3A_316 : vector<256xf32> to vector<1x256xf32>
      %add3A_326 = vector.broadcast %convert_element_type3A_179 : f32 to vector<256xf32>
      %add3A_327 = arith.addf %add3A_326, %reduce_min3A_324 : vector<256xf32>
      %broadcast_in_dim3A_328 = vector.shape_cast %add3A_327 : vector<256xf32> to vector<1x256xf32>
      %broadcast_in_dim3A_329 = vector.shape_cast %reduce_min3A_324 : vector<256xf32> to vector<256x1xf32>
      %eq3A_330 = vector.broadcast %broadcast_in_dim3A_329 : vector<256x1xf32> to vector<256x256xf32>
      %eq3A_331 = arith.cmpf oeq, %convert_element_type3A_146, %eq3A_330 : vector<256x256xf32>
      %jit3A_332 = arith.constant 3.000000e+38 : f32
      %broadcast_in_dim3A_333 = vector.broadcast %jit3A_332 : f32 to vector<256x256xf32>
      %select_n3A_334 = arith.select %eq3A_331, %broadcast_in_dim3A_333, %select_n3A_314 : vector<256x256xi1>, vector<256x256xf32>
      %reduce_min3A_335 = arith.constant dense<0x7F800000> : vector<256xf32>
      %reduce_min3A_336 = vector.multi_reduction <minimumf>, %select_n3A_334, %reduce_min3A_335 [1] : vector<256x256xf32> to vector<256xf32>
      %broadcast_in_dim3A_337 = vector.shape_cast %reduce_min3A_336 : vector<256xf32> to vector<256x1xf32>
      %eq3A_338 = vector.broadcast %broadcast_in_dim3A_337 : vector<256x1xf32> to vector<256x256xf32>
      %eq3A_339 = arith.cmpf oeq, %select_n3A_334, %eq3A_338 : vector<256x256xf32>
      %jit3A_340 = arith.constant 3.000000e+38 : f32
      %broadcast_in_dim3A_341 = vector.broadcast %jit3A_340 : f32 to vector<256x256xf32>
      %select_n3A_342 = arith.select %eq3A_339, %convert_element_type3A_146, %broadcast_in_dim3A_341 : vector<256x256xi1>, vector<256x256xf32>
      %reduce_min3A_343 = arith.constant dense<0x7F800000> : vector<256xf32>
      %reduce_min3A_344 = vector.multi_reduction <minimumf>, %select_n3A_342, %reduce_min3A_343 [1] : vector<256x256xf32> to vector<256xf32>
      %broadcast_in_dim3A_345 = vector.shape_cast %reduce_min3A_336 : vector<256xf32> to vector<1x256xf32>
      %add3A_346 = vector.broadcast %convert_element_type3A_179 : f32 to vector<256xf32>
      %add3A_347 = arith.addf %add3A_346, %reduce_min3A_344 : vector<256xf32>
      %broadcast_in_dim3A_348 = vector.shape_cast %add3A_347 : vector<256xf32> to vector<1x256xf32>
      %broadcast_in_dim3A_349 = vector.shape_cast %reduce_min3A_344 : vector<256xf32> to vector<256x1xf32>
      %eq3A_350 = vector.broadcast %broadcast_in_dim3A_349 : vector<256x1xf32> to vector<256x256xf32>
      %eq3A_351 = arith.cmpf oeq, %convert_element_type3A_146, %eq3A_350 : vector<256x256xf32>
      %jit3A_352 = arith.constant 3.000000e+38 : f32
      %broadcast_in_dim3A_353 = vector.broadcast %jit3A_352 : f32 to vector<256x256xf32>
      %select_n3A_354 = arith.select %eq3A_351, %broadcast_in_dim3A_353, %select_n3A_334 : vector<256x256xi1>, vector<256x256xf32>
      %concatenate3A_355 = tpu.concatenate %while3A_165, %broadcast_in_dim3A_205, %broadcast_in_dim3A_225, %broadcast_in_dim3A_245, %broadcast_in_dim3A_265, %broadcast_in_dim3A_285, %broadcast_in_dim3A_305, %broadcast_in_dim3A_325, %broadcast_in_dim3A_345 in 0 : vector<8x256xf32>, vector<1x256xf32>, vector<1x256xf32>, vector<1x256xf32>, vector<1x256xf32>, vector<1x256xf32>, vector<1x256xf32>, vector<1x256xf32>, vector<1x256xf32> -> vector<16x256xf32>
      %concatenate3A_356 = tpu.concatenate %while3A_166, %broadcast_in_dim3A_208, %broadcast_in_dim3A_228, %broadcast_in_dim3A_248, %broadcast_in_dim3A_268, %broadcast_in_dim3A_288, %broadcast_in_dim3A_308, %broadcast_in_dim3A_328, %broadcast_in_dim3A_348 in 0 : vector<8x256xf32>, vector<1x256xf32>, vector<1x256xf32>, vector<1x256xf32>, vector<1x256xf32>, vector<1x256xf32>, vector<1x256xf32>, vector<1x256xf32>, vector<1x256xf32> -> vector<16x256xf32>
      %reduce_min3A_357 = arith.constant dense<0x7F800000> : vector<256xf32>
      %reduce_min3A_358 = vector.multi_reduction <minimumf>, %concatenate3A_355, %reduce_min3A_357 [0] : vector<16x256xf32> to vector<256xf32>
      %broadcast_in_dim3A_359 = vector.shape_cast %reduce_min3A_358 : vector<256xf32> to vector<1x256xf32>
      %eq3A_360 = vector.broadcast %broadcast_in_dim3A_359 : vector<1x256xf32> to vector<16x256xf32>
      %eq3A_361 = arith.cmpf oeq, %concatenate3A_355, %eq3A_360 : vector<16x256xf32>
      %jit3A_362 = arith.constant 3.000000e+38 : f32
      %broadcast_in_dim3A_363 = vector.broadcast %jit3A_362 : f32 to vector<16x256xf32>
      %select_n3A_364 = arith.select %eq3A_361, %convert_element_type3A_148, %broadcast_in_dim3A_363 : vector<16x256xi1>, vector<16x256xf32>
      %reduce_min3A_365 = arith.constant dense<0x7F800000> : vector<256xf32>
      %reduce_min3A_366 = vector.multi_reduction <minimumf>, %select_n3A_364, %reduce_min3A_365 [0] : vector<16x256xf32> to vector<256xf32>
      %broadcast_in_dim3A_367 = vector.shape_cast %reduce_min3A_366 : vector<256xf32> to vector<1x256xf32>
      %eq3A_368 = vector.broadcast %broadcast_in_dim3A_367 : vector<1x256xf32> to vector<16x256xf32>
      %eq3A_369 = arith.cmpf oeq, %convert_element_type3A_148, %eq3A_368 : vector<16x256xf32>
      %broadcast_in_dim3A_370 = vector.shape_cast %reduce_min3A_358 : vector<256xf32> to vector<1x256xf32>
      %jit3A_371 = arith.constant 3.000000e+38 : f32
      %broadcast_in_dim3A_372 = vector.broadcast %jit3A_371 : f32 to vector<16x256xf32>
      %select_n3A_373 = arith.select %eq3A_369, %concatenate3A_356, %broadcast_in_dim3A_372 : vector<16x256xi1>, vector<16x256xf32>
      %reduce_min3A_374 = arith.constant dense<0x7F800000> : vector<256xf32>
      %reduce_min3A_375 = vector.multi_reduction <minimumf>, %select_n3A_373, %reduce_min3A_374 [0] : vector<16x256xf32> to vector<256xf32>
      %broadcast_in_dim3A_376 = vector.shape_cast %reduce_min3A_375 : vector<256xf32> to vector<1x256xf32>
      %jit3A_377 = arith.constant 3.000000e+38 : f32
      %broadcast_in_dim3A_378 = vector.broadcast %jit3A_377 : f32 to vector<16x256xf32>
      %select_n3A_379 = arith.select %eq3A_369, %broadcast_in_dim3A_378, %concatenate3A_355 : vector<16x256xi1>, vector<16x256xf32>
      %reduce_min3A_380 = arith.constant dense<0x7F800000> : vector<256xf32>
      %reduce_min3A_381 = vector.multi_reduction <minimumf>, %select_n3A_379, %reduce_min3A_380 [0] : vector<16x256xf32> to vector<256xf32>
      %broadcast_in_dim3A_382 = vector.shape_cast %reduce_min3A_381 : vector<256xf32> to vector<1x256xf32>
      %eq3A_383 = vector.broadcast %broadcast_in_dim3A_382 : vector<1x256xf32> to vector<16x256xf32>
      %eq3A_384 = arith.cmpf oeq, %select_n3A_379, %eq3A_383 : vector<16x256xf32>
      %jit3A_385 = arith.constant 3.000000e+38 : f32
      %broadcast_in_dim3A_386 = vector.broadcast %jit3A_385 : f32 to vector<16x256xf32>
      %select_n3A_387 = arith.select %eq3A_384, %convert_element_type3A_148, %broadcast_in_dim3A_386 : vector<16x256xi1>, vector<16x256xf32>
      %reduce_min3A_388 = arith.constant dense<0x7F800000> : vector<256xf32>
      %reduce_min3A_389 = vector.multi_reduction <minimumf>, %select_n3A_387, %reduce_min3A_388 [0] : vector<16x256xf32> to vector<256xf32>
      %broadcast_in_dim3A_390 = vector.shape_cast %reduce_min3A_389 : vector<256xf32> to vector<1x256xf32>
      %eq3A_391 = vector.broadcast %broadcast_in_dim3A_390 : vector<1x256xf32> to vector<16x256xf32>
      %eq3A_392 = arith.cmpf oeq, %convert_element_type3A_148, %eq3A_391 : vector<16x256xf32>
      %broadcast_in_dim3A_393 = vector.shape_cast %reduce_min3A_381 : vector<256xf32> to vector<1x256xf32>
      %jit3A_394 = arith.constant 3.000000e+38 : f32
      %broadcast_in_dim3A_395 = vector.broadcast %jit3A_394 : f32 to vector<16x256xf32>
      %select_n3A_396 = arith.select %eq3A_392, %concatenate3A_356, %broadcast_in_dim3A_395 : vector<16x256xi1>, vector<16x256xf32>
      %reduce_min3A_397 = arith.constant dense<0x7F800000> : vector<256xf32>
      %reduce_min3A_398 = vector.multi_reduction <minimumf>, %select_n3A_396, %reduce_min3A_397 [0] : vector<16x256xf32> to vector<256xf32>
      %broadcast_in_dim3A_399 = vector.shape_cast %reduce_min3A_398 : vector<256xf32> to vector<1x256xf32>
      %jit3A_400 = arith.constant 3.000000e+38 : f32
      %broadcast_in_dim3A_401 = vector.broadcast %jit3A_400 : f32 to vector<16x256xf32>
      %select_n3A_402 = arith.select %eq3A_392, %broadcast_in_dim3A_401, %select_n3A_379 : vector<16x256xi1>, vector<16x256xf32>
      %reduce_min3A_403 = arith.constant dense<0x7F800000> : vector<256xf32>
      %reduce_min3A_404 = vector.multi_reduction <minimumf>, %select_n3A_402, %reduce_min3A_403 [0] : vector<16x256xf32> to vector<256xf32>
      %broadcast_in_dim3A_405 = vector.shape_cast %reduce_min3A_404 : vector<256xf32> to vector<1x256xf32>
      %eq3A_406 = vector.broadcast %broadcast_in_dim3A_405 : vector<1x256xf32> to vector<16x256xf32>
      %eq3A_407 = arith.cmpf oeq, %select_n3A_402, %eq3A_406 : vector<16x256xf32>
      %jit3A_408 = arith.constant 3.000000e+38 : f32
      %broadcast_in_dim3A_409 = vector.broadcast %jit3A_408 : f32 to vector<16x256xf32>
      %select_n3A_410 = arith.select %eq3A_407, %convert_element_type3A_148, %broadcast_in_dim3A_409 : vector<16x256xi1>, vector<16x256xf32>
      %reduce_min3A_411 = arith.constant dense<0x7F800000> : vector<256xf32>
      %reduce_min3A_412 = vector.multi_reduction <minimumf>, %select_n3A_410, %reduce_min3A_411 [0] : vector<16x256xf32> to vector<256xf32>
      %broadcast_in_dim3A_413 = vector.shape_cast %reduce_min3A_412 : vector<256xf32> to vector<1x256xf32>
      %eq3A_414 = vector.broadcast %broadcast_in_dim3A_413 : vector<1x256xf32> to vector<16x256xf32>
      %eq3A_415 = arith.cmpf oeq, %convert_element_type3A_148, %eq3A_414 : vector<16x256xf32>
      %broadcast_in_dim3A_416 = vector.shape_cast %reduce_min3A_404 : vector<256xf32> to vector<1x256xf32>
      %jit3A_417 = arith.constant 3.000000e+38 : f32
      %broadcast_in_dim3A_418 = vector.broadcast %jit3A_417 : f32 to vector<16x256xf32>
      %select_n3A_419 = arith.select %eq3A_415, %concatenate3A_356, %broadcast_in_dim3A_418 : vector<16x256xi1>, vector<16x256xf32>
      %reduce_min3A_420 = arith.constant dense<0x7F800000> : vector<256xf32>
      %reduce_min3A_421 = vector.multi_reduction <minimumf>, %select_n3A_419, %reduce_min3A_420 [0] : vector<16x256xf32> to vector<256xf32>
      %broadcast_in_dim3A_422 = vector.shape_cast %reduce_min3A_421 : vector<256xf32> to vector<1x256xf32>
      %jit3A_423 = arith.constant 3.000000e+38 : f32
      %broadcast_in_dim3A_424 = vector.broadcast %jit3A_423 : f32 to vector<16x256xf32>
      %select_n3A_425 = arith.select %eq3A_415, %broadcast_in_dim3A_424, %select_n3A_402 : vector<16x256xi1>, vector<16x256xf32>
      %reduce_min3A_426 = arith.constant dense<0x7F800000> : vector<256xf32>
      %reduce_min3A_427 = vector.multi_reduction <minimumf>, %select_n3A_425, %reduce_min3A_426 [0] : vector<16x256xf32> to vector<256xf32>
      %broadcast_in_dim3A_428 = vector.shape_cast %reduce_min3A_427 : vector<256xf32> to vector<1x256xf32>
      %eq3A_429 = vector.broadcast %broadcast_in_dim3A_428 : vector<1x256xf32> to vector<16x256xf32>
      %eq3A_430 = arith.cmpf oeq, %select_n3A_425, %eq3A_429 : vector<16x256xf32>
      %jit3A_431 = arith.constant 3.000000e+38 : f32
      %broadcast_in_dim3A_432 = vector.broadcast %jit3A_431 : f32 to vector<16x256xf32>
      %select_n3A_433 = arith.select %eq3A_430, %convert_element_type3A_148, %broadcast_in_dim3A_432 : vector<16x256xi1>, vector<16x256xf32>
      %reduce_min3A_434 = arith.constant dense<0x7F800000> : vector<256xf32>
      %reduce_min3A_435 = vector.multi_reduction <minimumf>, %select_n3A_433, %reduce_min3A_434 [0] : vector<16x256xf32> to vector<256xf32>
      %broadcast_in_dim3A_436 = vector.shape_cast %reduce_min3A_435 : vector<256xf32> to vector<1x256xf32>
      %eq3A_437 = vector.broadcast %broadcast_in_dim3A_436 : vector<1x256xf32> to vector<16x256xf32>
      %eq3A_438 = arith.cmpf oeq, %convert_element_type3A_148, %eq3A_437 : vector<16x256xf32>
      %broadcast_in_dim3A_439 = vector.shape_cast %reduce_min3A_427 : vector<256xf32> to vector<1x256xf32>
      %jit3A_440 = arith.constant 3.000000e+38 : f32
      %broadcast_in_dim3A_441 = vector.broadcast %jit3A_440 : f32 to vector<16x256xf32>
      %select_n3A_442 = arith.select %eq3A_438, %concatenate3A_356, %broadcast_in_dim3A_441 : vector<16x256xi1>, vector<16x256xf32>
      %reduce_min3A_443 = arith.constant dense<0x7F800000> : vector<256xf32>
      %reduce_min3A_444 = vector.multi_reduction <minimumf>, %select_n3A_442, %reduce_min3A_443 [0] : vector<16x256xf32> to vector<256xf32>
      %broadcast_in_dim3A_445 = vector.shape_cast %reduce_min3A_444 : vector<256xf32> to vector<1x256xf32>
      %jit3A_446 = arith.constant 3.000000e+38 : f32
      %broadcast_in_dim3A_447 = vector.broadcast %jit3A_446 : f32 to vector<16x256xf32>
      %select_n3A_448 = arith.select %eq3A_438, %broadcast_in_dim3A_447, %select_n3A_425 : vector<16x256xi1>, vector<16x256xf32>
      %reduce_min3A_449 = arith.constant dense<0x7F800000> : vector<256xf32>
      %reduce_min3A_450 = vector.multi_reduction <minimumf>, %select_n3A_448, %reduce_min3A_449 [0] : vector<16x256xf32> to vector<256xf32>
      %broadcast_in_dim3A_451 = vector.shape_cast %reduce_min3A_450 : vector<256xf32> to vector<1x256xf32>
      %eq3A_452 = vector.broadcast %broadcast_in_dim3A_451 : vector<1x256xf32> to vector<16x256xf32>
      %eq3A_453 = arith.cmpf oeq, %select_n3A_448, %eq3A_452 : vector<16x256xf32>
      %jit3A_454 = arith.constant 3.000000e+38 : f32
      %broadcast_in_dim3A_455 = vector.broadcast %jit3A_454 : f32 to vector<16x256xf32>
      %select_n3A_456 = arith.select %eq3A_453, %convert_element_type3A_148, %broadcast_in_dim3A_455 : vector<16x256xi1>, vector<16x256xf32>
      %reduce_min3A_457 = arith.constant dense<0x7F800000> : vector<256xf32>
      %reduce_min3A_458 = vector.multi_reduction <minimumf>, %select_n3A_456, %reduce_min3A_457 [0] : vector<16x256xf32> to vector<256xf32>
      %broadcast_in_dim3A_459 = vector.shape_cast %reduce_min3A_458 : vector<256xf32> to vector<1x256xf32>
      %eq3A_460 = vector.broadcast %broadcast_in_dim3A_459 : vector<1x256xf32> to vector<16x256xf32>
      %eq3A_461 = arith.cmpf oeq, %convert_element_type3A_148, %eq3A_460 : vector<16x256xf32>
      %broadcast_in_dim3A_462 = vector.shape_cast %reduce_min3A_450 : vector<256xf32> to vector<1x256xf32>
      %jit3A_463 = arith.constant 3.000000e+38 : f32
      %broadcast_in_dim3A_464 = vector.broadcast %jit3A_463 : f32 to vector<16x256xf32>
      %select_n3A_465 = arith.select %eq3A_461, %concatenate3A_356, %broadcast_in_dim3A_464 : vector<16x256xi1>, vector<16x256xf32>
      %reduce_min3A_466 = arith.constant dense<0x7F800000> : vector<256xf32>
      %reduce_min3A_467 = vector.multi_reduction <minimumf>, %select_n3A_465, %reduce_min3A_466 [0] : vector<16x256xf32> to vector<256xf32>
      %broadcast_in_dim3A_468 = vector.shape_cast %reduce_min3A_467 : vector<256xf32> to vector<1x256xf32>
      %jit3A_469 = arith.constant 3.000000e+38 : f32
      %broadcast_in_dim3A_470 = vector.broadcast %jit3A_469 : f32 to vector<16x256xf32>
      %select_n3A_471 = arith.select %eq3A_461, %broadcast_in_dim3A_470, %select_n3A_448 : vector<16x256xi1>, vector<16x256xf32>
      %reduce_min3A_472 = arith.constant dense<0x7F800000> : vector<256xf32>
      %reduce_min3A_473 = vector.multi_reduction <minimumf>, %select_n3A_471, %reduce_min3A_472 [0] : vector<16x256xf32> to vector<256xf32>
      %broadcast_in_dim3A_474 = vector.shape_cast %reduce_min3A_473 : vector<256xf32> to vector<1x256xf32>
      %eq3A_475 = vector.broadcast %broadcast_in_dim3A_474 : vector<1x256xf32> to vector<16x256xf32>
      %eq3A_476 = arith.cmpf oeq, %select_n3A_471, %eq3A_475 : vector<16x256xf32>
      %jit3A_477 = arith.constant 3.000000e+38 : f32
      %broadcast_in_dim3A_478 = vector.broadcast %jit3A_477 : f32 to vector<16x256xf32>
      %select_n3A_479 = arith.select %eq3A_476, %convert_element_type3A_148, %broadcast_in_dim3A_478 : vector<16x256xi1>, vector<16x256xf32>
      %reduce_min3A_480 = arith.constant dense<0x7F800000> : vector<256xf32>
      %reduce_min3A_481 = vector.multi_reduction <minimumf>, %select_n3A_479, %reduce_min3A_480 [0] : vector<16x256xf32> to vector<256xf32>
      %broadcast_in_dim3A_482 = vector.shape_cast %reduce_min3A_481 : vector<256xf32> to vector<1x256xf32>
      %eq3A_483 = vector.broadcast %broadcast_in_dim3A_482 : vector<1x256xf32> to vector<16x256xf32>
      %eq3A_484 = arith.cmpf oeq, %convert_element_type3A_148, %eq3A_483 : vector<16x256xf32>
      %broadcast_in_dim3A_485 = vector.shape_cast %reduce_min3A_473 : vector<256xf32> to vector<1x256xf32>
      %jit3A_486 = arith.constant 3.000000e+38 : f32
      %broadcast_in_dim3A_487 = vector.broadcast %jit3A_486 : f32 to vector<16x256xf32>
      %select_n3A_488 = arith.select %eq3A_484, %concatenate3A_356, %broadcast_in_dim3A_487 : vector<16x256xi1>, vector<16x256xf32>
      %reduce_min3A_489 = arith.constant dense<0x7F800000> : vector<256xf32>
      %reduce_min3A_490 = vector.multi_reduction <minimumf>, %select_n3A_488, %reduce_min3A_489 [0] : vector<16x256xf32> to vector<256xf32>
      %broadcast_in_dim3A_491 = vector.shape_cast %reduce_min3A_490 : vector<256xf32> to vector<1x256xf32>
      %jit3A_492 = arith.constant 3.000000e+38 : f32
      %broadcast_in_dim3A_493 = vector.broadcast %jit3A_492 : f32 to vector<16x256xf32>
      %select_n3A_494 = arith.select %eq3A_484, %broadcast_in_dim3A_493, %select_n3A_471 : vector<16x256xi1>, vector<16x256xf32>
      %reduce_min3A_495 = arith.constant dense<0x7F800000> : vector<256xf32>
      %reduce_min3A_496 = vector.multi_reduction <minimumf>, %select_n3A_494, %reduce_min3A_495 [0] : vector<16x256xf32> to vector<256xf32>
      %broadcast_in_dim3A_497 = vector.shape_cast %reduce_min3A_496 : vector<256xf32> to vector<1x256xf32>
      %eq3A_498 = vector.broadcast %broadcast_in_dim3A_497 : vector<1x256xf32> to vector<16x256xf32>
      %eq3A_499 = arith.cmpf oeq, %select_n3A_494, %eq3A_498 : vector<16x256xf32>
      %jit3A_500 = arith.constant 3.000000e+38 : f32
      %broadcast_in_dim3A_501 = vector.broadcast %jit3A_500 : f32 to vector<16x256xf32>
      %select_n3A_502 = arith.select %eq3A_499, %convert_element_type3A_148, %broadcast_in_dim3A_501 : vector<16x256xi1>, vector<16x256xf32>
      %reduce_min3A_503 = arith.constant dense<0x7F800000> : vector<256xf32>
      %reduce_min3A_504 = vector.multi_reduction <minimumf>, %select_n3A_502, %reduce_min3A_503 [0] : vector<16x256xf32> to vector<256xf32>
      %broadcast_in_dim3A_505 = vector.shape_cast %reduce_min3A_504 : vector<256xf32> to vector<1x256xf32>
      %eq3A_506 = vector.broadcast %broadcast_in_dim3A_505 : vector<1x256xf32> to vector<16x256xf32>
      %eq3A_507 = arith.cmpf oeq, %convert_element_type3A_148, %eq3A_506 : vector<16x256xf32>
      %broadcast_in_dim3A_508 = vector.shape_cast %reduce_min3A_496 : vector<256xf32> to vector<1x256xf32>
      %jit3A_509 = arith.constant 3.000000e+38 : f32
      %broadcast_in_dim3A_510 = vector.broadcast %jit3A_509 : f32 to vector<16x256xf32>
      %select_n3A_511 = arith.select %eq3A_507, %concatenate3A_356, %broadcast_in_dim3A_510 : vector<16x256xi1>, vector<16x256xf32>
      %reduce_min3A_512 = arith.constant dense<0x7F800000> : vector<256xf32>
      %reduce_min3A_513 = vector.multi_reduction <minimumf>, %select_n3A_511, %reduce_min3A_512 [0] : vector<16x256xf32> to vector<256xf32>
      %broadcast_in_dim3A_514 = vector.shape_cast %reduce_min3A_513 : vector<256xf32> to vector<1x256xf32>
      %jit3A_515 = arith.constant 3.000000e+38 : f32
      %broadcast_in_dim3A_516 = vector.broadcast %jit3A_515 : f32 to vector<16x256xf32>
      %select_n3A_517 = arith.select %eq3A_507, %broadcast_in_dim3A_516, %select_n3A_494 : vector<16x256xi1>, vector<16x256xf32>
      %reduce_min3A_518 = arith.constant dense<0x7F800000> : vector<256xf32>
      %reduce_min3A_519 = vector.multi_reduction <minimumf>, %select_n3A_517, %reduce_min3A_518 [0] : vector<16x256xf32> to vector<256xf32>
      %broadcast_in_dim3A_520 = vector.shape_cast %reduce_min3A_519 : vector<256xf32> to vector<1x256xf32>
      %eq3A_521 = vector.broadcast %broadcast_in_dim3A_520 : vector<1x256xf32> to vector<16x256xf32>
      %eq3A_522 = arith.cmpf oeq, %select_n3A_517, %eq3A_521 : vector<16x256xf32>
      %jit3A_523 = arith.constant 3.000000e+38 : f32
      %broadcast_in_dim3A_524 = vector.broadcast %jit3A_523 : f32 to vector<16x256xf32>
      %select_n3A_525 = arith.select %eq3A_522, %convert_element_type3A_148, %broadcast_in_dim3A_524 : vector<16x256xi1>, vector<16x256xf32>
      %reduce_min3A_526 = arith.constant dense<0x7F800000> : vector<256xf32>
      %reduce_min3A_527 = vector.multi_reduction <minimumf>, %select_n3A_525, %reduce_min3A_526 [0] : vector<16x256xf32> to vector<256xf32>
      %broadcast_in_dim3A_528 = vector.shape_cast %reduce_min3A_527 : vector<256xf32> to vector<1x256xf32>
      %eq3A_529 = vector.broadcast %broadcast_in_dim3A_528 : vector<1x256xf32> to vector<16x256xf32>
      %eq3A_530 = arith.cmpf oeq, %convert_element_type3A_148, %eq3A_529 : vector<16x256xf32>
      %broadcast_in_dim3A_531 = vector.shape_cast %reduce_min3A_519 : vector<256xf32> to vector<1x256xf32>
      %jit3A_532 = arith.constant 3.000000e+38 : f32
      %broadcast_in_dim3A_533 = vector.broadcast %jit3A_532 : f32 to vector<16x256xf32>
      %select_n3A_534 = arith.select %eq3A_530, %concatenate3A_356, %broadcast_in_dim3A_533 : vector<16x256xi1>, vector<16x256xf32>
      %reduce_min3A_535 = arith.constant dense<0x7F800000> : vector<256xf32>
      %reduce_min3A_536 = vector.multi_reduction <minimumf>, %select_n3A_534, %reduce_min3A_535 [0] : vector<16x256xf32> to vector<256xf32>
      %broadcast_in_dim3A_537 = vector.shape_cast %reduce_min3A_536 : vector<256xf32> to vector<1x256xf32>
      %jit3A_538 = arith.constant 3.000000e+38 : f32
      %broadcast_in_dim3A_539 = vector.broadcast %jit3A_538 : f32 to vector<16x256xf32>
      %select_n3A_540 = arith.select %eq3A_530, %broadcast_in_dim3A_539, %select_n3A_517 : vector<16x256xi1>, vector<16x256xf32>
      %concatenate3A_541 = tpu.concatenate %broadcast_in_dim3A_370, %broadcast_in_dim3A_393, %broadcast_in_dim3A_416, %broadcast_in_dim3A_439, %broadcast_in_dim3A_462, %broadcast_in_dim3A_485, %broadcast_in_dim3A_508, %broadcast_in_dim3A_531 in 0 : vector<1x256xf32>, vector<1x256xf32>, vector<1x256xf32>, vector<1x256xf32>, vector<1x256xf32>, vector<1x256xf32>, vector<1x256xf32>, vector<1x256xf32> -> vector<8x256xf32>
      %concatenate3A_542 = tpu.concatenate %broadcast_in_dim3A_376, %broadcast_in_dim3A_399, %broadcast_in_dim3A_422, %broadcast_in_dim3A_445, %broadcast_in_dim3A_468, %broadcast_in_dim3A_491, %broadcast_in_dim3A_514, %broadcast_in_dim3A_537 in 0 : vector<1x256xf32>, vector<1x256xf32>, vector<1x256xf32>, vector<1x256xf32>, vector<1x256xf32>, vector<1x256xf32>, vector<1x256xf32>, vector<1x256xf32> -> vector<8x256xf32>
      scf.yield %concatenate3A_541, %concatenate3A_542 : vector<8x256xf32>, vector<8x256xf32>
    }
    %convert_element_type3A_158 = arith.fptosi %while3A_157#1 : vector<8x256xf32> to vector<8x256xi32>
    %broadcast_in_dim3A_159 = vector.shape_cast %convert_element_type3A_158 : vector<8x256xi32> to vector<8x1x1x256xi32>
    %swap3A = arith.constant 0 : index
    %swap3A_160 = arith.constant 0 : index
    %swap3A_161 = arith.constant 0 : index
    %swap3A_162 = arith.constant 0 : index
    %swap3A_163 = vector.load %arg9[%swap3A, %swap3A_160, %swap3A_161, %swap3A_162] : memref<8x1x1x256xi32, #tpu.memory_space<vmem>>, vector<8x1x1x256xi32>
    tpu.vector_store %arg9[%swap3A, %swap3A_160, %swap3A_161, %swap3A_162], %broadcast_in_dim3A_159 {strides = array<i32>} : memref<8x1x1x256xi32, #tpu.memory_space<vmem>>, vector<8x1x1x256xi32>,
    return
  }
  func.func @transform_0(%arg0: i32, %arg1: memref<32x2xi32, #tpu.memory_space<smem>>) -> (i32, i32) {
    %c0_i32 = arith.constant 0 : i32
    %c0_i32_0 = arith.constant 0 : i32
    return %arg0, %c0_i32 : i32, i32
  }
  func.func @transform_1(%arg0: i32, %arg1: memref<32x2xi32, #tpu.memory_space<smem>>) -> (i32, i32) {
    %c0_i32 = arith.constant 0 : i32
    %c0_i32_0 = arith.constant 0 : i32
    %c0_i32_1 = arith.constant 0 : i32
    return %c0_i32, %c0_i32_0 : i32, i32
  }
  func.func @transform_2(%arg0: i32, %arg1: memref<32x2xi32, #tpu.memory_space<smem>>) -> (i32, i32, i32) {
    %c0_i32 = arith.constant 0 : i32
    %c0_i32_0 = arith.constant 0 : i32
    %c0_i32_1 = arith.constant 0 : i32
    return %arg0, %c0_i32, %c0_i32_0 : i32, i32, i32
  }
  func.func @transform_3(%arg0: i32, %arg1: memref<32x2xi32, #tpu.memory_space<smem>>) -> (i32, i32) {
    %c0_i32 = arith.constant 0 : i32
    %c0_i32_0 = arith.constant 0 : i32
    %c0_i32_1 = arith.constant 0 : i32
    return %c0_i32, %c0_i32_0 : i32, i32
  }
  func.func @transform_4(%arg0: i32, %arg1: memref<32x2xi32, #tpu.memory_space<smem>>) -> (i32, i32, i32) {
    %c0_i32 = arith.constant 0 : i32
    %c0_i32_0 = arith.constant 0 : i32
    %c0_i32_1 = arith.constant 0 : i32
    return %arg0, %c0_i32, %c0_i32_0 : i32, i32, i32
  }
  func.func @transform_5(%arg0: i32, %arg1: memref<32x2xi32, #tpu.memory_space<smem>>) -> (i32, i32) {
    %c0_i32 = arith.constant 0 : i32
    %c0_i32_0 = arith.constant 0 : i32
    %c0_i32_1 = arith.constant 0 : i32
    return %c0_i32, %c0_i32_0 : i32, i32
  }
  func.func @transform_6(%arg0: i32, %arg1: memref<32x2xi32, #tpu.memory_space<smem>>) -> (i32, i32) {
    %c0_i32 = arith.constant 0 : i32
    %c0_i32_0 = arith.constant 0 : i32
    %c0_i32_1 = arith.constant 0 : i32
    return %c0_i32, %c0_i32_0 : i32, i32
  }
  func.func @transform_7(%arg0: i32, %arg1: memref<32x2xi32, #tpu.memory_space<smem>>) -> (i32, i32, i32, i32) {
    %c0_i32 = arith.constant 0 : i32
    %c0_i32_0 = arith.constant 0 : i32
    %c0_i32_1 = arith.constant 0 : i32
    %c0_i32_2 = arith.constant 0 : i32
    return %c0_i32, %arg0, %c0_i32_0, %c0_i32_1 : i32, i32, i32, i32
  }
}

module attributes {stable_mosaic.version = 14 : i64} {
  func.func @_edge_body(%arg0: i32, %arg1: memref<256x128xf32, #tpu.memory_space<vmem>>, %arg2: memref<8x256x128xf32, #tpu.memory_space<vmem>>, %arg3: memref<256x128xf32, #tpu.memory_space<vmem>>, %arg4: memref<1x128xf32, #tpu.memory_space<vmem>>, %arg5: memref<256x128xf32, #tpu.memory_space<vmem>>) attributes {dimension_semantics = [#tpu.dimension_semantics<arbitrary>], iteration_bounds = array<i64: 32>, scalar_prefetch = 0 : i64, scratch_operands = 0 : i64, tpu.core_type = #tpu.core_type<tc>, window_params = [{transform_indices = @transform_0, window_bounds = array<i64: 256, 128>}, {transform_indices = @transform_1, window_bounds = array<i64: 8, 256, 128>}, {pipeline_mode = #tpu.pipeline_mode<synchronous>, transform_indices = @transform_2, window_bounds = array<i64: 256, 128>}, {pipeline_mode = #tpu.pipeline_mode<synchronous>, transform_indices = @transform_3, window_bounds = array<i64: 1, 128>}, {transform_indices = @transform_4, window_bounds = array<i64: 256, 128>}]} {
    %get3A = arith.constant 0 : index
    %get3A_0 = arith.constant 0 : index
    %get3A_1 = vector.load %arg1[%get3A, %get3A_0] : memref<256x128xf32, #tpu.memory_space<vmem>>, vector<256x128xf32>
    %get3A_2 = arith.constant 0 : index
    %get3A_3 = arith.constant 0 : index
    %get3A_4 = arith.constant 0 : index
    %get3A_5 = vector.load %arg2[%get3A_2, %get3A_3, %get3A_4] : memref<8x256x128xf32, #tpu.memory_space<vmem>>, vector<1x256x128xf32>
    %get3A_6 = vector.shape_cast %get3A_5 : vector<1x256x128xf32> to vector<256x128xf32>
    %sub3A = arith.subf %get3A_6, %get3A_1 : vector<256x128xf32>
    %concatenate3A = tpu.concatenate %get3A_1, %sub3A in 1 : vector<256x128xf32>, vector<256x128xf32> -> vector<256x256xf32>
    %get3A_7 = arith.constant 0 : index
    %get3A_8 = arith.constant 0 : index
    %get3A_9 = vector.load %arg3[%get3A_7, %get3A_8] : memref<256x128xf32, #tpu.memory_space<vmem>>, vector<256x128xf32>
    %dot_general3A = arith.constant dense<0.000000e+00> : vector<256x128xf32>
    %dot_general3A_10 = tpu.matmul %concatenate3A, %get3A_9, %dot_general3A {dimension_numbers = #tpu.dot_dimension_numbers<[1], [0], [0], [1], [0, 0, 1, 1], [], []>, transpose_lhs_hint = false} : vector<256x256xf32>, vector<256x128xf32>, vector<256x128xf32> -> vector<256x128xf32>
    %get3A_11 = arith.constant 0 : index
    %get3A_12 = arith.constant 0 : index
    %get3A_13 = vector.load %arg4[%get3A_11, %get3A_12] : memref<1x128xf32, #tpu.memory_space<vmem>>, vector<1x128xf32>
    %add3A = vector.broadcast %get3A_13 : vector<1x128xf32> to vector<256x128xf32>
    %add3A_14 = arith.addf %dot_general3A_10, %add3A : vector<256x128xf32>
    %gt3A = arith.constant 0.000000e+00 : f32
    %gt3A_15 = vector.broadcast %gt3A : f32 to vector<256x128xf32>
    %gt3A_16 = arith.cmpf ogt, %add3A_14, %gt3A_15 : vector<256x128xf32>
    %exp3A = math.exp %add3A_14 : vector<256x128xf32>
    %sub3A_17 = arith.constant 1.000000e+00 : f32
    %sub3A_18 = vector.broadcast %sub3A_17 : f32 to vector<256x128xf32>
    %sub3A_19 = arith.subf %exp3A, %sub3A_18 : vector<256x128xf32>
    %select_n3A = arith.select %gt3A_16, %add3A_14, %sub3A_19 : vector<256x128xi1>, vector<256x128xf32>
    %get3A_20 = arith.constant 1 : index
    %get3A_21 = arith.constant 0 : index
    %get3A_22 = arith.constant 0 : index
    %get3A_23 = vector.load %arg2[%get3A_20, %get3A_21, %get3A_22] : memref<8x256x128xf32, #tpu.memory_space<vmem>>, vector<1x256x128xf32>
    %get3A_24 = vector.shape_cast %get3A_23 : vector<1x256x128xf32> to vector<256x128xf32>
    %sub3A_25 = arith.subf %get3A_24, %get3A_1 : vector<256x128xf32>
    %concatenate3A_26 = tpu.concatenate %get3A_1, %sub3A_25 in 1 : vector<256x128xf32>, vector<256x128xf32> -> vector<256x256xf32>
    %get3A_27 = arith.constant 0 : index
    %get3A_28 = arith.constant 0 : index
    %get3A_29 = vector.load %arg3[%get3A_27, %get3A_28] : memref<256x128xf32, #tpu.memory_space<vmem>>, vector<256x128xf32>
    %dot_general3A_30 = arith.constant dense<0.000000e+00> : vector<256x128xf32>
    %dot_general3A_31 = tpu.matmul %concatenate3A_26, %get3A_29, %dot_general3A_30 {dimension_numbers = #tpu.dot_dimension_numbers<[1], [0], [0], [1], [0, 0, 1, 1], [], []>, transpose_lhs_hint = false} : vector<256x256xf32>, vector<256x128xf32>, vector<256x128xf32> -> vector<256x128xf32>
    %get3A_32 = arith.constant 0 : index
    %get3A_33 = arith.constant 0 : index
    %get3A_34 = vector.load %arg4[%get3A_32, %get3A_33] : memref<1x128xf32, #tpu.memory_space<vmem>>, vector<1x128xf32>
    %add3A_35 = vector.broadcast %get3A_34 : vector<1x128xf32> to vector<256x128xf32>
    %add3A_36 = arith.addf %dot_general3A_31, %add3A_35 : vector<256x128xf32>
    %gt3A_37 = arith.constant 0.000000e+00 : f32
    %gt3A_38 = vector.broadcast %gt3A_37 : f32 to vector<256x128xf32>
    %gt3A_39 = arith.cmpf ogt, %add3A_36, %gt3A_38 : vector<256x128xf32>
    %exp3A_40 = math.exp %add3A_36 : vector<256x128xf32>
    %sub3A_41 = arith.constant 1.000000e+00 : f32
    %sub3A_42 = vector.broadcast %sub3A_41 : f32 to vector<256x128xf32>
    %sub3A_43 = arith.subf %exp3A_40, %sub3A_42 : vector<256x128xf32>
    %select_n3A_44 = arith.select %gt3A_39, %add3A_36, %sub3A_43 : vector<256x128xi1>, vector<256x128xf32>
    %max3A = arith.maximumf %select_n3A, %select_n3A_44 : vector<256x128xf32>
    %get3A_45 = arith.constant 2 : index
    %get3A_46 = arith.constant 0 : index
    %get3A_47 = arith.constant 0 : index
    %get3A_48 = vector.load %arg2[%get3A_45, %get3A_46, %get3A_47] : memref<8x256x128xf32, #tpu.memory_space<vmem>>, vector<1x256x128xf32>
    %get3A_49 = vector.shape_cast %get3A_48 : vector<1x256x128xf32> to vector<256x128xf32>
    %sub3A_50 = arith.subf %get3A_49, %get3A_1 : vector<256x128xf32>
    %concatenate3A_51 = tpu.concatenate %get3A_1, %sub3A_50 in 1 : vector<256x128xf32>, vector<256x128xf32> -> vector<256x256xf32>
    %get3A_52 = arith.constant 0 : index
    %get3A_53 = arith.constant 0 : index
    %get3A_54 = vector.load %arg3[%get3A_52, %get3A_53] : memref<256x128xf32, #tpu.memory_space<vmem>>, vector<256x128xf32>
    %dot_general3A_55 = arith.constant dense<0.000000e+00> : vector<256x128xf32>
    %dot_general3A_56 = tpu.matmul %concatenate3A_51, %get3A_54, %dot_general3A_55 {dimension_numbers = #tpu.dot_dimension_numbers<[1], [0], [0], [1], [0, 0, 1, 1], [], []>, transpose_lhs_hint = false} : vector<256x256xf32>, vector<256x128xf32>, vector<256x128xf32> -> vector<256x128xf32>
    %get3A_57 = arith.constant 0 : index
    %get3A_58 = arith.constant 0 : index
    %get3A_59 = vector.load %arg4[%get3A_57, %get3A_58] : memref<1x128xf32, #tpu.memory_space<vmem>>, vector<1x128xf32>
    %add3A_60 = vector.broadcast %get3A_59 : vector<1x128xf32> to vector<256x128xf32>
    %add3A_61 = arith.addf %dot_general3A_56, %add3A_60 : vector<256x128xf32>
    %gt3A_62 = arith.constant 0.000000e+00 : f32
    %gt3A_63 = vector.broadcast %gt3A_62 : f32 to vector<256x128xf32>
    %gt3A_64 = arith.cmpf ogt, %add3A_61, %gt3A_63 : vector<256x128xf32>
    %exp3A_65 = math.exp %add3A_61 : vector<256x128xf32>
    %sub3A_66 = arith.constant 1.000000e+00 : f32
    %sub3A_67 = vector.broadcast %sub3A_66 : f32 to vector<256x128xf32>
    %sub3A_68 = arith.subf %exp3A_65, %sub3A_67 : vector<256x128xf32>
    %select_n3A_69 = arith.select %gt3A_64, %add3A_61, %sub3A_68 : vector<256x128xi1>, vector<256x128xf32>
    %max3A_70 = arith.maximumf %max3A, %select_n3A_69 : vector<256x128xf32>
    %get3A_71 = arith.constant 3 : index
    %get3A_72 = arith.constant 0 : index
    %get3A_73 = arith.constant 0 : index
    %get3A_74 = vector.load %arg2[%get3A_71, %get3A_72, %get3A_73] : memref<8x256x128xf32, #tpu.memory_space<vmem>>, vector<1x256x128xf32>
    %get3A_75 = vector.shape_cast %get3A_74 : vector<1x256x128xf32> to vector<256x128xf32>
    %sub3A_76 = arith.subf %get3A_75, %get3A_1 : vector<256x128xf32>
    %concatenate3A_77 = tpu.concatenate %get3A_1, %sub3A_76 in 1 : vector<256x128xf32>, vector<256x128xf32> -> vector<256x256xf32>
    %get3A_78 = arith.constant 0 : index
    %get3A_79 = arith.constant 0 : index
    %get3A_80 = vector.load %arg3[%get3A_78, %get3A_79] : memref<256x128xf32, #tpu.memory_space<vmem>>, vector<256x128xf32>
    %dot_general3A_81 = arith.constant dense<0.000000e+00> : vector<256x128xf32>
    %dot_general3A_82 = tpu.matmul %concatenate3A_77, %get3A_80, %dot_general3A_81 {dimension_numbers = #tpu.dot_dimension_numbers<[1], [0], [0], [1], [0, 0, 1, 1], [], []>, transpose_lhs_hint = false} : vector<256x256xf32>, vector<256x128xf32>, vector<256x128xf32> -> vector<256x128xf32>
    %get3A_83 = arith.constant 0 : index
    %get3A_84 = arith.constant 0 : index
    %get3A_85 = vector.load %arg4[%get3A_83, %get3A_84] : memref<1x128xf32, #tpu.memory_space<vmem>>, vector<1x128xf32>
    %add3A_86 = vector.broadcast %get3A_85 : vector<1x128xf32> to vector<256x128xf32>
    %add3A_87 = arith.addf %dot_general3A_82, %add3A_86 : vector<256x128xf32>
    %gt3A_88 = arith.constant 0.000000e+00 : f32
    %gt3A_89 = vector.broadcast %gt3A_88 : f32 to vector<256x128xf32>
    %gt3A_90 = arith.cmpf ogt, %add3A_87, %gt3A_89 : vector<256x128xf32>
    %exp3A_91 = math.exp %add3A_87 : vector<256x128xf32>
    %sub3A_92 = arith.constant 1.000000e+00 : f32
    %sub3A_93 = vector.broadcast %sub3A_92 : f32 to vector<256x128xf32>
    %sub3A_94 = arith.subf %exp3A_91, %sub3A_93 : vector<256x128xf32>
    %select_n3A_95 = arith.select %gt3A_90, %add3A_87, %sub3A_94 : vector<256x128xi1>, vector<256x128xf32>
    %max3A_96 = arith.maximumf %max3A_70, %select_n3A_95 : vector<256x128xf32>
    %get3A_97 = arith.constant 4 : index
    %get3A_98 = arith.constant 0 : index
    %get3A_99 = arith.constant 0 : index
    %get3A_100 = vector.load %arg2[%get3A_97, %get3A_98, %get3A_99] : memref<8x256x128xf32, #tpu.memory_space<vmem>>, vector<1x256x128xf32>
    %get3A_101 = vector.shape_cast %get3A_100 : vector<1x256x128xf32> to vector<256x128xf32>
    %sub3A_102 = arith.subf %get3A_101, %get3A_1 : vector<256x128xf32>
    %concatenate3A_103 = tpu.concatenate %get3A_1, %sub3A_102 in 1 : vector<256x128xf32>, vector<256x128xf32> -> vector<256x256xf32>
    %get3A_104 = arith.constant 0 : index
    %get3A_105 = arith.constant 0 : index
    %get3A_106 = vector.load %arg3[%get3A_104, %get3A_105] : memref<256x128xf32, #tpu.memory_space<vmem>>, vector<256x128xf32>
    %dot_general3A_107 = arith.constant dense<0.000000e+00> : vector<256x128xf32>
    %dot_general3A_108 = tpu.matmul %concatenate3A_103, %get3A_106, %dot_general3A_107 {dimension_numbers = #tpu.dot_dimension_numbers<[1], [0], [0], [1], [0, 0, 1, 1], [], []>, transpose_lhs_hint = false} : vector<256x256xf32>, vector<256x128xf32>, vector<256x128xf32> -> vector<256x128xf32>
    %get3A_109 = arith.constant 0 : index
    %get3A_110 = arith.constant 0 : index
    %get3A_111 = vector.load %arg4[%get3A_109, %get3A_110] : memref<1x128xf32, #tpu.memory_space<vmem>>, vector<1x128xf32>
    %add3A_112 = vector.broadcast %get3A_111 : vector<1x128xf32> to vector<256x128xf32>
    %add3A_113 = arith.addf %dot_general3A_108, %add3A_112 : vector<256x128xf32>
    %gt3A_114 = arith.constant 0.000000e+00 : f32
    %gt3A_115 = vector.broadcast %gt3A_114 : f32 to vector<256x128xf32>
    %gt3A_116 = arith.cmpf ogt, %add3A_113, %gt3A_115 : vector<256x128xf32>
    %exp3A_117 = math.exp %add3A_113 : vector<256x128xf32>
    %sub3A_118 = arith.constant 1.000000e+00 : f32
    %sub3A_119 = vector.broadcast %sub3A_118 : f32 to vector<256x128xf32>
    %sub3A_120 = arith.subf %exp3A_117, %sub3A_119 : vector<256x128xf32>
    %select_n3A_121 = arith.select %gt3A_116, %add3A_113, %sub3A_120 : vector<256x128xi1>, vector<256x128xf32>
    %max3A_122 = arith.maximumf %max3A_96, %select_n3A_121 : vector<256x128xf32>
    %get3A_123 = arith.constant 5 : index
    %get3A_124 = arith.constant 0 : index
    %get3A_125 = arith.constant 0 : index
    %get3A_126 = vector.load %arg2[%get3A_123, %get3A_124, %get3A_125] : memref<8x256x128xf32, #tpu.memory_space<vmem>>, vector<1x256x128xf32>
    %get3A_127 = vector.shape_cast %get3A_126 : vector<1x256x128xf32> to vector<256x128xf32>
    %sub3A_128 = arith.subf %get3A_127, %get3A_1 : vector<256x128xf32>
    %concatenate3A_129 = tpu.concatenate %get3A_1, %sub3A_128 in 1 : vector<256x128xf32>, vector<256x128xf32> -> vector<256x256xf32>
    %get3A_130 = arith.constant 0 : index
    %get3A_131 = arith.constant 0 : index
    %get3A_132 = vector.load %arg3[%get3A_130, %get3A_131] : memref<256x128xf32, #tpu.memory_space<vmem>>, vector<256x128xf32>
    %dot_general3A_133 = arith.constant dense<0.000000e+00> : vector<256x128xf32>
    %dot_general3A_134 = tpu.matmul %concatenate3A_129, %get3A_132, %dot_general3A_133 {dimension_numbers = #tpu.dot_dimension_numbers<[1], [0], [0], [1], [0, 0, 1, 1], [], []>, transpose_lhs_hint = false} : vector<256x256xf32>, vector<256x128xf32>, vector<256x128xf32> -> vector<256x128xf32>
    %get3A_135 = arith.constant 0 : index
    %get3A_136 = arith.constant 0 : index
    %get3A_137 = vector.load %arg4[%get3A_135, %get3A_136] : memref<1x128xf32, #tpu.memory_space<vmem>>, vector<1x128xf32>
    %add3A_138 = vector.broadcast %get3A_137 : vector<1x128xf32> to vector<256x128xf32>
    %add3A_139 = arith.addf %dot_general3A_134, %add3A_138 : vector<256x128xf32>
    %gt3A_140 = arith.constant 0.000000e+00 : f32
    %gt3A_141 = vector.broadcast %gt3A_140 : f32 to vector<256x128xf32>
    %gt3A_142 = arith.cmpf ogt, %add3A_139, %gt3A_141 : vector<256x128xf32>
    %exp3A_143 = math.exp %add3A_139 : vector<256x128xf32>
    %sub3A_144 = arith.constant 1.000000e+00 : f32
    %sub3A_145 = vector.broadcast %sub3A_144 : f32 to vector<256x128xf32>
    %sub3A_146 = arith.subf %exp3A_143, %sub3A_145 : vector<256x128xf32>
    %select_n3A_147 = arith.select %gt3A_142, %add3A_139, %sub3A_146 : vector<256x128xi1>, vector<256x128xf32>
    %max3A_148 = arith.maximumf %max3A_122, %select_n3A_147 : vector<256x128xf32>
    %get3A_149 = arith.constant 6 : index
    %get3A_150 = arith.constant 0 : index
    %get3A_151 = arith.constant 0 : index
    %get3A_152 = vector.load %arg2[%get3A_149, %get3A_150, %get3A_151] : memref<8x256x128xf32, #tpu.memory_space<vmem>>, vector<1x256x128xf32>
    %get3A_153 = vector.shape_cast %get3A_152 : vector<1x256x128xf32> to vector<256x128xf32>
    %sub3A_154 = arith.subf %get3A_153, %get3A_1 : vector<256x128xf32>
    %concatenate3A_155 = tpu.concatenate %get3A_1, %sub3A_154 in 1 : vector<256x128xf32>, vector<256x128xf32> -> vector<256x256xf32>
    %get3A_156 = arith.constant 0 : index
    %get3A_157 = arith.constant 0 : index
    %get3A_158 = vector.load %arg3[%get3A_156, %get3A_157] : memref<256x128xf32, #tpu.memory_space<vmem>>, vector<256x128xf32>
    %dot_general3A_159 = arith.constant dense<0.000000e+00> : vector<256x128xf32>
    %dot_general3A_160 = tpu.matmul %concatenate3A_155, %get3A_158, %dot_general3A_159 {dimension_numbers = #tpu.dot_dimension_numbers<[1], [0], [0], [1], [0, 0, 1, 1], [], []>, transpose_lhs_hint = false} : vector<256x256xf32>, vector<256x128xf32>, vector<256x128xf32> -> vector<256x128xf32>
    %get3A_161 = arith.constant 0 : index
    %get3A_162 = arith.constant 0 : index
    %get3A_163 = vector.load %arg4[%get3A_161, %get3A_162] : memref<1x128xf32, #tpu.memory_space<vmem>>, vector<1x128xf32>
    %add3A_164 = vector.broadcast %get3A_163 : vector<1x128xf32> to vector<256x128xf32>
    %add3A_165 = arith.addf %dot_general3A_160, %add3A_164 : vector<256x128xf32>
    %gt3A_166 = arith.constant 0.000000e+00 : f32
    %gt3A_167 = vector.broadcast %gt3A_166 : f32 to vector<256x128xf32>
    %gt3A_168 = arith.cmpf ogt, %add3A_165, %gt3A_167 : vector<256x128xf32>
    %exp3A_169 = math.exp %add3A_165 : vector<256x128xf32>
    %sub3A_170 = arith.constant 1.000000e+00 : f32
    %sub3A_171 = vector.broadcast %sub3A_170 : f32 to vector<256x128xf32>
    %sub3A_172 = arith.subf %exp3A_169, %sub3A_171 : vector<256x128xf32>
    %select_n3A_173 = arith.select %gt3A_168, %add3A_165, %sub3A_172 : vector<256x128xi1>, vector<256x128xf32>
    %max3A_174 = arith.maximumf %max3A_148, %select_n3A_173 : vector<256x128xf32>
    %get3A_175 = arith.constant 7 : index
    %get3A_176 = arith.constant 0 : index
    %get3A_177 = arith.constant 0 : index
    %get3A_178 = vector.load %arg2[%get3A_175, %get3A_176, %get3A_177] : memref<8x256x128xf32, #tpu.memory_space<vmem>>, vector<1x256x128xf32>
    %get3A_179 = vector.shape_cast %get3A_178 : vector<1x256x128xf32> to vector<256x128xf32>
    %sub3A_180 = arith.subf %get3A_179, %get3A_1 : vector<256x128xf32>
    %concatenate3A_181 = tpu.concatenate %get3A_1, %sub3A_180 in 1 : vector<256x128xf32>, vector<256x128xf32> -> vector<256x256xf32>
    %get3A_182 = arith.constant 0 : index
    %get3A_183 = arith.constant 0 : index
    %get3A_184 = vector.load %arg3[%get3A_182, %get3A_183] : memref<256x128xf32, #tpu.memory_space<vmem>>, vector<256x128xf32>
    %dot_general3A_185 = arith.constant dense<0.000000e+00> : vector<256x128xf32>
    %dot_general3A_186 = tpu.matmul %concatenate3A_181, %get3A_184, %dot_general3A_185 {dimension_numbers = #tpu.dot_dimension_numbers<[1], [0], [0], [1], [0, 0, 1, 1], [], []>, transpose_lhs_hint = false} : vector<256x256xf32>, vector<256x128xf32>, vector<256x128xf32> -> vector<256x128xf32>
    %get3A_187 = arith.constant 0 : index
    %get3A_188 = arith.constant 0 : index
    %get3A_189 = vector.load %arg4[%get3A_187, %get3A_188] : memref<1x128xf32, #tpu.memory_space<vmem>>, vector<1x128xf32>
    %add3A_190 = vector.broadcast %get3A_189 : vector<1x128xf32> to vector<256x128xf32>
    %add3A_191 = arith.addf %dot_general3A_186, %add3A_190 : vector<256x128xf32>
    %gt3A_192 = arith.constant 0.000000e+00 : f32
    %gt3A_193 = vector.broadcast %gt3A_192 : f32 to vector<256x128xf32>
    %gt3A_194 = arith.cmpf ogt, %add3A_191, %gt3A_193 : vector<256x128xf32>
    %exp3A_195 = math.exp %add3A_191 : vector<256x128xf32>
    %sub3A_196 = arith.constant 1.000000e+00 : f32
    %sub3A_197 = vector.broadcast %sub3A_196 : f32 to vector<256x128xf32>
    %sub3A_198 = arith.subf %exp3A_195, %sub3A_197 : vector<256x128xf32>
    %select_n3A_199 = arith.select %gt3A_194, %add3A_191, %sub3A_198 : vector<256x128xi1>, vector<256x128xf32>
    %max3A_200 = arith.maximumf %max3A_174, %select_n3A_199 : vector<256x128xf32>
    %swap3A = arith.constant 0 : index
    %swap3A_201 = arith.constant 0 : index
    %swap3A_202 = vector.load %arg5[%swap3A, %swap3A_201] : memref<256x128xf32, #tpu.memory_space<vmem>>, vector<256x128xf32>
    tpu.vector_store %arg5[%swap3A, %swap3A_201], %max3A_200 {strides = array<i32>} : memref<256x128xf32, #tpu.memory_space<vmem>>, vector<256x128xf32>,
    return
  }
  func.func @transform_0(%arg0: i32) -> (i32, i32) {
    %c0_i32 = arith.constant 0 : i32
    %c0_i32_0 = arith.constant 0 : i32
    return %arg0, %c0_i32 : i32, i32
  }
  func.func @transform_1(%arg0: i32) -> (i32, i32, i32) {
    %c0_i32 = arith.constant 0 : i32
    %c0_i32_0 = arith.constant 0 : i32
    %c0_i32_1 = arith.constant 0 : i32
    return %c0_i32, %arg0, %c0_i32_0 : i32, i32, i32
  }
  func.func @transform_2(%arg0: i32) -> (i32, i32) {
    %c0_i32 = arith.constant 0 : i32
    %c0_i32_0 = arith.constant 0 : i32
    %c0_i32_1 = arith.constant 0 : i32
    return %c0_i32, %c0_i32_0 : i32, i32
  }
  func.func @transform_3(%arg0: i32) -> (i32, i32) {
    %c0_i32 = arith.constant 0 : i32
    %c0_i32_0 = arith.constant 0 : i32
    %c0_i32_1 = arith.constant 0 : i32
    return %c0_i32, %c0_i32_0 : i32, i32
  }
  func.func @transform_4(%arg0: i32) -> (i32, i32) {
    %c0_i32 = arith.constant 0 : i32
    %c0_i32_0 = arith.constant 0 : i32
    return %arg0, %c0_i32 : i32, i32
  }
}

module attributes {stable_mosaic.version = 14 : i64} {
  func.func @_knn_body(%arg0: i32, %arg1: memref<32x2xi32, #tpu.memory_space<smem>>, %arg2: memref<256x128xf32, #tpu.memory_space<vmem>>, %arg3: memref<8192x128xf32, #tpu.memory_space<vmem>>, %arg4: memref<1x1x256xf32, #tpu.memory_space<vmem>>, %arg5: memref<16x512xf32, #tpu.memory_space<vmem>>, %arg6: memref<1x1x256xi32, #tpu.memory_space<vmem>>, %arg7: memref<16x512xi32, #tpu.memory_space<vmem>>, %arg8: memref<2x128xi32, #tpu.memory_space<vmem>>, %arg9: memref<8x1x1x256xi32, #tpu.memory_space<vmem>>) attributes {dimension_semantics = [#tpu.dimension_semantics<arbitrary>], iteration_bounds = array<i64: 32>, scalar_prefetch = 1 : i64, scratch_operands = 0 : i64, tpu.core_type = #tpu.core_type<tc>, window_params = [{transform_indices = @transform_0, window_bounds = array<i64: 256, 128>}, {pipeline_mode = #tpu.pipeline_mode<synchronous>, transform_indices = @transform_1, window_bounds = array<i64: 8192, 128>}, {transform_indices = @transform_2, window_bounds = array<i64: 1, 1, 256>}, {pipeline_mode = #tpu.pipeline_mode<synchronous>, transform_indices = @transform_3, window_bounds = array<i64: 16, 512>}, {transform_indices = @transform_4, window_bounds = array<i64: 1, 1, 256>}, {pipeline_mode = #tpu.pipeline_mode<synchronous>, transform_indices = @transform_5, window_bounds = array<i64: 16, 512>}, {pipeline_mode = #tpu.pipeline_mode<synchronous>, transform_indices = @transform_6, window_bounds = array<i64: 2, 128>}, {transform_indices = @transform_7, window_bounds = array<i64: 8, 1, 1, 256>}]} {
    %get3A = arith.index_cast %arg0 : i32 to index
    %get3A_0 = arith.constant 0 : index
    %get3A_1 = memref.load %arg1[%get3A, %get3A_0] : memref<32x2xi32, #tpu.memory_space<smem>>
    %get3A_2 = arith.index_cast %arg0 : i32 to index
    %get3A_3 = arith.constant 1 : index
    %get3A_4 = memref.load %arg1[%get3A_2, %get3A_3] : memref<32x2xi32, #tpu.memory_space<smem>>
    %get3A_5 = arith.constant 0 : index
    %get3A_6 = arith.constant 0 : index
    %get3A_7 = vector.load %arg2[%get3A_5, %get3A_6] : memref<256x128xf32, #tpu.memory_space<vmem>>, vector<256x128xf32>
    %get3A_8 = arith.constant 0 : index
    %get3A_9 = arith.constant 0 : index
    %get3A_10 = arith.constant 0 : index
    %get3A_11 = vector.load %arg4[%get3A_8, %get3A_9, %get3A_10] : memref<1x1x256xf32, #tpu.memory_space<vmem>>, vector<1x1x256xf32>
    %get3A_12 = vector.shape_cast %get3A_11 : vector<1x1x256xf32> to vector<256xf32>
    %get3A_13 = arith.constant 0 : index
    %get3A_14 = arith.constant 0 : index
    %get3A_15 = arith.constant 0 : index
    %get3A_16 = vector.load %arg6[%get3A_13, %get3A_14, %get3A_15] : memref<1x1x256xi32, #tpu.memory_space<vmem>>, vector<1x1x256xi32>
    %get3A_17 = vector.shape_cast %get3A_16 : vector<1x1x256xi32> to vector<256xi32>
    %get3A_18 = arith.constant 0 : index
    %get3A_19 = arith.constant 0 : index
    %get3A_20 = vector.load %arg8[%get3A_18, %get3A_19] : memref<2x128xi32, #tpu.memory_space<vmem>>, vector<2x128xi32>
    %iota3A = tpu.iota {dimensions = array<i32: 1>} : vector<256x128xi32>
    %broadcast_in_dim3A = vector.shape_cast %get3A_17 : vector<256xi32> to vector<256x1xi32>
    %eq3A = vector.broadcast %broadcast_in_dim3A : vector<256x1xi32> to vector<256x128xi32>
    %eq3A_21 = arith.cmpi eq, %eq3A, %iota3A : vector<256x128xi32>
    %slice3A = vector.extract_strided_slice %get3A_20 {offsets = [0, 0], sizes = [1, 128], strides = [1, 1]} : vector<2x128xi32> to vector<1x128xi32>
    %jit3A = arith.constant 0 : i32
    %broadcast_in_dim3A_22 = vector.shape_cast %slice3A : vector<1x128xi32> to vector<1x128xi32>
    %broadcast_in_dim3A_23 = vector.broadcast %broadcast_in_dim3A_22 : vector<1x128xi32> to vector<256x128xi32>
    %broadcast_in_dim3A_24 = vector.broadcast %jit3A : i32 to vector<256x128xi32>
    %select_n3A = arith.select %eq3A_21, %broadcast_in_dim3A_23, %broadcast_in_dim3A_24 : vector<256x128xi1>, vector<256x128xi32>
    %reduce_sum3A = arith.constant dense<0> : vector<256xi32>
    %reduce_sum3A_25 = vector.multi_reduction <add>, %select_n3A, %reduce_sum3A [1] : vector<256x128xi32> to vector<256xi32>
    %convert_element_type3A = arith.sitofp %reduce_sum3A_25 : vector<256xi32> to vector<256xf32>
    %slice3A_26 = vector.extract_strided_slice %get3A_20 {offsets = [1, 0], sizes = [1, 128], strides = [1, 1]} : vector<2x128xi32> to vector<1x128xi32>
    %jit3A_27 = arith.constant 0 : i32
    %broadcast_in_dim3A_28 = vector.shape_cast %slice3A_26 : vector<1x128xi32> to vector<1x128xi32>
    %broadcast_in_dim3A_29 = vector.broadcast %broadcast_in_dim3A_28 : vector<1x128xi32> to vector<256x128xi32>
    %broadcast_in_dim3A_30 = vector.broadcast %jit3A_27 : i32 to vector<256x128xi32>
    %select_n3A_31 = arith.select %eq3A_21, %broadcast_in_dim3A_29, %broadcast_in_dim3A_30 : vector<256x128xi1>, vector<256x128xi32>
    %reduce_sum3A_32 = arith.constant dense<0> : vector<256xi32>
    %reduce_sum3A_33 = vector.multi_reduction <add>, %select_n3A_31, %reduce_sum3A_32 [1] : vector<256x128xi32> to vector<256xi32>
    %convert_element_type3A_34 = arith.sitofp %reduce_sum3A_33 : vector<256xi32> to vector<256xf32>
    %gt3A = arith.constant 0.000000e+00 : f32
    %gt3A_35 = vector.broadcast %gt3A : f32 to vector<256xf32>
    %gt3A_36 = arith.cmpf ogt, %convert_element_type3A, %gt3A_35 : vector<256xf32>
    %sub3A = arith.constant 0.000000e+00 : f32
    %sub3A_37 = vector.broadcast %sub3A : f32 to vector<256xf32>
    %sub3A_38 = arith.subf %sub3A_37, %convert_element_type3A : vector<256xf32>
    %add3A = arith.addf %convert_element_type3A_34, %sub3A_38 : vector<256xf32>
    %jit3A_39 = arith.constant 0.000000e+00 : f32
    %broadcast_in_dim3A_40 = vector.broadcast %jit3A_39 : f32 to vector<256xf32>
    %select_n3A_41 = arith.select %gt3A_36, %broadcast_in_dim3A_40, %add3A : vector<256xi1>, vector<256xf32>
    %min3A = arith.constant 8.191000e+03 : f32
    %min3A_42 = vector.broadcast %min3A : f32 to vector<256xf32>
    %min3A_43 = arith.minimumf %select_n3A_41, %min3A_42 : vector<256xf32>
    %broadcast_in_dim3A_44 = vector.shape_cast %min3A_43 : vector<256xf32> to vector<1x256xf32>
    %gt3A_45 = arith.constant 1.000000e+00 : f32
    %gt3A_46 = vector.broadcast %gt3A_45 : f32 to vector<256xf32>
    %gt3A_47 = arith.cmpf ogt, %convert_element_type3A, %gt3A_46 : vector<256xf32>
    %sub3A_48 = arith.constant 1.000000e+00 : f32
    %sub3A_49 = vector.broadcast %sub3A_48 : f32 to vector<256xf32>
    %sub3A_50 = arith.subf %sub3A_49, %convert_element_type3A : vector<256xf32>
    %add3A_51 = arith.addf %convert_element_type3A_34, %sub3A_50 : vector<256xf32>
    %jit3A_52 = arith.constant 1.000000e+00 : f32
    %broadcast_in_dim3A_53 = vector.broadcast %jit3A_52 : f32 to vector<256xf32>
    %select_n3A_54 = arith.select %gt3A_47, %broadcast_in_dim3A_53, %add3A_51 : vector<256xi1>, vector<256xf32>
    %min3A_55 = arith.constant 8.191000e+03 : f32
    %min3A_56 = vector.broadcast %min3A_55 : f32 to vector<256xf32>
    %min3A_57 = arith.minimumf %select_n3A_54, %min3A_56 : vector<256xf32>
    %broadcast_in_dim3A_58 = vector.shape_cast %min3A_57 : vector<256xf32> to vector<1x256xf32>
    %gt3A_59 = arith.constant 2.000000e+00 : f32
    %gt3A_60 = vector.broadcast %gt3A_59 : f32 to vector<256xf32>
    %gt3A_61 = arith.cmpf ogt, %convert_element_type3A, %gt3A_60 : vector<256xf32>
    %sub3A_62 = arith.constant 2.000000e+00 : f32
    %sub3A_63 = vector.broadcast %sub3A_62 : f32 to vector<256xf32>
    %sub3A_64 = arith.subf %sub3A_63, %convert_element_type3A : vector<256xf32>
    %add3A_65 = arith.addf %convert_element_type3A_34, %sub3A_64 : vector<256xf32>
    %jit3A_66 = arith.constant 2.000000e+00 : f32
    %broadcast_in_dim3A_67 = vector.broadcast %jit3A_66 : f32 to vector<256xf32>
    %select_n3A_68 = arith.select %gt3A_61, %broadcast_in_dim3A_67, %add3A_65 : vector<256xi1>, vector<256xf32>
    %min3A_69 = arith.constant 8.191000e+03 : f32
    %min3A_70 = vector.broadcast %min3A_69 : f32 to vector<256xf32>
    %min3A_71 = arith.minimumf %select_n3A_68, %min3A_70 : vector<256xf32>
    %broadcast_in_dim3A_72 = vector.shape_cast %min3A_71 : vector<256xf32> to vector<1x256xf32>
    %gt3A_73 = arith.constant 3.000000e+00 : f32
    %gt3A_74 = vector.broadcast %gt3A_73 : f32 to vector<256xf32>
    %gt3A_75 = arith.cmpf ogt, %convert_element_type3A, %gt3A_74 : vector<256xf32>
    %sub3A_76 = arith.constant 3.000000e+00 : f32
    %sub3A_77 = vector.broadcast %sub3A_76 : f32 to vector<256xf32>
    %sub3A_78 = arith.subf %sub3A_77, %convert_element_type3A : vector<256xf32>
    %add3A_79 = arith.addf %convert_element_type3A_34, %sub3A_78 : vector<256xf32>
    %jit3A_80 = arith.constant 3.000000e+00 : f32
    %broadcast_in_dim3A_81 = vector.broadcast %jit3A_80 : f32 to vector<256xf32>
    %select_n3A_82 = arith.select %gt3A_75, %broadcast_in_dim3A_81, %add3A_79 : vector<256xi1>, vector<256xf32>
    %min3A_83 = arith.constant 8.191000e+03 : f32
    %min3A_84 = vector.broadcast %min3A_83 : f32 to vector<256xf32>
    %min3A_85 = arith.minimumf %select_n3A_82, %min3A_84 : vector<256xf32>
    %broadcast_in_dim3A_86 = vector.shape_cast %min3A_85 : vector<256xf32> to vector<1x256xf32>
    %gt3A_87 = arith.constant 4.000000e+00 : f32
    %gt3A_88 = vector.broadcast %gt3A_87 : f32 to vector<256xf32>
    %gt3A_89 = arith.cmpf ogt, %convert_element_type3A, %gt3A_88 : vector<256xf32>
    %sub3A_90 = arith.constant 4.000000e+00 : f32
    %sub3A_91 = vector.broadcast %sub3A_90 : f32 to vector<256xf32>
    %sub3A_92 = arith.subf %sub3A_91, %convert_element_type3A : vector<256xf32>
    %add3A_93 = arith.addf %convert_element_type3A_34, %sub3A_92 : vector<256xf32>
    %jit3A_94 = arith.constant 4.000000e+00 : f32
    %broadcast_in_dim3A_95 = vector.broadcast %jit3A_94 : f32 to vector<256xf32>
    %select_n3A_96 = arith.select %gt3A_89, %broadcast_in_dim3A_95, %add3A_93 : vector<256xi1>, vector<256xf32>
    %min3A_97 = arith.constant 8.191000e+03 : f32
    %min3A_98 = vector.broadcast %min3A_97 : f32 to vector<256xf32>
    %min3A_99 = arith.minimumf %select_n3A_96, %min3A_98 : vector<256xf32>
    %broadcast_in_dim3A_100 = vector.shape_cast %min3A_99 : vector<256xf32> to vector<1x256xf32>
    %gt3A_101 = arith.constant 5.000000e+00 : f32
    %gt3A_102 = vector.broadcast %gt3A_101 : f32 to vector<256xf32>
    %gt3A_103 = arith.cmpf ogt, %convert_element_type3A, %gt3A_102 : vector<256xf32>
    %sub3A_104 = arith.constant 5.000000e+00 : f32
    %sub3A_105 = vector.broadcast %sub3A_104 : f32 to vector<256xf32>
    %sub3A_106 = arith.subf %sub3A_105, %convert_element_type3A : vector<256xf32>
    %add3A_107 = arith.addf %convert_element_type3A_34, %sub3A_106 : vector<256xf32>
    %jit3A_108 = arith.constant 5.000000e+00 : f32
    %broadcast_in_dim3A_109 = vector.broadcast %jit3A_108 : f32 to vector<256xf32>
    %select_n3A_110 = arith.select %gt3A_103, %broadcast_in_dim3A_109, %add3A_107 : vector<256xi1>, vector<256xf32>
    %min3A_111 = arith.constant 8.191000e+03 : f32
    %min3A_112 = vector.broadcast %min3A_111 : f32 to vector<256xf32>
    %min3A_113 = arith.minimumf %select_n3A_110, %min3A_112 : vector<256xf32>
    %broadcast_in_dim3A_114 = vector.shape_cast %min3A_113 : vector<256xf32> to vector<1x256xf32>
    %gt3A_115 = arith.constant 6.000000e+00 : f32
    %gt3A_116 = vector.broadcast %gt3A_115 : f32 to vector<256xf32>
    %gt3A_117 = arith.cmpf ogt, %convert_element_type3A, %gt3A_116 : vector<256xf32>
    %sub3A_118 = arith.constant 6.000000e+00 : f32
    %sub3A_119 = vector.broadcast %sub3A_118 : f32 to vector<256xf32>
    %sub3A_120 = arith.subf %sub3A_119, %convert_element_type3A : vector<256xf32>
    %add3A_121 = arith.addf %convert_element_type3A_34, %sub3A_120 : vector<256xf32>
    %jit3A_122 = arith.constant 6.000000e+00 : f32
    %broadcast_in_dim3A_123 = vector.broadcast %jit3A_122 : f32 to vector<256xf32>
    %select_n3A_124 = arith.select %gt3A_117, %broadcast_in_dim3A_123, %add3A_121 : vector<256xi1>, vector<256xf32>
    %min3A_125 = arith.constant 8.191000e+03 : f32
    %min3A_126 = vector.broadcast %min3A_125 : f32 to vector<256xf32>
    %min3A_127 = arith.minimumf %select_n3A_124, %min3A_126 : vector<256xf32>
    %broadcast_in_dim3A_128 = vector.shape_cast %min3A_127 : vector<256xf32> to vector<1x256xf32>
    %gt3A_129 = arith.constant 7.000000e+00 : f32
    %gt3A_130 = vector.broadcast %gt3A_129 : f32 to vector<256xf32>
    %gt3A_131 = arith.cmpf ogt, %convert_element_type3A, %gt3A_130 : vector<256xf32>
    %sub3A_132 = arith.constant 7.000000e+00 : f32
    %sub3A_133 = vector.broadcast %sub3A_132 : f32 to vector<256xf32>
    %sub3A_134 = arith.subf %sub3A_133, %convert_element_type3A : vector<256xf32>
    %add3A_135 = arith.addf %convert_element_type3A_34, %sub3A_134 : vector<256xf32>
    %jit3A_136 = arith.constant 7.000000e+00 : f32
    %broadcast_in_dim3A_137 = vector.broadcast %jit3A_136 : f32 to vector<256xf32>
    %select_n3A_138 = arith.select %gt3A_131, %broadcast_in_dim3A_137, %add3A_135 : vector<256xi1>, vector<256xf32>
    %min3A_139 = arith.constant 8.191000e+03 : f32
    %min3A_140 = vector.broadcast %min3A_139 : f32 to vector<256xf32>
    %min3A_141 = arith.minimumf %select_n3A_138, %min3A_140 : vector<256xf32>
    %broadcast_in_dim3A_142 = vector.shape_cast %min3A_141 : vector<256xf32> to vector<1x256xf32>
    %concatenate3A = tpu.concatenate %broadcast_in_dim3A_44, %broadcast_in_dim3A_58, %broadcast_in_dim3A_72, %broadcast_in_dim3A_86, %broadcast_in_dim3A_100, %broadcast_in_dim3A_114, %broadcast_in_dim3A_128, %broadcast_in_dim3A_142 in 0 : vector<1x256xf32>, vector<1x256xf32>, vector<1x256xf32>, vector<1x256xf32>, vector<1x256xf32>, vector<1x256xf32>, vector<1x256xf32>, vector<1x256xf32> -> vector<8x256xf32>
    %broadcast_in_dim3A_143 = arith.constant 1.000000e+30 : f32
    %broadcast_in_dim3A_144 = vector.broadcast %broadcast_in_dim3A_143 : f32 to vector<8x256xf32>
    %iota3A_145 = tpu.iota {dimensions = array<i32: 1>} : vector<256x512xi32>
    %convert_element_type3A_146 = arith.sitofp %iota3A_145 : vector<256x512xi32> to vector<256x512xf32>
    %iota3A_147 = tpu.iota {dimensions = array<i32: 0>} : vector<16x256xi32>
    %convert_element_type3A_148 = arith.sitofp %iota3A_147 : vector<16x256xi32> to vector<16x256xf32>
    %while3A = arith.subi %get3A_4, %get3A_1 : i32
    %while3A_149 = arith.addi %get3A_1, %while3A : i32
    %while3A_150 = arith.constant 1 : i32
    %while3A_151 = arith.divsi %while3A, %while3A_150 : i32
    %while3A_152 = arith.muli %while3A_151, %while3A_150 : i32
    %while3A_153 = arith.addi %get3A_1, %while3A_152 : i32
    %while3A_154 = arith.constant 1 : i32
    %while3A_155:2 = scf.for %while3A_164 = %get3A_1 to %while3A_153 step %while3A_154 iter_args(%while3A_165 = %broadcast_in_dim3A_144, %while3A_166 = %concatenate3A) -> (vector<8x256xf32>, vector<8x256xf32>)  : i32 {
      %mul3A = arith.constant 512 : i32
      %mul3A_167 = arith.muli %while3A_164, %mul3A : i32
      %get3A_168 = arith.index_cast %mul3A_167 : i32 to index
      %get3A_169 = arith.constant 0 : index
      %get3A_170 = vector.load %arg3[%get3A_168, %get3A_169] : memref<8192x128xf32, #tpu.memory_space<vmem>>, vector<512x128xf32>
      %get3A_171 = arith.index_cast %while3A_164 : i32 to index
      %get3A_172 = arith.constant 0 : index
      %get3A_173 = vector.load %arg5[%get3A_171, %get3A_172] : memref<16x512xf32, #tpu.memory_space<vmem>>, vector<1x512xf32>
      %get3A_174 = arith.index_cast %while3A_164 : i32 to index
      %get3A_175 = arith.constant 0 : index
      %get3A_176 = vector.load %arg7[%get3A_174, %get3A_175] : memref<16x512xi32, #tpu.memory_space<vmem>>, vector<1x512xi32>
      %mul3A_177 = arith.constant 512 : i32
      %mul3A_178 = arith.muli %while3A_164, %mul3A_177 : i32
      %convert_element_type3A_179 = arith.sitofp %mul3A_178 : i32 to f32
      %dot_general3A = arith.constant dense<0.000000e+00> : vector<256x512xf32>
      %dot_general3A_180 = tpu.matmul %get3A_7, %get3A_170, %dot_general3A {dimension_numbers = #tpu.dot_dimension_numbers<[1], [1], [0], [0], [0, 0, 1, 0], [], []>, transpose_lhs_hint = false} : vector<256x128xf32>, vector<512x128xf32>, vector<256x512xf32> -> vector<256x512xf32>
      %broadcast_in_dim3A_181 = vector.shape_cast %get3A_12 : vector<256xf32> to vector<256x1xf32>
      %mul3A_182 = arith.constant 2.000000e+00 : f32
      %mul3A_183 = vector.broadcast %mul3A_182 : f32 to vector<256x512xf32>
      %mul3A_184 = arith.mulf %mul3A_183, %dot_general3A_180 : vector<256x512xf32>
      %sub3A_185 = vector.broadcast %broadcast_in_dim3A_181 : vector<256x1xf32> to vector<256x512xf32>
      %sub3A_186 = arith.subf %sub3A_185, %mul3A_184 : vector<256x512xf32>
      %add3A_187 = vector.broadcast %get3A_173 : vector<1x512xf32> to vector<256x512xf32>
      %add3A_188 = arith.addf %sub3A_186, %add3A_187 : vector<256x512xf32>
      %broadcast_in_dim3A_189 = vector.shape_cast %get3A_17 : vector<256xi32> to vector<256x1xi32>
      %eq3A_190 = vector.broadcast %broadcast_in_dim3A_189 : vector<256x1xi32> to vector<256x512xi32>
      %eq3A_191 = vector.broadcast %get3A_176 : vector<1x512xi32> to vector<256x512xi32>
      %eq3A_192 = arith.cmpi eq, %eq3A_190, %eq3A_191 : vector<256x512xi32>
      %jit3A_193 = arith.constant 1.000000e+30 : f32
      %broadcast_in_dim3A_194 = vector.broadcast %jit3A_193 : f32 to vector<256x512xf32>
      %select_n3A_195 = arith.select %eq3A_192, %add3A_188, %broadcast_in_dim3A_194 : vector<256x512xi1>, vector<256x512xf32>
      %reduce_min3A = arith.constant dense<0x7F800000> : vector<256xf32>
      %reduce_min3A_196 = vector.multi_reduction <minimumf>, %select_n3A_195, %reduce_min3A [1] : vector<256x512xf32> to vector<256xf32>
      %broadcast_in_dim3A_197 = vector.shape_cast %reduce_min3A_196 : vector<256xf32> to vector<256x1xf32>
      %eq3A_198 = vector.broadcast %broadcast_in_dim3A_197 : vector<256x1xf32> to vector<256x512xf32>
      %eq3A_199 = arith.cmpf oeq, %select_n3A_195, %eq3A_198 : vector<256x512xf32>
      %jit3A_200 = arith.constant 3.000000e+38 : f32
      %broadcast_in_dim3A_201 = vector.broadcast %jit3A_200 : f32 to vector<256x512xf32>
      %select_n3A_202 = arith.select %eq3A_199, %convert_element_type3A_146, %broadcast_in_dim3A_201 : vector<256x512xi1>, vector<256x512xf32>
      %reduce_min3A_203 = arith.constant dense<0x7F800000> : vector<256xf32>
      %reduce_min3A_204 = vector.multi_reduction <minimumf>, %select_n3A_202, %reduce_min3A_203 [1] : vector<256x512xf32> to vector<256xf32>
      %broadcast_in_dim3A_205 = vector.shape_cast %reduce_min3A_196 : vector<256xf32> to vector<1x256xf32>
      %add3A_206 = vector.broadcast %convert_element_type3A_179 : f32 to vector<256xf32>
      %add3A_207 = arith.addf %add3A_206, %reduce_min3A_204 : vector<256xf32>
      %broadcast_in_dim3A_208 = vector.shape_cast %add3A_207 : vector<256xf32> to vector<1x256xf32>
      %broadcast_in_dim3A_209 = vector.shape_cast %reduce_min3A_204 : vector<256xf32> to vector<256x1xf32>
      %eq3A_210 = vector.broadcast %broadcast_in_dim3A_209 : vector<256x1xf32> to vector<256x512xf32>
      %eq3A_211 = arith.cmpf oeq, %convert_element_type3A_146, %eq3A_210 : vector<256x512xf32>
      %jit3A_212 = arith.constant 3.000000e+38 : f32
      %broadcast_in_dim3A_213 = vector.broadcast %jit3A_212 : f32 to vector<256x512xf32>
      %select_n3A_214 = arith.select %eq3A_211, %broadcast_in_dim3A_213, %select_n3A_195 : vector<256x512xi1>, vector<256x512xf32>
      %reduce_min3A_215 = arith.constant dense<0x7F800000> : vector<256xf32>
      %reduce_min3A_216 = vector.multi_reduction <minimumf>, %select_n3A_214, %reduce_min3A_215 [1] : vector<256x512xf32> to vector<256xf32>
      %broadcast_in_dim3A_217 = vector.shape_cast %reduce_min3A_216 : vector<256xf32> to vector<256x1xf32>
      %eq3A_218 = vector.broadcast %broadcast_in_dim3A_217 : vector<256x1xf32> to vector<256x512xf32>
      %eq3A_219 = arith.cmpf oeq, %select_n3A_214, %eq3A_218 : vector<256x512xf32>
      %jit3A_220 = arith.constant 3.000000e+38 : f32
      %broadcast_in_dim3A_221 = vector.broadcast %jit3A_220 : f32 to vector<256x512xf32>
      %select_n3A_222 = arith.select %eq3A_219, %convert_element_type3A_146, %broadcast_in_dim3A_221 : vector<256x512xi1>, vector<256x512xf32>
      %reduce_min3A_223 = arith.constant dense<0x7F800000> : vector<256xf32>
      %reduce_min3A_224 = vector.multi_reduction <minimumf>, %select_n3A_222, %reduce_min3A_223 [1] : vector<256x512xf32> to vector<256xf32>
      %broadcast_in_dim3A_225 = vector.shape_cast %reduce_min3A_216 : vector<256xf32> to vector<1x256xf32>
      %add3A_226 = vector.broadcast %convert_element_type3A_179 : f32 to vector<256xf32>
      %add3A_227 = arith.addf %add3A_226, %reduce_min3A_224 : vector<256xf32>
      %broadcast_in_dim3A_228 = vector.shape_cast %add3A_227 : vector<256xf32> to vector<1x256xf32>
      %broadcast_in_dim3A_229 = vector.shape_cast %reduce_min3A_224 : vector<256xf32> to vector<256x1xf32>
      %eq3A_230 = vector.broadcast %broadcast_in_dim3A_229 : vector<256x1xf32> to vector<256x512xf32>
      %eq3A_231 = arith.cmpf oeq, %convert_element_type3A_146, %eq3A_230 : vector<256x512xf32>
      %jit3A_232 = arith.constant 3.000000e+38 : f32
      %broadcast_in_dim3A_233 = vector.broadcast %jit3A_232 : f32 to vector<256x512xf32>
      %select_n3A_234 = arith.select %eq3A_231, %broadcast_in_dim3A_233, %select_n3A_214 : vector<256x512xi1>, vector<256x512xf32>
      %reduce_min3A_235 = arith.constant dense<0x7F800000> : vector<256xf32>
      %reduce_min3A_236 = vector.multi_reduction <minimumf>, %select_n3A_234, %reduce_min3A_235 [1] : vector<256x512xf32> to vector<256xf32>
      %broadcast_in_dim3A_237 = vector.shape_cast %reduce_min3A_236 : vector<256xf32> to vector<256x1xf32>
      %eq3A_238 = vector.broadcast %broadcast_in_dim3A_237 : vector<256x1xf32> to vector<256x512xf32>
      %eq3A_239 = arith.cmpf oeq, %select_n3A_234, %eq3A_238 : vector<256x512xf32>
      %jit3A_240 = arith.constant 3.000000e+38 : f32
      %broadcast_in_dim3A_241 = vector.broadcast %jit3A_240 : f32 to vector<256x512xf32>
      %select_n3A_242 = arith.select %eq3A_239, %convert_element_type3A_146, %broadcast_in_dim3A_241 : vector<256x512xi1>, vector<256x512xf32>
      %reduce_min3A_243 = arith.constant dense<0x7F800000> : vector<256xf32>
      %reduce_min3A_244 = vector.multi_reduction <minimumf>, %select_n3A_242, %reduce_min3A_243 [1] : vector<256x512xf32> to vector<256xf32>
      %broadcast_in_dim3A_245 = vector.shape_cast %reduce_min3A_236 : vector<256xf32> to vector<1x256xf32>
      %add3A_246 = vector.broadcast %convert_element_type3A_179 : f32 to vector<256xf32>
      %add3A_247 = arith.addf %add3A_246, %reduce_min3A_244 : vector<256xf32>
      %broadcast_in_dim3A_248 = vector.shape_cast %add3A_247 : vector<256xf32> to vector<1x256xf32>
      %broadcast_in_dim3A_249 = vector.shape_cast %reduce_min3A_244 : vector<256xf32> to vector<256x1xf32>
      %eq3A_250 = vector.broadcast %broadcast_in_dim3A_249 : vector<256x1xf32> to vector<256x512xf32>
      %eq3A_251 = arith.cmpf oeq, %convert_element_type3A_146, %eq3A_250 : vector<256x512xf32>
      %jit3A_252 = arith.constant 3.000000e+38 : f32
      %broadcast_in_dim3A_253 = vector.broadcast %jit3A_252 : f32 to vector<256x512xf32>
      %select_n3A_254 = arith.select %eq3A_251, %broadcast_in_dim3A_253, %select_n3A_234 : vector<256x512xi1>, vector<256x512xf32>
      %reduce_min3A_255 = arith.constant dense<0x7F800000> : vector<256xf32>
      %reduce_min3A_256 = vector.multi_reduction <minimumf>, %select_n3A_254, %reduce_min3A_255 [1] : vector<256x512xf32> to vector<256xf32>
      %broadcast_in_dim3A_257 = vector.shape_cast %reduce_min3A_256 : vector<256xf32> to vector<256x1xf32>
      %eq3A_258 = vector.broadcast %broadcast_in_dim3A_257 : vector<256x1xf32> to vector<256x512xf32>
      %eq3A_259 = arith.cmpf oeq, %select_n3A_254, %eq3A_258 : vector<256x512xf32>
      %jit3A_260 = arith.constant 3.000000e+38 : f32
      %broadcast_in_dim3A_261 = vector.broadcast %jit3A_260 : f32 to vector<256x512xf32>
      %select_n3A_262 = arith.select %eq3A_259, %convert_element_type3A_146, %broadcast_in_dim3A_261 : vector<256x512xi1>, vector<256x512xf32>
      %reduce_min3A_263 = arith.constant dense<0x7F800000> : vector<256xf32>
      %reduce_min3A_264 = vector.multi_reduction <minimumf>, %select_n3A_262, %reduce_min3A_263 [1] : vector<256x512xf32> to vector<256xf32>
      %broadcast_in_dim3A_265 = vector.shape_cast %reduce_min3A_256 : vector<256xf32> to vector<1x256xf32>
      %add3A_266 = vector.broadcast %convert_element_type3A_179 : f32 to vector<256xf32>
      %add3A_267 = arith.addf %add3A_266, %reduce_min3A_264 : vector<256xf32>
      %broadcast_in_dim3A_268 = vector.shape_cast %add3A_267 : vector<256xf32> to vector<1x256xf32>
      %broadcast_in_dim3A_269 = vector.shape_cast %reduce_min3A_264 : vector<256xf32> to vector<256x1xf32>
      %eq3A_270 = vector.broadcast %broadcast_in_dim3A_269 : vector<256x1xf32> to vector<256x512xf32>
      %eq3A_271 = arith.cmpf oeq, %convert_element_type3A_146, %eq3A_270 : vector<256x512xf32>
      %jit3A_272 = arith.constant 3.000000e+38 : f32
      %broadcast_in_dim3A_273 = vector.broadcast %jit3A_272 : f32 to vector<256x512xf32>
      %select_n3A_274 = arith.select %eq3A_271, %broadcast_in_dim3A_273, %select_n3A_254 : vector<256x512xi1>, vector<256x512xf32>
      %reduce_min3A_275 = arith.constant dense<0x7F800000> : vector<256xf32>
      %reduce_min3A_276 = vector.multi_reduction <minimumf>, %select_n3A_274, %reduce_min3A_275 [1] : vector<256x512xf32> to vector<256xf32>
      %broadcast_in_dim3A_277 = vector.shape_cast %reduce_min3A_276 : vector<256xf32> to vector<256x1xf32>
      %eq3A_278 = vector.broadcast %broadcast_in_dim3A_277 : vector<256x1xf32> to vector<256x512xf32>
      %eq3A_279 = arith.cmpf oeq, %select_n3A_274, %eq3A_278 : vector<256x512xf32>
      %jit3A_280 = arith.constant 3.000000e+38 : f32
      %broadcast_in_dim3A_281 = vector.broadcast %jit3A_280 : f32 to vector<256x512xf32>
      %select_n3A_282 = arith.select %eq3A_279, %convert_element_type3A_146, %broadcast_in_dim3A_281 : vector<256x512xi1>, vector<256x512xf32>
      %reduce_min3A_283 = arith.constant dense<0x7F800000> : vector<256xf32>
      %reduce_min3A_284 = vector.multi_reduction <minimumf>, %select_n3A_282, %reduce_min3A_283 [1] : vector<256x512xf32> to vector<256xf32>
      %broadcast_in_dim3A_285 = vector.shape_cast %reduce_min3A_276 : vector<256xf32> to vector<1x256xf32>
      %add3A_286 = vector.broadcast %convert_element_type3A_179 : f32 to vector<256xf32>
      %add3A_287 = arith.addf %add3A_286, %reduce_min3A_284 : vector<256xf32>
      %broadcast_in_dim3A_288 = vector.shape_cast %add3A_287 : vector<256xf32> to vector<1x256xf32>
      %broadcast_in_dim3A_289 = vector.shape_cast %reduce_min3A_284 : vector<256xf32> to vector<256x1xf32>
      %eq3A_290 = vector.broadcast %broadcast_in_dim3A_289 : vector<256x1xf32> to vector<256x512xf32>
      %eq3A_291 = arith.cmpf oeq, %convert_element_type3A_146, %eq3A_290 : vector<256x512xf32>
      %jit3A_292 = arith.constant 3.000000e+38 : f32
      %broadcast_in_dim3A_293 = vector.broadcast %jit3A_292 : f32 to vector<256x512xf32>
      %select_n3A_294 = arith.select %eq3A_291, %broadcast_in_dim3A_293, %select_n3A_274 : vector<256x512xi1>, vector<256x512xf32>
      %reduce_min3A_295 = arith.constant dense<0x7F800000> : vector<256xf32>
      %reduce_min3A_296 = vector.multi_reduction <minimumf>, %select_n3A_294, %reduce_min3A_295 [1] : vector<256x512xf32> to vector<256xf32>
      %broadcast_in_dim3A_297 = vector.shape_cast %reduce_min3A_296 : vector<256xf32> to vector<256x1xf32>
      %eq3A_298 = vector.broadcast %broadcast_in_dim3A_297 : vector<256x1xf32> to vector<256x512xf32>
      %eq3A_299 = arith.cmpf oeq, %select_n3A_294, %eq3A_298 : vector<256x512xf32>
      %jit3A_300 = arith.constant 3.000000e+38 : f32
      %broadcast_in_dim3A_301 = vector.broadcast %jit3A_300 : f32 to vector<256x512xf32>
      %select_n3A_302 = arith.select %eq3A_299, %convert_element_type3A_146, %broadcast_in_dim3A_301 : vector<256x512xi1>, vector<256x512xf32>
      %reduce_min3A_303 = arith.constant dense<0x7F800000> : vector<256xf32>
      %reduce_min3A_304 = vector.multi_reduction <minimumf>, %select_n3A_302, %reduce_min3A_303 [1] : vector<256x512xf32> to vector<256xf32>
      %broadcast_in_dim3A_305 = vector.shape_cast %reduce_min3A_296 : vector<256xf32> to vector<1x256xf32>
      %add3A_306 = vector.broadcast %convert_element_type3A_179 : f32 to vector<256xf32>
      %add3A_307 = arith.addf %add3A_306, %reduce_min3A_304 : vector<256xf32>
      %broadcast_in_dim3A_308 = vector.shape_cast %add3A_307 : vector<256xf32> to vector<1x256xf32>
      %broadcast_in_dim3A_309 = vector.shape_cast %reduce_min3A_304 : vector<256xf32> to vector<256x1xf32>
      %eq3A_310 = vector.broadcast %broadcast_in_dim3A_309 : vector<256x1xf32> to vector<256x512xf32>
      %eq3A_311 = arith.cmpf oeq, %convert_element_type3A_146, %eq3A_310 : vector<256x512xf32>
      %jit3A_312 = arith.constant 3.000000e+38 : f32
      %broadcast_in_dim3A_313 = vector.broadcast %jit3A_312 : f32 to vector<256x512xf32>
      %select_n3A_314 = arith.select %eq3A_311, %broadcast_in_dim3A_313, %select_n3A_294 : vector<256x512xi1>, vector<256x512xf32>
      %reduce_min3A_315 = arith.constant dense<0x7F800000> : vector<256xf32>
      %reduce_min3A_316 = vector.multi_reduction <minimumf>, %select_n3A_314, %reduce_min3A_315 [1] : vector<256x512xf32> to vector<256xf32>
      %broadcast_in_dim3A_317 = vector.shape_cast %reduce_min3A_316 : vector<256xf32> to vector<256x1xf32>
      %eq3A_318 = vector.broadcast %broadcast_in_dim3A_317 : vector<256x1xf32> to vector<256x512xf32>
      %eq3A_319 = arith.cmpf oeq, %select_n3A_314, %eq3A_318 : vector<256x512xf32>
      %jit3A_320 = arith.constant 3.000000e+38 : f32
      %broadcast_in_dim3A_321 = vector.broadcast %jit3A_320 : f32 to vector<256x512xf32>
      %select_n3A_322 = arith.select %eq3A_319, %convert_element_type3A_146, %broadcast_in_dim3A_321 : vector<256x512xi1>, vector<256x512xf32>
      %reduce_min3A_323 = arith.constant dense<0x7F800000> : vector<256xf32>
      %reduce_min3A_324 = vector.multi_reduction <minimumf>, %select_n3A_322, %reduce_min3A_323 [1] : vector<256x512xf32> to vector<256xf32>
      %broadcast_in_dim3A_325 = vector.shape_cast %reduce_min3A_316 : vector<256xf32> to vector<1x256xf32>
      %add3A_326 = vector.broadcast %convert_element_type3A_179 : f32 to vector<256xf32>
      %add3A_327 = arith.addf %add3A_326, %reduce_min3A_324 : vector<256xf32>
      %broadcast_in_dim3A_328 = vector.shape_cast %add3A_327 : vector<256xf32> to vector<1x256xf32>
      %broadcast_in_dim3A_329 = vector.shape_cast %reduce_min3A_324 : vector<256xf32> to vector<256x1xf32>
      %eq3A_330 = vector.broadcast %broadcast_in_dim3A_329 : vector<256x1xf32> to vector<256x512xf32>
      %eq3A_331 = arith.cmpf oeq, %convert_element_type3A_146, %eq3A_330 : vector<256x512xf32>
      %jit3A_332 = arith.constant 3.000000e+38 : f32
      %broadcast_in_dim3A_333 = vector.broadcast %jit3A_332 : f32 to vector<256x512xf32>
      %select_n3A_334 = arith.select %eq3A_331, %broadcast_in_dim3A_333, %select_n3A_314 : vector<256x512xi1>, vector<256x512xf32>
      %reduce_min3A_335 = arith.constant dense<0x7F800000> : vector<256xf32>
      %reduce_min3A_336 = vector.multi_reduction <minimumf>, %select_n3A_334, %reduce_min3A_335 [1] : vector<256x512xf32> to vector<256xf32>
      %broadcast_in_dim3A_337 = vector.shape_cast %reduce_min3A_336 : vector<256xf32> to vector<256x1xf32>
      %eq3A_338 = vector.broadcast %broadcast_in_dim3A_337 : vector<256x1xf32> to vector<256x512xf32>
      %eq3A_339 = arith.cmpf oeq, %select_n3A_334, %eq3A_338 : vector<256x512xf32>
      %jit3A_340 = arith.constant 3.000000e+38 : f32
      %broadcast_in_dim3A_341 = vector.broadcast %jit3A_340 : f32 to vector<256x512xf32>
      %select_n3A_342 = arith.select %eq3A_339, %convert_element_type3A_146, %broadcast_in_dim3A_341 : vector<256x512xi1>, vector<256x512xf32>
      %reduce_min3A_343 = arith.constant dense<0x7F800000> : vector<256xf32>
      %reduce_min3A_344 = vector.multi_reduction <minimumf>, %select_n3A_342, %reduce_min3A_343 [1] : vector<256x512xf32> to vector<256xf32>
      %broadcast_in_dim3A_345 = vector.shape_cast %reduce_min3A_336 : vector<256xf32> to vector<1x256xf32>
      %add3A_346 = vector.broadcast %convert_element_type3A_179 : f32 to vector<256xf32>
      %add3A_347 = arith.addf %add3A_346, %reduce_min3A_344 : vector<256xf32>
      %broadcast_in_dim3A_348 = vector.shape_cast %add3A_347 : vector<256xf32> to vector<1x256xf32>
      %broadcast_in_dim3A_349 = vector.shape_cast %reduce_min3A_344 : vector<256xf32> to vector<256x1xf32>
      %eq3A_350 = vector.broadcast %broadcast_in_dim3A_349 : vector<256x1xf32> to vector<256x512xf32>
      %eq3A_351 = arith.cmpf oeq, %convert_element_type3A_146, %eq3A_350 : vector<256x512xf32>
      %jit3A_352 = arith.constant 3.000000e+38 : f32
      %broadcast_in_dim3A_353 = vector.broadcast %jit3A_352 : f32 to vector<256x512xf32>
      %select_n3A_354 = arith.select %eq3A_351, %broadcast_in_dim3A_353, %select_n3A_334 : vector<256x512xi1>, vector<256x512xf32>
      %concatenate3A_355 = tpu.concatenate %while3A_165, %broadcast_in_dim3A_205, %broadcast_in_dim3A_225, %broadcast_in_dim3A_245, %broadcast_in_dim3A_265, %broadcast_in_dim3A_285, %broadcast_in_dim3A_305, %broadcast_in_dim3A_325, %broadcast_in_dim3A_345 in 0 : vector<8x256xf32>, vector<1x256xf32>, vector<1x256xf32>, vector<1x256xf32>, vector<1x256xf32>, vector<1x256xf32>, vector<1x256xf32>, vector<1x256xf32>, vector<1x256xf32> -> vector<16x256xf32>
      %concatenate3A_356 = tpu.concatenate %while3A_166, %broadcast_in_dim3A_208, %broadcast_in_dim3A_228, %broadcast_in_dim3A_248, %broadcast_in_dim3A_268, %broadcast_in_dim3A_288, %broadcast_in_dim3A_308, %broadcast_in_dim3A_328, %broadcast_in_dim3A_348 in 0 : vector<8x256xf32>, vector<1x256xf32>, vector<1x256xf32>, vector<1x256xf32>, vector<1x256xf32>, vector<1x256xf32>, vector<1x256xf32>, vector<1x256xf32>, vector<1x256xf32> -> vector<16x256xf32>
      %reduce_min3A_357 = arith.constant dense<0x7F800000> : vector<256xf32>
      %reduce_min3A_358 = vector.multi_reduction <minimumf>, %concatenate3A_355, %reduce_min3A_357 [0] : vector<16x256xf32> to vector<256xf32>
      %broadcast_in_dim3A_359 = vector.shape_cast %reduce_min3A_358 : vector<256xf32> to vector<1x256xf32>
      %eq3A_360 = vector.broadcast %broadcast_in_dim3A_359 : vector<1x256xf32> to vector<16x256xf32>
      %eq3A_361 = arith.cmpf oeq, %concatenate3A_355, %eq3A_360 : vector<16x256xf32>
      %jit3A_362 = arith.constant 3.000000e+38 : f32
      %broadcast_in_dim3A_363 = vector.broadcast %jit3A_362 : f32 to vector<16x256xf32>
      %select_n3A_364 = arith.select %eq3A_361, %convert_element_type3A_148, %broadcast_in_dim3A_363 : vector<16x256xi1>, vector<16x256xf32>
      %reduce_min3A_365 = arith.constant dense<0x7F800000> : vector<256xf32>
      %reduce_min3A_366 = vector.multi_reduction <minimumf>, %select_n3A_364, %reduce_min3A_365 [0] : vector<16x256xf32> to vector<256xf32>
      %broadcast_in_dim3A_367 = vector.shape_cast %reduce_min3A_366 : vector<256xf32> to vector<1x256xf32>
      %eq3A_368 = vector.broadcast %broadcast_in_dim3A_367 : vector<1x256xf32> to vector<16x256xf32>
      %eq3A_369 = arith.cmpf oeq, %convert_element_type3A_148, %eq3A_368 : vector<16x256xf32>
      %broadcast_in_dim3A_370 = vector.shape_cast %reduce_min3A_358 : vector<256xf32> to vector<1x256xf32>
      %jit3A_371 = arith.constant 3.000000e+38 : f32
      %broadcast_in_dim3A_372 = vector.broadcast %jit3A_371 : f32 to vector<16x256xf32>
      %select_n3A_373 = arith.select %eq3A_369, %concatenate3A_356, %broadcast_in_dim3A_372 : vector<16x256xi1>, vector<16x256xf32>
      %reduce_min3A_374 = arith.constant dense<0x7F800000> : vector<256xf32>
      %reduce_min3A_375 = vector.multi_reduction <minimumf>, %select_n3A_373, %reduce_min3A_374 [0] : vector<16x256xf32> to vector<256xf32>
      %broadcast_in_dim3A_376 = vector.shape_cast %reduce_min3A_375 : vector<256xf32> to vector<1x256xf32>
      %jit3A_377 = arith.constant 3.000000e+38 : f32
      %broadcast_in_dim3A_378 = vector.broadcast %jit3A_377 : f32 to vector<16x256xf32>
      %select_n3A_379 = arith.select %eq3A_369, %broadcast_in_dim3A_378, %concatenate3A_355 : vector<16x256xi1>, vector<16x256xf32>
      %reduce_min3A_380 = arith.constant dense<0x7F800000> : vector<256xf32>
      %reduce_min3A_381 = vector.multi_reduction <minimumf>, %select_n3A_379, %reduce_min3A_380 [0] : vector<16x256xf32> to vector<256xf32>
      %broadcast_in_dim3A_382 = vector.shape_cast %reduce_min3A_381 : vector<256xf32> to vector<1x256xf32>
      %eq3A_383 = vector.broadcast %broadcast_in_dim3A_382 : vector<1x256xf32> to vector<16x256xf32>
      %eq3A_384 = arith.cmpf oeq, %select_n3A_379, %eq3A_383 : vector<16x256xf32>
      %jit3A_385 = arith.constant 3.000000e+38 : f32
      %broadcast_in_dim3A_386 = vector.broadcast %jit3A_385 : f32 to vector<16x256xf32>
      %select_n3A_387 = arith.select %eq3A_384, %convert_element_type3A_148, %broadcast_in_dim3A_386 : vector<16x256xi1>, vector<16x256xf32>
      %reduce_min3A_388 = arith.constant dense<0x7F800000> : vector<256xf32>
      %reduce_min3A_389 = vector.multi_reduction <minimumf>, %select_n3A_387, %reduce_min3A_388 [0] : vector<16x256xf32> to vector<256xf32>
      %broadcast_in_dim3A_390 = vector.shape_cast %reduce_min3A_389 : vector<256xf32> to vector<1x256xf32>
      %eq3A_391 = vector.broadcast %broadcast_in_dim3A_390 : vector<1x256xf32> to vector<16x256xf32>
      %eq3A_392 = arith.cmpf oeq, %convert_element_type3A_148, %eq3A_391 : vector<16x256xf32>
      %broadcast_in_dim3A_393 = vector.shape_cast %reduce_min3A_381 : vector<256xf32> to vector<1x256xf32>
      %jit3A_394 = arith.constant 3.000000e+38 : f32
      %broadcast_in_dim3A_395 = vector.broadcast %jit3A_394 : f32 to vector<16x256xf32>
      %select_n3A_396 = arith.select %eq3A_392, %concatenate3A_356, %broadcast_in_dim3A_395 : vector<16x256xi1>, vector<16x256xf32>
      %reduce_min3A_397 = arith.constant dense<0x7F800000> : vector<256xf32>
      %reduce_min3A_398 = vector.multi_reduction <minimumf>, %select_n3A_396, %reduce_min3A_397 [0] : vector<16x256xf32> to vector<256xf32>
      %broadcast_in_dim3A_399 = vector.shape_cast %reduce_min3A_398 : vector<256xf32> to vector<1x256xf32>
      %jit3A_400 = arith.constant 3.000000e+38 : f32
      %broadcast_in_dim3A_401 = vector.broadcast %jit3A_400 : f32 to vector<16x256xf32>
      %select_n3A_402 = arith.select %eq3A_392, %broadcast_in_dim3A_401, %select_n3A_379 : vector<16x256xi1>, vector<16x256xf32>
      %reduce_min3A_403 = arith.constant dense<0x7F800000> : vector<256xf32>
      %reduce_min3A_404 = vector.multi_reduction <minimumf>, %select_n3A_402, %reduce_min3A_403 [0] : vector<16x256xf32> to vector<256xf32>
      %broadcast_in_dim3A_405 = vector.shape_cast %reduce_min3A_404 : vector<256xf32> to vector<1x256xf32>
      %eq3A_406 = vector.broadcast %broadcast_in_dim3A_405 : vector<1x256xf32> to vector<16x256xf32>
      %eq3A_407 = arith.cmpf oeq, %select_n3A_402, %eq3A_406 : vector<16x256xf32>
      %jit3A_408 = arith.constant 3.000000e+38 : f32
      %broadcast_in_dim3A_409 = vector.broadcast %jit3A_408 : f32 to vector<16x256xf32>
      %select_n3A_410 = arith.select %eq3A_407, %convert_element_type3A_148, %broadcast_in_dim3A_409 : vector<16x256xi1>, vector<16x256xf32>
      %reduce_min3A_411 = arith.constant dense<0x7F800000> : vector<256xf32>
      %reduce_min3A_412 = vector.multi_reduction <minimumf>, %select_n3A_410, %reduce_min3A_411 [0] : vector<16x256xf32> to vector<256xf32>
      %broadcast_in_dim3A_413 = vector.shape_cast %reduce_min3A_412 : vector<256xf32> to vector<1x256xf32>
      %eq3A_414 = vector.broadcast %broadcast_in_dim3A_413 : vector<1x256xf32> to vector<16x256xf32>
      %eq3A_415 = arith.cmpf oeq, %convert_element_type3A_148, %eq3A_414 : vector<16x256xf32>
      %broadcast_in_dim3A_416 = vector.shape_cast %reduce_min3A_404 : vector<256xf32> to vector<1x256xf32>
      %jit3A_417 = arith.constant 3.000000e+38 : f32
      %broadcast_in_dim3A_418 = vector.broadcast %jit3A_417 : f32 to vector<16x256xf32>
      %select_n3A_419 = arith.select %eq3A_415, %concatenate3A_356, %broadcast_in_dim3A_418 : vector<16x256xi1>, vector<16x256xf32>
      %reduce_min3A_420 = arith.constant dense<0x7F800000> : vector<256xf32>
      %reduce_min3A_421 = vector.multi_reduction <minimumf>, %select_n3A_419, %reduce_min3A_420 [0] : vector<16x256xf32> to vector<256xf32>
      %broadcast_in_dim3A_422 = vector.shape_cast %reduce_min3A_421 : vector<256xf32> to vector<1x256xf32>
      %jit3A_423 = arith.constant 3.000000e+38 : f32
      %broadcast_in_dim3A_424 = vector.broadcast %jit3A_423 : f32 to vector<16x256xf32>
      %select_n3A_425 = arith.select %eq3A_415, %broadcast_in_dim3A_424, %select_n3A_402 : vector<16x256xi1>, vector<16x256xf32>
      %reduce_min3A_426 = arith.constant dense<0x7F800000> : vector<256xf32>
      %reduce_min3A_427 = vector.multi_reduction <minimumf>, %select_n3A_425, %reduce_min3A_426 [0] : vector<16x256xf32> to vector<256xf32>
      %broadcast_in_dim3A_428 = vector.shape_cast %reduce_min3A_427 : vector<256xf32> to vector<1x256xf32>
      %eq3A_429 = vector.broadcast %broadcast_in_dim3A_428 : vector<1x256xf32> to vector<16x256xf32>
      %eq3A_430 = arith.cmpf oeq, %select_n3A_425, %eq3A_429 : vector<16x256xf32>
      %jit3A_431 = arith.constant 3.000000e+38 : f32
      %broadcast_in_dim3A_432 = vector.broadcast %jit3A_431 : f32 to vector<16x256xf32>
      %select_n3A_433 = arith.select %eq3A_430, %convert_element_type3A_148, %broadcast_in_dim3A_432 : vector<16x256xi1>, vector<16x256xf32>
      %reduce_min3A_434 = arith.constant dense<0x7F800000> : vector<256xf32>
      %reduce_min3A_435 = vector.multi_reduction <minimumf>, %select_n3A_433, %reduce_min3A_434 [0] : vector<16x256xf32> to vector<256xf32>
      %broadcast_in_dim3A_436 = vector.shape_cast %reduce_min3A_435 : vector<256xf32> to vector<1x256xf32>
      %eq3A_437 = vector.broadcast %broadcast_in_dim3A_436 : vector<1x256xf32> to vector<16x256xf32>
      %eq3A_438 = arith.cmpf oeq, %convert_element_type3A_148, %eq3A_437 : vector<16x256xf32>
      %broadcast_in_dim3A_439 = vector.shape_cast %reduce_min3A_427 : vector<256xf32> to vector<1x256xf32>
      %jit3A_440 = arith.constant 3.000000e+38 : f32
      %broadcast_in_dim3A_441 = vector.broadcast %jit3A_440 : f32 to vector<16x256xf32>
      %select_n3A_442 = arith.select %eq3A_438, %concatenate3A_356, %broadcast_in_dim3A_441 : vector<16x256xi1>, vector<16x256xf32>
      %reduce_min3A_443 = arith.constant dense<0x7F800000> : vector<256xf32>
      %reduce_min3A_444 = vector.multi_reduction <minimumf>, %select_n3A_442, %reduce_min3A_443 [0] : vector<16x256xf32> to vector<256xf32>
      %broadcast_in_dim3A_445 = vector.shape_cast %reduce_min3A_444 : vector<256xf32> to vector<1x256xf32>
      %jit3A_446 = arith.constant 3.000000e+38 : f32
      %broadcast_in_dim3A_447 = vector.broadcast %jit3A_446 : f32 to vector<16x256xf32>
      %select_n3A_448 = arith.select %eq3A_438, %broadcast_in_dim3A_447, %select_n3A_425 : vector<16x256xi1>, vector<16x256xf32>
      %reduce_min3A_449 = arith.constant dense<0x7F800000> : vector<256xf32>
      %reduce_min3A_450 = vector.multi_reduction <minimumf>, %select_n3A_448, %reduce_min3A_449 [0] : vector<16x256xf32> to vector<256xf32>
      %broadcast_in_dim3A_451 = vector.shape_cast %reduce_min3A_450 : vector<256xf32> to vector<1x256xf32>
      %eq3A_452 = vector.broadcast %broadcast_in_dim3A_451 : vector<1x256xf32> to vector<16x256xf32>
      %eq3A_453 = arith.cmpf oeq, %select_n3A_448, %eq3A_452 : vector<16x256xf32>
      %jit3A_454 = arith.constant 3.000000e+38 : f32
      %broadcast_in_dim3A_455 = vector.broadcast %jit3A_454 : f32 to vector<16x256xf32>
      %select_n3A_456 = arith.select %eq3A_453, %convert_element_type3A_148, %broadcast_in_dim3A_455 : vector<16x256xi1>, vector<16x256xf32>
      %reduce_min3A_457 = arith.constant dense<0x7F800000> : vector<256xf32>
      %reduce_min3A_458 = vector.multi_reduction <minimumf>, %select_n3A_456, %reduce_min3A_457 [0] : vector<16x256xf32> to vector<256xf32>
      %broadcast_in_dim3A_459 = vector.shape_cast %reduce_min3A_458 : vector<256xf32> to vector<1x256xf32>
      %eq3A_460 = vector.broadcast %broadcast_in_dim3A_459 : vector<1x256xf32> to vector<16x256xf32>
      %eq3A_461 = arith.cmpf oeq, %convert_element_type3A_148, %eq3A_460 : vector<16x256xf32>
      %broadcast_in_dim3A_462 = vector.shape_cast %reduce_min3A_450 : vector<256xf32> to vector<1x256xf32>
      %jit3A_463 = arith.constant 3.000000e+38 : f32
      %broadcast_in_dim3A_464 = vector.broadcast %jit3A_463 : f32 to vector<16x256xf32>
      %select_n3A_465 = arith.select %eq3A_461, %concatenate3A_356, %broadcast_in_dim3A_464 : vector<16x256xi1>, vector<16x256xf32>
      %reduce_min3A_466 = arith.constant dense<0x7F800000> : vector<256xf32>
      %reduce_min3A_467 = vector.multi_reduction <minimumf>, %select_n3A_465, %reduce_min3A_466 [0] : vector<16x256xf32> to vector<256xf32>
      %broadcast_in_dim3A_468 = vector.shape_cast %reduce_min3A_467 : vector<256xf32> to vector<1x256xf32>
      %jit3A_469 = arith.constant 3.000000e+38 : f32
      %broadcast_in_dim3A_470 = vector.broadcast %jit3A_469 : f32 to vector<16x256xf32>
      %select_n3A_471 = arith.select %eq3A_461, %broadcast_in_dim3A_470, %select_n3A_448 : vector<16x256xi1>, vector<16x256xf32>
      %reduce_min3A_472 = arith.constant dense<0x7F800000> : vector<256xf32>
      %reduce_min3A_473 = vector.multi_reduction <minimumf>, %select_n3A_471, %reduce_min3A_472 [0] : vector<16x256xf32> to vector<256xf32>
      %broadcast_in_dim3A_474 = vector.shape_cast %reduce_min3A_473 : vector<256xf32> to vector<1x256xf32>
      %eq3A_475 = vector.broadcast %broadcast_in_dim3A_474 : vector<1x256xf32> to vector<16x256xf32>
      %eq3A_476 = arith.cmpf oeq, %select_n3A_471, %eq3A_475 : vector<16x256xf32>
      %jit3A_477 = arith.constant 3.000000e+38 : f32
      %broadcast_in_dim3A_478 = vector.broadcast %jit3A_477 : f32 to vector<16x256xf32>
      %select_n3A_479 = arith.select %eq3A_476, %convert_element_type3A_148, %broadcast_in_dim3A_478 : vector<16x256xi1>, vector<16x256xf32>
      %reduce_min3A_480 = arith.constant dense<0x7F800000> : vector<256xf32>
      %reduce_min3A_481 = vector.multi_reduction <minimumf>, %select_n3A_479, %reduce_min3A_480 [0] : vector<16x256xf32> to vector<256xf32>
      %broadcast_in_dim3A_482 = vector.shape_cast %reduce_min3A_481 : vector<256xf32> to vector<1x256xf32>
      %eq3A_483 = vector.broadcast %broadcast_in_dim3A_482 : vector<1x256xf32> to vector<16x256xf32>
      %eq3A_484 = arith.cmpf oeq, %convert_element_type3A_148, %eq3A_483 : vector<16x256xf32>
      %broadcast_in_dim3A_485 = vector.shape_cast %reduce_min3A_473 : vector<256xf32> to vector<1x256xf32>
      %jit3A_486 = arith.constant 3.000000e+38 : f32
      %broadcast_in_dim3A_487 = vector.broadcast %jit3A_486 : f32 to vector<16x256xf32>
      %select_n3A_488 = arith.select %eq3A_484, %concatenate3A_356, %broadcast_in_dim3A_487 : vector<16x256xi1>, vector<16x256xf32>
      %reduce_min3A_489 = arith.constant dense<0x7F800000> : vector<256xf32>
      %reduce_min3A_490 = vector.multi_reduction <minimumf>, %select_n3A_488, %reduce_min3A_489 [0] : vector<16x256xf32> to vector<256xf32>
      %broadcast_in_dim3A_491 = vector.shape_cast %reduce_min3A_490 : vector<256xf32> to vector<1x256xf32>
      %jit3A_492 = arith.constant 3.000000e+38 : f32
      %broadcast_in_dim3A_493 = vector.broadcast %jit3A_492 : f32 to vector<16x256xf32>
      %select_n3A_494 = arith.select %eq3A_484, %broadcast_in_dim3A_493, %select_n3A_471 : vector<16x256xi1>, vector<16x256xf32>
      %reduce_min3A_495 = arith.constant dense<0x7F800000> : vector<256xf32>
      %reduce_min3A_496 = vector.multi_reduction <minimumf>, %select_n3A_494, %reduce_min3A_495 [0] : vector<16x256xf32> to vector<256xf32>
      %broadcast_in_dim3A_497 = vector.shape_cast %reduce_min3A_496 : vector<256xf32> to vector<1x256xf32>
      %eq3A_498 = vector.broadcast %broadcast_in_dim3A_497 : vector<1x256xf32> to vector<16x256xf32>
      %eq3A_499 = arith.cmpf oeq, %select_n3A_494, %eq3A_498 : vector<16x256xf32>
      %jit3A_500 = arith.constant 3.000000e+38 : f32
      %broadcast_in_dim3A_501 = vector.broadcast %jit3A_500 : f32 to vector<16x256xf32>
      %select_n3A_502 = arith.select %eq3A_499, %convert_element_type3A_148, %broadcast_in_dim3A_501 : vector<16x256xi1>, vector<16x256xf32>
      %reduce_min3A_503 = arith.constant dense<0x7F800000> : vector<256xf32>
      %reduce_min3A_504 = vector.multi_reduction <minimumf>, %select_n3A_502, %reduce_min3A_503 [0] : vector<16x256xf32> to vector<256xf32>
      %broadcast_in_dim3A_505 = vector.shape_cast %reduce_min3A_504 : vector<256xf32> to vector<1x256xf32>
      %eq3A_506 = vector.broadcast %broadcast_in_dim3A_505 : vector<1x256xf32> to vector<16x256xf32>
      %eq3A_507 = arith.cmpf oeq, %convert_element_type3A_148, %eq3A_506 : vector<16x256xf32>
      %broadcast_in_dim3A_508 = vector.shape_cast %reduce_min3A_496 : vector<256xf32> to vector<1x256xf32>
      %jit3A_509 = arith.constant 3.000000e+38 : f32
      %broadcast_in_dim3A_510 = vector.broadcast %jit3A_509 : f32 to vector<16x256xf32>
      %select_n3A_511 = arith.select %eq3A_507, %concatenate3A_356, %broadcast_in_dim3A_510 : vector<16x256xi1>, vector<16x256xf32>
      %reduce_min3A_512 = arith.constant dense<0x7F800000> : vector<256xf32>
      %reduce_min3A_513 = vector.multi_reduction <minimumf>, %select_n3A_511, %reduce_min3A_512 [0] : vector<16x256xf32> to vector<256xf32>
      %broadcast_in_dim3A_514 = vector.shape_cast %reduce_min3A_513 : vector<256xf32> to vector<1x256xf32>
      %jit3A_515 = arith.constant 3.000000e+38 : f32
      %broadcast_in_dim3A_516 = vector.broadcast %jit3A_515 : f32 to vector<16x256xf32>
      %select_n3A_517 = arith.select %eq3A_507, %broadcast_in_dim3A_516, %select_n3A_494 : vector<16x256xi1>, vector<16x256xf32>
      %reduce_min3A_518 = arith.constant dense<0x7F800000> : vector<256xf32>
      %reduce_min3A_519 = vector.multi_reduction <minimumf>, %select_n3A_517, %reduce_min3A_518 [0] : vector<16x256xf32> to vector<256xf32>
      %broadcast_in_dim3A_520 = vector.shape_cast %reduce_min3A_519 : vector<256xf32> to vector<1x256xf32>
      %eq3A_521 = vector.broadcast %broadcast_in_dim3A_520 : vector<1x256xf32> to vector<16x256xf32>
      %eq3A_522 = arith.cmpf oeq, %select_n3A_517, %eq3A_521 : vector<16x256xf32>
      %jit3A_523 = arith.constant 3.000000e+38 : f32
      %broadcast_in_dim3A_524 = vector.broadcast %jit3A_523 : f32 to vector<16x256xf32>
      %select_n3A_525 = arith.select %eq3A_522, %convert_element_type3A_148, %broadcast_in_dim3A_524 : vector<16x256xi1>, vector<16x256xf32>
      %reduce_min3A_526 = arith.constant dense<0x7F800000> : vector<256xf32>
      %reduce_min3A_527 = vector.multi_reduction <minimumf>, %select_n3A_525, %reduce_min3A_526 [0] : vector<16x256xf32> to vector<256xf32>
      %broadcast_in_dim3A_528 = vector.shape_cast %reduce_min3A_527 : vector<256xf32> to vector<1x256xf32>
      %eq3A_529 = vector.broadcast %broadcast_in_dim3A_528 : vector<1x256xf32> to vector<16x256xf32>
      %eq3A_530 = arith.cmpf oeq, %convert_element_type3A_148, %eq3A_529 : vector<16x256xf32>
      %broadcast_in_dim3A_531 = vector.shape_cast %reduce_min3A_519 : vector<256xf32> to vector<1x256xf32>
      %jit3A_532 = arith.constant 3.000000e+38 : f32
      %broadcast_in_dim3A_533 = vector.broadcast %jit3A_532 : f32 to vector<16x256xf32>
      %select_n3A_534 = arith.select %eq3A_530, %concatenate3A_356, %broadcast_in_dim3A_533 : vector<16x256xi1>, vector<16x256xf32>
      %reduce_min3A_535 = arith.constant dense<0x7F800000> : vector<256xf32>
      %reduce_min3A_536 = vector.multi_reduction <minimumf>, %select_n3A_534, %reduce_min3A_535 [0] : vector<16x256xf32> to vector<256xf32>
      %broadcast_in_dim3A_537 = vector.shape_cast %reduce_min3A_536 : vector<256xf32> to vector<1x256xf32>
      %jit3A_538 = arith.constant 3.000000e+38 : f32
      %broadcast_in_dim3A_539 = vector.broadcast %jit3A_538 : f32 to vector<16x256xf32>
      %select_n3A_540 = arith.select %eq3A_530, %broadcast_in_dim3A_539, %select_n3A_517 : vector<16x256xi1>, vector<16x256xf32>
      %concatenate3A_541 = tpu.concatenate %broadcast_in_dim3A_370, %broadcast_in_dim3A_393, %broadcast_in_dim3A_416, %broadcast_in_dim3A_439, %broadcast_in_dim3A_462, %broadcast_in_dim3A_485, %broadcast_in_dim3A_508, %broadcast_in_dim3A_531 in 0 : vector<1x256xf32>, vector<1x256xf32>, vector<1x256xf32>, vector<1x256xf32>, vector<1x256xf32>, vector<1x256xf32>, vector<1x256xf32>, vector<1x256xf32> -> vector<8x256xf32>
      %concatenate3A_542 = tpu.concatenate %broadcast_in_dim3A_376, %broadcast_in_dim3A_399, %broadcast_in_dim3A_422, %broadcast_in_dim3A_445, %broadcast_in_dim3A_468, %broadcast_in_dim3A_491, %broadcast_in_dim3A_514, %broadcast_in_dim3A_537 in 0 : vector<1x256xf32>, vector<1x256xf32>, vector<1x256xf32>, vector<1x256xf32>, vector<1x256xf32>, vector<1x256xf32>, vector<1x256xf32>, vector<1x256xf32> -> vector<8x256xf32>
      scf.yield %concatenate3A_541, %concatenate3A_542 : vector<8x256xf32>, vector<8x256xf32>
    }
    %while3A_156 = arith.constant 1 : i32
    %while3A_157:2 = scf.for %while3A_164 = %while3A_153 to %while3A_149 step %while3A_156 iter_args(%while3A_165 = %while3A_155#0, %while3A_166 = %while3A_155#1) -> (vector<8x256xf32>, vector<8x256xf32>)  : i32 {
      %mul3A = arith.constant 512 : i32
      %mul3A_167 = arith.muli %while3A_164, %mul3A : i32
      %get3A_168 = arith.index_cast %mul3A_167 : i32 to index
      %get3A_169 = arith.constant 0 : index
      %get3A_170 = vector.load %arg3[%get3A_168, %get3A_169] : memref<8192x128xf32, #tpu.memory_space<vmem>>, vector<512x128xf32>
      %get3A_171 = arith.index_cast %while3A_164 : i32 to index
      %get3A_172 = arith.constant 0 : index
      %get3A_173 = vector.load %arg5[%get3A_171, %get3A_172] : memref<16x512xf32, #tpu.memory_space<vmem>>, vector<1x512xf32>
      %get3A_174 = arith.index_cast %while3A_164 : i32 to index
      %get3A_175 = arith.constant 0 : index
      %get3A_176 = vector.load %arg7[%get3A_174, %get3A_175] : memref<16x512xi32, #tpu.memory_space<vmem>>, vector<1x512xi32>
      %mul3A_177 = arith.constant 512 : i32
      %mul3A_178 = arith.muli %while3A_164, %mul3A_177 : i32
      %convert_element_type3A_179 = arith.sitofp %mul3A_178 : i32 to f32
      %dot_general3A = arith.constant dense<0.000000e+00> : vector<256x512xf32>
      %dot_general3A_180 = tpu.matmul %get3A_7, %get3A_170, %dot_general3A {dimension_numbers = #tpu.dot_dimension_numbers<[1], [1], [0], [0], [0, 0, 1, 0], [], []>, transpose_lhs_hint = false} : vector<256x128xf32>, vector<512x128xf32>, vector<256x512xf32> -> vector<256x512xf32>
      %broadcast_in_dim3A_181 = vector.shape_cast %get3A_12 : vector<256xf32> to vector<256x1xf32>
      %mul3A_182 = arith.constant 2.000000e+00 : f32
      %mul3A_183 = vector.broadcast %mul3A_182 : f32 to vector<256x512xf32>
      %mul3A_184 = arith.mulf %mul3A_183, %dot_general3A_180 : vector<256x512xf32>
      %sub3A_185 = vector.broadcast %broadcast_in_dim3A_181 : vector<256x1xf32> to vector<256x512xf32>
      %sub3A_186 = arith.subf %sub3A_185, %mul3A_184 : vector<256x512xf32>
      %add3A_187 = vector.broadcast %get3A_173 : vector<1x512xf32> to vector<256x512xf32>
      %add3A_188 = arith.addf %sub3A_186, %add3A_187 : vector<256x512xf32>
      %broadcast_in_dim3A_189 = vector.shape_cast %get3A_17 : vector<256xi32> to vector<256x1xi32>
      %eq3A_190 = vector.broadcast %broadcast_in_dim3A_189 : vector<256x1xi32> to vector<256x512xi32>
      %eq3A_191 = vector.broadcast %get3A_176 : vector<1x512xi32> to vector<256x512xi32>
      %eq3A_192 = arith.cmpi eq, %eq3A_190, %eq3A_191 : vector<256x512xi32>
      %jit3A_193 = arith.constant 1.000000e+30 : f32
      %broadcast_in_dim3A_194 = vector.broadcast %jit3A_193 : f32 to vector<256x512xf32>
      %select_n3A_195 = arith.select %eq3A_192, %add3A_188, %broadcast_in_dim3A_194 : vector<256x512xi1>, vector<256x512xf32>
      %reduce_min3A = arith.constant dense<0x7F800000> : vector<256xf32>
      %reduce_min3A_196 = vector.multi_reduction <minimumf>, %select_n3A_195, %reduce_min3A [1] : vector<256x512xf32> to vector<256xf32>
      %broadcast_in_dim3A_197 = vector.shape_cast %reduce_min3A_196 : vector<256xf32> to vector<256x1xf32>
      %eq3A_198 = vector.broadcast %broadcast_in_dim3A_197 : vector<256x1xf32> to vector<256x512xf32>
      %eq3A_199 = arith.cmpf oeq, %select_n3A_195, %eq3A_198 : vector<256x512xf32>
      %jit3A_200 = arith.constant 3.000000e+38 : f32
      %broadcast_in_dim3A_201 = vector.broadcast %jit3A_200 : f32 to vector<256x512xf32>
      %select_n3A_202 = arith.select %eq3A_199, %convert_element_type3A_146, %broadcast_in_dim3A_201 : vector<256x512xi1>, vector<256x512xf32>
      %reduce_min3A_203 = arith.constant dense<0x7F800000> : vector<256xf32>
      %reduce_min3A_204 = vector.multi_reduction <minimumf>, %select_n3A_202, %reduce_min3A_203 [1] : vector<256x512xf32> to vector<256xf32>
      %broadcast_in_dim3A_205 = vector.shape_cast %reduce_min3A_196 : vector<256xf32> to vector<1x256xf32>
      %add3A_206 = vector.broadcast %convert_element_type3A_179 : f32 to vector<256xf32>
      %add3A_207 = arith.addf %add3A_206, %reduce_min3A_204 : vector<256xf32>
      %broadcast_in_dim3A_208 = vector.shape_cast %add3A_207 : vector<256xf32> to vector<1x256xf32>
      %broadcast_in_dim3A_209 = vector.shape_cast %reduce_min3A_204 : vector<256xf32> to vector<256x1xf32>
      %eq3A_210 = vector.broadcast %broadcast_in_dim3A_209 : vector<256x1xf32> to vector<256x512xf32>
      %eq3A_211 = arith.cmpf oeq, %convert_element_type3A_146, %eq3A_210 : vector<256x512xf32>
      %jit3A_212 = arith.constant 3.000000e+38 : f32
      %broadcast_in_dim3A_213 = vector.broadcast %jit3A_212 : f32 to vector<256x512xf32>
      %select_n3A_214 = arith.select %eq3A_211, %broadcast_in_dim3A_213, %select_n3A_195 : vector<256x512xi1>, vector<256x512xf32>
      %reduce_min3A_215 = arith.constant dense<0x7F800000> : vector<256xf32>
      %reduce_min3A_216 = vector.multi_reduction <minimumf>, %select_n3A_214, %reduce_min3A_215 [1] : vector<256x512xf32> to vector<256xf32>
      %broadcast_in_dim3A_217 = vector.shape_cast %reduce_min3A_216 : vector<256xf32> to vector<256x1xf32>
      %eq3A_218 = vector.broadcast %broadcast_in_dim3A_217 : vector<256x1xf32> to vector<256x512xf32>
      %eq3A_219 = arith.cmpf oeq, %select_n3A_214, %eq3A_218 : vector<256x512xf32>
      %jit3A_220 = arith.constant 3.000000e+38 : f32
      %broadcast_in_dim3A_221 = vector.broadcast %jit3A_220 : f32 to vector<256x512xf32>
      %select_n3A_222 = arith.select %eq3A_219, %convert_element_type3A_146, %broadcast_in_dim3A_221 : vector<256x512xi1>, vector<256x512xf32>
      %reduce_min3A_223 = arith.constant dense<0x7F800000> : vector<256xf32>
      %reduce_min3A_224 = vector.multi_reduction <minimumf>, %select_n3A_222, %reduce_min3A_223 [1] : vector<256x512xf32> to vector<256xf32>
      %broadcast_in_dim3A_225 = vector.shape_cast %reduce_min3A_216 : vector<256xf32> to vector<1x256xf32>
      %add3A_226 = vector.broadcast %convert_element_type3A_179 : f32 to vector<256xf32>
      %add3A_227 = arith.addf %add3A_226, %reduce_min3A_224 : vector<256xf32>
      %broadcast_in_dim3A_228 = vector.shape_cast %add3A_227 : vector<256xf32> to vector<1x256xf32>
      %broadcast_in_dim3A_229 = vector.shape_cast %reduce_min3A_224 : vector<256xf32> to vector<256x1xf32>
      %eq3A_230 = vector.broadcast %broadcast_in_dim3A_229 : vector<256x1xf32> to vector<256x512xf32>
      %eq3A_231 = arith.cmpf oeq, %convert_element_type3A_146, %eq3A_230 : vector<256x512xf32>
      %jit3A_232 = arith.constant 3.000000e+38 : f32
      %broadcast_in_dim3A_233 = vector.broadcast %jit3A_232 : f32 to vector<256x512xf32>
      %select_n3A_234 = arith.select %eq3A_231, %broadcast_in_dim3A_233, %select_n3A_214 : vector<256x512xi1>, vector<256x512xf32>
      %reduce_min3A_235 = arith.constant dense<0x7F800000> : vector<256xf32>
      %reduce_min3A_236 = vector.multi_reduction <minimumf>, %select_n3A_234, %reduce_min3A_235 [1] : vector<256x512xf32> to vector<256xf32>
      %broadcast_in_dim3A_237 = vector.shape_cast %reduce_min3A_236 : vector<256xf32> to vector<256x1xf32>
      %eq3A_238 = vector.broadcast %broadcast_in_dim3A_237 : vector<256x1xf32> to vector<256x512xf32>
      %eq3A_239 = arith.cmpf oeq, %select_n3A_234, %eq3A_238 : vector<256x512xf32>
      %jit3A_240 = arith.constant 3.000000e+38 : f32
      %broadcast_in_dim3A_241 = vector.broadcast %jit3A_240 : f32 to vector<256x512xf32>
      %select_n3A_242 = arith.select %eq3A_239, %convert_element_type3A_146, %broadcast_in_dim3A_241 : vector<256x512xi1>, vector<256x512xf32>
      %reduce_min3A_243 = arith.constant dense<0x7F800000> : vector<256xf32>
      %reduce_min3A_244 = vector.multi_reduction <minimumf>, %select_n3A_242, %reduce_min3A_243 [1] : vector<256x512xf32> to vector<256xf32>
      %broadcast_in_dim3A_245 = vector.shape_cast %reduce_min3A_236 : vector<256xf32> to vector<1x256xf32>
      %add3A_246 = vector.broadcast %convert_element_type3A_179 : f32 to vector<256xf32>
      %add3A_247 = arith.addf %add3A_246, %reduce_min3A_244 : vector<256xf32>
      %broadcast_in_dim3A_248 = vector.shape_cast %add3A_247 : vector<256xf32> to vector<1x256xf32>
      %broadcast_in_dim3A_249 = vector.shape_cast %reduce_min3A_244 : vector<256xf32> to vector<256x1xf32>
      %eq3A_250 = vector.broadcast %broadcast_in_dim3A_249 : vector<256x1xf32> to vector<256x512xf32>
      %eq3A_251 = arith.cmpf oeq, %convert_element_type3A_146, %eq3A_250 : vector<256x512xf32>
      %jit3A_252 = arith.constant 3.000000e+38 : f32
      %broadcast_in_dim3A_253 = vector.broadcast %jit3A_252 : f32 to vector<256x512xf32>
      %select_n3A_254 = arith.select %eq3A_251, %broadcast_in_dim3A_253, %select_n3A_234 : vector<256x512xi1>, vector<256x512xf32>
      %reduce_min3A_255 = arith.constant dense<0x7F800000> : vector<256xf32>
      %reduce_min3A_256 = vector.multi_reduction <minimumf>, %select_n3A_254, %reduce_min3A_255 [1] : vector<256x512xf32> to vector<256xf32>
      %broadcast_in_dim3A_257 = vector.shape_cast %reduce_min3A_256 : vector<256xf32> to vector<256x1xf32>
      %eq3A_258 = vector.broadcast %broadcast_in_dim3A_257 : vector<256x1xf32> to vector<256x512xf32>
      %eq3A_259 = arith.cmpf oeq, %select_n3A_254, %eq3A_258 : vector<256x512xf32>
      %jit3A_260 = arith.constant 3.000000e+38 : f32
      %broadcast_in_dim3A_261 = vector.broadcast %jit3A_260 : f32 to vector<256x512xf32>
      %select_n3A_262 = arith.select %eq3A_259, %convert_element_type3A_146, %broadcast_in_dim3A_261 : vector<256x512xi1>, vector<256x512xf32>
      %reduce_min3A_263 = arith.constant dense<0x7F800000> : vector<256xf32>
      %reduce_min3A_264 = vector.multi_reduction <minimumf>, %select_n3A_262, %reduce_min3A_263 [1] : vector<256x512xf32> to vector<256xf32>
      %broadcast_in_dim3A_265 = vector.shape_cast %reduce_min3A_256 : vector<256xf32> to vector<1x256xf32>
      %add3A_266 = vector.broadcast %convert_element_type3A_179 : f32 to vector<256xf32>
      %add3A_267 = arith.addf %add3A_266, %reduce_min3A_264 : vector<256xf32>
      %broadcast_in_dim3A_268 = vector.shape_cast %add3A_267 : vector<256xf32> to vector<1x256xf32>
      %broadcast_in_dim3A_269 = vector.shape_cast %reduce_min3A_264 : vector<256xf32> to vector<256x1xf32>
      %eq3A_270 = vector.broadcast %broadcast_in_dim3A_269 : vector<256x1xf32> to vector<256x512xf32>
      %eq3A_271 = arith.cmpf oeq, %convert_element_type3A_146, %eq3A_270 : vector<256x512xf32>
      %jit3A_272 = arith.constant 3.000000e+38 : f32
      %broadcast_in_dim3A_273 = vector.broadcast %jit3A_272 : f32 to vector<256x512xf32>
      %select_n3A_274 = arith.select %eq3A_271, %broadcast_in_dim3A_273, %select_n3A_254 : vector<256x512xi1>, vector<256x512xf32>
      %reduce_min3A_275 = arith.constant dense<0x7F800000> : vector<256xf32>
      %reduce_min3A_276 = vector.multi_reduction <minimumf>, %select_n3A_274, %reduce_min3A_275 [1] : vector<256x512xf32> to vector<256xf32>
      %broadcast_in_dim3A_277 = vector.shape_cast %reduce_min3A_276 : vector<256xf32> to vector<256x1xf32>
      %eq3A_278 = vector.broadcast %broadcast_in_dim3A_277 : vector<256x1xf32> to vector<256x512xf32>
      %eq3A_279 = arith.cmpf oeq, %select_n3A_274, %eq3A_278 : vector<256x512xf32>
      %jit3A_280 = arith.constant 3.000000e+38 : f32
      %broadcast_in_dim3A_281 = vector.broadcast %jit3A_280 : f32 to vector<256x512xf32>
      %select_n3A_282 = arith.select %eq3A_279, %convert_element_type3A_146, %broadcast_in_dim3A_281 : vector<256x512xi1>, vector<256x512xf32>
      %reduce_min3A_283 = arith.constant dense<0x7F800000> : vector<256xf32>
      %reduce_min3A_284 = vector.multi_reduction <minimumf>, %select_n3A_282, %reduce_min3A_283 [1] : vector<256x512xf32> to vector<256xf32>
      %broadcast_in_dim3A_285 = vector.shape_cast %reduce_min3A_276 : vector<256xf32> to vector<1x256xf32>
      %add3A_286 = vector.broadcast %convert_element_type3A_179 : f32 to vector<256xf32>
      %add3A_287 = arith.addf %add3A_286, %reduce_min3A_284 : vector<256xf32>
      %broadcast_in_dim3A_288 = vector.shape_cast %add3A_287 : vector<256xf32> to vector<1x256xf32>
      %broadcast_in_dim3A_289 = vector.shape_cast %reduce_min3A_284 : vector<256xf32> to vector<256x1xf32>
      %eq3A_290 = vector.broadcast %broadcast_in_dim3A_289 : vector<256x1xf32> to vector<256x512xf32>
      %eq3A_291 = arith.cmpf oeq, %convert_element_type3A_146, %eq3A_290 : vector<256x512xf32>
      %jit3A_292 = arith.constant 3.000000e+38 : f32
      %broadcast_in_dim3A_293 = vector.broadcast %jit3A_292 : f32 to vector<256x512xf32>
      %select_n3A_294 = arith.select %eq3A_291, %broadcast_in_dim3A_293, %select_n3A_274 : vector<256x512xi1>, vector<256x512xf32>
      %reduce_min3A_295 = arith.constant dense<0x7F800000> : vector<256xf32>
      %reduce_min3A_296 = vector.multi_reduction <minimumf>, %select_n3A_294, %reduce_min3A_295 [1] : vector<256x512xf32> to vector<256xf32>
      %broadcast_in_dim3A_297 = vector.shape_cast %reduce_min3A_296 : vector<256xf32> to vector<256x1xf32>
      %eq3A_298 = vector.broadcast %broadcast_in_dim3A_297 : vector<256x1xf32> to vector<256x512xf32>
      %eq3A_299 = arith.cmpf oeq, %select_n3A_294, %eq3A_298 : vector<256x512xf32>
      %jit3A_300 = arith.constant 3.000000e+38 : f32
      %broadcast_in_dim3A_301 = vector.broadcast %jit3A_300 : f32 to vector<256x512xf32>
      %select_n3A_302 = arith.select %eq3A_299, %convert_element_type3A_146, %broadcast_in_dim3A_301 : vector<256x512xi1>, vector<256x512xf32>
      %reduce_min3A_303 = arith.constant dense<0x7F800000> : vector<256xf32>
      %reduce_min3A_304 = vector.multi_reduction <minimumf>, %select_n3A_302, %reduce_min3A_303 [1] : vector<256x512xf32> to vector<256xf32>
      %broadcast_in_dim3A_305 = vector.shape_cast %reduce_min3A_296 : vector<256xf32> to vector<1x256xf32>
      %add3A_306 = vector.broadcast %convert_element_type3A_179 : f32 to vector<256xf32>
      %add3A_307 = arith.addf %add3A_306, %reduce_min3A_304 : vector<256xf32>
      %broadcast_in_dim3A_308 = vector.shape_cast %add3A_307 : vector<256xf32> to vector<1x256xf32>
      %broadcast_in_dim3A_309 = vector.shape_cast %reduce_min3A_304 : vector<256xf32> to vector<256x1xf32>
      %eq3A_310 = vector.broadcast %broadcast_in_dim3A_309 : vector<256x1xf32> to vector<256x512xf32>
      %eq3A_311 = arith.cmpf oeq, %convert_element_type3A_146, %eq3A_310 : vector<256x512xf32>
      %jit3A_312 = arith.constant 3.000000e+38 : f32
      %broadcast_in_dim3A_313 = vector.broadcast %jit3A_312 : f32 to vector<256x512xf32>
      %select_n3A_314 = arith.select %eq3A_311, %broadcast_in_dim3A_313, %select_n3A_294 : vector<256x512xi1>, vector<256x512xf32>
      %reduce_min3A_315 = arith.constant dense<0x7F800000> : vector<256xf32>
      %reduce_min3A_316 = vector.multi_reduction <minimumf>, %select_n3A_314, %reduce_min3A_315 [1] : vector<256x512xf32> to vector<256xf32>
      %broadcast_in_dim3A_317 = vector.shape_cast %reduce_min3A_316 : vector<256xf32> to vector<256x1xf32>
      %eq3A_318 = vector.broadcast %broadcast_in_dim3A_317 : vector<256x1xf32> to vector<256x512xf32>
      %eq3A_319 = arith.cmpf oeq, %select_n3A_314, %eq3A_318 : vector<256x512xf32>
      %jit3A_320 = arith.constant 3.000000e+38 : f32
      %broadcast_in_dim3A_321 = vector.broadcast %jit3A_320 : f32 to vector<256x512xf32>
      %select_n3A_322 = arith.select %eq3A_319, %convert_element_type3A_146, %broadcast_in_dim3A_321 : vector<256x512xi1>, vector<256x512xf32>
      %reduce_min3A_323 = arith.constant dense<0x7F800000> : vector<256xf32>
      %reduce_min3A_324 = vector.multi_reduction <minimumf>, %select_n3A_322, %reduce_min3A_323 [1] : vector<256x512xf32> to vector<256xf32>
      %broadcast_in_dim3A_325 = vector.shape_cast %reduce_min3A_316 : vector<256xf32> to vector<1x256xf32>
      %add3A_326 = vector.broadcast %convert_element_type3A_179 : f32 to vector<256xf32>
      %add3A_327 = arith.addf %add3A_326, %reduce_min3A_324 : vector<256xf32>
      %broadcast_in_dim3A_328 = vector.shape_cast %add3A_327 : vector<256xf32> to vector<1x256xf32>
      %broadcast_in_dim3A_329 = vector.shape_cast %reduce_min3A_324 : vector<256xf32> to vector<256x1xf32>
      %eq3A_330 = vector.broadcast %broadcast_in_dim3A_329 : vector<256x1xf32> to vector<256x512xf32>
      %eq3A_331 = arith.cmpf oeq, %convert_element_type3A_146, %eq3A_330 : vector<256x512xf32>
      %jit3A_332 = arith.constant 3.000000e+38 : f32
      %broadcast_in_dim3A_333 = vector.broadcast %jit3A_332 : f32 to vector<256x512xf32>
      %select_n3A_334 = arith.select %eq3A_331, %broadcast_in_dim3A_333, %select_n3A_314 : vector<256x512xi1>, vector<256x512xf32>
      %reduce_min3A_335 = arith.constant dense<0x7F800000> : vector<256xf32>
      %reduce_min3A_336 = vector.multi_reduction <minimumf>, %select_n3A_334, %reduce_min3A_335 [1] : vector<256x512xf32> to vector<256xf32>
      %broadcast_in_dim3A_337 = vector.shape_cast %reduce_min3A_336 : vector<256xf32> to vector<256x1xf32>
      %eq3A_338 = vector.broadcast %broadcast_in_dim3A_337 : vector<256x1xf32> to vector<256x512xf32>
      %eq3A_339 = arith.cmpf oeq, %select_n3A_334, %eq3A_338 : vector<256x512xf32>
      %jit3A_340 = arith.constant 3.000000e+38 : f32
      %broadcast_in_dim3A_341 = vector.broadcast %jit3A_340 : f32 to vector<256x512xf32>
      %select_n3A_342 = arith.select %eq3A_339, %convert_element_type3A_146, %broadcast_in_dim3A_341 : vector<256x512xi1>, vector<256x512xf32>
      %reduce_min3A_343 = arith.constant dense<0x7F800000> : vector<256xf32>
      %reduce_min3A_344 = vector.multi_reduction <minimumf>, %select_n3A_342, %reduce_min3A_343 [1] : vector<256x512xf32> to vector<256xf32>
      %broadcast_in_dim3A_345 = vector.shape_cast %reduce_min3A_336 : vector<256xf32> to vector<1x256xf32>
      %add3A_346 = vector.broadcast %convert_element_type3A_179 : f32 to vector<256xf32>
      %add3A_347 = arith.addf %add3A_346, %reduce_min3A_344 : vector<256xf32>
      %broadcast_in_dim3A_348 = vector.shape_cast %add3A_347 : vector<256xf32> to vector<1x256xf32>
      %broadcast_in_dim3A_349 = vector.shape_cast %reduce_min3A_344 : vector<256xf32> to vector<256x1xf32>
      %eq3A_350 = vector.broadcast %broadcast_in_dim3A_349 : vector<256x1xf32> to vector<256x512xf32>
      %eq3A_351 = arith.cmpf oeq, %convert_element_type3A_146, %eq3A_350 : vector<256x512xf32>
      %jit3A_352 = arith.constant 3.000000e+38 : f32
      %broadcast_in_dim3A_353 = vector.broadcast %jit3A_352 : f32 to vector<256x512xf32>
      %select_n3A_354 = arith.select %eq3A_351, %broadcast_in_dim3A_353, %select_n3A_334 : vector<256x512xi1>, vector<256x512xf32>
      %concatenate3A_355 = tpu.concatenate %while3A_165, %broadcast_in_dim3A_205, %broadcast_in_dim3A_225, %broadcast_in_dim3A_245, %broadcast_in_dim3A_265, %broadcast_in_dim3A_285, %broadcast_in_dim3A_305, %broadcast_in_dim3A_325, %broadcast_in_dim3A_345 in 0 : vector<8x256xf32>, vector<1x256xf32>, vector<1x256xf32>, vector<1x256xf32>, vector<1x256xf32>, vector<1x256xf32>, vector<1x256xf32>, vector<1x256xf32>, vector<1x256xf32> -> vector<16x256xf32>
      %concatenate3A_356 = tpu.concatenate %while3A_166, %broadcast_in_dim3A_208, %broadcast_in_dim3A_228, %broadcast_in_dim3A_248, %broadcast_in_dim3A_268, %broadcast_in_dim3A_288, %broadcast_in_dim3A_308, %broadcast_in_dim3A_328, %broadcast_in_dim3A_348 in 0 : vector<8x256xf32>, vector<1x256xf32>, vector<1x256xf32>, vector<1x256xf32>, vector<1x256xf32>, vector<1x256xf32>, vector<1x256xf32>, vector<1x256xf32>, vector<1x256xf32> -> vector<16x256xf32>
      %reduce_min3A_357 = arith.constant dense<0x7F800000> : vector<256xf32>
      %reduce_min3A_358 = vector.multi_reduction <minimumf>, %concatenate3A_355, %reduce_min3A_357 [0] : vector<16x256xf32> to vector<256xf32>
      %broadcast_in_dim3A_359 = vector.shape_cast %reduce_min3A_358 : vector<256xf32> to vector<1x256xf32>
      %eq3A_360 = vector.broadcast %broadcast_in_dim3A_359 : vector<1x256xf32> to vector<16x256xf32>
      %eq3A_361 = arith.cmpf oeq, %concatenate3A_355, %eq3A_360 : vector<16x256xf32>
      %jit3A_362 = arith.constant 3.000000e+38 : f32
      %broadcast_in_dim3A_363 = vector.broadcast %jit3A_362 : f32 to vector<16x256xf32>
      %select_n3A_364 = arith.select %eq3A_361, %convert_element_type3A_148, %broadcast_in_dim3A_363 : vector<16x256xi1>, vector<16x256xf32>
      %reduce_min3A_365 = arith.constant dense<0x7F800000> : vector<256xf32>
      %reduce_min3A_366 = vector.multi_reduction <minimumf>, %select_n3A_364, %reduce_min3A_365 [0] : vector<16x256xf32> to vector<256xf32>
      %broadcast_in_dim3A_367 = vector.shape_cast %reduce_min3A_366 : vector<256xf32> to vector<1x256xf32>
      %eq3A_368 = vector.broadcast %broadcast_in_dim3A_367 : vector<1x256xf32> to vector<16x256xf32>
      %eq3A_369 = arith.cmpf oeq, %convert_element_type3A_148, %eq3A_368 : vector<16x256xf32>
      %broadcast_in_dim3A_370 = vector.shape_cast %reduce_min3A_358 : vector<256xf32> to vector<1x256xf32>
      %jit3A_371 = arith.constant 3.000000e+38 : f32
      %broadcast_in_dim3A_372 = vector.broadcast %jit3A_371 : f32 to vector<16x256xf32>
      %select_n3A_373 = arith.select %eq3A_369, %concatenate3A_356, %broadcast_in_dim3A_372 : vector<16x256xi1>, vector<16x256xf32>
      %reduce_min3A_374 = arith.constant dense<0x7F800000> : vector<256xf32>
      %reduce_min3A_375 = vector.multi_reduction <minimumf>, %select_n3A_373, %reduce_min3A_374 [0] : vector<16x256xf32> to vector<256xf32>
      %broadcast_in_dim3A_376 = vector.shape_cast %reduce_min3A_375 : vector<256xf32> to vector<1x256xf32>
      %jit3A_377 = arith.constant 3.000000e+38 : f32
      %broadcast_in_dim3A_378 = vector.broadcast %jit3A_377 : f32 to vector<16x256xf32>
      %select_n3A_379 = arith.select %eq3A_369, %broadcast_in_dim3A_378, %concatenate3A_355 : vector<16x256xi1>, vector<16x256xf32>
      %reduce_min3A_380 = arith.constant dense<0x7F800000> : vector<256xf32>
      %reduce_min3A_381 = vector.multi_reduction <minimumf>, %select_n3A_379, %reduce_min3A_380 [0] : vector<16x256xf32> to vector<256xf32>
      %broadcast_in_dim3A_382 = vector.shape_cast %reduce_min3A_381 : vector<256xf32> to vector<1x256xf32>
      %eq3A_383 = vector.broadcast %broadcast_in_dim3A_382 : vector<1x256xf32> to vector<16x256xf32>
      %eq3A_384 = arith.cmpf oeq, %select_n3A_379, %eq3A_383 : vector<16x256xf32>
      %jit3A_385 = arith.constant 3.000000e+38 : f32
      %broadcast_in_dim3A_386 = vector.broadcast %jit3A_385 : f32 to vector<16x256xf32>
      %select_n3A_387 = arith.select %eq3A_384, %convert_element_type3A_148, %broadcast_in_dim3A_386 : vector<16x256xi1>, vector<16x256xf32>
      %reduce_min3A_388 = arith.constant dense<0x7F800000> : vector<256xf32>
      %reduce_min3A_389 = vector.multi_reduction <minimumf>, %select_n3A_387, %reduce_min3A_388 [0] : vector<16x256xf32> to vector<256xf32>
      %broadcast_in_dim3A_390 = vector.shape_cast %reduce_min3A_389 : vector<256xf32> to vector<1x256xf32>
      %eq3A_391 = vector.broadcast %broadcast_in_dim3A_390 : vector<1x256xf32> to vector<16x256xf32>
      %eq3A_392 = arith.cmpf oeq, %convert_element_type3A_148, %eq3A_391 : vector<16x256xf32>
      %broadcast_in_dim3A_393 = vector.shape_cast %reduce_min3A_381 : vector<256xf32> to vector<1x256xf32>
      %jit3A_394 = arith.constant 3.000000e+38 : f32
      %broadcast_in_dim3A_395 = vector.broadcast %jit3A_394 : f32 to vector<16x256xf32>
      %select_n3A_396 = arith.select %eq3A_392, %concatenate3A_356, %broadcast_in_dim3A_395 : vector<16x256xi1>, vector<16x256xf32>
      %reduce_min3A_397 = arith.constant dense<0x7F800000> : vector<256xf32>
      %reduce_min3A_398 = vector.multi_reduction <minimumf>, %select_n3A_396, %reduce_min3A_397 [0] : vector<16x256xf32> to vector<256xf32>
      %broadcast_in_dim3A_399 = vector.shape_cast %reduce_min3A_398 : vector<256xf32> to vector<1x256xf32>
      %jit3A_400 = arith.constant 3.000000e+38 : f32
      %broadcast_in_dim3A_401 = vector.broadcast %jit3A_400 : f32 to vector<16x256xf32>
      %select_n3A_402 = arith.select %eq3A_392, %broadcast_in_dim3A_401, %select_n3A_379 : vector<16x256xi1>, vector<16x256xf32>
      %reduce_min3A_403 = arith.constant dense<0x7F800000> : vector<256xf32>
      %reduce_min3A_404 = vector.multi_reduction <minimumf>, %select_n3A_402, %reduce_min3A_403 [0] : vector<16x256xf32> to vector<256xf32>
      %broadcast_in_dim3A_405 = vector.shape_cast %reduce_min3A_404 : vector<256xf32> to vector<1x256xf32>
      %eq3A_406 = vector.broadcast %broadcast_in_dim3A_405 : vector<1x256xf32> to vector<16x256xf32>
      %eq3A_407 = arith.cmpf oeq, %select_n3A_402, %eq3A_406 : vector<16x256xf32>
      %jit3A_408 = arith.constant 3.000000e+38 : f32
      %broadcast_in_dim3A_409 = vector.broadcast %jit3A_408 : f32 to vector<16x256xf32>
      %select_n3A_410 = arith.select %eq3A_407, %convert_element_type3A_148, %broadcast_in_dim3A_409 : vector<16x256xi1>, vector<16x256xf32>
      %reduce_min3A_411 = arith.constant dense<0x7F800000> : vector<256xf32>
      %reduce_min3A_412 = vector.multi_reduction <minimumf>, %select_n3A_410, %reduce_min3A_411 [0] : vector<16x256xf32> to vector<256xf32>
      %broadcast_in_dim3A_413 = vector.shape_cast %reduce_min3A_412 : vector<256xf32> to vector<1x256xf32>
      %eq3A_414 = vector.broadcast %broadcast_in_dim3A_413 : vector<1x256xf32> to vector<16x256xf32>
      %eq3A_415 = arith.cmpf oeq, %convert_element_type3A_148, %eq3A_414 : vector<16x256xf32>
      %broadcast_in_dim3A_416 = vector.shape_cast %reduce_min3A_404 : vector<256xf32> to vector<1x256xf32>
      %jit3A_417 = arith.constant 3.000000e+38 : f32
      %broadcast_in_dim3A_418 = vector.broadcast %jit3A_417 : f32 to vector<16x256xf32>
      %select_n3A_419 = arith.select %eq3A_415, %concatenate3A_356, %broadcast_in_dim3A_418 : vector<16x256xi1>, vector<16x256xf32>
      %reduce_min3A_420 = arith.constant dense<0x7F800000> : vector<256xf32>
      %reduce_min3A_421 = vector.multi_reduction <minimumf>, %select_n3A_419, %reduce_min3A_420 [0] : vector<16x256xf32> to vector<256xf32>
      %broadcast_in_dim3A_422 = vector.shape_cast %reduce_min3A_421 : vector<256xf32> to vector<1x256xf32>
      %jit3A_423 = arith.constant 3.000000e+38 : f32
      %broadcast_in_dim3A_424 = vector.broadcast %jit3A_423 : f32 to vector<16x256xf32>
      %select_n3A_425 = arith.select %eq3A_415, %broadcast_in_dim3A_424, %select_n3A_402 : vector<16x256xi1>, vector<16x256xf32>
      %reduce_min3A_426 = arith.constant dense<0x7F800000> : vector<256xf32>
      %reduce_min3A_427 = vector.multi_reduction <minimumf>, %select_n3A_425, %reduce_min3A_426 [0] : vector<16x256xf32> to vector<256xf32>
      %broadcast_in_dim3A_428 = vector.shape_cast %reduce_min3A_427 : vector<256xf32> to vector<1x256xf32>
      %eq3A_429 = vector.broadcast %broadcast_in_dim3A_428 : vector<1x256xf32> to vector<16x256xf32>
      %eq3A_430 = arith.cmpf oeq, %select_n3A_425, %eq3A_429 : vector<16x256xf32>
      %jit3A_431 = arith.constant 3.000000e+38 : f32
      %broadcast_in_dim3A_432 = vector.broadcast %jit3A_431 : f32 to vector<16x256xf32>
      %select_n3A_433 = arith.select %eq3A_430, %convert_element_type3A_148, %broadcast_in_dim3A_432 : vector<16x256xi1>, vector<16x256xf32>
      %reduce_min3A_434 = arith.constant dense<0x7F800000> : vector<256xf32>
      %reduce_min3A_435 = vector.multi_reduction <minimumf>, %select_n3A_433, %reduce_min3A_434 [0] : vector<16x256xf32> to vector<256xf32>
      %broadcast_in_dim3A_436 = vector.shape_cast %reduce_min3A_435 : vector<256xf32> to vector<1x256xf32>
      %eq3A_437 = vector.broadcast %broadcast_in_dim3A_436 : vector<1x256xf32> to vector<16x256xf32>
      %eq3A_438 = arith.cmpf oeq, %convert_element_type3A_148, %eq3A_437 : vector<16x256xf32>
      %broadcast_in_dim3A_439 = vector.shape_cast %reduce_min3A_427 : vector<256xf32> to vector<1x256xf32>
      %jit3A_440 = arith.constant 3.000000e+38 : f32
      %broadcast_in_dim3A_441 = vector.broadcast %jit3A_440 : f32 to vector<16x256xf32>
      %select_n3A_442 = arith.select %eq3A_438, %concatenate3A_356, %broadcast_in_dim3A_441 : vector<16x256xi1>, vector<16x256xf32>
      %reduce_min3A_443 = arith.constant dense<0x7F800000> : vector<256xf32>
      %reduce_min3A_444 = vector.multi_reduction <minimumf>, %select_n3A_442, %reduce_min3A_443 [0] : vector<16x256xf32> to vector<256xf32>
      %broadcast_in_dim3A_445 = vector.shape_cast %reduce_min3A_444 : vector<256xf32> to vector<1x256xf32>
      %jit3A_446 = arith.constant 3.000000e+38 : f32
      %broadcast_in_dim3A_447 = vector.broadcast %jit3A_446 : f32 to vector<16x256xf32>
      %select_n3A_448 = arith.select %eq3A_438, %broadcast_in_dim3A_447, %select_n3A_425 : vector<16x256xi1>, vector<16x256xf32>
      %reduce_min3A_449 = arith.constant dense<0x7F800000> : vector<256xf32>
      %reduce_min3A_450 = vector.multi_reduction <minimumf>, %select_n3A_448, %reduce_min3A_449 [0] : vector<16x256xf32> to vector<256xf32>
      %broadcast_in_dim3A_451 = vector.shape_cast %reduce_min3A_450 : vector<256xf32> to vector<1x256xf32>
      %eq3A_452 = vector.broadcast %broadcast_in_dim3A_451 : vector<1x256xf32> to vector<16x256xf32>
      %eq3A_453 = arith.cmpf oeq, %select_n3A_448, %eq3A_452 : vector<16x256xf32>
      %jit3A_454 = arith.constant 3.000000e+38 : f32
      %broadcast_in_dim3A_455 = vector.broadcast %jit3A_454 : f32 to vector<16x256xf32>
      %select_n3A_456 = arith.select %eq3A_453, %convert_element_type3A_148, %broadcast_in_dim3A_455 : vector<16x256xi1>, vector<16x256xf32>
      %reduce_min3A_457 = arith.constant dense<0x7F800000> : vector<256xf32>
      %reduce_min3A_458 = vector.multi_reduction <minimumf>, %select_n3A_456, %reduce_min3A_457 [0] : vector<16x256xf32> to vector<256xf32>
      %broadcast_in_dim3A_459 = vector.shape_cast %reduce_min3A_458 : vector<256xf32> to vector<1x256xf32>
      %eq3A_460 = vector.broadcast %broadcast_in_dim3A_459 : vector<1x256xf32> to vector<16x256xf32>
      %eq3A_461 = arith.cmpf oeq, %convert_element_type3A_148, %eq3A_460 : vector<16x256xf32>
      %broadcast_in_dim3A_462 = vector.shape_cast %reduce_min3A_450 : vector<256xf32> to vector<1x256xf32>
      %jit3A_463 = arith.constant 3.000000e+38 : f32
      %broadcast_in_dim3A_464 = vector.broadcast %jit3A_463 : f32 to vector<16x256xf32>
      %select_n3A_465 = arith.select %eq3A_461, %concatenate3A_356, %broadcast_in_dim3A_464 : vector<16x256xi1>, vector<16x256xf32>
      %reduce_min3A_466 = arith.constant dense<0x7F800000> : vector<256xf32>
      %reduce_min3A_467 = vector.multi_reduction <minimumf>, %select_n3A_465, %reduce_min3A_466 [0] : vector<16x256xf32> to vector<256xf32>
      %broadcast_in_dim3A_468 = vector.shape_cast %reduce_min3A_467 : vector<256xf32> to vector<1x256xf32>
      %jit3A_469 = arith.constant 3.000000e+38 : f32
      %broadcast_in_dim3A_470 = vector.broadcast %jit3A_469 : f32 to vector<16x256xf32>
      %select_n3A_471 = arith.select %eq3A_461, %broadcast_in_dim3A_470, %select_n3A_448 : vector<16x256xi1>, vector<16x256xf32>
      %reduce_min3A_472 = arith.constant dense<0x7F800000> : vector<256xf32>
      %reduce_min3A_473 = vector.multi_reduction <minimumf>, %select_n3A_471, %reduce_min3A_472 [0] : vector<16x256xf32> to vector<256xf32>
      %broadcast_in_dim3A_474 = vector.shape_cast %reduce_min3A_473 : vector<256xf32> to vector<1x256xf32>
      %eq3A_475 = vector.broadcast %broadcast_in_dim3A_474 : vector<1x256xf32> to vector<16x256xf32>
      %eq3A_476 = arith.cmpf oeq, %select_n3A_471, %eq3A_475 : vector<16x256xf32>
      %jit3A_477 = arith.constant 3.000000e+38 : f32
      %broadcast_in_dim3A_478 = vector.broadcast %jit3A_477 : f32 to vector<16x256xf32>
      %select_n3A_479 = arith.select %eq3A_476, %convert_element_type3A_148, %broadcast_in_dim3A_478 : vector<16x256xi1>, vector<16x256xf32>
      %reduce_min3A_480 = arith.constant dense<0x7F800000> : vector<256xf32>
      %reduce_min3A_481 = vector.multi_reduction <minimumf>, %select_n3A_479, %reduce_min3A_480 [0] : vector<16x256xf32> to vector<256xf32>
      %broadcast_in_dim3A_482 = vector.shape_cast %reduce_min3A_481 : vector<256xf32> to vector<1x256xf32>
      %eq3A_483 = vector.broadcast %broadcast_in_dim3A_482 : vector<1x256xf32> to vector<16x256xf32>
      %eq3A_484 = arith.cmpf oeq, %convert_element_type3A_148, %eq3A_483 : vector<16x256xf32>
      %broadcast_in_dim3A_485 = vector.shape_cast %reduce_min3A_473 : vector<256xf32> to vector<1x256xf32>
      %jit3A_486 = arith.constant 3.000000e+38 : f32
      %broadcast_in_dim3A_487 = vector.broadcast %jit3A_486 : f32 to vector<16x256xf32>
      %select_n3A_488 = arith.select %eq3A_484, %concatenate3A_356, %broadcast_in_dim3A_487 : vector<16x256xi1>, vector<16x256xf32>
      %reduce_min3A_489 = arith.constant dense<0x7F800000> : vector<256xf32>
      %reduce_min3A_490 = vector.multi_reduction <minimumf>, %select_n3A_488, %reduce_min3A_489 [0] : vector<16x256xf32> to vector<256xf32>
      %broadcast_in_dim3A_491 = vector.shape_cast %reduce_min3A_490 : vector<256xf32> to vector<1x256xf32>
      %jit3A_492 = arith.constant 3.000000e+38 : f32
      %broadcast_in_dim3A_493 = vector.broadcast %jit3A_492 : f32 to vector<16x256xf32>
      %select_n3A_494 = arith.select %eq3A_484, %broadcast_in_dim3A_493, %select_n3A_471 : vector<16x256xi1>, vector<16x256xf32>
      %reduce_min3A_495 = arith.constant dense<0x7F800000> : vector<256xf32>
      %reduce_min3A_496 = vector.multi_reduction <minimumf>, %select_n3A_494, %reduce_min3A_495 [0] : vector<16x256xf32> to vector<256xf32>
      %broadcast_in_dim3A_497 = vector.shape_cast %reduce_min3A_496 : vector<256xf32> to vector<1x256xf32>
      %eq3A_498 = vector.broadcast %broadcast_in_dim3A_497 : vector<1x256xf32> to vector<16x256xf32>
      %eq3A_499 = arith.cmpf oeq, %select_n3A_494, %eq3A_498 : vector<16x256xf32>
      %jit3A_500 = arith.constant 3.000000e+38 : f32
      %broadcast_in_dim3A_501 = vector.broadcast %jit3A_500 : f32 to vector<16x256xf32>
      %select_n3A_502 = arith.select %eq3A_499, %convert_element_type3A_148, %broadcast_in_dim3A_501 : vector<16x256xi1>, vector<16x256xf32>
      %reduce_min3A_503 = arith.constant dense<0x7F800000> : vector<256xf32>
      %reduce_min3A_504 = vector.multi_reduction <minimumf>, %select_n3A_502, %reduce_min3A_503 [0] : vector<16x256xf32> to vector<256xf32>
      %broadcast_in_dim3A_505 = vector.shape_cast %reduce_min3A_504 : vector<256xf32> to vector<1x256xf32>
      %eq3A_506 = vector.broadcast %broadcast_in_dim3A_505 : vector<1x256xf32> to vector<16x256xf32>
      %eq3A_507 = arith.cmpf oeq, %convert_element_type3A_148, %eq3A_506 : vector<16x256xf32>
      %broadcast_in_dim3A_508 = vector.shape_cast %reduce_min3A_496 : vector<256xf32> to vector<1x256xf32>
      %jit3A_509 = arith.constant 3.000000e+38 : f32
      %broadcast_in_dim3A_510 = vector.broadcast %jit3A_509 : f32 to vector<16x256xf32>
      %select_n3A_511 = arith.select %eq3A_507, %concatenate3A_356, %broadcast_in_dim3A_510 : vector<16x256xi1>, vector<16x256xf32>
      %reduce_min3A_512 = arith.constant dense<0x7F800000> : vector<256xf32>
      %reduce_min3A_513 = vector.multi_reduction <minimumf>, %select_n3A_511, %reduce_min3A_512 [0] : vector<16x256xf32> to vector<256xf32>
      %broadcast_in_dim3A_514 = vector.shape_cast %reduce_min3A_513 : vector<256xf32> to vector<1x256xf32>
      %jit3A_515 = arith.constant 3.000000e+38 : f32
      %broadcast_in_dim3A_516 = vector.broadcast %jit3A_515 : f32 to vector<16x256xf32>
      %select_n3A_517 = arith.select %eq3A_507, %broadcast_in_dim3A_516, %select_n3A_494 : vector<16x256xi1>, vector<16x256xf32>
      %reduce_min3A_518 = arith.constant dense<0x7F800000> : vector<256xf32>
      %reduce_min3A_519 = vector.multi_reduction <minimumf>, %select_n3A_517, %reduce_min3A_518 [0] : vector<16x256xf32> to vector<256xf32>
      %broadcast_in_dim3A_520 = vector.shape_cast %reduce_min3A_519 : vector<256xf32> to vector<1x256xf32>
      %eq3A_521 = vector.broadcast %broadcast_in_dim3A_520 : vector<1x256xf32> to vector<16x256xf32>
      %eq3A_522 = arith.cmpf oeq, %select_n3A_517, %eq3A_521 : vector<16x256xf32>
      %jit3A_523 = arith.constant 3.000000e+38 : f32
      %broadcast_in_dim3A_524 = vector.broadcast %jit3A_523 : f32 to vector<16x256xf32>
      %select_n3A_525 = arith.select %eq3A_522, %convert_element_type3A_148, %broadcast_in_dim3A_524 : vector<16x256xi1>, vector<16x256xf32>
      %reduce_min3A_526 = arith.constant dense<0x7F800000> : vector<256xf32>
      %reduce_min3A_527 = vector.multi_reduction <minimumf>, %select_n3A_525, %reduce_min3A_526 [0] : vector<16x256xf32> to vector<256xf32>
      %broadcast_in_dim3A_528 = vector.shape_cast %reduce_min3A_527 : vector<256xf32> to vector<1x256xf32>
      %eq3A_529 = vector.broadcast %broadcast_in_dim3A_528 : vector<1x256xf32> to vector<16x256xf32>
      %eq3A_530 = arith.cmpf oeq, %convert_element_type3A_148, %eq3A_529 : vector<16x256xf32>
      %broadcast_in_dim3A_531 = vector.shape_cast %reduce_min3A_519 : vector<256xf32> to vector<1x256xf32>
      %jit3A_532 = arith.constant 3.000000e+38 : f32
      %broadcast_in_dim3A_533 = vector.broadcast %jit3A_532 : f32 to vector<16x256xf32>
      %select_n3A_534 = arith.select %eq3A_530, %concatenate3A_356, %broadcast_in_dim3A_533 : vector<16x256xi1>, vector<16x256xf32>
      %reduce_min3A_535 = arith.constant dense<0x7F800000> : vector<256xf32>
      %reduce_min3A_536 = vector.multi_reduction <minimumf>, %select_n3A_534, %reduce_min3A_535 [0] : vector<16x256xf32> to vector<256xf32>
      %broadcast_in_dim3A_537 = vector.shape_cast %reduce_min3A_536 : vector<256xf32> to vector<1x256xf32>
      %jit3A_538 = arith.constant 3.000000e+38 : f32
      %broadcast_in_dim3A_539 = vector.broadcast %jit3A_538 : f32 to vector<16x256xf32>
      %select_n3A_540 = arith.select %eq3A_530, %broadcast_in_dim3A_539, %select_n3A_517 : vector<16x256xi1>, vector<16x256xf32>
      %concatenate3A_541 = tpu.concatenate %broadcast_in_dim3A_370, %broadcast_in_dim3A_393, %broadcast_in_dim3A_416, %broadcast_in_dim3A_439, %broadcast_in_dim3A_462, %broadcast_in_dim3A_485, %broadcast_in_dim3A_508, %broadcast_in_dim3A_531 in 0 : vector<1x256xf32>, vector<1x256xf32>, vector<1x256xf32>, vector<1x256xf32>, vector<1x256xf32>, vector<1x256xf32>, vector<1x256xf32>, vector<1x256xf32> -> vector<8x256xf32>
      %concatenate3A_542 = tpu.concatenate %broadcast_in_dim3A_376, %broadcast_in_dim3A_399, %broadcast_in_dim3A_422, %broadcast_in_dim3A_445, %broadcast_in_dim3A_468, %broadcast_in_dim3A_491, %broadcast_in_dim3A_514, %broadcast_in_dim3A_537 in 0 : vector<1x256xf32>, vector<1x256xf32>, vector<1x256xf32>, vector<1x256xf32>, vector<1x256xf32>, vector<1x256xf32>, vector<1x256xf32>, vector<1x256xf32> -> vector<8x256xf32>
      scf.yield %concatenate3A_541, %concatenate3A_542 : vector<8x256xf32>, vector<8x256xf32>
    }
    %convert_element_type3A_158 = arith.fptosi %while3A_157#1 : vector<8x256xf32> to vector<8x256xi32>
    %broadcast_in_dim3A_159 = vector.shape_cast %convert_element_type3A_158 : vector<8x256xi32> to vector<8x1x1x256xi32>
    %swap3A = arith.constant 0 : index
    %swap3A_160 = arith.constant 0 : index
    %swap3A_161 = arith.constant 0 : index
    %swap3A_162 = arith.constant 0 : index
    %swap3A_163 = vector.load %arg9[%swap3A, %swap3A_160, %swap3A_161, %swap3A_162] : memref<8x1x1x256xi32, #tpu.memory_space<vmem>>, vector<8x1x1x256xi32>
    tpu.vector_store %arg9[%swap3A, %swap3A_160, %swap3A_161, %swap3A_162], %broadcast_in_dim3A_159 {strides = array<i32>} : memref<8x1x1x256xi32, #tpu.memory_space<vmem>>, vector<8x1x1x256xi32>,
    return
  }
  func.func @transform_0(%arg0: i32, %arg1: memref<32x2xi32, #tpu.memory_space<smem>>) -> (i32, i32) {
    %c0_i32 = arith.constant 0 : i32
    %c0_i32_0 = arith.constant 0 : i32
    return %arg0, %c0_i32 : i32, i32
  }
  func.func @transform_1(%arg0: i32, %arg1: memref<32x2xi32, #tpu.memory_space<smem>>) -> (i32, i32) {
    %c0_i32 = arith.constant 0 : i32
    %c0_i32_0 = arith.constant 0 : i32
    %c0_i32_1 = arith.constant 0 : i32
    return %c0_i32, %c0_i32_0 : i32, i32
  }
  func.func @transform_2(%arg0: i32, %arg1: memref<32x2xi32, #tpu.memory_space<smem>>) -> (i32, i32, i32) {
    %c0_i32 = arith.constant 0 : i32
    %c0_i32_0 = arith.constant 0 : i32
    %c0_i32_1 = arith.constant 0 : i32
    return %arg0, %c0_i32, %c0_i32_0 : i32, i32, i32
  }
  func.func @transform_3(%arg0: i32, %arg1: memref<32x2xi32, #tpu.memory_space<smem>>) -> (i32, i32) {
    %c0_i32 = arith.constant 0 : i32
    %c0_i32_0 = arith.constant 0 : i32
    %c0_i32_1 = arith.constant 0 : i32
    return %c0_i32, %c0_i32_0 : i32, i32
  }
  func.func @transform_4(%arg0: i32, %arg1: memref<32x2xi32, #tpu.memory_space<smem>>) -> (i32, i32, i32) {
    %c0_i32 = arith.constant 0 : i32
    %c0_i32_0 = arith.constant 0 : i32
    %c0_i32_1 = arith.constant 0 : i32
    return %arg0, %c0_i32, %c0_i32_0 : i32, i32, i32
  }
  func.func @transform_5(%arg0: i32, %arg1: memref<32x2xi32, #tpu.memory_space<smem>>) -> (i32, i32) {
    %c0_i32 = arith.constant 0 : i32
    %c0_i32_0 = arith.constant 0 : i32
    %c0_i32_1 = arith.constant 0 : i32
    return %c0_i32, %c0_i32_0 : i32, i32
  }
  func.func @transform_6(%arg0: i32, %arg1: memref<32x2xi32, #tpu.memory_space<smem>>) -> (i32, i32) {
    %c0_i32 = arith.constant 0 : i32
    %c0_i32_0 = arith.constant 0 : i32
    %c0_i32_1 = arith.constant 0 : i32
    return %c0_i32, %c0_i32_0 : i32, i32
  }
  func.func @transform_7(%arg0: i32, %arg1: memref<32x2xi32, #tpu.memory_space<smem>>) -> (i32, i32, i32, i32) {
    %c0_i32 = arith.constant 0 : i32
    %c0_i32_0 = arith.constant 0 : i32
    %c0_i32_1 = arith.constant 0 : i32
    %c0_i32_2 = arith.constant 0 : i32
    return %c0_i32, %arg0, %c0_i32_0, %c0_i32_1 : i32, i32, i32, i32
  }
}

module attributes {stable_mosaic.version = 14 : i64} {
  func.func @_pool_body(%arg0: i32, %arg1: memref<512x128xf32, #tpu.memory_space<vmem>>, %arg2: memref<1x1x512xi32, #tpu.memory_space<vmem>>, %arg3: memref<128x128xf32, #tpu.memory_space<vmem>>, %arg4: memref<1x128xf32, #tpu.memory_space<vmem>>, %arg5: memref<128x128xf32, #tpu.memory_space<vmem>>, %arg6: memref<1x128xf32, #tpu.memory_space<vmem>>, %arg7: memref<128x128xf32, #tpu.memory_space<vmem>>, %arg8: memref<1x128xf32, #tpu.memory_space<vmem>>, %arg9: memref<128x128xf32, #tpu.memory_space<vmem>>, %arg10: memref<1x128xf32, #tpu.memory_space<vmem>>, %arg11: memref<128x128xf32, #tpu.memory_space<vmem>>, %arg12: memref<128x128xf32, #tpu.memory_space<vmem>>, %arg13: memref<128x128xf32, #tpu.memory_space<vmem>>) attributes {dimension_semantics = [#tpu.dimension_semantics<arbitrary>], iteration_bounds = array<i64: 16>, scalar_prefetch = 0 : i64, scratch_operands = 2 : i64, tpu.core_type = #tpu.core_type<tc>, window_params = [{transform_indices = @transform_0, window_bounds = array<i64: 512, 128>}, {transform_indices = @transform_1, window_bounds = array<i64: 1, 1, 512>}, {pipeline_mode = #tpu.pipeline_mode<synchronous>, transform_indices = @transform_2, window_bounds = array<i64: 128, 128>}, {pipeline_mode = #tpu.pipeline_mode<synchronous>, transform_indices = @transform_3, window_bounds = array<i64: 1, 128>}, {pipeline_mode = #tpu.pipeline_mode<synchronous>, transform_indices = @transform_4, window_bounds = array<i64: 128, 128>}, {pipeline_mode = #tpu.pipeline_mode<synchronous>, transform_indices = @transform_5, window_bounds = array<i64: 1, 128>}, {pipeline_mode = #tpu.pipeline_mode<synchronous>, transform_indices = @transform_6, window_bounds = array<i64: 128, 128>}, {pipeline_mode = #tpu.pipeline_mode<synchronous>, transform_indices = @transform_7, window_bounds = array<i64: 1, 128>}, {pipeline_mode = #tpu.pipeline_mode<synchronous>, transform_indices = @transform_8, window_bounds = array<i64: 128, 128>}, {pipeline_mode = #tpu.pipeline_mode<synchronous>, transform_indices = @transform_9, window_bounds = array<i64: 1, 128>}, {pipeline_mode = #tpu.pipeline_mode<synchronous>, transform_indices = @transform_10, window_bounds = array<i64: 128, 128>}]} {
    %eq3A = arith.constant 0 : i32
    %eq3A_0 = arith.cmpi eq, %arg0, %eq3A : i32
    %convert_element_type3A = arith.extui %eq3A_0 : i1 to i32
    %cond3A = arith.constant 0 : i32
    %cond3A_1 = arith.cmpi ne, %convert_element_type3A, %cond3A : i32
    scf.if %cond3A_1 {
      %broadcast_in_dim3A_35 = arith.constant 0.000000e+00 : f32
      %broadcast_in_dim3A_36 = vector.broadcast %broadcast_in_dim3A_35 : f32 to vector<128x128xf32>
      %swap3A_37 = arith.constant 0 : index
      %swap3A_38 = arith.constant 0 : index
      %swap3A_39 = vector.load %arg12[%swap3A_37, %swap3A_38] : memref<128x128xf32, #tpu.memory_space<vmem>>, vector<128x128xf32>
      tpu.vector_store %arg12[%swap3A_37, %swap3A_38], %broadcast_in_dim3A_36 {strides = array<i32>} : memref<128x128xf32, #tpu.memory_space<vmem>>, vector<128x128xf32>,
      %broadcast_in_dim3A_40 = arith.constant 0.000000e+00 : f32
      %broadcast_in_dim3A_41 = vector.broadcast %broadcast_in_dim3A_40 : f32 to vector<128x128xf32>
      %swap3A_42 = arith.constant 0 : index
      %swap3A_43 = arith.constant 0 : index
      %swap3A_44 = vector.load %arg13[%swap3A_42, %swap3A_43] : memref<128x128xf32, #tpu.memory_space<vmem>>, vector<128x128xf32>
      tpu.vector_store %arg13[%swap3A_42, %swap3A_43], %broadcast_in_dim3A_41 {strides = array<i32>} : memref<128x128xf32, #tpu.memory_space<vmem>>, vector<128x128xf32>,
    } else {
    }
    %get3A = arith.constant 0 : index
    %get3A_2 = arith.constant 0 : index
    %get3A_3 = vector.load %arg1[%get3A, %get3A_2] : memref<512x128xf32, #tpu.memory_space<vmem>>, vector<512x128xf32>
    %get3A_4 = arith.constant 0 : index
    %get3A_5 = arith.constant 0 : index
    %get3A_6 = arith.constant 0 : index
    %get3A_7 = vector.load %arg2[%get3A_4, %get3A_5, %get3A_6] : memref<1x1x512xi32, #tpu.memory_space<vmem>>, vector<1x1x512xi32>
    %get3A_8 = vector.shape_cast %get3A_7 : vector<1x1x512xi32> to vector<512xi32>
    %iota3A = tpu.iota {dimensions = array<i32: 0>} : vector<128x512xi32>
    %broadcast_in_dim3A = vector.shape_cast %get3A_8 : vector<512xi32> to vector<1x512xi32>
    %eq3A_9 = vector.broadcast %broadcast_in_dim3A : vector<1x512xi32> to vector<128x512xi32>
    %eq3A_10 = arith.cmpi eq, %iota3A, %eq3A_9 : vector<128x512xi32>
    %convert_element_type3A_11 = arith.extui %eq3A_10 : vector<128x512xi1> to vector<128x512xi32>
    %convert_element_type3A_12 = arith.sitofp %convert_element_type3A_11 : vector<128x512xi32> to vector<128x512xf32>
    %get3A_13 = arith.constant 0 : index
    %get3A_14 = arith.constant 0 : index
    %get3A_15 = vector.load %arg12[%get3A_13, %get3A_14] : memref<128x128xf32, #tpu.memory_space<vmem>>, vector<128x128xf32>
    %dot_general3A = arith.constant dense<0.000000e+00> : vector<128x128xf32>
    %dot_general3A_16 = tpu.matmul %convert_element_type3A_12, %get3A_3, %dot_general3A {dimension_numbers = #tpu.dot_dimension_numbers<[1], [0], [0], [1], [0, 0, 1, 1], [], []>, precision = #tpu.contract_precision<fp32>, transpose_lhs_hint = false} : vector<128x512xf32>, vector<512x128xf32>, vector<128x128xf32> -> vector<128x128xf32>
    %add3A = arith.addf %get3A_15, %dot_general3A_16 : vector<128x128xf32>
    %swap3A = arith.constant 0 : index
    %swap3A_17 = arith.constant 0 : index
    %swap3A_18 = vector.load %arg12[%swap3A, %swap3A_17] : memref<128x128xf32, #tpu.memory_space<vmem>>, vector<128x128xf32>
    tpu.vector_store %arg12[%swap3A, %swap3A_17], %add3A {strides = array<i32>} : memref<128x128xf32, #tpu.memory_space<vmem>>, vector<128x128xf32>,
    %get3A_19 = arith.constant 0 : index
    %get3A_20 = arith.constant 0 : index
    %get3A_21 = vector.load %arg13[%get3A_19, %get3A_20] : memref<128x128xf32, #tpu.memory_space<vmem>>, vector<128x128xf32>
    %reduce_sum3A = arith.constant dense<0.000000e+00> : vector<128xf32>
    %reduce_sum3A_22 = vector.multi_reduction <add>, %convert_element_type3A_12, %reduce_sum3A [1] : vector<128x512xf32> to vector<128xf32>
    %broadcast_in_dim3A_23 = vector.shape_cast %reduce_sum3A_22 : vector<128xf32> to vector<128x1xf32>
    %broadcast_in_dim3A_24 = vector.shape_cast %broadcast_in_dim3A_23 : vector<128x1xf32> to vector<128x1xf32>
    %broadcast_in_dim3A_25 = vector.broadcast %broadcast_in_dim3A_24 : vector<128x1xf32> to vector<128x128xf32>
    %add3A_26 = arith.addf %get3A_21, %broadcast_in_dim3A_25 : vector<128x128xf32>
    %swap3A_27 = arith.constant 0 : index
    %swap3A_28 = arith.constant 0 : index
    %swap3A_29 = vector.load %arg13[%swap3A_27, %swap3A_28] : memref<128x128xf32, #tpu.memory_space<vmem>>, vector<128x128xf32>
    tpu.vector_store %arg13[%swap3A_27, %swap3A_28], %add3A_26 {strides = array<i32>} : memref<128x128xf32, #tpu.memory_space<vmem>>, vector<128x128xf32>,
    %eq3A_30 = arith.constant 15 : i32
    %eq3A_31 = arith.cmpi eq, %arg0, %eq3A_30 : i32
    %convert_element_type3A_32 = arith.extui %eq3A_31 : i1 to i32
    %cond3A_33 = arith.constant 0 : i32
    %cond3A_34 = arith.cmpi ne, %convert_element_type3A_32, %cond3A_33 : i32
    scf.if %cond3A_34 {
      %get3A_35 = arith.constant 0 : index
      %get3A_36 = arith.constant 0 : index
      %get3A_37 = vector.load %arg12[%get3A_35, %get3A_36] : memref<128x128xf32, #tpu.memory_space<vmem>>, vector<128x128xf32>
      %get3A_38 = arith.constant 0 : index
      %get3A_39 = arith.constant 0 : index
      %get3A_40 = vector.load %arg13[%get3A_38, %get3A_39] : memref<128x128xf32, #tpu.memory_space<vmem>>, vector<128x128xf32>
      %max3A = arith.constant 1.000000e+00 : f32
      %max3A_41 = vector.broadcast %max3A : f32 to vector<128x128xf32>
      %max3A_42 = arith.maximumf %get3A_40, %max3A_41 : vector<128x128xf32>
      %div3A = arith.divf %get3A_37, %max3A_42 : vector<128x128xf32>
      %get3A_43 = arith.constant 0 : index
      %get3A_44 = arith.constant 0 : index
      %get3A_45 = vector.load %arg3[%get3A_43, %get3A_44] : memref<128x128xf32, #tpu.memory_space<vmem>>, vector<128x128xf32>
      %dot_general3A_46 = arith.constant dense<0.000000e+00> : vector<128x128xf32>
      %dot_general3A_47 = tpu.matmul %div3A, %get3A_45, %dot_general3A_46 {dimension_numbers = #tpu.dot_dimension_numbers<[1], [0], [0], [1], [0, 0, 1, 1], [], []>, transpose_lhs_hint = false} : vector<128x128xf32>, vector<128x128xf32>, vector<128x128xf32> -> vector<128x128xf32>
      %get3A_48 = arith.constant 0 : index
      %get3A_49 = arith.constant 0 : index
      %get3A_50 = vector.load %arg4[%get3A_48, %get3A_49] : memref<1x128xf32, #tpu.memory_space<vmem>>, vector<1x128xf32>
      %add3A_51 = vector.broadcast %get3A_50 : vector<1x128xf32> to vector<128x128xf32>
      %add3A_52 = arith.addf %dot_general3A_47, %add3A_51 : vector<128x128xf32>
      %gt3A = arith.constant 0.000000e+00 : f32
      %gt3A_53 = vector.broadcast %gt3A : f32 to vector<128x128xf32>
      %gt3A_54 = arith.cmpf ogt, %add3A_52, %gt3A_53 : vector<128x128xf32>
      %exp3A = math.exp %add3A_52 : vector<128x128xf32>
      %sub3A = arith.constant 1.000000e+00 : f32
      %sub3A_55 = vector.broadcast %sub3A : f32 to vector<128x128xf32>
      %sub3A_56 = arith.subf %exp3A, %sub3A_55 : vector<128x128xf32>
      %select_n3A = arith.select %gt3A_54, %add3A_52, %sub3A_56 : vector<128x128xi1>, vector<128x128xf32>
      %get3A_57 = arith.constant 0 : index
      %get3A_58 = arith.constant 0 : index
      %get3A_59 = vector.load %arg5[%get3A_57, %get3A_58] : memref<128x128xf32, #tpu.memory_space<vmem>>, vector<128x128xf32>
      %dot_general3A_60 = arith.constant dense<0.000000e+00> : vector<128x128xf32>
      %dot_general3A_61 = tpu.matmul %select_n3A, %get3A_59, %dot_general3A_60 {dimension_numbers = #tpu.dot_dimension_numbers<[1], [0], [0], [1], [0, 0, 1, 1], [], []>, transpose_lhs_hint = false} : vector<128x128xf32>, vector<128x128xf32>, vector<128x128xf32> -> vector<128x128xf32>
      %get3A_62 = arith.constant 0 : index
      %get3A_63 = arith.constant 0 : index
      %get3A_64 = vector.load %arg6[%get3A_62, %get3A_63] : memref<1x128xf32, #tpu.memory_space<vmem>>, vector<1x128xf32>
      %add3A_65 = vector.broadcast %get3A_64 : vector<1x128xf32> to vector<128x128xf32>
      %add3A_66 = arith.addf %dot_general3A_61, %add3A_65 : vector<128x128xf32>
      %gt3A_67 = arith.constant 0.000000e+00 : f32
      %gt3A_68 = vector.broadcast %gt3A_67 : f32 to vector<128x128xf32>
      %gt3A_69 = arith.cmpf ogt, %add3A_66, %gt3A_68 : vector<128x128xf32>
      %exp3A_70 = math.exp %add3A_66 : vector<128x128xf32>
      %sub3A_71 = arith.constant 1.000000e+00 : f32
      %sub3A_72 = vector.broadcast %sub3A_71 : f32 to vector<128x128xf32>
      %sub3A_73 = arith.subf %exp3A_70, %sub3A_72 : vector<128x128xf32>
      %select_n3A_74 = arith.select %gt3A_69, %add3A_66, %sub3A_73 : vector<128x128xi1>, vector<128x128xf32>
      %get3A_75 = arith.constant 0 : index
      %get3A_76 = arith.constant 0 : index
      %get3A_77 = vector.load %arg7[%get3A_75, %get3A_76] : memref<128x128xf32, #tpu.memory_space<vmem>>, vector<128x128xf32>
      %dot_general3A_78 = arith.constant dense<0.000000e+00> : vector<128x128xf32>
      %dot_general3A_79 = tpu.matmul %select_n3A_74, %get3A_77, %dot_general3A_78 {dimension_numbers = #tpu.dot_dimension_numbers<[1], [0], [0], [1], [0, 0, 1, 1], [], []>, transpose_lhs_hint = false} : vector<128x128xf32>, vector<128x128xf32>, vector<128x128xf32> -> vector<128x128xf32>
      %get3A_80 = arith.constant 0 : index
      %get3A_81 = arith.constant 0 : index
      %get3A_82 = vector.load %arg8[%get3A_80, %get3A_81] : memref<1x128xf32, #tpu.memory_space<vmem>>, vector<1x128xf32>
      %add3A_83 = vector.broadcast %get3A_82 : vector<1x128xf32> to vector<128x128xf32>
      %add3A_84 = arith.addf %dot_general3A_79, %add3A_83 : vector<128x128xf32>
      %gt3A_85 = arith.constant 0.000000e+00 : f32
      %gt3A_86 = vector.broadcast %gt3A_85 : f32 to vector<128x128xf32>
      %gt3A_87 = arith.cmpf ogt, %add3A_84, %gt3A_86 : vector<128x128xf32>
      %exp3A_88 = math.exp %add3A_84 : vector<128x128xf32>
      %sub3A_89 = arith.constant 1.000000e+00 : f32
      %sub3A_90 = vector.broadcast %sub3A_89 : f32 to vector<128x128xf32>
      %sub3A_91 = arith.subf %exp3A_88, %sub3A_90 : vector<128x128xf32>
      %select_n3A_92 = arith.select %gt3A_87, %add3A_84, %sub3A_91 : vector<128x128xi1>, vector<128x128xf32>
      %get3A_93 = arith.constant 0 : index
      %get3A_94 = arith.constant 0 : index
      %get3A_95 = vector.load %arg9[%get3A_93, %get3A_94] : memref<128x128xf32, #tpu.memory_space<vmem>>, vector<128x128xf32>
      %dot_general3A_96 = arith.constant dense<0.000000e+00> : vector<128x128xf32>
      %dot_general3A_97 = tpu.matmul %select_n3A_92, %get3A_95, %dot_general3A_96 {dimension_numbers = #tpu.dot_dimension_numbers<[1], [0], [0], [1], [0, 0, 1, 1], [], []>, transpose_lhs_hint = false} : vector<128x128xf32>, vector<128x128xf32>, vector<128x128xf32> -> vector<128x128xf32>
      %get3A_98 = arith.constant 0 : index
      %get3A_99 = arith.constant 0 : index
      %get3A_100 = vector.load %arg10[%get3A_98, %get3A_99] : memref<1x128xf32, #tpu.memory_space<vmem>>, vector<1x128xf32>
      %add3A_101 = vector.broadcast %get3A_100 : vector<1x128xf32> to vector<128x128xf32>
      %add3A_102 = arith.addf %dot_general3A_97, %add3A_101 : vector<128x128xf32>
      %swap3A_103 = arith.constant 0 : index
      %swap3A_104 = arith.constant 0 : index
      %swap3A_105 = vector.load %arg11[%swap3A_103, %swap3A_104] : memref<128x128xf32, #tpu.memory_space<vmem>>, vector<128x128xf32>
      tpu.vector_store %arg11[%swap3A_103, %swap3A_104], %add3A_102 {strides = array<i32>} : memref<128x128xf32, #tpu.memory_space<vmem>>, vector<128x128xf32>,
    } else {
    }
    return
  }
  func.func @transform_0(%arg0: i32) -> (i32, i32) {
    %c0_i32 = arith.constant 0 : i32
    %c0_i32_0 = arith.constant 0 : i32
    return %arg0, %c0_i32 : i32, i32
  }
  func.func @transform_1(%arg0: i32) -> (i32, i32, i32) {
    %c0_i32 = arith.constant 0 : i32
    %c0_i32_0 = arith.constant 0 : i32
    %c0_i32_1 = arith.constant 0 : i32
    return %arg0, %c0_i32, %c0_i32_0 : i32, i32, i32
  }
  func.func @transform_2(%arg0: i32) -> (i32, i32) {
    %c0_i32 = arith.constant 0 : i32
    %c0_i32_0 = arith.constant 0 : i32
    %c0_i32_1 = arith.constant 0 : i32
    return %c0_i32, %c0_i32_0 : i32, i32
  }
  func.func @transform_3(%arg0: i32) -> (i32, i32) {
    %c0_i32 = arith.constant 0 : i32
    %c0_i32_0 = arith.constant 0 : i32
    %c0_i32_1 = arith.constant 0 : i32
    return %c0_i32, %c0_i32_0 : i32, i32
  }
  func.func @transform_4(%arg0: i32) -> (i32, i32) {
    %c0_i32 = arith.constant 0 : i32
    %c0_i32_0 = arith.constant 0 : i32
    %c0_i32_1 = arith.constant 0 : i32
    return %c0_i32, %c0_i32_0 : i32, i32
  }
  func.func @transform_5(%arg0: i32) -> (i32, i32) {
    %c0_i32 = arith.constant 0 : i32
    %c0_i32_0 = arith.constant 0 : i32
    %c0_i32_1 = arith.constant 0 : i32
    return %c0_i32, %c0_i32_0 : i32, i32
  }
  func.func @transform_6(%arg0: i32) -> (i32, i32) {
    %c0_i32 = arith.constant 0 : i32
    %c0_i32_0 = arith.constant 0 : i32
    %c0_i32_1 = arith.constant 0 : i32
    return %c0_i32, %c0_i32_0 : i32, i32
  }
  func.func @transform_7(%arg0: i32) -> (i32, i32) {
    %c0_i32 = arith.constant 0 : i32
    %c0_i32_0 = arith.constant 0 : i32
    %c0_i32_1 = arith.constant 0 : i32
    return %c0_i32, %c0_i32_0 : i32, i32
  }
  func.func @transform_8(%arg0: i32) -> (i32, i32) {
    %c0_i32 = arith.constant 0 : i32
    %c0_i32_0 = arith.constant 0 : i32
    %c0_i32_1 = arith.constant 0 : i32
    return %c0_i32, %c0_i32_0 : i32, i32
  }
  func.func @transform_9(%arg0: i32) -> (i32, i32) {
    %c0_i32 = arith.constant 0 : i32
    %c0_i32_0 = arith.constant 0 : i32
    %c0_i32_1 = arith.constant 0 : i32
    return %c0_i32, %c0_i32_0 : i32, i32
  }
  func.func @transform_10(%arg0: i32) -> (i32, i32) {
    %c0_i32 = arith.constant 0 : i32
    %c0_i32_0 = arith.constant 0 : i32
    %c0_i32_1 = arith.constant 0 : i32
    return %c0_i32, %c0_i32_0 : i32, i32
  }
}

</mosaic_0001>

<sc_bundles>
// kernel: kernel.11.cloned.1.call-start
scs
__scs_entry_jumppad:
0x0: {  	(pc) =	sbr.rel $0x88, $3  }
0x1: {  	(tag) =	ssettag $0x0;
	lr =	simm.s32 $0x1  }
0x2: {  	[smem:$0x3F89] =	sst lr;
	_ =	strace $0xD0000000  }
0x3: {  	_ = 	snop  }
0x4: {  	_ = 	snop  }
0x5: {  	_ = 	snop  }
0x6: {  	_ = 	snop  }
0x7: {  	_ = 	snop  }
__scs_overlays_trampoline_lowered:
0x8: {  	[smem:$0x3F98] =	sst s0  }
0x9: {  	[smem:$0x3F99] =	sst s1  }
0xa: {  	[smem:$0x3F9A] =	sst s2  }
0xb: {  	[smem:$0x3F9B] =	sst s3  }
0xc: {  	[smem:$0x3F9C] =	sst s4  }
0xd: {  	[smem:$0x3F9D] =	sst s5  }
0xe: {  	[smem:$0x3F9E] =	sst s6  }
0xf: {  	[smem:$0x3F9F] =	sst s7  }
0x10: {  	[smem:$0x3FA0] =	sst s8  }
0x11: {  	[smem:$0x3FA1] =	sst s9;
	s0 =	simm.s32 @!p0 $0x0  }
0x12: {  	s1 =	sld [smem:$0x3F87];
	s0 =	simm.s32 @p0 $0x1  }
0x13: {  	[smem:$0x3FA2] =	sst s0;
	s0 =	simm.s32 @!p1 $0x0  }
0x14: {  	s2 =	sld [smem:$0x3F86];
	s0 =	simm.s32 @p1 $0x1  }
0x15: {  	[smem:$0x3FA3] =	sst s0;
	s0 =	simm.s32 @!p2 $0x0  }
0x16: {  	s3 =	sld [smem:$0x3FDB];
	s0 =	simm.s32 @p2 $0x1  }
0x17: {  	s4 =	simm.s32 $0x1BF5;
	[smem:$0x3FA5] =	sst s0  }
0x18: {  	s0 =	sld [smem:$0x3F88];
	_ =	swait.ge [sflag:s4], $0x0  }
0x19: {  	s7 =	sld [smem:$0x3F89]  }
0x1a: {  	s8 =	sadd.s32 $0xFFFFE003, lr  }
0x1b: {  	s9 =	sadd.s32 $0xFFFFFEF7, lr;
	s5 =	simm.s32 $0xFFFFFFFF;
	p2 =	slt.u32 s8, $0xFFFFF086  }
0x1c: {  	p1 =	slt.u32 s9, $0xF7A;
	s5 =	simm.s32 @!p2 $0x0  }
0x1d: {  	s5 =	simm.s32 @p1 $0x1;
	p0 =	seq.s32 s7, s2  }
0x1e: {  	s7 =	smul.u32 @!p0 $0xF7A, s2;
	p2 =	seq.s32 @!p0 s5, $0x0  }
0x1f: {  	s9 =	smul.u32 $0xF7A, s1;
	s8 =	simm.s32 @!p0 $0x1BF5;
	p2 =	por !p2, p0  }
0x20: {  	[sflag:s8] =	ssyncset.s32 @!p0 $0xFFFFF086;
	s6 =	sadd.s32 @!p0 s3, s7;
	s7 =	simm.s32 @!p0 $0x108  }
0x21: {  	s3 =	sadd.s32 s3, s9;
	s6 =	sadd.s32 @!p0 $0x88, s6;
	s7 =	simm.s32 @p2 $0x1082  }
0x22: {  	[simem:s7], [sflag:s8] =	dma.local @!p0 [hbm:s6], $0xF7A  }
0x23: {  	s9 =	sor.u32 $0xD0000000, s2;
	s6 =	simm.s32 $0x108;
	_ =	swait.ge @!p0 [sflag:s8], $0x0  }
0x24: {  	s3 =	sadd.s32 $0x88, s3;
	s6 =	simm.s32 @!p1 $0x1082;
	[sflag:s4] =	ssyncset.s32 $0xFFFFF086  }
0x25: {  	[simem:s6], [sflag:s4] =	dma.local [hbm:s3], $0xF7A  }
0x26: {  	[smem:$0x3F89] =	sst s1;
	(tag) =	ssettag s2;
	_ =	strace s9  }
0x27: {  	s1 =	sld [smem:$0x3F99]  }
0x28: {  	s2 =	sld [smem:$0x3F9A]  }
0x29: {  	s4 =	sld [smem:$0x3F9C]  }
0x2a: {  	p0 =	seq.s32 s5, $0x0;
	s5 =	sld [smem:$0x3F9D]  }
0x2b: {  	s6 =	sld [smem:$0x3F9E]  }
0x2c: {  	s7 =	sld [smem:$0x3F9F]  }
0x2d: {  	s3 =	simm.s32 $0x108;
	s8 =	sld [smem:$0x3FA0]  }
0x2e: {  	s3 =	simm.s32 @!p0 $0x1082;
	s9 =	sld [smem:$0x3FA1]  }
0x2f: {  	lr =	sadd.s32 s0, s3;
	s0 =	sld [smem:$0x3F98]  }
0x30: {  	s3 =	sld [smem:$0x3F9B]  }
0x31: {  	[smem:$0x3FA4] =	sst s10  }
0x32: {  	s10 =	sld [smem:$0x3FA2];
	_ =	sdelay $0x3  }
0x33: {  	p0 =	seq.s32 s10, $0x1;
	s10 =	sld [smem:$0x3FA4];
	_ =	sdelay $0x3  }
0x34: {  	[smem:$0x3FA4] =	sst s10  }
0x35: {  	s10 =	sld [smem:$0x3FA3];
	_ =	sdelay $0x3  }
0x36: {  	p1 =	seq.s32 s10, $0x1;
	s10 =	sld [smem:$0x3FA4];
	_ =	sdelay $0x3  }
0x37: {  	[smem:$0x3FA4] =	sst s10  }
0x38: {  	s10 =	sld [smem:$0x3FA5]  }
0x39: {  	_ = 	snop;
	(pc) =	sbr.ind lr, $3  }
0x3a: {  	_ = 	snop  }
0x3b: {  	_ = 	snop  }
0x3c: {  	p2 =	seq.s32 s10, $0x1;
	s10 =	sld [smem:$0x3FA4]  }
0x3d: {  	_ =	shalt  }
0x3e: {  	_ =	shalt  }
0x3f: {  	_ =	shalt  }
0x40: {  	_ =	shalt  }
0x41: {  	_ =	shalt  }
0x42: {  	_ =	shalt  }
0x43: {  	_ =	shalt  }
0x44: {  	_ =	shalt  }
0x45: {  	_ =	shalt  }
0x46: {  	_ =	shalt  }
0x47: {  	_ =	shalt  }
0x48: {  	_ =	shalt  }
0x49: {  	_ =	shalt  }
0x4a: {  	_ =	shalt  }
0x4b: {  	_ =	shalt  }
0x4c: {  	_ =	shalt  }
0x4d: {  	_ =	shalt  }
0x4e: {  	_ =	shalt  }
0x4f: {  	_ =	shalt  }
0x50: {  	_ =	shalt  }
0x51: {  	_ =	shalt  }
0x52: {  	_ =	shalt  }
0x53: {  	_ =	shalt  }
0x54: {  	_ =	shalt  }
0x55: {  	_ =	shalt  }
0x56: {  	_ =	shalt  }
0x57: {  	_ =	shalt  }
0x58: {  	_ =	shalt  }
0x59: {  	_ =	shalt  }
0x5a: {  	_ =	shalt  }
0x5b: {  	_ =	shalt  }
0x5c: {  	_ =	shalt  }
0x5d: {  	_ =	shalt  }
0x5e: {  	_ =	shalt  }
0x5f: {  	_ =	shalt  }
0x60: {  	_ =	shalt  }
0x61: {  	_ =	shalt  }
0x62: {  	_ =	shalt  }
0x63: {  	_ =	shalt  }
0x64: {  	_ =	shalt  }
0x65: {  	_ =	shalt  }
0x66: {  	_ =	shalt  }
0x67: {  	_ =	shalt  }
0x68: {  	_ =	shalt  }
0x69: {  	_ =	shalt  }
0x6a: {  	_ =	shalt  }
0x6b: {  	_ =	shalt  }
0x6c: {  	_ =	shalt  }
0x6d: {  	_ =	shalt  }
0x6e: {  	_ =	shalt  }
0x6f: {  	_ =	shalt  }
0x70: {  	_ =	shalt  }
0x71: {  	_ =	shalt  }
0x72: {  	_ =	shalt  }
0x73: {  	_ =	shalt  }
0x74: {  	_ =	shalt  }
0x75: {  	_ =	shalt  }
0x76: {  	_ =	shalt  }
0x77: {  	_ =	shalt  }
0x78: {  	_ =	shalt  }
0x79: {  	_ =	shalt  }
0x7a: {  	_ =	shalt  }
0x7b: {  	_ =	shalt  }
0x7c: {  	_ =	shalt  }
0x7d: {  	_ =	shalt  }
0x7e: {  	_ =	shalt  }
0x7f: {  	_ =	shalt  }
0x80: {  	_ =	shalt  }
0x81: {  	_ =	shalt  }
0x82: {  	_ =	shalt  }
0x83: {  	_ =	shalt  }
0x84: {  	_ =	shalt  }
0x85: {  	_ =	shalt  }
0x86: {  	_ =	shalt  }
0x87: {  	_ =	shalt  }
.Lfunc_end0:
.L_simem_size_0:
called_computation_lowered:
.L_overlay_start_0:
0x88: {  	s2 =	sld [smem:$0x3FD9]  }
0x89: {  	s3 =	sld [smem:$0x3FFE];
	_ =	sdelay $0x1  }
0x8a: {  	s1 =	srdreg.scid  }
0x8b: {  	s0 =	sand.u32 $0x1, s1  }
0x8c: {  	s16 =	sshll.u32 s0, $0xA;
	s2 =	sadd.s32 s3, s2  }
0x8d: {  	s2 =	sadd.s32 s2, s16  }
0x8e: {  	[smem:$0x3FB0] =	sst s2  }
0x8f: {  	_ = 	snop  }
0x90: {  	(tm) =	ssettm $0x1  }
0x91: {  	s17 =	sld [smem:$0x3FFB];
	_ =	sdelay $0x3  }
0x92: {  	_ =	strace s17  }
0x93: {  	s2 =	sld [smem:$0x3FFC];
	_ =	sdelay $0x3  }
0x94: {  	_ =	strace s2  }
0x95: {  	s2 =	sld [smem:$0x3FFD];
	_ =	sdelay $0x3  }
0x96: {  	_ =	strace s2  }
0x97: {  	_ =	strace $0x8FFFFFFF  }
0x98: {  	s18 =	sld [smem:$0x3FDB];
	_ =	sdelay $0x1  }
0x99: {  	s19 =	simm.s32 $_scs_section_size  }
0x9a: {  	s4 =	simm.s32 $_size__tile_overlayer_lowered;
	s5 =	simm.s32 $_tile_overlayer_lowered  }
0x9b: {  	s22 =	simm.s32 $0x1BFF;
	s21 =	sshll.u32 s5, $0x1;
	s2 =	sadd.s32 s19, s18  }
0x9c: {  	s6 =	simm.s32 $0x0;
	s20 =	sshll.u32 s4, $0x1;
	s4 =	sadd.s32 s21, s2  }
0x9d: {  	[timem:s6], [sflag:s22] =	dma.local [hbm:s4], s20  }
0x9e: {  	_ =	swait.ge [sflag:s22], s20  }
0x9f: {  	s3 =	ssub.s32 $0x0, s20;
	[sflag:s22] =	ssyncset.done $0x0  }
0xa0: {  	[sflag:s22] =	ssyncadd.s32 s3;
	_ =	sdelay $0x1  }
0xa1: {  	s23 =	simm.s32 $0x1B8B  }
0xa2: {  	_ =	swait.ge [sflag:s23], $0x1  }
0xa3: {  	[sflag:s23] =	ssyncset.done $0x0  }
0xa4: {  	s25 =	simm.s32 $0x1B8E;
	s24 =	sld [smem:$0x3FFE];
	[sflag:s23] =	ssyncadd.s32 $0xFFFFFFFF  }
0xa5: {  	s26 =	simm.s32 $execute0_lowered;
	[smem:$0x3FD2] =	sst s25  }
0xa6: {  	s4 =	sshll.u32 s26, $0x1;
	_ =	strace $0x80000046;
	[dreg:$0x1] =	wrdreg $0xFFFFFFFF  }
0xa7: {  	s28 =	simm.s32 $_size_execute0_lowered;
	s2 =	sadd.s32 s2, s4;
	[dreg:$0x0] =	wrdreg $0x0  }
0xa8: {  	s4 =	sshll.u32 s28, $0x1;
	[dreg:$0x2] =	wrdreg s2  }
0xa9: {  	[dreg:$0x3] =	wrdreg s4  }
0xaa: {  	[dreg:$0x4] =	wrdreg $0xC0  }
0xab: {  	_ =	task [dreg:s6], $0x5FFFF  }
0xac: {  	[dreg:$0x1] =	wrdreg $0xFFFFFFFF  }
0xad: {  	[dreg:$0x0] =	wrdreg $0x60  }
0xae: {  	[dreg:$0x2] =	wrdreg s24  }
0xaf: {  	[dreg:$0x3] =	wrdreg $0x9  }
0xb0: {  	_ =	task.clear_ibuf [dreg:s6], $0x4FFFF;
	_ =	strace $0x90000046  }
0xb1: {  	s29 =	simm.s32 $0x9;
	_ =	strace $0x80000048  }
0xb2: {  	_ =	swait.ge [sflag:s29], $0x1  }
0xb3: {  	[sflag:s29] =	ssyncadd.s32 $0xFFFFFFFF  }
0xb4: {  	_ =	strace $0x90000048  }
0xb5: {  	_ =	sfence  }
0xb6: {  	s30 =	sld [smem:$0x0];
	_ =	sdelay $0x2  }
0xb7: {  	s31 =	sshll.u32 s1, $0xD;
	s1 =	sshrl.u32 s1, $0x2  }
0xb8: {  	s3 =	sand.u32 $0x4000, s31;
	s1 =	sadd.s32 s1, s30  }
0xb9: {  	s0 =	sor.u32 s3, s0;
	s1 =	sshll.u32 s1, $0x11  }
0xba: {  	s0 =	sor.u32 s1, s0  }
0xbb: {  	s0 =	sadd.s32 $0x8F2B, s0  }
0xbc: {  	[sflag:s0] =	ssyncadd.remote.s32 $0x1  }
0xbd: {  	_ =	sfence.sel $0xFFFF  }
0xbe: {  	[dreg:$0x0] =	wrdreg $0xFFFFFFFF;
	(pc) =	sbr.abs _section_cstart, $3  }
0xbf: {  	[dreg:$0x1] =	wrdreg $0xFFFFFFFF  }
0xc0: {  	_ =	task.clear_ibuf [dreg:s6], $0x2FFFF;
	_ =	strace $0x9FFFFFFF  }
0xc1: {  	(tm) =	ssettm $0x7FFFFFFF  }
tec
execute0_lowered:
.L_overlay_start_1:
0x0: {  	(tag) =	ssettag $0x1  }
0x1: {  	s2 =	rddreg [dreg:$0x0]  }
0x2: {  	s0 =	rddreg [dreg:$0x1]  }
0x3: {  	s4 =	srdreg.scid;
	s3 =	simm.s32 $0x0;
	s1 =	stileid.u32  }
0x4: {  	s14 =	simm.s32 $0x100;
	s15 =	simm.s32 $0x4100;
	s16 =	simm.s32 $0x1  }
0x5: {  	s17 =	simm.s32 $0x2;
	s18 =	simm.s32 $0x0;
	s9 =	sand.u32 $0x1, s4  }
0x6: {  	[smem:$0x7FF] =	sst s3;
	s26 =	sshll.u32 s1, $0xC;
	s11 =	sadd.s32 $0x10000, s2  }
0x7: {  	s12 =	sadd.s32 $0x12000, s2;
	s13 =	sshll.u32 s1, $0x10;
	s5 =	sshll.u32 s9, $0xB  }
0x8: {  	_ =	strace $0x80000047;
	s28 =	ssub.s32 $0x2, s9;
	s10 =	sor.u32 s5, s26  }
0x9: {  	s9 =	sshll.u32 s9, $0xF;
	s6 =	sshrl.u32 s28, $0x1;
	s4 =	sshrl.u32 s10, $0x3  }
0xa: {  	s6 =	ssub.s32 s28, s6;
	s7 =	sshll.u32 s10, $0x4;
	s29 =	sor.u32 $0x180, s10  }
0xb: {  	s10 =	sor.u32 $0x100, s10;
	s4 =	sadd.s32 s11, s4;
	s8 =	sadd.s32 s12, s7  }
0xc: {  	s6 =	smax.u32 s6, $0x1;
	s12 =	sadd.s32 s13, s12;
	s30 =	sshrl.u32 s29, $0x3  }
0xd: {  	s31 =	sshrl.u32 s10, $0x3;
	s13 =	simm.s32 $0x80;
	s5 =	sadd.s32 $0x10, s4  }
0xe: {  	s7 =	sadd.s32 $0x7000, s8;
	s8 =	sadd.s32 $0x7800, s8;
	s9 =	sadd.s32 s9, s12  }
0xf: {  	s10 =	sadd.s32 s30, s11;
	s11 =	sadd.s32 s31, s11;
	s12 =	simm.s32 $0x3  }
.LBB2_1:
0x10: {  	[tilespmem:s3], [sflag:$0x3] =	stream.linear.gather [hbm4b:s4+s3], $0x80, $0x38;
	[tilespmem:$0x8100] =	vst v63  }
0x11: {  	_ =	swait.ge [sflag:s12], $0x80  }
0x12: {  	[sflag:s12] =	ssyncset.done $0x0  }
0x13: {  	[sflag:s12] =	ssyncadd.s32 $0xFFFFFF80  }
0x14: {  	[tilespmem:s14], [sflag:$0x1] =	stream.indirect.gather [hbm4b:s2+s13], $0x80, s3, s13, $0xb8;
	[tilespmem:$0x8100] =	vst v63  }
0x15: {  	_ = 	snop  }
0x16: {  	[tilespmem:s13], [sflag:$0x3] =	stream.linear.gather [hbm4b:s5+s3], $0x80, $0x38;
	[tilespmem:$0x8100] =	vst v63  }
0x17: {  	_ =	swait.ge [sflag:s12], $0x80  }
0x18: {  	[sflag:s12] =	ssyncset.done $0x0  }
0x19: {  	[sflag:s12] =	ssyncadd.s32 $0xFFFFFF80  }
0x1a: {  	[tilespmem:s15], [sflag:$0x2] =	stream.indirect.gather [hbm4b:s2+s13], $0x80, s13, s13, $0xb8;
	[tilespmem:$0x8100] =	vst v63  }
0x1b: {  	_ =	swait.ge [sflag:s16], $0x4000  }
0x1c: {  	[sflag:s16] =	ssyncset.done $0x0  }
0x1d: {  	[sflag:s16] =	ssyncadd.s32 $0xFFFFC000  }
0x1e: {  	[hbm4b:s9+s3] =	stream.linear.scatter [tilespmem:s14], [sflag:$0x3], $0x4000, $0x38;
	[tilespmem:$0x8100] =	vst v63  }
0x1f: {  	_ =	swait.ge [sflag:s12], $0x4000  }
0x20: {  	[sflag:s12] =	ssyncset.done $0x0  }
0x21: {  	s19 =	sadd.s32 $0x0, s11;
	[sflag:s12] =	ssyncadd.s32 $0xFFFFC000  }
0x22: {  	[tilespmem:s3], [sflag:$0x3] =	stream.linear.gather [hbm4b:s19+s3], $0x80, $0x38;
	[tilespmem:$0x8100] =	vst v63  }
0x23: {  	_ =	swait.ge [sflag:s12], $0x80  }
0x24: {  	[sflag:s12] =	ssyncset.done $0x0  }
0x25: {  	[sflag:s12] =	ssyncadd.s32 $0xFFFFFF80  }
0x26: {  	[tilespmem:s14], [sflag:$0x1] =	stream.indirect.gather [hbm4b:s2+s13], $0x80, s3, s13, $0xb8;
	[tilespmem:$0x8100] =	vst v63  }
0x27: {  	_ =	swait.ge [sflag:s17], $0x4000  }
0x28: {  	[sflag:s17] =	ssyncset.done $0x0  }
0x29: {  	s30 =	sadd.s32 $0x800, s9;
	[sflag:s17] =	ssyncadd.s32 $0xFFFFC000  }
0x2a: {  	[hbm4b:s30+s3] =	stream.linear.scatter [tilespmem:s15], [sflag:$0x3], $0x4000, $0x38;
	[tilespmem:$0x8100] =	vst v63  }
0x2b: {  	_ =	swait.ge [sflag:s12], $0x4000  }
0x2c: {  	[sflag:s12] =	ssyncset.done $0x0  }
0x2d: {  	s31 =	sadd.s32 $0x0, s10;
	[sflag:s12] =	ssyncadd.s32 $0xFFFFC000  }
0x2e: {  	[tilespmem:s13], [sflag:$0x3] =	stream.linear.gather [hbm4b:s31+s3], $0x80, $0x38;
	[tilespmem:$0x8100] =	vst v63  }
0x2f: {  	_ =	swait.ge [sflag:s12], $0x80  }
0x30: {  	[sflag:s12] =	ssyncset.done $0x0  }
0x31: {  	s20 =	sadd.s32 $0x1000, s9;
	s19 =	simm.s32 $0x20;
	[sflag:s12] =	ssyncadd.s32 $0xFFFFFF80  }
.LBB2_2:
0x32: {  	[tilespmem:s15], [sflag:$0x2] =	stream.indirect.gather [hbm4b:s2+s13], $0x80, s13, s13, $0xb8;
	[tilespmem:$0x8100] =	vst v63  }
0x33: {  	s21 =	smov.u32 s19  }
0x34: {  	p0 =	sne.s32 s19, $0xC0;
	s19 =	sadd.s32 $0x20, s19;
	_ =	swait.ge [sflag:s16], $0x4000  }
0x35: {  	[sflag:s16] =	ssyncset.done $0x0  }
0x36: {  	[sflag:s16] =	ssyncadd.s32 $0xFFFFC000  }
0x37: {  	[hbm4b:s20+s3] =	stream.linear.scatter [tilespmem:s14], [sflag:$0x3], $0x4000, $0x38;
	[tilespmem:$0x8100] =	vst v63  }
0x38: {  	_ =	swait.ge [sflag:s12], $0x4000  }
0x39: {  	[sflag:s12] =	ssyncset.done $0x0  }
0x3a: {  	s22 =	sadd.s32 s21, s11;
	[sflag:s12] =	ssyncadd.s32 $0xFFFFC000  }
0x3b: {  	[tilespmem:s3], [sflag:$0x3] =	stream.linear.gather [hbm4b:s22+s3], $0x80, $0x38;
	[tilespmem:$0x8100] =	vst v63  }
0x3c: {  	_ =	swait.ge [sflag:s12], $0x80  }
0x3d: {  	[sflag:s12] =	ssyncset.done $0x0  }
0x3e: {  	[sflag:s12] =	ssyncadd.s32 $0xFFFFFF80  }
0x3f: {  	[tilespmem:s14], [sflag:$0x1] =	stream.indirect.gather [hbm4b:s2+s13], $0x80, s3, s13, $0xb8;
	[tilespmem:$0x8100] =	vst v63  }
0x40: {  	_ =	swait.ge [sflag:s17], $0x4000  }
0x41: {  	[sflag:s17] =	ssyncset.done $0x0  }
0x42: {  	s22 =	sadd.s32 $0x800, s20;
	[sflag:s17] =	ssyncadd.s32 $0xFFFFC000  }
0x43: {  	[hbm4b:s22+s3] =	stream.linear.scatter [tilespmem:s15], [sflag:$0x3], $0x4000, $0x38;
	[tilespmem:$0x8100] =	vst v63  }
0x44: {  	_ =	swait.ge [sflag:s12], $0x4000  }
0x45: {  	[sflag:s12] =	ssyncset.done $0x0  }
.Ltmp0:
0x46: {  	s21 =	sadd.s32 s21, s10;
	[sflag:s12] =	ssyncadd.s32 $0xFFFFC000;
	(pc) =	sbr.rel @p0 .LBB2_2-.Ltmp0, $4  }
0x47: {  	[tilespmem:s13], [sflag:$0x3] =	stream.linear.gather [hbm4b:s21+s3], $0x80, $0x38;
	[tilespmem:$0x8100] =	vst v63  }
0x48: {  	_ =	swait.ge [sflag:s12], $0x80  }
0x49: {  	[sflag:s12] =	ssyncset.done $0x0  }
0x4a: {  	s20 =	sadd.s32 $0x1000, s20;
	[sflag:s12] =	ssyncadd.s32 $0xFFFFFF80  }
0x4b: {  	[tilespmem:s15], [sflag:$0x2] =	stream.indirect.gather [hbm4b:s2+s13], $0x80, s13, s13, $0xb8;
	[tilespmem:$0x8100] =	vst v63  }
0x4c: {  	_ =	swait.ge [sflag:s16], $0x4000  }
0x4d: {  	[sflag:s16] =	ssyncset.done $0x0  }
0x4e: {  	[sflag:s16] =	ssyncadd.s32 $0xFFFFC000  }
0x4f: {  	[hbm4b:s7+s3] =	stream.linear.scatter [tilespmem:s14], [sflag:$0x3], $0x4000, $0x38;
	[tilespmem:$0x8100] =	vst v63  }
0x50: {  	_ =	swait.ge [sflag:s12], $0x4000  }
0x51: {  	[sflag:s12] =	ssyncset.done $0x0  }
0x52: {  	[sflag:s12] =	ssyncadd.s32 $0xFFFFC000  }
0x53: {  	s18 =	sadd.s32 $0x1, s18;
	_ =	swait.ge [sflag:s17], $0x4000  }
0x54: {  	p0 =	sne.s32 s18, s6;
	[sflag:s17] =	ssyncset.done $0x0  }
.Ltmp1:
0x55: {  	[sflag:s17] =	ssyncadd.s32 $0xFFFFC000;
	(pc) =	sbr.rel @p0 .LBB2_1-.Ltmp1, $4  }
0x56: {  	[hbm4b:s8+s3] =	stream.linear.scatter [tilespmem:s15], [sflag:$0x3], $0x4000, $0x38;
	[tilespmem:$0x8100] =	vst v63  }
0x57: {  	_ =	swait.ge [sflag:s12], $0x4000  }
0x58: {  	[sflag:s12] =	ssyncset.done $0x0  }
0x59: {  	[sflag:s12] =	ssyncadd.s32 $0xFFFFC000  }
0x5a: {  	_ =	sfence.sel $0x180000  }
0x5b: {  	[bflag:$0x0] =	sbarrier.arrive $0xFFFF  }
0x5c: {  	p0 =	sne.s32 s1, $0x0;
	_ =	strace $0x90000047  }
0x5d: {  	s0 =	sadd.s32 @!p0 $0x100000, s0;
	[bflag:$0x2] =	sbarrier.arrive $0xFFFF  }
0x5e: {  	[sflag:s0] =	ssyncadd.tile.s32 @!p0 $0x1;
	_ =	shalt  }
.Lfunc_end2:
_tile_overlayer_lowered:
.L_overlay_start_2:
0x5f: {  	(tag) =	ssettag $0x2  }
0x60: {  	s0 =	rddreg [dreg:$0x0];
	s2 =	stileid.u32  }
0x61: {  	s1 =	rddreg [dreg:$0x1];
	p0 =	sne.s32 s2, $0x0  }
0x62: {  	s3 =	rddreg [dreg:$0x2];
	[bflag:$0x3] =	sbarrier.arrive $0xFFFF;
	s2 =	simm.s32 @!p0 $0x1C03  }
0x63: {  	[timem:s3], [sflag:s2] =	dma.local @!p0 [hbm:s0], s1  }
0x64: {  	s0 =	simm.s32 @!p0 $0x3  }
0x65: {  	_ =	swait.ge @!p0 [sflag:s0], s1  }
0x66: {  	s1 =	ssub.s32 @!p0 $0x0, s1;
	[sflag:s0] =	ssyncset.done @!p0 $0x0  }
0x67: {  	[sflag:s0] =	ssyncadd.s32 @!p0 s1  }
0x68: {  	[bflag:$0x3] =	sbarrier.arrive $0xFFFF  }
0x69: {  	_ =	shalt  }

// kernel: kernel.14.cloned.1.call-start
scs
__scs_entry_jumppad:
0x0: {  	(pc) =	sbr.rel $0x88, $3  }
0x1: {  	(tag) =	ssettag $0x0;
	lr =	simm.s32 $0x1  }
0x2: {  	[smem:$0x3F89] =	sst lr;
	_ =	strace $0xD0000000  }
0x3: {  	_ = 	snop  }
0x4: {  	_ = 	snop  }
0x5: {  	_ = 	snop  }
0x6: {  	_ = 	snop  }
0x7: {  	_ = 	snop  }
__scs_overlays_trampoline_lowered:
0x8: {  	[smem:$0x3F98] =	sst s0  }
0x9: {  	[smem:$0x3F99] =	sst s1  }
0xa: {  	[smem:$0x3F9A] =	sst s2  }
0xb: {  	[smem:$0x3F9B] =	sst s3  }
0xc: {  	[smem:$0x3F9C] =	sst s4  }
0xd: {  	[smem:$0x3F9D] =	sst s5  }
0xe: {  	[smem:$0x3F9E] =	sst s6  }
0xf: {  	[smem:$0x3F9F] =	sst s7  }
0x10: {  	[smem:$0x3FA0] =	sst s8  }
0x11: {  	[smem:$0x3FA1] =	sst s9;
	s0 =	simm.s32 @!p0 $0x0  }
0x12: {  	s1 =	sld [smem:$0x3F87];
	s0 =	simm.s32 @p0 $0x1  }
0x13: {  	[smem:$0x3FA2] =	sst s0;
	s0 =	simm.s32 @!p1 $0x0  }
0x14: {  	s2 =	sld [smem:$0x3F86];
	s0 =	simm.s32 @p1 $0x1  }
0x15: {  	[smem:$0x3FA3] =	sst s0;
	s0 =	simm.s32 @!p2 $0x0  }
0x16: {  	s3 =	sld [smem:$0x3FDB];
	s0 =	simm.s32 @p2 $0x1  }
0x17: {  	s4 =	simm.s32 $0x1BF5;
	[smem:$0x3FA5] =	sst s0  }
0x18: {  	s0 =	sld [smem:$0x3F88];
	_ =	swait.ge [sflag:s4], $0x0  }
0x19: {  	s7 =	sld [smem:$0x3F89]  }
0x1a: {  	s8 =	sadd.s32 $0xFFFFE003, lr  }
0x1b: {  	s9 =	sadd.s32 $0xFFFFFEF7, lr;
	s5 =	simm.s32 $0xFFFFFFFF;
	p2 =	slt.u32 s8, $0xFFFFF086  }
0x1c: {  	p1 =	slt.u32 s9, $0xF7A;
	s5 =	simm.s32 @!p2 $0x0  }
0x1d: {  	s5 =	simm.s32 @p1 $0x1;
	p0 =	seq.s32 s7, s2  }
0x1e: {  	s7 =	smul.u32 @!p0 $0xF7A, s2;
	p2 =	seq.s32 @!p0 s5, $0x0  }
0x1f: {  	s9 =	smul.u32 $0xF7A, s1;
	s8 =	simm.s32 @!p0 $0x1BF5;
	p2 =	por !p2, p0  }
0x20: {  	[sflag:s8] =	ssyncset.s32 @!p0 $0xFFFFF086;
	s6 =	sadd.s32 @!p0 s3, s7;
	s7 =	simm.s32 @!p0 $0x108  }
0x21: {  	s3 =	sadd.s32 s3, s9;
	s6 =	sadd.s32 @!p0 $0x88, s6;
	s7 =	simm.s32 @p2 $0x1082  }
0x22: {  	[simem:s7], [sflag:s8] =	dma.local @!p0 [hbm:s6], $0xF7A  }
0x23: {  	s9 =	sor.u32 $0xD0000000, s2;
	s6 =	simm.s32 $0x108;
	_ =	swait.ge @!p0 [sflag:s8], $0x0  }
0x24: {  	s3 =	sadd.s32 $0x88, s3;
	s6 =	simm.s32 @!p1 $0x1082;
	[sflag:s4] =	ssyncset.s32 $0xFFFFF086  }
0x25: {  	[simem:s6], [sflag:s4] =	dma.local [hbm:s3], $0xF7A  }
0x26: {  	[smem:$0x3F89] =	sst s1;
	(tag) =	ssettag s2;
	_ =	strace s9  }
0x27: {  	s1 =	sld [smem:$0x3F99]  }
0x28: {  	s2 =	sld [smem:$0x3F9A]  }
0x29: {  	s4 =	sld [smem:$0x3F9C]  }
0x2a: {  	p0 =	seq.s32 s5, $0x0;
	s5 =	sld [smem:$0x3F9D]  }
0x2b: {  	s6 =	sld [smem:$0x3F9E]  }
0x2c: {  	s7 =	sld [smem:$0x3F9F]  }
0x2d: {  	s3 =	simm.s32 $0x108;
	s8 =	sld [smem:$0x3FA0]  }
0x2e: {  	s3 =	simm.s32 @!p0 $0x1082;
	s9 =	sld [smem:$0x3FA1]  }
0x2f: {  	lr =	sadd.s32 s0, s3;
	s0 =	sld [smem:$0x3F98]  }
0x30: {  	s3 =	sld [smem:$0x3F9B]  }
0x31: {  	[smem:$0x3FA4] =	sst s10  }
0x32: {  	s10 =	sld [smem:$0x3FA2];
	_ =	sdelay $0x3  }
0x33: {  	p0 =	seq.s32 s10, $0x1;
	s10 =	sld [smem:$0x3FA4];
	_ =	sdelay $0x3  }
0x34: {  	[smem:$0x3FA4] =	sst s10  }
0x35: {  	s10 =	sld [smem:$0x3FA3];
	_ =	sdelay $0x3  }
0x36: {  	p1 =	seq.s32 s10, $0x1;
	s10 =	sld [smem:$0x3FA4];
	_ =	sdelay $0x3  }
0x37: {  	[smem:$0x3FA4] =	sst s10  }
0x38: {  	s10 =	sld [smem:$0x3FA5]  }
0x39: {  	_ = 	snop;
	(pc) =	sbr.ind lr, $3  }
0x3a: {  	_ = 	snop  }
0x3b: {  	_ = 	snop  }
0x3c: {  	p2 =	seq.s32 s10, $0x1;
	s10 =	sld [smem:$0x3FA4]  }
0x3d: {  	_ =	shalt  }
0x3e: {  	_ =	shalt  }
0x3f: {  	_ =	shalt  }
0x40: {  	_ =	shalt  }
0x41: {  	_ =	shalt  }
0x42: {  	_ =	shalt  }
0x43: {  	_ =	shalt  }
0x44: {  	_ =	shalt  }
0x45: {  	_ =	shalt  }
0x46: {  	_ =	shalt  }
0x47: {  	_ =	shalt  }
0x48: {  	_ =	shalt  }
0x49: {  	_ =	shalt  }
0x4a: {  	_ =	shalt  }
0x4b: {  	_ =	shalt  }
0x4c: {  	_ =	shalt  }
0x4d: {  	_ =	shalt  }
0x4e: {  	_ =	shalt  }
0x4f: {  	_ =	shalt  }
0x50: {  	_ =	shalt  }
0x51: {  	_ =	shalt  }
0x52: {  	_ =	shalt  }
0x53: {  	_ =	shalt  }
0x54: {  	_ =	shalt  }
0x55: {  	_ =	shalt  }
0x56: {  	_ =	shalt  }
0x57: {  	_ =	shalt  }
0x58: {  	_ =	shalt  }
0x59: {  	_ =	shalt  }
0x5a: {  	_ =	shalt  }
0x5b: {  	_ =	shalt  }
0x5c: {  	_ =	shalt  }
0x5d: {  	_ =	shalt  }
0x5e: {  	_ =	shalt  }
0x5f: {  	_ =	shalt  }
0x60: {  	_ =	shalt  }
0x61: {  	_ =	shalt  }
0x62: {  	_ =	shalt  }
0x63: {  	_ =	shalt  }
0x64: {  	_ =	shalt  }
0x65: {  	_ =	shalt  }
0x66: {  	_ =	shalt  }
0x67: {  	_ =	shalt  }
0x68: {  	_ =	shalt  }
0x69: {  	_ =	shalt  }
0x6a: {  	_ =	shalt  }
0x6b: {  	_ =	shalt  }
0x6c: {  	_ =	shalt  }
0x6d: {  	_ =	shalt  }
0x6e: {  	_ =	shalt  }
0x6f: {  	_ =	shalt  }
0x70: {  	_ =	shalt  }
0x71: {  	_ =	shalt  }
0x72: {  	_ =	shalt  }
0x73: {  	_ =	shalt  }
0x74: {  	_ =	shalt  }
0x75: {  	_ =	shalt  }
0x76: {  	_ =	shalt  }
0x77: {  	_ =	shalt  }
0x78: {  	_ =	shalt  }
0x79: {  	_ =	shalt  }
0x7a: {  	_ =	shalt  }
0x7b: {  	_ =	shalt  }
0x7c: {  	_ =	shalt  }
0x7d: {  	_ =	shalt  }
0x7e: {  	_ =	shalt  }
0x7f: {  	_ =	shalt  }
0x80: {  	_ =	shalt  }
0x81: {  	_ =	shalt  }
0x82: {  	_ =	shalt  }
0x83: {  	_ =	shalt  }
0x84: {  	_ =	shalt  }
0x85: {  	_ =	shalt  }
0x86: {  	_ =	shalt  }
0x87: {  	_ =	shalt  }
.Lfunc_end0:
.L_simem_size_0:
called_computation.1_lowered:
.L_overlay_start_0:
0x88: {  	s2 =	sld [smem:$0x3FD9]  }
0x89: {  	s3 =	sld [smem:$0x3FFE];
	_ =	sdelay $0x1  }
0x8a: {  	s1 =	srdreg.scid  }
0x8b: {  	s0 =	sand.u32 $0x1, s1  }
0x8c: {  	s16 =	sshll.u32 s0, $0xA;
	s2 =	sadd.s32 s3, s2  }
0x8d: {  	s2 =	sadd.s32 s2, s16  }
0x8e: {  	[smem:$0x3FB0] =	sst s2  }
0x8f: {  	_ = 	snop  }
0x90: {  	(tm) =	ssettm $0x1  }
0x91: {  	s17 =	sld [smem:$0x3FFB];
	_ =	sdelay $0x3  }
0x92: {  	_ =	strace s17  }
0x93: {  	s2 =	sld [smem:$0x3FFC];
	_ =	sdelay $0x3  }
0x94: {  	_ =	strace s2  }
0x95: {  	s2 =	sld [smem:$0x3FFD];
	_ =	sdelay $0x3  }
0x96: {  	_ =	strace s2  }
0x97: {  	_ =	strace $0x8FFFFFFF  }
0x98: {  	s18 =	sld [smem:$0x3FDB];
	_ =	sdelay $0x1  }
0x99: {  	s19 =	simm.s32 $_scs_section_size  }
0x9a: {  	s4 =	simm.s32 $_size__tile_overlayer_lowered;
	s5 =	simm.s32 $_tile_overlayer_lowered  }
0x9b: {  	s22 =	simm.s32 $0x1BFF;
	s21 =	sshll.u32 s5, $0x1;
	s2 =	sadd.s32 s19, s18  }
0x9c: {  	s6 =	simm.s32 $0x0;
	s20 =	sshll.u32 s4, $0x1;
	s4 =	sadd.s32 s21, s2  }
0x9d: {  	[timem:s6], [sflag:s22] =	dma.local [hbm:s4], s20  }
0x9e: {  	_ =	swait.ge [sflag:s22], s20  }
0x9f: {  	s3 =	ssub.s32 $0x0, s20;
	[sflag:s22] =	ssyncset.done $0x0  }
0xa0: {  	[sflag:s22] =	ssyncadd.s32 s3;
	_ =	sdelay $0x1  }
0xa1: {  	s23 =	simm.s32 $0x1B8B  }
0xa2: {  	_ =	swait.ge [sflag:s23], $0x1  }
0xa3: {  	[sflag:s23] =	ssyncset.done $0x0  }
0xa4: {  	s25 =	simm.s32 $0x1B8E;
	s24 =	sld [smem:$0x3FFE];
	[sflag:s23] =	ssyncadd.s32 $0xFFFFFFFF  }
0xa5: {  	s26 =	simm.s32 $execute0_lowered;
	[smem:$0x3FD2] =	sst s25  }
0xa6: {  	s4 =	sshll.u32 s26, $0x1;
	_ =	strace $0x80000049;
	[dreg:$0x1] =	wrdreg $0xFFFFFFFF  }
0xa7: {  	s28 =	simm.s32 $_size_execute0_lowered;
	s2 =	sadd.s32 s2, s4;
	[dreg:$0x0] =	wrdreg $0x0  }
0xa8: {  	s4 =	sshll.u32 s28, $0x1;
	[dreg:$0x2] =	wrdreg s2  }
0xa9: {  	[dreg:$0x3] =	wrdreg s4  }
0xaa: {  	[dreg:$0x4] =	wrdreg $0xC0  }
0xab: {  	_ =	task [dreg:s6], $0x5FFFF  }
0xac: {  	[dreg:$0x1] =	wrdreg $0xFFFFFFFF  }
0xad: {  	[dreg:$0x0] =	wrdreg $0x60  }
0xae: {  	[dreg:$0x2] =	wrdreg s24  }
0xaf: {  	[dreg:$0x3] =	wrdreg $0x9  }
0xb0: {  	_ =	task.clear_ibuf [dreg:s6], $0x4FFFF;
	_ =	strace $0x90000049  }
0xb1: {  	s29 =	simm.s32 $0x9;
	_ =	strace $0x8000004B  }
0xb2: {  	_ =	swait.ge [sflag:s29], $0x1  }
0xb3: {  	[sflag:s29] =	ssyncadd.s32 $0xFFFFFFFF  }
0xb4: {  	_ =	strace $0x9000004B  }
0xb5: {  	_ =	sfence  }
0xb6: {  	s30 =	sld [smem:$0x0];
	_ =	sdelay $0x2  }
0xb7: {  	s31 =	sshll.u32 s1, $0xD;
	s1 =	sshrl.u32 s1, $0x2  }
0xb8: {  	s3 =	sand.u32 $0x4000, s31;
	s1 =	sadd.s32 s1, s30  }
0xb9: {  	s0 =	sor.u32 s3, s0;
	s1 =	sshll.u32 s1, $0x11  }
0xba: {  	s0 =	sor.u32 s1, s0  }
0xbb: {  	s0 =	sadd.s32 $0x8F2B, s0  }
0xbc: {  	[sflag:s0] =	ssyncadd.remote.s32 $0x1  }
0xbd: {  	_ =	sfence.sel $0xFFFF  }
0xbe: {  	[dreg:$0x0] =	wrdreg $0xFFFFFFFF;
	(pc) =	sbr.abs _section_cstart, $3  }
0xbf: {  	[dreg:$0x1] =	wrdreg $0xFFFFFFFF  }
0xc0: {  	_ =	task.clear_ibuf [dreg:s6], $0x2FFFF;
	_ =	strace $0x9FFFFFFF  }
0xc1: {  	(tm) =	ssettm $0x7FFFFFFF  }
tec
execute0_lowered:
.L_overlay_start_1:
0x0: {  	(tag) =	ssettag $0x1  }
0x1: {  	s2 =	rddreg [dreg:$0x0]  }
0x2: {  	s0 =	rddreg [dreg:$0x1]  }
0x3: {  	s4 =	srdreg.scid;
	s3 =	simm.s32 $0x0;
	s1 =	stileid.u32  }
0x4: {  	s14 =	simm.s32 $0x100;
	s15 =	simm.s32 $0x4100;
	s16 =	simm.s32 $0x1  }
0x5: {  	s17 =	simm.s32 $0x2;
	s18 =	simm.s32 $0x0;
	s9 =	sand.u32 $0x1, s4  }
0x6: {  	[smem:$0x7FF] =	sst s3;
	s26 =	sshll.u32 s1, $0xC;
	s11 =	sadd.s32 $0x20000, s2  }
0x7: {  	s12 =	sadd.s32 $0x22000, s2;
	s13 =	sshll.u32 s1, $0x10;
	s5 =	sshll.u32 s9, $0xB  }
0x8: {  	_ =	strace $0x8000004A;
	s28 =	ssub.s32 $0x2, s9;
	s10 =	sor.u32 s5, s26  }
0x9: {  	s9 =	sshll.u32 s9, $0xF;
	s6 =	sshrl.u32 s28, $0x1;
	s4 =	sshrl.u32 s10, $0x3  }
0xa: {  	s6 =	ssub.s32 s28, s6;
	s7 =	sshll.u32 s10, $0x4;
	s29 =	sor.u32 $0x180, s10  }
0xb: {  	s10 =	sor.u32 $0x100, s10;
	s4 =	sadd.s32 s11, s4;
	s8 =	sadd.s32 s12, s7  }
0xc: {  	s6 =	smax.u32 s6, $0x1;
	s12 =	sadd.s32 s13, s12;
	s30 =	sshrl.u32 s29, $0x3  }
0xd: {  	s31 =	sshrl.u32 s10, $0x3;
	s13 =	simm.s32 $0x80;
	s5 =	sadd.s32 $0x10, s4  }
0xe: {  	s7 =	sadd.s32 $0x7000, s8;
	s8 =	sadd.s32 $0x7800, s8;
	s9 =	sadd.s32 s9, s12  }
0xf: {  	s10 =	sadd.s32 s30, s11;
	s11 =	sadd.s32 s31, s11;
	s12 =	simm.s32 $0x3  }
.LBB2_1:
0x10: {  	[tilespmem:s3], [sflag:$0x3] =	stream.linear.gather [hbm4b:s4+s3], $0x80, $0x38;
	[tilespmem:$0x8100] =	vst v63  }
0x11: {  	_ =	swait.ge [sflag:s12], $0x80  }
0x12: {  	[sflag:s12] =	ssyncset.done $0x0  }
0x13: {  	[sflag:s12] =	ssyncadd.s32 $0xFFFFFF80  }
0x14: {  	[tilespmem:s14], [sflag:$0x1] =	stream.indirect.gather [hbm4b:s2+s13], $0x80, s3, s13, $0xb8;
	[tilespmem:$0x8100] =	vst v63  }
0x15: {  	_ = 	snop  }
0x16: {  	[tilespmem:s13], [sflag:$0x3] =	stream.linear.gather [hbm4b:s5+s3], $0x80, $0x38;
	[tilespmem:$0x8100] =	vst v63  }
0x17: {  	_ =	swait.ge [sflag:s12], $0x80  }
0x18: {  	[sflag:s12] =	ssyncset.done $0x0  }
0x19: {  	[sflag:s12] =	ssyncadd.s32 $0xFFFFFF80  }
0x1a: {  	[tilespmem:s15], [sflag:$0x2] =	stream.indirect.gather [hbm4b:s2+s13], $0x80, s13, s13, $0xb8;
	[tilespmem:$0x8100] =	vst v63  }
0x1b: {  	_ =	swait.ge [sflag:s16], $0x4000  }
0x1c: {  	[sflag:s16] =	ssyncset.done $0x0  }
0x1d: {  	[sflag:s16] =	ssyncadd.s32 $0xFFFFC000  }
0x1e: {  	[hbm4b:s9+s3] =	stream.linear.scatter [tilespmem:s14], [sflag:$0x3], $0x4000, $0x38;
	[tilespmem:$0x8100] =	vst v63  }
0x1f: {  	_ =	swait.ge [sflag:s12], $0x4000  }
0x20: {  	[sflag:s12] =	ssyncset.done $0x0  }
0x21: {  	s19 =	sadd.s32 $0x0, s11;
	[sflag:s12] =	ssyncadd.s32 $0xFFFFC000  }
0x22: {  	[tilespmem:s3], [sflag:$0x3] =	stream.linear.gather [hbm4b:s19+s3], $0x80, $0x38;
	[tilespmem:$0x8100] =	vst v63  }
0x23: {  	_ =	swait.ge [sflag:s12], $0x80  }
0x24: {  	[sflag:s12] =	ssyncset.done $0x0  }
0x25: {  	[sflag:s12] =	ssyncadd.s32 $0xFFFFFF80  }
0x26: {  	[tilespmem:s14], [sflag:$0x1] =	stream.indirect.gather [hbm4b:s2+s13], $0x80, s3, s13, $0xb8;
	[tilespmem:$0x8100] =	vst v63  }
0x27: {  	_ =	swait.ge [sflag:s17], $0x4000  }
0x28: {  	[sflag:s17] =	ssyncset.done $0x0  }
0x29: {  	s30 =	sadd.s32 $0x800, s9;
	[sflag:s17] =	ssyncadd.s32 $0xFFFFC000  }
0x2a: {  	[hbm4b:s30+s3] =	stream.linear.scatter [tilespmem:s15], [sflag:$0x3], $0x4000, $0x38;
	[tilespmem:$0x8100] =	vst v63  }
0x2b: {  	_ =	swait.ge [sflag:s12], $0x4000  }
0x2c: {  	[sflag:s12] =	ssyncset.done $0x0  }
0x2d: {  	s31 =	sadd.s32 $0x0, s10;
	[sflag:s12] =	ssyncadd.s32 $0xFFFFC000  }
0x2e: {  	[tilespmem:s13], [sflag:$0x3] =	stream.linear.gather [hbm4b:s31+s3], $0x80, $0x38;
	[tilespmem:$0x8100] =	vst v63  }
0x2f: {  	_ =	swait.ge [sflag:s12], $0x80  }
0x30: {  	[sflag:s12] =	ssyncset.done $0x0  }
0x31: {  	s20 =	sadd.s32 $0x1000, s9;
	s19 =	simm.s32 $0x20;
	[sflag:s12] =	ssyncadd.s32 $0xFFFFFF80  }
.LBB2_2:
0x32: {  	[tilespmem:s15], [sflag:$0x2] =	stream.indirect.gather [hbm4b:s2+s13], $0x80, s13, s13, $0xb8;
	[tilespmem:$0x8100] =	vst v63  }
0x33: {  	s21 =	smov.u32 s19  }
0x34: {  	p0 =	sne.s32 s19, $0xC0;
	s19 =	sadd.s32 $0x20, s19;
	_ =	swait.ge [sflag:s16], $0x4000  }
0x35: {  	[sflag:s16] =	ssyncset.done $0x0  }
0x36: {  	[sflag:s16] =	ssyncadd.s32 $0xFFFFC000  }
0x37: {  	[hbm4b:s20+s3] =	stream.linear.scatter [tilespmem:s14], [sflag:$0x3], $0x4000, $0x38;
	[tilespmem:$0x8100] =	vst v63  }
0x38: {  	_ =	swait.ge [sflag:s12], $0x4000  }
0x39: {  	[sflag:s12] =	ssyncset.done $0x0  }
0x3a: {  	s22 =	sadd.s32 s21, s11;
	[sflag:s12] =	ssyncadd.s32 $0xFFFFC000  }
0x3b: {  	[tilespmem:s3], [sflag:$0x3] =	stream.linear.gather [hbm4b:s22+s3], $0x80, $0x38;
	[tilespmem:$0x8100] =	vst v63  }
0x3c: {  	_ =	swait.ge [sflag:s12], $0x80  }
0x3d: {  	[sflag:s12] =	ssyncset.done $0x0  }
0x3e: {  	[sflag:s12] =	ssyncadd.s32 $0xFFFFFF80  }
0x3f: {  	[tilespmem:s14], [sflag:$0x1] =	stream.indirect.gather [hbm4b:s2+s13], $0x80, s3, s13, $0xb8;
	[tilespmem:$0x8100] =	vst v63  }
0x40: {  	_ =	swait.ge [sflag:s17], $0x4000  }
0x41: {  	[sflag:s17] =	ssyncset.done $0x0  }
0x42: {  	s22 =	sadd.s32 $0x800, s20;
	[sflag:s17] =	ssyncadd.s32 $0xFFFFC000  }
0x43: {  	[hbm4b:s22+s3] =	stream.linear.scatter [tilespmem:s15], [sflag:$0x3], $0x4000, $0x38;
	[tilespmem:$0x8100] =	vst v63  }
0x44: {  	_ =	swait.ge [sflag:s12], $0x4000  }
0x45: {  	[sflag:s12] =	ssyncset.done $0x0  }
.Ltmp0:
0x46: {  	s21 =	sadd.s32 s21, s10;
	[sflag:s12] =	ssyncadd.s32 $0xFFFFC000;
	(pc) =	sbr.rel @p0 .LBB2_2-.Ltmp0, $4  }
0x47: {  	[tilespmem:s13], [sflag:$0x3] =	stream.linear.gather [hbm4b:s21+s3], $0x80, $0x38;
	[tilespmem:$0x8100] =	vst v63  }
0x48: {  	_ =	swait.ge [sflag:s12], $0x80  }
0x49: {  	[sflag:s12] =	ssyncset.done $0x0  }
0x4a: {  	s20 =	sadd.s32 $0x1000, s20;
	[sflag:s12] =	ssyncadd.s32 $0xFFFFFF80  }
0x4b: {  	[tilespmem:s15], [sflag:$0x2] =	stream.indirect.gather [hbm4b:s2+s13], $0x80, s13, s13, $0xb8;
	[tilespmem:$0x8100] =	vst v63  }
0x4c: {  	_ =	swait.ge [sflag:s16], $0x4000  }
0x4d: {  	[sflag:s16] =	ssyncset.done $0x0  }
0x4e: {  	[sflag:s16] =	ssyncadd.s32 $0xFFFFC000  }
0x4f: {  	[hbm4b:s7+s3] =	stream.linear.scatter [tilespmem:s14], [sflag:$0x3], $0x4000, $0x38;
	[tilespmem:$0x8100] =	vst v63  }
0x50: {  	_ =	swait.ge [sflag:s12], $0x4000  }
0x51: {  	[sflag:s12] =	ssyncset.done $0x0  }
0x52: {  	[sflag:s12] =	ssyncadd.s32 $0xFFFFC000  }
0x53: {  	s18 =	sadd.s32 $0x1, s18;
	_ =	swait.ge [sflag:s17], $0x4000  }
0x54: {  	p0 =	sne.s32 s18, s6;
	[sflag:s17] =	ssyncset.done $0x0  }
.Ltmp1:
0x55: {  	[sflag:s17] =	ssyncadd.s32 $0xFFFFC000;
	(pc) =	sbr.rel @p0 .LBB2_1-.Ltmp1, $4  }
0x56: {  	[hbm4b:s8+s3] =	stream.linear.scatter [tilespmem:s15], [sflag:$0x3], $0x4000, $0x38;
	[tilespmem:$0x8100] =	vst v63  }
0x57: {  	_ =	swait.ge [sflag:s12], $0x4000  }
0x58: {  	[sflag:s12] =	ssyncset.done $0x0  }
0x59: {  	[sflag:s12] =	ssyncadd.s32 $0xFFFFC000  }
0x5a: {  	_ =	sfence.sel $0x180000  }
0x5b: {  	[bflag:$0x0] =	sbarrier.arrive $0xFFFF  }
0x5c: {  	p0 =	sne.s32 s1, $0x0;
	_ =	strace $0x9000004A  }
0x5d: {  	s0 =	sadd.s32 @!p0 $0x100000, s0;
	[bflag:$0x2] =	sbarrier.arrive $0xFFFF  }
0x5e: {  	[sflag:s0] =	ssyncadd.tile.s32 @!p0 $0x1;
	_ =	shalt  }
.Lfunc_end2:
_tile_overlayer_lowered:
.L_overlay_start_2:
0x5f: {  	(tag) =	ssettag $0x2  }
0x60: {  	s0 =	rddreg [dreg:$0x0];
	s2 =	stileid.u32  }
0x61: {  	s1 =	rddreg [dreg:$0x1];
	p0 =	sne.s32 s2, $0x0  }
0x62: {  	s3 =	rddreg [dreg:$0x2];
	[bflag:$0x3] =	sbarrier.arrive $0xFFFF;
	s2 =	simm.s32 @!p0 $0x1C03  }
0x63: {  	[timem:s3], [sflag:s2] =	dma.local @!p0 [hbm:s0], s1  }
0x64: {  	s0 =	simm.s32 @!p0 $0x3  }
0x65: {  	_ =	swait.ge @!p0 [sflag:s0], s1  }
0x66: {  	s1 =	ssub.s32 @!p0 $0x0, s1;
	[sflag:s0] =	ssyncset.done @!p0 $0x0  }
0x67: {  	[sflag:s0] =	ssyncadd.s32 @!p0 s1  }
0x68: {  	[bflag:$0x3] =	sbarrier.arrive $0xFFFF  }
0x69: {  	_ =	shalt  }

</sc_bundles>
